<compile_context>
chip_gen: v7x
topology: tpu7x:2x2x1
jax: 0.10.2.dev20260603
libtpu: 0.0.44.dev20260713+nightly
codegen_flags: <defaults>
</compile_context>

<pallas_src>
import jax
import jax.numpy as jnp
from jax import lax
from jax.experimental import pallas as pl
from jax.experimental.pallas import tpu as pltpu
from jax.experimental.pallas import tpu_sc as plsc

B = 16
N = 4096
G = 256
K = 32
NW = 32
NSPLIT = 2
HB = B // NSPLIT
RPW = HB * G // NW


def _fps_kernel(x_ref, y_ref, z_ref, idx_ref):
    nb = x_ref.shape[0]
    X = x_ref[...]
    Y = y_ref[...]
    Z = z_ref[...]
    iota = lax.broadcasted_iota(jnp.int32, (nb, N), 1)
    giota = lax.broadcasted_iota(jnp.int32, (nb, G), 1)

    def body(t, carry):
        sel, cx, cy, cz, dists = carry
        idx_ref[...] = jnp.where(giota == t, sel, idx_ref[...])
        d = (X - cx) ** 2 + (Y - cy) ** 2 + (Z - cz) ** 2
        dmin = jnp.minimum(dists, d)
        nsel = jnp.argmax(dmin, axis=1, keepdims=True).astype(jnp.int32)
        mask = iota == nsel
        ncx = jnp.sum(jnp.where(mask, X, 0.0), axis=1, keepdims=True)
        ncy = jnp.sum(jnp.where(mask, Y, 0.0), axis=1, keepdims=True)
        ncz = jnp.sum(jnp.where(mask, Z, 0.0), axis=1, keepdims=True)
        return (nsel, ncx, ncy, ncz, dmin)

    init = (jnp.zeros((nb, 1), jnp.int32), X[:, 0:1], Y[:, 0:1], Z[:, 0:1],
            jnp.full((nb, N), 1e10, dtype=jnp.float32))
    lax.fori_loop(0, G, body, init)


def _sc_knn(pxh, pyh, pzh, idxh,
            cxo, cyo, czo, no,
            pxv, pyv, pzv, idxv, cxa, cya, cza,
            d2v, hist, sums, bufb, bufi, bufp, nbv):
    i32 = jnp.int32
    wid = lax.axis_index("s") * 2 + lax.axis_index("c")
    bidx = (wid * RPW) // G
    iota16 = lax.iota(i32, 16)
    ones16 = jnp.ones((16,), i32)
    zeros16 = jnp.zeros((16,), i32)

    pltpu.sync_copy(pxh.at[pl.ds(bidx * N, N)], pxv)
    pltpu.sync_copy(pyh.at[pl.ds(bidx * N, N)], pyv)
    pltpu.sync_copy(pzh.at[pl.ds(bidx * N, N)], pzv)
    pltpu.sync_copy(idxh.at[pl.ds(wid * RPW, RPW)], idxv)

    for q in range(RPW // 16):
        iq = idxv[pl.ds(q * 16, 16)]
        cxa[pl.ds(q * 16, 16)] = plsc.load_gather(pxv, [iq])
        cya[pl.ds(q * 16, 16)] = plsc.load_gather(pyv, [iq])
        cza[pl.ds(q * 16, 16)] = plsc.load_gather(pzv, [iq])
    pltpu.sync_copy(cxa, cxo.at[pl.ds(wid * RPW, RPW)])
    pltpu.sync_copy(cya, cyo.at[pl.ds(wid * RPW, RPW)])
    pltpu.sync_copy(cza, czo.at[pl.ds(wid * RPW, RPW)])

    def _splat(x):
        return x if getattr(x, "shape", ()) == (16,) else jnp.broadcast_to(x, (16,))

    def _pick(vec, i16):
        sums[...] = vec
        return plsc.load_gather(sums, [i16])

    def _hist_scan(target16):
        acc = zeros16
        for i in range(16):
            acc = acc + plsc.load_gather(hist, [iota16 * 16 + i])
        cs = plsc.cumsum(acc)
        tch = _splat(plsc.all_reduce_ffs(cs >= target16))
        cb = _pick(cs - acc, tch)
        v = plsc.load_gather(hist, [tch * 16 + iota16])
        cs2 = plsc.cumsum(v)
        lane = _splat(plsc.all_reduce_ffs((cb + cs2) >= target16))
        bucket = tch * 16 + lane
        cum_below = cb + _pick(cs2, lane) - _pick(v, lane)
        return bucket, cum_below

    def row(j, _):
        j16 = jnp.broadcast_to(j, (16,))
        cxb = plsc.load_gather(cxa, [j16])
        cyb = plsc.load_gather(cya, [j16])
        czb = plsc.load_gather(cza, [j16])

        for t in range(16):
            hist[pl.ds(t * 16, 16)] = zeros16

        @plsc.parallel_loop(0, N // 16, unroll=8)
        def c1(c):
            o = c * 16
            dx = cxb - pxv[pl.ds(o, 16)]
            dy = cyb - pyv[pl.ds(o, 16)]
            dz = czb - pzv[pl.ds(o, 16)]
            d = (dx * dx + dy * dy) + dz * dz
            d2v[pl.ds(o, 16)] = d
            bb = jnp.right_shift(plsc.bitcast(d, i32), 23)
            plsc.addupdate_scatter(hist, [bb], ones16)

        b1, c_below1 = _hist_scan(jnp.full((16,), K, i32))

        for t in range(16):
            hist[pl.ds(t * 16, 16)] = zeros16

        @plsc.parallel_loop(0, N // 16, unroll=4, carry=zeros16)
        def c2(c, w2):
            o = c * 16
            bits = plsc.bitcast(d2v[pl.ds(o, 16)], i32)
            e = jnp.right_shift(bits, 23)
            pm = e == b1
            bb = jnp.bitwise_and(jnp.right_shift(bits, 15), 0xFF)
            plsc.addupdate_scatter(hist, [bb], ones16, mask=pm)
            ple = e <= b1
            cl = plsc.cumsum(ple.astype(i32))
            pos = (w2 + cl) - 1
            plsc.store_scatter(bufp, [pos], o + iota16, mask=ple)
            return w2 + plsc.all_reduce_population_count(ple)
        w2 = jnp.max(c2)

        b2, _cb2 = _hist_scan(jnp.full((16,), K, i32) - c_below1)
        prefix = b1 * 256 + b2

        @plsc.parallel_loop(0, jnp.right_shift(w2 + 15, 4), unroll=4,
                            carry=zeros16)
        def c3(c, w):
            o = c * 16
            mvalid = (o + iota16) < w2
            pos = bufp[pl.ds(o, 16)]
            dv = plsc.load_gather(d2v, [pos], mask=mvalid)
            bits = plsc.bitcast(dv, i32)
            msel = mvalid & (jnp.right_shift(bits, 15) <= prefix)
            cl = plsc.cumsum(msel.astype(i32))
            p2 = (w + cl) - 1
            plsc.store_scatter(bufb, [p2], bits, mask=msel)
            plsc.store_scatter(bufi, [p2], pos, mask=msel)
            return w + plsc.all_reduce_population_count(msel)
        w = jnp.max(c3)

        def rankchunk(ci, carry):
            o = ci * 16
            bv = bufb[pl.ds(o, 16)]
            iv = bufi[pl.ds(o, 16)]
            mvalid = (o + iota16) < w

            @plsc.parallel_loop(0, w, unroll=4, carry=zeros16)
            def inner(e, r):
                e16 = jnp.broadcast_to(e, (16,))
                be = plsc.load_gather(bufb, [e16])
                ie = plsc.load_gather(bufi, [e16])
                less = (be < bv) | ((be == bv) & (ie < iv))
                return r + less.astype(i32)
            rank = inner
            msel = mvalid & (rank < K)
            xg = plsc.load_gather(pxv, [iv], mask=msel)
            yg = plsc.load_gather(pyv, [iv], mask=msel)
            zg = plsc.load_gather(pzv, [iv], mask=msel)
            rank3 = rank + rank + rank
            plsc.store_scatter(nbv, [j16, rank3], xg - cxb, mask=msel)
            plsc.store_scatter(nbv, [j16, rank3 + 1], yg - cyb, mask=msel)
            plsc.store_scatter(nbv, [j16, rank3 + 2], zg - czb, mask=msel)
            return carry
        lax.fori_loop(0, (w + 15) // 16, rankchunk, 0)
        return _

    lax.fori_loop(0, RPW, row, 0)

    pltpu.sync_copy(nbv, no.at[pl.ds(wid * RPW, RPW)])


@jax.jit
def kernel(xyz, data_3d):
    x = xyz[:, :, 0]
    y = xyz[:, :, 1]
    z = xyz[:, :, 2]
    px = data_3d[:, :, 0]
    py = data_3d[:, :, 1]
    pz = data_3d[:, :, 2]

    mesh = plsc.VectorSubcoreMesh(core_axis_name="c", subcore_axis_name="s")
    knn = pl.kernel(
        _sc_knn,
        out_type=[
            jax.ShapeDtypeStruct((HB * G,), jnp.float32),
            jax.ShapeDtypeStruct((HB * G,), jnp.float32),
            jax.ShapeDtypeStruct((HB * G,), jnp.float32),
            jax.ShapeDtypeStruct((HB * G, 3 * K), jnp.float32),
        ],
        mesh=mesh,
        compiler_params=pltpu.CompilerParams(needs_layout_passes=False),
        scratch_types=[
            pltpu.VMEM((N,), jnp.float32),
            pltpu.VMEM((N,), jnp.float32),
            pltpu.VMEM((N,), jnp.float32),
            pltpu.VMEM((RPW,), jnp.int32),
            pltpu.VMEM((RPW,), jnp.float32),
            pltpu.VMEM((RPW,), jnp.float32),
            pltpu.VMEM((RPW,), jnp.float32),
            pltpu.VMEM((N,), jnp.float32),
            pltpu.VMEM((256,), jnp.int32),
            pltpu.VMEM((16,), jnp.int32),
            pltpu.VMEM((N,), jnp.int32),
            pltpu.VMEM((N,), jnp.int32),
            pltpu.VMEM((N,), jnp.int32),
            pltpu.VMEM((RPW, 3 * K), jnp.float32),
        ],
    )

    parts = []
    for h in range(NSPLIT):
        s = slice(h * HB, (h + 1) * HB)
        (selidx,) = pl.pallas_call(
            _fps_kernel,
            out_shape=[jax.ShapeDtypeStruct((HB, G), jnp.int32)],
        )(x[s], y[s], z[s])
        parts.append(knn(px[s].reshape(-1), py[s].reshape(-1),
                         pz[s].reshape(-1), selidx.reshape(-1)))

    cxo, cyo, czo = (jnp.concatenate([p[i] for p in parts], axis=0)
                     for i in range(3))
    center = jnp.stack([cxo.reshape(B, G), cyo.reshape(B, G),
                        czo.reshape(B, G)], axis=-1)
    neighborhood = jnp.concatenate(
        [p[3].reshape(HB, G, K, 3) for p in parts], axis=0)
    return neighborhood, center

# --- scband reference (transcript-rebuilt; emitter-appended) ---
"""Pipeline reference for scband-group-4303557230948 (READ-ONLY COPY).

The authoritative reference and input builder live on the scoring server;
editing this copy changes nothing except your own understanding.
"""

import jax, jax.numpy as jnp
import numpy as np

NUM_GROUP = 256
GROUP_SIZE = 32


def fps(xyz, n_samples):
    # Farthest point sampling on xyz coordinates, deterministic start at index 0.
    B, N, _ = xyz.shape
    idxs = []
    dists = jnp.full((B, N), 1e10, dtype=xyz.dtype)
    farthest = jnp.zeros((B,), dtype=jnp.int32)
    for _ in range(n_samples):
        idxs.append(farthest)
        centroid = jnp.take_along_axis(xyz, farthest[:, None, None], axis=1)  # B 1 3
        d = jnp.sum((xyz - centroid) ** 2, axis=-1)  # B N
        dists = jnp.minimum(dists, d)
        farthest = jnp.argmax(dists, axis=-1).astype(jnp.int32)
    return jnp.stack(idxs, axis=1)  # B G int32


def setup_inputs(seed: int = 0):
    key = jax.random.key(seed)
    k1, k2 = jax.random.split(key)
    xyz = jax.random.normal(k1, (16, 4096, 3), dtype=jnp.float32)
    data_3d = jax.random.normal(k2, (16, 4096, 3), dtype=jnp.float32)
    return {"xyz": xyz, "data_3d": data_3d}


def reference(xyz, data_3d):
    B, N, _ = xyz.shape
    # center = misc.fps(xyz, num_group, data_3d): FPS indices from xyz, centers gathered from data_3d
    fps_idx = fps(xyz, NUM_GROUP)  # B G
    center = jnp.take_along_axis(data_3d, fps_idx[:, :, None], axis=1)  # B G 3
    # KNN(k=group_size, transpose_mode=True): k nearest points in data_3d for each center
    d2 = jnp.sum((center[:, :, None, :] - data_3d[:, None, :, :]) ** 2, axis=-1)  # B G N
    _, idx = jax.lax.top_k(-d2, GROUP_SIZE)  # B G k (smallest distances)
    # flat gather with batch offset, exactly as in the torch forward
    idx_base = jnp.arange(B, dtype=idx.dtype)[:, None, None] * N
    flat_idx = (idx + idx_base).reshape(-1)
    neighborhood = data_3d.reshape(B * N, 3)[flat_idx, :]
    neighborhood = neighborhood.reshape(B, NUM_GROUP, GROUP_SIZE, 3)
    neighborhood = neighborhood - center[:, :, None, :]
    return neighborhood, center

if __name__ == "__main__":
    import jax
    _d = setup_inputs()
    print(jax.jit(kernel)(*tuple(_d.values())))

</pallas_src>

<mosaic_0001>
#map = affine_map<(d0, d1) -> (0)>
#map1 = affine_map<(d0, d1) -> (0, 0)>
module attributes {stable_mosaic.version = 14 : i64} {
  func.func @_sc_knn(%arg0: i32, %arg1: i32, %arg2: memref<32768xf32, #tpu.memory_space<hbm>>, %arg3: memref<32768xf32, #tpu.memory_space<hbm>>, %arg4: memref<32768xf32, #tpu.memory_space<hbm>>, %arg5: memref<2048xi32, #tpu.memory_space<hbm>>, %arg6: memref<2048xf32, #tpu.memory_space<hbm>>, %arg7: memref<2048xf32, #tpu.memory_space<hbm>>, %arg8: memref<2048xf32, #tpu.memory_space<hbm>>, %arg9: memref<2048x96xf32, #tpu.memory_space<hbm>>, %arg10: memref<4096xf32, #tpu.memory_space<vmem>>, %arg11: memref<4096xf32, #tpu.memory_space<vmem>>, %arg12: memref<4096xf32, #tpu.memory_space<vmem>>, %arg13: memref<64xi32, #tpu.memory_space<vmem>>, %arg14: memref<64xf32, #tpu.memory_space<vmem>>, %arg15: memref<64xf32, #tpu.memory_space<vmem>>, %arg16: memref<64xf32, #tpu.memory_space<vmem>>, %arg17: memref<4096xf32, #tpu.memory_space<vmem>>, %arg18: memref<256xi32, #tpu.memory_space<vmem>>, %arg19: memref<16xi32, #tpu.memory_space<vmem>>, %arg20: memref<4096xi32, #tpu.memory_space<vmem>>, %arg21: memref<4096xi32, #tpu.memory_space<vmem>>, %arg22: memref<4096xi32, #tpu.memory_space<vmem>>, %arg23: memref<64x96xf32, #tpu.memory_space<vmem>>) attributes {dimension_semantics = [#tpu.dimension_semantics<core_parallel>, #tpu.dimension_semantics<subcore_parallel>], iteration_bounds = array<i64: 2, 16>, scalar_prefetch = 0 : i64, scratch_operands = 14 : i64, tpu.core_type = #tpu.core_type<sc_vector_subcore>, window_params = [{transform_indices = #map}, {transform_indices = #map}, {transform_indices = #map}, {transform_indices = #map}, {transform_indices = #map}, {transform_indices = #map}, {transform_indices = #map}, {transform_indices = #map1}]} {
    %mul3A = arith.constant 2 : i32
    %mul3A_0 = arith.muli %arg1, %mul3A : i32
    %add3A = arith.addi %mul3A_0, %arg0 : i32
    %mul3A_1 = arith.constant 64 : i32
    %mul3A_2 = arith.muli %add3A, %mul3A_1 : i32
    %jit3A = arith.constant 256 : i32
    %div3A = arith.divsi %mul3A_2, %jit3A : i32
    %sign3A = arith.constant 0 : i32
    %sign3A_3 = arith.cmpi sgt, %mul3A_2, %sign3A : i32
    %sign3A_4 = arith.extui %sign3A_3 : i1 to i32
    %sign3A_5 = arith.constant 0 : i32
    %sign3A_6 = arith.cmpi slt, %mul3A_2, %sign3A_5 : i32
    %sign3A_7 = arith.extui %sign3A_6 : i1 to i32
    %sign3A_8 = arith.subi %sign3A_4, %sign3A_7 : i32
    %sign3A_9 = arith.constant 0 : i32
    %sign3A_10 = arith.cmpi sgt, %jit3A, %sign3A_9 : i32
    %sign3A_11 = arith.extui %sign3A_10 : i1 to i32
    %sign3A_12 = arith.constant 0 : i32
    %sign3A_13 = arith.cmpi slt, %jit3A, %sign3A_12 : i32
    %sign3A_14 = arith.extui %sign3A_13 : i1 to i32
    %sign3A_15 = arith.subi %sign3A_11, %sign3A_14 : i32
    %ne3A = arith.cmpi ne, %sign3A_8, %sign3A_15 : i32
    %rem3A = arith.remsi %mul3A_2, %jit3A : i32
    %ne3A_16 = arith.constant 0 : i32
    %ne3A_17 = arith.cmpi ne, %rem3A, %ne3A_16 : i32
    %and3A = arith.andi %ne3A, %ne3A_17 : i1
    %sub3A = arith.constant 1 : i32
    %sub3A_18 = arith.subi %div3A, %sub3A : i32
    %select_n3A = arith.select %and3A, %sub3A_18, %div3A : i32
    %iota3A = tpu.iota {dimensions = array<i32: 0>} : vector<16xi32>
    %broadcast_in_dim3A = arith.constant 1 : i32
    %broadcast_in_dim3A_19 = vector.broadcast %broadcast_in_dim3A : i32 to vector<16xi32>
    %broadcast_in_dim3A_20 = arith.constant 0 : i32
    %broadcast_in_dim3A_21 = vector.broadcast %broadcast_in_dim3A_20 : i32 to vector<16xi32>
    %mul3A_22 = arith.constant 4096 : i32
    %mul3A_23 = arith.muli %select_n3A, %mul3A_22 : i32
    "tpu.region"() ({
      %run_scoped3A = tpu.sem_alloc : memref<!tpu.dma_semaphore, #tpu.memory_space<semaphore_mem>>
      %dma_start3A = tpu.memref_slice %arg2[%mul3A_23] : memref<32768xf32, #tpu.memory_space<hbm>> -> memref<4096xf32, #tpu.memory_space<hbm>>
      %dma_start3A_84 = tpu.memref_slice %arg2[%mul3A_23] : memref<32768xf32, #tpu.memory_space<hbm>> -> memref<4096xf32, #tpu.memory_space<hbm>>
      tpu.enqueue_dma source(%dma_start3A_84 : memref<4096xf32, #tpu.memory_space<hbm>>) target(%arg10 : memref<4096xf32, #tpu.memory_space<vmem>>) target_semaphore(%run_scoped3A : memref<!tpu.dma_semaphore, #tpu.memory_space<semaphore_mem>>)
      %dma_wait3A = tpu.memref_slice %arg2[%mul3A_23] : memref<32768xf32, #tpu.memory_space<hbm>> -> memref<4096xf32, #tpu.memory_space<hbm>>
      %dma_wait3A_85 = tpu.memref_slice %arg2[%mul3A_23] : memref<32768xf32, #tpu.memory_space<hbm>> -> memref<4096xf32, #tpu.memory_space<hbm>>
      tpu.wait_dma2 semaphore(%run_scoped3A : memref<!tpu.dma_semaphore, #tpu.memory_space<semaphore_mem>>) src(%dma_wait3A_85 : memref<4096xf32, #tpu.memory_space<hbm>>) dst(%arg10 : memref<4096xf32, #tpu.memory_space<vmem>>)
      tpu.yield
    }) : () -> ()
    %mul3A_24 = arith.constant 4096 : i32
    %mul3A_25 = arith.muli %select_n3A, %mul3A_24 : i32
    "tpu.region"() ({
      %run_scoped3A = tpu.sem_alloc : memref<!tpu.dma_semaphore, #tpu.memory_space<semaphore_mem>>
      %dma_start3A = tpu.memref_slice %arg3[%mul3A_25] : memref<32768xf32, #tpu.memory_space<hbm>> -> memref<4096xf32, #tpu.memory_space<hbm>>
      %dma_start3A_84 = tpu.memref_slice %arg3[%mul3A_25] : memref<32768xf32, #tpu.memory_space<hbm>> -> memref<4096xf32, #tpu.memory_space<hbm>>
      tpu.enqueue_dma source(%dma_start3A_84 : memref<4096xf32, #tpu.memory_space<hbm>>) target(%arg11 : memref<4096xf32, #tpu.memory_space<vmem>>) target_semaphore(%run_scoped3A : memref<!tpu.dma_semaphore, #tpu.memory_space<semaphore_mem>>)
      %dma_wait3A = tpu.memref_slice %arg3[%mul3A_25] : memref<32768xf32, #tpu.memory_space<hbm>> -> memref<4096xf32, #tpu.memory_space<hbm>>
      %dma_wait3A_85 = tpu.memref_slice %arg3[%mul3A_25] : memref<32768xf32, #tpu.memory_space<hbm>> -> memref<4096xf32, #tpu.memory_space<hbm>>
      tpu.wait_dma2 semaphore(%run_scoped3A : memref<!tpu.dma_semaphore, #tpu.memory_space<semaphore_mem>>) src(%dma_wait3A_85 : memref<4096xf32, #tpu.memory_space<hbm>>) dst(%arg11 : memref<4096xf32, #tpu.memory_space<vmem>>)
      tpu.yield
    }) : () -> ()
    %mul3A_26 = arith.constant 4096 : i32
    %mul3A_27 = arith.muli %select_n3A, %mul3A_26 : i32
    "tpu.region"() ({
      %run_scoped3A = tpu.sem_alloc : memref<!tpu.dma_semaphore, #tpu.memory_space<semaphore_mem>>
      %dma_start3A = tpu.memref_slice %arg4[%mul3A_27] : memref<32768xf32, #tpu.memory_space<hbm>> -> memref<4096xf32, #tpu.memory_space<hbm>>
      %dma_start3A_84 = tpu.memref_slice %arg4[%mul3A_27] : memref<32768xf32, #tpu.memory_space<hbm>> -> memref<4096xf32, #tpu.memory_space<hbm>>
      tpu.enqueue_dma source(%dma_start3A_84 : memref<4096xf32, #tpu.memory_space<hbm>>) target(%arg12 : memref<4096xf32, #tpu.memory_space<vmem>>) target_semaphore(%run_scoped3A : memref<!tpu.dma_semaphore, #tpu.memory_space<semaphore_mem>>)
      %dma_wait3A = tpu.memref_slice %arg4[%mul3A_27] : memref<32768xf32, #tpu.memory_space<hbm>> -> memref<4096xf32, #tpu.memory_space<hbm>>
      %dma_wait3A_85 = tpu.memref_slice %arg4[%mul3A_27] : memref<32768xf32, #tpu.memory_space<hbm>> -> memref<4096xf32, #tpu.memory_space<hbm>>
      tpu.wait_dma2 semaphore(%run_scoped3A : memref<!tpu.dma_semaphore, #tpu.memory_space<semaphore_mem>>) src(%dma_wait3A_85 : memref<4096xf32, #tpu.memory_space<hbm>>) dst(%arg12 : memref<4096xf32, #tpu.memory_space<vmem>>)
      tpu.yield
    }) : () -> ()
    %mul3A_28 = arith.constant 64 : i32
    %mul3A_29 = arith.muli %add3A, %mul3A_28 : i32
    "tpu.region"() ({
      %run_scoped3A = tpu.sem_alloc : memref<!tpu.dma_semaphore, #tpu.memory_space<semaphore_mem>>
      %dma_start3A = tpu.memref_slice %arg5[%mul3A_29] : memref<2048xi32, #tpu.memory_space<hbm>> -> memref<64xi32, #tpu.memory_space<hbm>>
      %dma_start3A_84 = tpu.memref_slice %arg5[%mul3A_29] : memref<2048xi32, #tpu.memory_space<hbm>> -> memref<64xi32, #tpu.memory_space<hbm>>
      tpu.enqueue_dma source(%dma_start3A_84 : memref<64xi32, #tpu.memory_space<hbm>>) target(%arg13 : memref<64xi32, #tpu.memory_space<vmem>>) target_semaphore(%run_scoped3A : memref<!tpu.dma_semaphore, #tpu.memory_space<semaphore_mem>>)
      %dma_wait3A = tpu.memref_slice %arg5[%mul3A_29] : memref<2048xi32, #tpu.memory_space<hbm>> -> memref<64xi32, #tpu.memory_space<hbm>>
      %dma_wait3A_85 = tpu.memref_slice %arg5[%mul3A_29] : memref<2048xi32, #tpu.memory_space<hbm>> -> memref<64xi32, #tpu.memory_space<hbm>>
      tpu.wait_dma2 semaphore(%run_scoped3A : memref<!tpu.dma_semaphore, #tpu.memory_space<semaphore_mem>>) src(%dma_wait3A_85 : memref<64xi32, #tpu.memory_space<hbm>>) dst(%arg13 : memref<64xi32, #tpu.memory_space<vmem>>)
      tpu.yield
    }) : () -> ()
    %get3A = arith.constant 0 : index
    %get3A_30 = tpu.vector_load %arg13[%get3A] {strides = array<i32>} : memref<64xi32, #tpu.memory_space<vmem>>, vector<16xi32>,
    %gather3A = tpu.vector_load_idx %arg10[%get3A_30] : memref<4096xf32, #tpu.memory_space<vmem>>[vector<16xi32>], vector<16xf32>,
    %swap3A = arith.constant 0 : index
    %swap3A_31 = tpu.vector_load %arg14[%swap3A] {strides = array<i32>} : memref<64xf32, #tpu.memory_space<vmem>>, vector<16xf32>,
    tpu.vector_store %arg14[%swap3A], %gather3A {strides = array<i32>} : memref<64xf32, #tpu.memory_space<vmem>>, vector<16xf32>,
    %gather3A_32 = tpu.vector_load_idx %arg11[%get3A_30] : memref<4096xf32, #tpu.memory_space<vmem>>[vector<16xi32>], vector<16xf32>,
    %swap3A_33 = arith.constant 0 : index
    %swap3A_34 = tpu.vector_load %arg15[%swap3A_33] {strides = array<i32>} : memref<64xf32, #tpu.memory_space<vmem>>, vector<16xf32>,
    tpu.vector_store %arg15[%swap3A_33], %gather3A_32 {strides = array<i32>} : memref<64xf32, #tpu.memory_space<vmem>>, vector<16xf32>,
    %gather3A_35 = tpu.vector_load_idx %arg12[%get3A_30] : memref<4096xf32, #tpu.memory_space<vmem>>[vector<16xi32>], vector<16xf32>,
    %swap3A_36 = arith.constant 0 : index
    %swap3A_37 = tpu.vector_load %arg16[%swap3A_36] {strides = array<i32>} : memref<64xf32, #tpu.memory_space<vmem>>, vector<16xf32>,
    tpu.vector_store %arg16[%swap3A_36], %gather3A_35 {strides = array<i32>} : memref<64xf32, #tpu.memory_space<vmem>>, vector<16xf32>,
    %get3A_38 = arith.constant 16 : index
    %get3A_39 = tpu.vector_load %arg13[%get3A_38] {strides = array<i32>} : memref<64xi32, #tpu.memory_space<vmem>>, vector<16xi32>,
    %gather3A_40 = tpu.vector_load_idx %arg10[%get3A_39] : memref<4096xf32, #tpu.memory_space<vmem>>[vector<16xi32>], vector<16xf32>,
    %swap3A_41 = arith.constant 16 : index
    %swap3A_42 = tpu.vector_load %arg14[%swap3A_41] {strides = array<i32>} : memref<64xf32, #tpu.memory_space<vmem>>, vector<16xf32>,
    tpu.vector_store %arg14[%swap3A_41], %gather3A_40 {strides = array<i32>} : memref<64xf32, #tpu.memory_space<vmem>>, vector<16xf32>,
    %gather3A_43 = tpu.vector_load_idx %arg11[%get3A_39] : memref<4096xf32, #tpu.memory_space<vmem>>[vector<16xi32>], vector<16xf32>,
    %swap3A_44 = arith.constant 16 : index
    %swap3A_45 = tpu.vector_load %arg15[%swap3A_44] {strides = array<i32>} : memref<64xf32, #tpu.memory_space<vmem>>, vector<16xf32>,
    tpu.vector_store %arg15[%swap3A_44], %gather3A_43 {strides = array<i32>} : memref<64xf32, #tpu.memory_space<vmem>>, vector<16xf32>,
    %gather3A_46 = tpu.vector_load_idx %arg12[%get3A_39] : memref<4096xf32, #tpu.memory_space<vmem>>[vector<16xi32>], vector<16xf32>,
    %swap3A_47 = arith.constant 16 : index
    %swap3A_48 = tpu.vector_load %arg16[%swap3A_47] {strides = array<i32>} : memref<64xf32, #tpu.memory_space<vmem>>, vector<16xf32>,
    tpu.vector_store %arg16[%swap3A_47], %gather3A_46 {strides = array<i32>} : memref<64xf32, #tpu.memory_space<vmem>>, vector<16xf32>,
    %get3A_49 = arith.constant 32 : index
    %get3A_50 = tpu.vector_load %arg13[%get3A_49] {strides = array<i32>} : memref<64xi32, #tpu.memory_space<vmem>>, vector<16xi32>,
    %gather3A_51 = tpu.vector_load_idx %arg10[%get3A_50] : memref<4096xf32, #tpu.memory_space<vmem>>[vector<16xi32>], vector<16xf32>,
    %swap3A_52 = arith.constant 32 : index
    %swap3A_53 = tpu.vector_load %arg14[%swap3A_52] {strides = array<i32>} : memref<64xf32, #tpu.memory_space<vmem>>, vector<16xf32>,
    tpu.vector_store %arg14[%swap3A_52], %gather3A_51 {strides = array<i32>} : memref<64xf32, #tpu.memory_space<vmem>>, vector<16xf32>,
    %gather3A_54 = tpu.vector_load_idx %arg11[%get3A_50] : memref<4096xf32, #tpu.memory_space<vmem>>[vector<16xi32>], vector<16xf32>,
    %swap3A_55 = arith.constant 32 : index
    %swap3A_56 = tpu.vector_load %arg15[%swap3A_55] {strides = array<i32>} : memref<64xf32, #tpu.memory_space<vmem>>, vector<16xf32>,
    tpu.vector_store %arg15[%swap3A_55], %gather3A_54 {strides = array<i32>} : memref<64xf32, #tpu.memory_space<vmem>>, vector<16xf32>,
    %gather3A_57 = tpu.vector_load_idx %arg12[%get3A_50] : memref<4096xf32, #tpu.memory_space<vmem>>[vector<16xi32>], vector<16xf32>,
    %swap3A_58 = arith.constant 32 : index
    %swap3A_59 = tpu.vector_load %arg16[%swap3A_58] {strides = array<i32>} : memref<64xf32, #tpu.memory_space<vmem>>, vector<16xf32>,
    tpu.vector_store %arg16[%swap3A_58], %gather3A_57 {strides = array<i32>} : memref<64xf32, #tpu.memory_space<vmem>>, vector<16xf32>,
    %get3A_60 = arith.constant 48 : index
    %get3A_61 = tpu.vector_load %arg13[%get3A_60] {strides = array<i32>} : memref<64xi32, #tpu.memory_space<vmem>>, vector<16xi32>,
    %gather3A_62 = tpu.vector_load_idx %arg10[%get3A_61] : memref<4096xf32, #tpu.memory_space<vmem>>[vector<16xi32>], vector<16xf32>,
    %swap3A_63 = arith.constant 48 : index
    %swap3A_64 = tpu.vector_load %arg14[%swap3A_63] {strides = array<i32>} : memref<64xf32, #tpu.memory_space<vmem>>, vector<16xf32>,
    tpu.vector_store %arg14[%swap3A_63], %gather3A_62 {strides = array<i32>} : memref<64xf32, #tpu.memory_space<vmem>>, vector<16xf32>,
    %gather3A_65 = tpu.vector_load_idx %arg11[%get3A_61] : memref<4096xf32, #tpu.memory_space<vmem>>[vector<16xi32>], vector<16xf32>,
    %swap3A_66 = arith.constant 48 : index
    %swap3A_67 = tpu.vector_load %arg15[%swap3A_66] {strides = array<i32>} : memref<64xf32, #tpu.memory_space<vmem>>, vector<16xf32>,
    tpu.vector_store %arg15[%swap3A_66], %gather3A_65 {strides = array<i32>} : memref<64xf32, #tpu.memory_space<vmem>>, vector<16xf32>,
    %gather3A_68 = tpu.vector_load_idx %arg12[%get3A_61] : memref<4096xf32, #tpu.memory_space<vmem>>[vector<16xi32>], vector<16xf32>,
    %swap3A_69 = arith.constant 48 : index
    %swap3A_70 = tpu.vector_load %arg16[%swap3A_69] {strides = array<i32>} : memref<64xf32, #tpu.memory_space<vmem>>, vector<16xf32>,
    tpu.vector_store %arg16[%swap3A_69], %gather3A_68 {strides = array<i32>} : memref<64xf32, #tpu.memory_space<vmem>>, vector<16xf32>,
    %mul3A_71 = arith.constant 64 : i32
    %mul3A_72 = arith.muli %add3A, %mul3A_71 : i32
    "tpu.region"() ({
      %run_scoped3A = tpu.sem_alloc : memref<!tpu.dma_semaphore, #tpu.memory_space<semaphore_mem>>
      %dma_start3A = tpu.memref_slice %arg6[%mul3A_72] : memref<2048xf32, #tpu.memory_space<hbm>> -> memref<64xf32, #tpu.memory_space<hbm>>
      %dma_start3A_84 = tpu.memref_slice %arg6[%mul3A_72] : memref<2048xf32, #tpu.memory_space<hbm>> -> memref<64xf32, #tpu.memory_space<hbm>>
      tpu.enqueue_dma source(%arg14 : memref<64xf32, #tpu.memory_space<vmem>>) target(%dma_start3A_84 : memref<64xf32, #tpu.memory_space<hbm>>) target_semaphore(%run_scoped3A : memref<!tpu.dma_semaphore, #tpu.memory_space<semaphore_mem>>)
      %dma_wait3A = tpu.memref_slice %arg6[%mul3A_72] : memref<2048xf32, #tpu.memory_space<hbm>> -> memref<64xf32, #tpu.memory_space<hbm>>
      %dma_wait3A_85 = tpu.memref_slice %arg6[%mul3A_72] : memref<2048xf32, #tpu.memory_space<hbm>> -> memref<64xf32, #tpu.memory_space<hbm>>
      tpu.wait_dma2 semaphore(%run_scoped3A : memref<!tpu.dma_semaphore, #tpu.memory_space<semaphore_mem>>) src(%arg14 : memref<64xf32, #tpu.memory_space<vmem>>) dst(%dma_wait3A_85 : memref<64xf32, #tpu.memory_space<hbm>>)
      tpu.yield
    }) : () -> ()
    %mul3A_73 = arith.constant 64 : i32
    %mul3A_74 = arith.muli %add3A, %mul3A_73 : i32
    "tpu.region"() ({
      %run_scoped3A = tpu.sem_alloc : memref<!tpu.dma_semaphore, #tpu.memory_space<semaphore_mem>>
      %dma_start3A = tpu.memref_slice %arg7[%mul3A_74] : memref<2048xf32, #tpu.memory_space<hbm>> -> memref<64xf32, #tpu.memory_space<hbm>>
      %dma_start3A_84 = tpu.memref_slice %arg7[%mul3A_74] : memref<2048xf32, #tpu.memory_space<hbm>> -> memref<64xf32, #tpu.memory_space<hbm>>
      tpu.enqueue_dma source(%arg15 : memref<64xf32, #tpu.memory_space<vmem>>) target(%dma_start3A_84 : memref<64xf32, #tpu.memory_space<hbm>>) target_semaphore(%run_scoped3A : memref<!tpu.dma_semaphore, #tpu.memory_space<semaphore_mem>>)
      %dma_wait3A = tpu.memref_slice %arg7[%mul3A_74] : memref<2048xf32, #tpu.memory_space<hbm>> -> memref<64xf32, #tpu.memory_space<hbm>>
      %dma_wait3A_85 = tpu.memref_slice %arg7[%mul3A_74] : memref<2048xf32, #tpu.memory_space<hbm>> -> memref<64xf32, #tpu.memory_space<hbm>>
      tpu.wait_dma2 semaphore(%run_scoped3A : memref<!tpu.dma_semaphore, #tpu.memory_space<semaphore_mem>>) src(%arg15 : memref<64xf32, #tpu.memory_space<vmem>>) dst(%dma_wait3A_85 : memref<64xf32, #tpu.memory_space<hbm>>)
      tpu.yield
    }) : () -> ()
    %mul3A_75 = arith.constant 64 : i32
    %mul3A_76 = arith.muli %add3A, %mul3A_75 : i32
    "tpu.region"() ({
      %run_scoped3A = tpu.sem_alloc : memref<!tpu.dma_semaphore, #tpu.memory_space<semaphore_mem>>
      %dma_start3A = tpu.memref_slice %arg8[%mul3A_76] : memref<2048xf32, #tpu.memory_space<hbm>> -> memref<64xf32, #tpu.memory_space<hbm>>
      %dma_start3A_84 = tpu.memref_slice %arg8[%mul3A_76] : memref<2048xf32, #tpu.memory_space<hbm>> -> memref<64xf32, #tpu.memory_space<hbm>>
      tpu.enqueue_dma source(%arg16 : memref<64xf32, #tpu.memory_space<vmem>>) target(%dma_start3A_84 : memref<64xf32, #tpu.memory_space<hbm>>) target_semaphore(%run_scoped3A : memref<!tpu.dma_semaphore, #tpu.memory_space<semaphore_mem>>)
      %dma_wait3A = tpu.memref_slice %arg8[%mul3A_76] : memref<2048xf32, #tpu.memory_space<hbm>> -> memref<64xf32, #tpu.memory_space<hbm>>
      %dma_wait3A_85 = tpu.memref_slice %arg8[%mul3A_76] : memref<2048xf32, #tpu.memory_space<hbm>> -> memref<64xf32, #tpu.memory_space<hbm>>
      tpu.wait_dma2 semaphore(%run_scoped3A : memref<!tpu.dma_semaphore, #tpu.memory_space<semaphore_mem>>) src(%arg16 : memref<64xf32, #tpu.memory_space<vmem>>) dst(%dma_wait3A_85 : memref<64xf32, #tpu.memory_space<hbm>>)
      tpu.yield
    }) : () -> ()
    %scan3A = arith.constant 0 : i32
    %scan3A_77 = arith.constant 0 : i32
    %scan3A_78 = arith.constant 64 : i32
    %scan3A_79 = arith.addi %scan3A_77, %scan3A_78 : i32
    %scan3A_80 = arith.constant 1 : i32
    scf.for %scan3A_84 = %scan3A_77 to %scan3A_79 step %scan3A_80  : i32 {
      %broadcast_in_dim3A_85 = vector.broadcast %scan3A_84 : i32 to vector<16xi32>
      %gather3A_86 = tpu.vector_load_idx %arg14[%broadcast_in_dim3A_85] : memref<64xf32, #tpu.memory_space<vmem>>[vector<16xi32>], vector<16xf32>,
      %gather3A_87 = tpu.vector_load_idx %arg15[%broadcast_in_dim3A_85] : memref<64xf32, #tpu.memory_space<vmem>>[vector<16xi32>], vector<16xf32>,
      %gather3A_88 = tpu.vector_load_idx %arg16[%broadcast_in_dim3A_85] : memref<64xf32, #tpu.memory_space<vmem>>[vector<16xi32>], vector<16xf32>,
      %swap3A_89 = arith.constant 0 : index
      %swap3A_90 = tpu.vector_load %arg18[%swap3A_89] {strides = array<i32>} : memref<256xi32, #tpu.memory_space<vmem>>, vector<16xi32>,
      tpu.vector_store %arg18[%swap3A_89], %broadcast_in_dim3A_21 {strides = array<i32>} : memref<256xi32, #tpu.memory_space<vmem>>, vector<16xi32>,
      %swap3A_91 = arith.constant 16 : index
      %swap3A_92 = tpu.vector_load %arg18[%swap3A_91] {strides = array<i32>} : memref<256xi32, #tpu.memory_space<vmem>>, vector<16xi32>,
      tpu.vector_store %arg18[%swap3A_91], %broadcast_in_dim3A_21 {strides = array<i32>} : memref<256xi32, #tpu.memory_space<vmem>>, vector<16xi32>,
      %swap3A_93 = arith.constant 32 : index
      %swap3A_94 = tpu.vector_load %arg18[%swap3A_93] {strides = array<i32>} : memref<256xi32, #tpu.memory_space<vmem>>, vector<16xi32>,
      tpu.vector_store %arg18[%swap3A_93], %broadcast_in_dim3A_21 {strides = array<i32>} : memref<256xi32, #tpu.memory_space<vmem>>, vector<16xi32>,
      %swap3A_95 = arith.constant 48 : index
      %swap3A_96 = tpu.vector_load %arg18[%swap3A_95] {strides = array<i32>} : memref<256xi32, #tpu.memory_space<vmem>>, vector<16xi32>,
      tpu.vector_store %arg18[%swap3A_95], %broadcast_in_dim3A_21 {strides = array<i32>} : memref<256xi32, #tpu.memory_space<vmem>>, vector<16xi32>,
      %swap3A_97 = arith.constant 64 : index
      %swap3A_98 = tpu.vector_load %arg18[%swap3A_97] {strides = array<i32>} : memref<256xi32, #tpu.memory_space<vmem>>, vector<16xi32>,
      tpu.vector_store %arg18[%swap3A_97], %broadcast_in_dim3A_21 {strides = array<i32>} : memref<256xi32, #tpu.memory_space<vmem>>, vector<16xi32>,
      %swap3A_99 = arith.constant 80 : index
      %swap3A_100 = tpu.vector_load %arg18[%swap3A_99] {strides = array<i32>} : memref<256xi32, #tpu.memory_space<vmem>>, vector<16xi32>,
      tpu.vector_store %arg18[%swap3A_99], %broadcast_in_dim3A_21 {strides = array<i32>} : memref<256xi32, #tpu.memory_space<vmem>>, vector<16xi32>,
      %swap3A_101 = arith.constant 96 : index
      %swap3A_102 = tpu.vector_load %arg18[%swap3A_101] {strides = array<i32>} : memref<256xi32, #tpu.memory_space<vmem>>, vector<16xi32>,
      tpu.vector_store %arg18[%swap3A_101], %broadcast_in_dim3A_21 {strides = array<i32>} : memref<256xi32, #tpu.memory_space<vmem>>, vector<16xi32>,
      %swap3A_103 = arith.constant 112 : index
      %swap3A_104 = tpu.vector_load %arg18[%swap3A_103] {strides = array<i32>} : memref<256xi32, #tpu.memory_space<vmem>>, vector<16xi32>,
      tpu.vector_store %arg18[%swap3A_103], %broadcast_in_dim3A_21 {strides = array<i32>} : memref<256xi32, #tpu.memory_space<vmem>>, vector<16xi32>,
      %swap3A_105 = arith.constant 128 : index
      %swap3A_106 = tpu.vector_load %arg18[%swap3A_105] {strides = array<i32>} : memref<256xi32, #tpu.memory_space<vmem>>, vector<16xi32>,
      tpu.vector_store %arg18[%swap3A_105], %broadcast_in_dim3A_21 {strides = array<i32>} : memref<256xi32, #tpu.memory_space<vmem>>, vector<16xi32>,
      %swap3A_107 = arith.constant 144 : index
      %swap3A_108 = tpu.vector_load %arg18[%swap3A_107] {strides = array<i32>} : memref<256xi32, #tpu.memory_space<vmem>>, vector<16xi32>,
      tpu.vector_store %arg18[%swap3A_107], %broadcast_in_dim3A_21 {strides = array<i32>} : memref<256xi32, #tpu.memory_space<vmem>>, vector<16xi32>,
      %swap3A_109 = arith.constant 160 : index
      %swap3A_110 = tpu.vector_load %arg18[%swap3A_109] {strides = array<i32>} : memref<256xi32, #tpu.memory_space<vmem>>, vector<16xi32>,
      tpu.vector_store %arg18[%swap3A_109], %broadcast_in_dim3A_21 {strides = array<i32>} : memref<256xi32, #tpu.memory_space<vmem>>, vector<16xi32>,
      %swap3A_111 = arith.constant 176 : index
      %swap3A_112 = tpu.vector_load %arg18[%swap3A_111] {strides = array<i32>} : memref<256xi32, #tpu.memory_space<vmem>>, vector<16xi32>,
      tpu.vector_store %arg18[%swap3A_111], %broadcast_in_dim3A_21 {strides = array<i32>} : memref<256xi32, #tpu.memory_space<vmem>>, vector<16xi32>,
      %swap3A_113 = arith.constant 192 : index
      %swap3A_114 = tpu.vector_load %arg18[%swap3A_113] {strides = array<i32>} : memref<256xi32, #tpu.memory_space<vmem>>, vector<16xi32>,
      tpu.vector_store %arg18[%swap3A_113], %broadcast_in_dim3A_21 {strides = array<i32>} : memref<256xi32, #tpu.memory_space<vmem>>, vector<16xi32>,
      %swap3A_115 = arith.constant 208 : index
      %swap3A_116 = tpu.vector_load %arg18[%swap3A_115] {strides = array<i32>} : memref<256xi32, #tpu.memory_space<vmem>>, vector<16xi32>,
      tpu.vector_store %arg18[%swap3A_115], %broadcast_in_dim3A_21 {strides = array<i32>} : memref<256xi32, #tpu.memory_space<vmem>>, vector<16xi32>,
      %swap3A_117 = arith.constant 224 : index
      %swap3A_118 = tpu.vector_load %arg18[%swap3A_117] {strides = array<i32>} : memref<256xi32, #tpu.memory_space<vmem>>, vector<16xi32>,
      tpu.vector_store %arg18[%swap3A_117], %broadcast_in_dim3A_21 {strides = array<i32>} : memref<256xi32, #tpu.memory_space<vmem>>, vector<16xi32>,
      %swap3A_119 = arith.constant 240 : index
      %swap3A_120 = tpu.vector_load %arg18[%swap3A_119] {strides = array<i32>} : memref<256xi32, #tpu.memory_space<vmem>>, vector<16xi32>,
      tpu.vector_store %arg18[%swap3A_119], %broadcast_in_dim3A_21 {strides = array<i32>} : memref<256xi32, #tpu.memory_space<vmem>>, vector<16xi32>,
      %parallel_loop3A = arith.constant 0 : i32
      %parallel_loop3A_121 = arith.constant 256 : i32
      %parallel_loop3A_122 = arith.constant 1 : i32
      scf.for %parallel_loop3A_541 = %parallel_loop3A to %parallel_loop3A_121 step %parallel_loop3A_122  : i32 {
        %parallel_loop3A_542 = arith.constant 16 : i32
        %parallel_loop3A_543 = arith.muli %parallel_loop3A_541, %parallel_loop3A_542 : i32
        %parallel_loop3A_544 = arith.index_cast %parallel_loop3A_543 : i32 to index
        %parallel_loop3A_545 = tpu.vector_load %arg10[%parallel_loop3A_544] {strides = array<i32>} : memref<4096xf32, #tpu.memory_space<vmem>>, vector<16xf32>,
        %parallel_loop3A_546 = arith.subf %gather3A_86, %parallel_loop3A_545 : vector<16xf32>
        %parallel_loop3A_547 = arith.index_cast %parallel_loop3A_543 : i32 to index
        %parallel_loop3A_548 = tpu.vector_load %arg11[%parallel_loop3A_547] {strides = array<i32>} : memref<4096xf32, #tpu.memory_space<vmem>>, vector<16xf32>,
        %parallel_loop3A_549 = arith.subf %gather3A_87, %parallel_loop3A_548 : vector<16xf32>
        %parallel_loop3A_550 = arith.index_cast %parallel_loop3A_543 : i32 to index
        %parallel_loop3A_551 = tpu.vector_load %arg12[%parallel_loop3A_550] {strides = array<i32>} : memref<4096xf32, #tpu.memory_space<vmem>>, vector<16xf32>,
        %parallel_loop3A_552 = arith.subf %gather3A_88, %parallel_loop3A_551 : vector<16xf32>
        %parallel_loop3A_553 = arith.mulf %parallel_loop3A_546, %parallel_loop3A_546 : vector<16xf32>
        %parallel_loop3A_554 = arith.mulf %parallel_loop3A_549, %parallel_loop3A_549 : vector<16xf32>
        %parallel_loop3A_555 = arith.addf %parallel_loop3A_553, %parallel_loop3A_554 : vector<16xf32>
        %parallel_loop3A_556 = arith.mulf %parallel_loop3A_552, %parallel_loop3A_552 : vector<16xf32>
        %parallel_loop3A_557 = arith.addf %parallel_loop3A_555, %parallel_loop3A_556 : vector<16xf32>
        %parallel_loop3A_558 = arith.index_cast %parallel_loop3A_543 : i32 to index
        %parallel_loop3A_559 = tpu.vector_load %arg17[%parallel_loop3A_558] {strides = array<i32>} : memref<4096xf32, #tpu.memory_space<vmem>>, vector<16xf32>,
        tpu.vector_store %arg17[%parallel_loop3A_558], %parallel_loop3A_557 {strides = array<i32>} : memref<4096xf32, #tpu.memory_space<vmem>>, vector<16xf32>,
        %parallel_loop3A_560 = vector.bitcast %parallel_loop3A_557 : vector<16xf32> to vector<16xi32>
        %parallel_loop3A_561 = arith.constant 23 : i32
        %parallel_loop3A_562 = vector.broadcast %parallel_loop3A_561 : i32 to vector<16xi32>
        %parallel_loop3A_563 = arith.shrsi %parallel_loop3A_560, %parallel_loop3A_562 : vector<16xi32>
        tpu.vector_store_idx %arg18[%parallel_loop3A_563], %broadcast_in_dim3A_19 {add = true} : memref<256xi32, #tpu.memory_space<vmem>>[vector<16xi32>], vector<16xi32>,
      } {sc.loop_unroll_factor = 8 : i64, sc.parallel_access}
      %broadcast_in_dim3A_123 = arith.constant 32 : i32
      %broadcast_in_dim3A_124 = vector.broadcast %broadcast_in_dim3A_123 : i32 to vector<16xi32>
      %mul3A_125 = arith.constant 16 : i32
      %mul3A_126 = vector.broadcast %mul3A_125 : i32 to vector<16xi32>
      %mul3A_127 = arith.muli %iota3A, %mul3A_126 : vector<16xi32>
      %add3A_128 = arith.constant 0 : i32
      %add3A_129 = vector.broadcast %add3A_128 : i32 to vector<16xi32>
      %add3A_130 = arith.addi %mul3A_127, %add3A_129 : vector<16xi32>
      %gather3A_131 = tpu.vector_load_idx %arg18[%add3A_130] : memref<256xi32, #tpu.memory_space<vmem>>[vector<16xi32>], vector<16xi32>,
      %add3A_132 = arith.addi %broadcast_in_dim3A_21, %gather3A_131 : vector<16xi32>
      %mul3A_133 = arith.constant 16 : i32
      %mul3A_134 = vector.broadcast %mul3A_133 : i32 to vector<16xi32>
      %mul3A_135 = arith.muli %iota3A, %mul3A_134 : vector<16xi32>
      %add3A_136 = arith.constant 1 : i32
      %add3A_137 = vector.broadcast %add3A_136 : i32 to vector<16xi32>
      %add3A_138 = arith.addi %mul3A_135, %add3A_137 : vector<16xi32>
      %gather3A_139 = tpu.vector_load_idx %arg18[%add3A_138] : memref<256xi32, #tpu.memory_space<vmem>>[vector<16xi32>], vector<16xi32>,
      %add3A_140 = arith.addi %add3A_132, %gather3A_139 : vector<16xi32>
      %mul3A_141 = arith.constant 16 : i32
      %mul3A_142 = vector.broadcast %mul3A_141 : i32 to vector<16xi32>
      %mul3A_143 = arith.muli %iota3A, %mul3A_142 : vector<16xi32>
      %add3A_144 = arith.constant 2 : i32
      %add3A_145 = vector.broadcast %add3A_144 : i32 to vector<16xi32>
      %add3A_146 = arith.addi %mul3A_143, %add3A_145 : vector<16xi32>
      %gather3A_147 = tpu.vector_load_idx %arg18[%add3A_146] : memref<256xi32, #tpu.memory_space<vmem>>[vector<16xi32>], vector<16xi32>,
      %add3A_148 = arith.addi %add3A_140, %gather3A_147 : vector<16xi32>
      %mul3A_149 = arith.constant 16 : i32
      %mul3A_150 = vector.broadcast %mul3A_149 : i32 to vector<16xi32>
      %mul3A_151 = arith.muli %iota3A, %mul3A_150 : vector<16xi32>
      %add3A_152 = arith.constant 3 : i32
      %add3A_153 = vector.broadcast %add3A_152 : i32 to vector<16xi32>
      %add3A_154 = arith.addi %mul3A_151, %add3A_153 : vector<16xi32>
      %gather3A_155 = tpu.vector_load_idx %arg18[%add3A_154] : memref<256xi32, #tpu.memory_space<vmem>>[vector<16xi32>], vector<16xi32>,
      %add3A_156 = arith.addi %add3A_148, %gather3A_155 : vector<16xi32>
      %mul3A_157 = arith.constant 16 : i32
      %mul3A_158 = vector.broadcast %mul3A_157 : i32 to vector<16xi32>
      %mul3A_159 = arith.muli %iota3A, %mul3A_158 : vector<16xi32>
      %add3A_160 = arith.constant 4 : i32
      %add3A_161 = vector.broadcast %add3A_160 : i32 to vector<16xi32>
      %add3A_162 = arith.addi %mul3A_159, %add3A_161 : vector<16xi32>
      %gather3A_163 = tpu.vector_load_idx %arg18[%add3A_162] : memref<256xi32, #tpu.memory_space<vmem>>[vector<16xi32>], vector<16xi32>,
      %add3A_164 = arith.addi %add3A_156, %gather3A_163 : vector<16xi32>
      %mul3A_165 = arith.constant 16 : i32
      %mul3A_166 = vector.broadcast %mul3A_165 : i32 to vector<16xi32>
      %mul3A_167 = arith.muli %iota3A, %mul3A_166 : vector<16xi32>
      %add3A_168 = arith.constant 5 : i32
      %add3A_169 = vector.broadcast %add3A_168 : i32 to vector<16xi32>
      %add3A_170 = arith.addi %mul3A_167, %add3A_169 : vector<16xi32>
      %gather3A_171 = tpu.vector_load_idx %arg18[%add3A_170] : memref<256xi32, #tpu.memory_space<vmem>>[vector<16xi32>], vector<16xi32>,
      %add3A_172 = arith.addi %add3A_164, %gather3A_171 : vector<16xi32>
      %mul3A_173 = arith.constant 16 : i32
      %mul3A_174 = vector.broadcast %mul3A_173 : i32 to vector<16xi32>
      %mul3A_175 = arith.muli %iota3A, %mul3A_174 : vector<16xi32>
      %add3A_176 = arith.constant 6 : i32
      %add3A_177 = vector.broadcast %add3A_176 : i32 to vector<16xi32>
      %add3A_178 = arith.addi %mul3A_175, %add3A_177 : vector<16xi32>
      %gather3A_179 = tpu.vector_load_idx %arg18[%add3A_178] : memref<256xi32, #tpu.memory_space<vmem>>[vector<16xi32>], vector<16xi32>,
      %add3A_180 = arith.addi %add3A_172, %gather3A_179 : vector<16xi32>
      %mul3A_181 = arith.constant 16 : i32
      %mul3A_182 = vector.broadcast %mul3A_181 : i32 to vector<16xi32>
      %mul3A_183 = arith.muli %iota3A, %mul3A_182 : vector<16xi32>
      %add3A_184 = arith.constant 7 : i32
      %add3A_185 = vector.broadcast %add3A_184 : i32 to vector<16xi32>
      %add3A_186 = arith.addi %mul3A_183, %add3A_185 : vector<16xi32>
      %gather3A_187 = tpu.vector_load_idx %arg18[%add3A_186] : memref<256xi32, #tpu.memory_space<vmem>>[vector<16xi32>], vector<16xi32>,
      %add3A_188 = arith.addi %add3A_180, %gather3A_187 : vector<16xi32>
      %mul3A_189 = arith.constant 16 : i32
      %mul3A_190 = vector.broadcast %mul3A_189 : i32 to vector<16xi32>
      %mul3A_191 = arith.muli %iota3A, %mul3A_190 : vector<16xi32>
      %add3A_192 = arith.constant 8 : i32
      %add3A_193 = vector.broadcast %add3A_192 : i32 to vector<16xi32>
      %add3A_194 = arith.addi %mul3A_191, %add3A_193 : vector<16xi32>
      %gather3A_195 = tpu.vector_load_idx %arg18[%add3A_194] : memref<256xi32, #tpu.memory_space<vmem>>[vector<16xi32>], vector<16xi32>,
      %add3A_196 = arith.addi %add3A_188, %gather3A_195 : vector<16xi32>
      %mul3A_197 = arith.constant 16 : i32
      %mul3A_198 = vector.broadcast %mul3A_197 : i32 to vector<16xi32>
      %mul3A_199 = arith.muli %iota3A, %mul3A_198 : vector<16xi32>
      %add3A_200 = arith.constant 9 : i32
      %add3A_201 = vector.broadcast %add3A_200 : i32 to vector<16xi32>
      %add3A_202 = arith.addi %mul3A_199, %add3A_201 : vector<16xi32>
      %gather3A_203 = tpu.vector_load_idx %arg18[%add3A_202] : memref<256xi32, #tpu.memory_space<vmem>>[vector<16xi32>], vector<16xi32>,
      %add3A_204 = arith.addi %add3A_196, %gather3A_203 : vector<16xi32>
      %mul3A_205 = arith.constant 16 : i32
      %mul3A_206 = vector.broadcast %mul3A_205 : i32 to vector<16xi32>
      %mul3A_207 = arith.muli %iota3A, %mul3A_206 : vector<16xi32>
      %add3A_208 = arith.constant 10 : i32
      %add3A_209 = vector.broadcast %add3A_208 : i32 to vector<16xi32>
      %add3A_210 = arith.addi %mul3A_207, %add3A_209 : vector<16xi32>
      %gather3A_211 = tpu.vector_load_idx %arg18[%add3A_210] : memref<256xi32, #tpu.memory_space<vmem>>[vector<16xi32>], vector<16xi32>,
      %add3A_212 = arith.addi %add3A_204, %gather3A_211 : vector<16xi32>
      %mul3A_213 = arith.constant 16 : i32
      %mul3A_214 = vector.broadcast %mul3A_213 : i32 to vector<16xi32>
      %mul3A_215 = arith.muli %iota3A, %mul3A_214 : vector<16xi32>
      %add3A_216 = arith.constant 11 : i32
      %add3A_217 = vector.broadcast %add3A_216 : i32 to vector<16xi32>
      %add3A_218 = arith.addi %mul3A_215, %add3A_217 : vector<16xi32>
      %gather3A_219 = tpu.vector_load_idx %arg18[%add3A_218] : memref<256xi32, #tpu.memory_space<vmem>>[vector<16xi32>], vector<16xi32>,
      %add3A_220 = arith.addi %add3A_212, %gather3A_219 : vector<16xi32>
      %mul3A_221 = arith.constant 16 : i32
      %mul3A_222 = vector.broadcast %mul3A_221 : i32 to vector<16xi32>
      %mul3A_223 = arith.muli %iota3A, %mul3A_222 : vector<16xi32>
      %add3A_224 = arith.constant 12 : i32
      %add3A_225 = vector.broadcast %add3A_224 : i32 to vector<16xi32>
      %add3A_226 = arith.addi %mul3A_223, %add3A_225 : vector<16xi32>
      %gather3A_227 = tpu.vector_load_idx %arg18[%add3A_226] : memref<256xi32, #tpu.memory_space<vmem>>[vector<16xi32>], vector<16xi32>,
      %add3A_228 = arith.addi %add3A_220, %gather3A_227 : vector<16xi32>
      %mul3A_229 = arith.constant 16 : i32
      %mul3A_230 = vector.broadcast %mul3A_229 : i32 to vector<16xi32>
      %mul3A_231 = arith.muli %iota3A, %mul3A_230 : vector<16xi32>
      %add3A_232 = arith.constant 13 : i32
      %add3A_233 = vector.broadcast %add3A_232 : i32 to vector<16xi32>
      %add3A_234 = arith.addi %mul3A_231, %add3A_233 : vector<16xi32>
      %gather3A_235 = tpu.vector_load_idx %arg18[%add3A_234] : memref<256xi32, #tpu.memory_space<vmem>>[vector<16xi32>], vector<16xi32>,
      %add3A_236 = arith.addi %add3A_228, %gather3A_235 : vector<16xi32>
      %mul3A_237 = arith.constant 16 : i32
      %mul3A_238 = vector.broadcast %mul3A_237 : i32 to vector<16xi32>
      %mul3A_239 = arith.muli %iota3A, %mul3A_238 : vector<16xi32>
      %add3A_240 = arith.constant 14 : i32
      %add3A_241 = vector.broadcast %add3A_240 : i32 to vector<16xi32>
      %add3A_242 = arith.addi %mul3A_239, %add3A_241 : vector<16xi32>
      %gather3A_243 = tpu.vector_load_idx %arg18[%add3A_242] : memref<256xi32, #tpu.memory_space<vmem>>[vector<16xi32>], vector<16xi32>,
      %add3A_244 = arith.addi %add3A_236, %gather3A_243 : vector<16xi32>
      %mul3A_245 = arith.constant 16 : i32
      %mul3A_246 = vector.broadcast %mul3A_245 : i32 to vector<16xi32>
      %mul3A_247 = arith.muli %iota3A, %mul3A_246 : vector<16xi32>
      %add3A_248 = arith.constant 15 : i32
      %add3A_249 = vector.broadcast %add3A_248 : i32 to vector<16xi32>
      %add3A_250 = arith.addi %mul3A_247, %add3A_249 : vector<16xi32>
      %gather3A_251 = tpu.vector_load_idx %arg18[%add3A_250] : memref<256xi32, #tpu.memory_space<vmem>>[vector<16xi32>], vector<16xi32>,
      %add3A_252 = arith.addi %add3A_244, %gather3A_251 : vector<16xi32>
      %broadcast_in_dim3A_253 = arith.constant true
      %broadcast_in_dim3A_254 = vector.broadcast %broadcast_in_dim3A_253 : i1 to vector<16xi1>
      %masked_cumsum3A = tpu.scan <sum>, %add3A_252 masked %broadcast_in_dim3A_254 : vector<16xi32>, vector<16xi1> -> vector<16xi32>
      %ge3A = arith.cmpi sge, %masked_cumsum3A, %broadcast_in_dim3A_124 : vector<16xi32>
      %all_reduce_ffs3A = tpu.all_reduce %ge3A {dim = 0 : i64, kind = #tpu.reduction_kind<find_first_set>} : vector<16xi1> -> vector<16xi32>
      %sub3A_255 = arith.subi %masked_cumsum3A, %add3A_252 : vector<16xi32>
      %swap3A_256 = arith.constant 0 : index
      %swap3A_257 = tpu.vector_load %arg19[%swap3A_256] {strides = array<i32>} : memref<16xi32, #tpu.memory_space<vmem>>, vector<16xi32>,
      tpu.vector_store %arg19[%swap3A_256], %sub3A_255 {strides = array<i32>} : memref<16xi32, #tpu.memory_space<vmem>>, vector<16xi32>,
      %gather3A_258 = tpu.vector_load_idx %arg19[%all_reduce_ffs3A] : memref<16xi32, #tpu.memory_space<vmem>>[vector<16xi32>], vector<16xi32>,
      %mul3A_259 = arith.constant 16 : i32
      %mul3A_260 = vector.broadcast %mul3A_259 : i32 to vector<16xi32>
      %mul3A_261 = arith.muli %all_reduce_ffs3A, %mul3A_260 : vector<16xi32>
      %add3A_262 = arith.addi %mul3A_261, %iota3A : vector<16xi32>
      %gather3A_263 = tpu.vector_load_idx %arg18[%add3A_262] : memref<256xi32, #tpu.memory_space<vmem>>[vector<16xi32>], vector<16xi32>,
      %broadcast_in_dim3A_264 = arith.constant true
      %broadcast_in_dim3A_265 = vector.broadcast %broadcast_in_dim3A_264 : i1 to vector<16xi1>
      %masked_cumsum3A_266 = tpu.scan <sum>, %gather3A_263 masked %broadcast_in_dim3A_265 : vector<16xi32>, vector<16xi1> -> vector<16xi32>
      %add3A_267 = arith.addi %gather3A_258, %masked_cumsum3A_266 : vector<16xi32>
      %ge3A_268 = arith.cmpi sge, %add3A_267, %broadcast_in_dim3A_124 : vector<16xi32>
      %all_reduce_ffs3A_269 = tpu.all_reduce %ge3A_268 {dim = 0 : i64, kind = #tpu.reduction_kind<find_first_set>} : vector<16xi1> -> vector<16xi32>
      %mul3A_270 = arith.constant 16 : i32
      %mul3A_271 = vector.broadcast %mul3A_270 : i32 to vector<16xi32>
      %mul3A_272 = arith.muli %all_reduce_ffs3A, %mul3A_271 : vector<16xi32>
      %add3A_273 = arith.addi %mul3A_272, %all_reduce_ffs3A_269 : vector<16xi32>
      %swap3A_274 = arith.constant 0 : index
      %swap3A_275 = tpu.vector_load %arg19[%swap3A_274] {strides = array<i32>} : memref<16xi32, #tpu.memory_space<vmem>>, vector<16xi32>,
      tpu.vector_store %arg19[%swap3A_274], %masked_cumsum3A_266 {strides = array<i32>} : memref<16xi32, #tpu.memory_space<vmem>>, vector<16xi32>,
      %gather3A_276 = tpu.vector_load_idx %arg19[%all_reduce_ffs3A_269] : memref<16xi32, #tpu.memory_space<vmem>>[vector<16xi32>], vector<16xi32>,
      %add3A_277 = arith.addi %gather3A_258, %gather3A_276 : vector<16xi32>
      %swap3A_278 = arith.constant 0 : index
      %swap3A_279 = tpu.vector_load %arg19[%swap3A_278] {strides = array<i32>} : memref<16xi32, #tpu.memory_space<vmem>>, vector<16xi32>,
      tpu.vector_store %arg19[%swap3A_278], %gather3A_263 {strides = array<i32>} : memref<16xi32, #tpu.memory_space<vmem>>, vector<16xi32>,
      %gather3A_280 = tpu.vector_load_idx %arg19[%all_reduce_ffs3A_269] : memref<16xi32, #tpu.memory_space<vmem>>[vector<16xi32>], vector<16xi32>,
      %sub3A_281 = arith.subi %add3A_277, %gather3A_280 : vector<16xi32>
      %swap3A_282 = arith.constant 0 : index
      %swap3A_283 = tpu.vector_load %arg18[%swap3A_282] {strides = array<i32>} : memref<256xi32, #tpu.memory_space<vmem>>, vector<16xi32>,
      tpu.vector_store %arg18[%swap3A_282], %broadcast_in_dim3A_21 {strides = array<i32>} : memref<256xi32, #tpu.memory_space<vmem>>, vector<16xi32>,
      %swap3A_284 = arith.constant 16 : index
      %swap3A_285 = tpu.vector_load %arg18[%swap3A_284] {strides = array<i32>} : memref<256xi32, #tpu.memory_space<vmem>>, vector<16xi32>,
      tpu.vector_store %arg18[%swap3A_284], %broadcast_in_dim3A_21 {strides = array<i32>} : memref<256xi32, #tpu.memory_space<vmem>>, vector<16xi32>,
      %swap3A_286 = arith.constant 32 : index
      %swap3A_287 = tpu.vector_load %arg18[%swap3A_286] {strides = array<i32>} : memref<256xi32, #tpu.memory_space<vmem>>, vector<16xi32>,
      tpu.vector_store %arg18[%swap3A_286], %broadcast_in_dim3A_21 {strides = array<i32>} : memref<256xi32, #tpu.memory_space<vmem>>, vector<16xi32>,
      %swap3A_288 = arith.constant 48 : index
      %swap3A_289 = tpu.vector_load %arg18[%swap3A_288] {strides = array<i32>} : memref<256xi32, #tpu.memory_space<vmem>>, vector<16xi32>,
      tpu.vector_store %arg18[%swap3A_288], %broadcast_in_dim3A_21 {strides = array<i32>} : memref<256xi32, #tpu.memory_space<vmem>>, vector<16xi32>,
      %swap3A_290 = arith.constant 64 : index
      %swap3A_291 = tpu.vector_load %arg18[%swap3A_290] {strides = array<i32>} : memref<256xi32, #tpu.memory_space<vmem>>, vector<16xi32>,
      tpu.vector_store %arg18[%swap3A_290], %broadcast_in_dim3A_21 {strides = array<i32>} : memref<256xi32, #tpu.memory_space<vmem>>, vector<16xi32>,
      %swap3A_292 = arith.constant 80 : index
      %swap3A_293 = tpu.vector_load %arg18[%swap3A_292] {strides = array<i32>} : memref<256xi32, #tpu.memory_space<vmem>>, vector<16xi32>,
      tpu.vector_store %arg18[%swap3A_292], %broadcast_in_dim3A_21 {strides = array<i32>} : memref<256xi32, #tpu.memory_space<vmem>>, vector<16xi32>,
      %swap3A_294 = arith.constant 96 : index
      %swap3A_295 = tpu.vector_load %arg18[%swap3A_294] {strides = array<i32>} : memref<256xi32, #tpu.memory_space<vmem>>, vector<16xi32>,
      tpu.vector_store %arg18[%swap3A_294], %broadcast_in_dim3A_21 {strides = array<i32>} : memref<256xi32, #tpu.memory_space<vmem>>, vector<16xi32>,
      %swap3A_296 = arith.constant 112 : index
      %swap3A_297 = tpu.vector_load %arg18[%swap3A_296] {strides = array<i32>} : memref<256xi32, #tpu.memory_space<vmem>>, vector<16xi32>,
      tpu.vector_store %arg18[%swap3A_296], %broadcast_in_dim3A_21 {strides = array<i32>} : memref<256xi32, #tpu.memory_space<vmem>>, vector<16xi32>,
      %swap3A_298 = arith.constant 128 : index
      %swap3A_299 = tpu.vector_load %arg18[%swap3A_298] {strides = array<i32>} : memref<256xi32, #tpu.memory_space<vmem>>, vector<16xi32>,
      tpu.vector_store %arg18[%swap3A_298], %broadcast_in_dim3A_21 {strides = array<i32>} : memref<256xi32, #tpu.memory_space<vmem>>, vector<16xi32>,
      %swap3A_300 = arith.constant 144 : index
      %swap3A_301 = tpu.vector_load %arg18[%swap3A_300] {strides = array<i32>} : memref<256xi32, #tpu.memory_space<vmem>>, vector<16xi32>,
      tpu.vector_store %arg18[%swap3A_300], %broadcast_in_dim3A_21 {strides = array<i32>} : memref<256xi32, #tpu.memory_space<vmem>>, vector<16xi32>,
      %swap3A_302 = arith.constant 160 : index
      %swap3A_303 = tpu.vector_load %arg18[%swap3A_302] {strides = array<i32>} : memref<256xi32, #tpu.memory_space<vmem>>, vector<16xi32>,
      tpu.vector_store %arg18[%swap3A_302], %broadcast_in_dim3A_21 {strides = array<i32>} : memref<256xi32, #tpu.memory_space<vmem>>, vector<16xi32>,
      %swap3A_304 = arith.constant 176 : index
      %swap3A_305 = tpu.vector_load %arg18[%swap3A_304] {strides = array<i32>} : memref<256xi32, #tpu.memory_space<vmem>>, vector<16xi32>,
      tpu.vector_store %arg18[%swap3A_304], %broadcast_in_dim3A_21 {strides = array<i32>} : memref<256xi32, #tpu.memory_space<vmem>>, vector<16xi32>,
      %swap3A_306 = arith.constant 192 : index
      %swap3A_307 = tpu.vector_load %arg18[%swap3A_306] {strides = array<i32>} : memref<256xi32, #tpu.memory_space<vmem>>, vector<16xi32>,
      tpu.vector_store %arg18[%swap3A_306], %broadcast_in_dim3A_21 {strides = array<i32>} : memref<256xi32, #tpu.memory_space<vmem>>, vector<16xi32>,
      %swap3A_308 = arith.constant 208 : index
      %swap3A_309 = tpu.vector_load %arg18[%swap3A_308] {strides = array<i32>} : memref<256xi32, #tpu.memory_space<vmem>>, vector<16xi32>,
      tpu.vector_store %arg18[%swap3A_308], %broadcast_in_dim3A_21 {strides = array<i32>} : memref<256xi32, #tpu.memory_space<vmem>>, vector<16xi32>,
      %swap3A_310 = arith.constant 224 : index
      %swap3A_311 = tpu.vector_load %arg18[%swap3A_310] {strides = array<i32>} : memref<256xi32, #tpu.memory_space<vmem>>, vector<16xi32>,
      tpu.vector_store %arg18[%swap3A_310], %broadcast_in_dim3A_21 {strides = array<i32>} : memref<256xi32, #tpu.memory_space<vmem>>, vector<16xi32>,
      %swap3A_312 = arith.constant 240 : index
      %swap3A_313 = tpu.vector_load %arg18[%swap3A_312] {strides = array<i32>} : memref<256xi32, #tpu.memory_space<vmem>>, vector<16xi32>,
      tpu.vector_store %arg18[%swap3A_312], %broadcast_in_dim3A_21 {strides = array<i32>} : memref<256xi32, #tpu.memory_space<vmem>>, vector<16xi32>,
      %parallel_loop3A_314 = arith.constant 0 : i32
      %parallel_loop3A_315 = arith.constant 256 : i32
      %parallel_loop3A_316 = arith.constant 1 : i32
      %parallel_loop3A_317 = scf.for %parallel_loop3A_541 = %parallel_loop3A_314 to %parallel_loop3A_315 step %parallel_loop3A_316 iter_args(%parallel_loop3A_542 = %broadcast_in_dim3A_21) -> (vector<16xi32>)  : i32 {
        %parallel_loop3A_543 = arith.constant 16 : i32
        %parallel_loop3A_544 = arith.muli %parallel_loop3A_541, %parallel_loop3A_543 : i32
        %parallel_loop3A_545 = arith.index_cast %parallel_loop3A_544 : i32 to index
        %parallel_loop3A_546 = tpu.vector_load %arg17[%parallel_loop3A_545] {strides = array<i32>} : memref<4096xf32, #tpu.memory_space<vmem>>, vector<16xf32>,
        %parallel_loop3A_547 = vector.bitcast %parallel_loop3A_546 : vector<16xf32> to vector<16xi32>
        %parallel_loop3A_548 = arith.constant 23 : i32
        %parallel_loop3A_549 = vector.broadcast %parallel_loop3A_548 : i32 to vector<16xi32>
        %parallel_loop3A_550 = arith.shrsi %parallel_loop3A_547, %parallel_loop3A_549 : vector<16xi32>
        %parallel_loop3A_551 = arith.cmpi eq, %parallel_loop3A_550, %add3A_273 : vector<16xi32>
        %parallel_loop3A_552 = arith.constant 15 : i32
        %parallel_loop3A_553 = vector.broadcast %parallel_loop3A_552 : i32 to vector<16xi32>
        %parallel_loop3A_554 = arith.shrsi %parallel_loop3A_547, %parallel_loop3A_553 : vector<16xi32>
        %parallel_loop3A_555 = arith.constant 255 : i32
        %parallel_loop3A_556 = vector.broadcast %parallel_loop3A_555 : i32 to vector<16xi32>
        %parallel_loop3A_557 = arith.andi %parallel_loop3A_554, %parallel_loop3A_556 : vector<16xi32>
        tpu.vector_store_idx %arg18[%parallel_loop3A_557], %broadcast_in_dim3A_19 masked %parallel_loop3A_551 {add = true} : memref<256xi32, #tpu.memory_space<vmem>>[vector<16xi32>], vector<16xi32>, vector<16xi1>
        %parallel_loop3A_558 = arith.cmpi sle, %parallel_loop3A_550, %add3A_273 : vector<16xi32>
        %parallel_loop3A_559 = arith.extui %parallel_loop3A_558 : vector<16xi1> to vector<16xi32>
        %parallel_loop3A_560 = arith.constant true
        %parallel_loop3A_561 = vector.broadcast %parallel_loop3A_560 : i1 to vector<16xi1>
        %parallel_loop3A_562 = tpu.scan <sum>, %parallel_loop3A_559 masked %parallel_loop3A_561 : vector<16xi32>, vector<16xi1> -> vector<16xi32>
        %parallel_loop3A_563 = arith.addi %parallel_loop3A_542, %parallel_loop3A_562 : vector<16xi32>
        %parallel_loop3A_564 = arith.constant 1 : i32
        %parallel_loop3A_565 = vector.broadcast %parallel_loop3A_564 : i32 to vector<16xi32>
        %parallel_loop3A_566 = arith.subi %parallel_loop3A_563, %parallel_loop3A_565 : vector<16xi32>
        %parallel_loop3A_567 = vector.broadcast %parallel_loop3A_544 : i32 to vector<16xi32>
        %parallel_loop3A_568 = arith.addi %parallel_loop3A_567, %iota3A : vector<16xi32>
        tpu.vector_store_idx %arg22[%parallel_loop3A_566], %parallel_loop3A_568 masked %parallel_loop3A_558 : memref<4096xi32, #tpu.memory_space<vmem>>[vector<16xi32>], vector<16xi32>, vector<16xi1>
        %parallel_loop3A_569 = tpu.all_reduce %parallel_loop3A_558 {dim = 0 : i64, kind = #tpu.reduction_kind<sum>} : vector<16xi1> -> vector<16xi32>
        %parallel_loop3A_570 = arith.addi %parallel_loop3A_542, %parallel_loop3A_569 : vector<16xi32>
        scf.yield %parallel_loop3A_570 : vector<16xi32>
      } {sc.loop_unroll_factor = 4 : i64, sc.parallel_access}
      %reduce_max3A = arith.constant true
      %reduce_max3A_318 = vector.broadcast %reduce_max3A : i1 to vector<16xi1>
      %reduce_max3A_319 = arith.constant -2147483648 : i32
      %reduce_max3A_320 = vector.broadcast %reduce_max3A_319 : i32 to vector<16xi32>
      %reduce_max3A_321 = arith.xori %parallel_loop3A_317, %reduce_max3A_320 : vector<16xi32>
      %reduce_max3A_322 = tpu.scan <max>, %reduce_max3A_321 masked %reduce_max3A_318 : vector<16xi32>, vector<16xi1> -> vector<16xi32>
      %reduce_max3A_323 = arith.xori %reduce_max3A_322, %reduce_max3A_320 : vector<16xi32>
      %reduce_max3A_324 = vector.extract %reduce_max3A_323[15] : i32 from vector<16xi32>
      %broadcast_in_dim3A_325 = arith.constant 32 : i32
      %broadcast_in_dim3A_326 = vector.broadcast %broadcast_in_dim3A_325 : i32 to vector<16xi32>
      %sub3A_327 = arith.subi %broadcast_in_dim3A_326, %sub3A_281 : vector<16xi32>
      %mul3A_328 = arith.constant 16 : i32
      %mul3A_329 = vector.broadcast %mul3A_328 : i32 to vector<16xi32>
      %mul3A_330 = arith.muli %iota3A, %mul3A_329 : vector<16xi32>
      %add3A_331 = arith.constant 0 : i32
      %add3A_332 = vector.broadcast %add3A_331 : i32 to vector<16xi32>
      %add3A_333 = arith.addi %mul3A_330, %add3A_332 : vector<16xi32>
      %gather3A_334 = tpu.vector_load_idx %arg18[%add3A_333] : memref<256xi32, #tpu.memory_space<vmem>>[vector<16xi32>], vector<16xi32>,
      %add3A_335 = arith.addi %broadcast_in_dim3A_21, %gather3A_334 : vector<16xi32>
      %mul3A_336 = arith.constant 16 : i32
      %mul3A_337 = vector.broadcast %mul3A_336 : i32 to vector<16xi32>
      %mul3A_338 = arith.muli %iota3A, %mul3A_337 : vector<16xi32>
      %add3A_339 = arith.constant 1 : i32
      %add3A_340 = vector.broadcast %add3A_339 : i32 to vector<16xi32>
      %add3A_341 = arith.addi %mul3A_338, %add3A_340 : vector<16xi32>
      %gather3A_342 = tpu.vector_load_idx %arg18[%add3A_341] : memref<256xi32, #tpu.memory_space<vmem>>[vector<16xi32>], vector<16xi32>,
      %add3A_343 = arith.addi %add3A_335, %gather3A_342 : vector<16xi32>
      %mul3A_344 = arith.constant 16 : i32
      %mul3A_345 = vector.broadcast %mul3A_344 : i32 to vector<16xi32>
      %mul3A_346 = arith.muli %iota3A, %mul3A_345 : vector<16xi32>
      %add3A_347 = arith.constant 2 : i32
      %add3A_348 = vector.broadcast %add3A_347 : i32 to vector<16xi32>
      %add3A_349 = arith.addi %mul3A_346, %add3A_348 : vector<16xi32>
      %gather3A_350 = tpu.vector_load_idx %arg18[%add3A_349] : memref<256xi32, #tpu.memory_space<vmem>>[vector<16xi32>], vector<16xi32>,
      %add3A_351 = arith.addi %add3A_343, %gather3A_350 : vector<16xi32>
      %mul3A_352 = arith.constant 16 : i32
      %mul3A_353 = vector.broadcast %mul3A_352 : i32 to vector<16xi32>
      %mul3A_354 = arith.muli %iota3A, %mul3A_353 : vector<16xi32>
      %add3A_355 = arith.constant 3 : i32
      %add3A_356 = vector.broadcast %add3A_355 : i32 to vector<16xi32>
      %add3A_357 = arith.addi %mul3A_354, %add3A_356 : vector<16xi32>
      %gather3A_358 = tpu.vector_load_idx %arg18[%add3A_357] : memref<256xi32, #tpu.memory_space<vmem>>[vector<16xi32>], vector<16xi32>,
      %add3A_359 = arith.addi %add3A_351, %gather3A_358 : vector<16xi32>
      %mul3A_360 = arith.constant 16 : i32
      %mul3A_361 = vector.broadcast %mul3A_360 : i32 to vector<16xi32>
      %mul3A_362 = arith.muli %iota3A, %mul3A_361 : vector<16xi32>
      %add3A_363 = arith.constant 4 : i32
      %add3A_364 = vector.broadcast %add3A_363 : i32 to vector<16xi32>
      %add3A_365 = arith.addi %mul3A_362, %add3A_364 : vector<16xi32>
      %gather3A_366 = tpu.vector_load_idx %arg18[%add3A_365] : memref<256xi32, #tpu.memory_space<vmem>>[vector<16xi32>], vector<16xi32>,
      %add3A_367 = arith.addi %add3A_359, %gather3A_366 : vector<16xi32>
      %mul3A_368 = arith.constant 16 : i32
      %mul3A_369 = vector.broadcast %mul3A_368 : i32 to vector<16xi32>
      %mul3A_370 = arith.muli %iota3A, %mul3A_369 : vector<16xi32>
      %add3A_371 = arith.constant 5 : i32
      %add3A_372 = vector.broadcast %add3A_371 : i32 to vector<16xi32>
      %add3A_373 = arith.addi %mul3A_370, %add3A_372 : vector<16xi32>
      %gather3A_374 = tpu.vector_load_idx %arg18[%add3A_373] : memref<256xi32, #tpu.memory_space<vmem>>[vector<16xi32>], vector<16xi32>,
      %add3A_375 = arith.addi %add3A_367, %gather3A_374 : vector<16xi32>
      %mul3A_376 = arith.constant 16 : i32
      %mul3A_377 = vector.broadcast %mul3A_376 : i32 to vector<16xi32>
      %mul3A_378 = arith.muli %iota3A, %mul3A_377 : vector<16xi32>
      %add3A_379 = arith.constant 6 : i32
      %add3A_380 = vector.broadcast %add3A_379 : i32 to vector<16xi32>
      %add3A_381 = arith.addi %mul3A_378, %add3A_380 : vector<16xi32>
      %gather3A_382 = tpu.vector_load_idx %arg18[%add3A_381] : memref<256xi32, #tpu.memory_space<vmem>>[vector<16xi32>], vector<16xi32>,
      %add3A_383 = arith.addi %add3A_375, %gather3A_382 : vector<16xi32>
      %mul3A_384 = arith.constant 16 : i32
      %mul3A_385 = vector.broadcast %mul3A_384 : i32 to vector<16xi32>
      %mul3A_386 = arith.muli %iota3A, %mul3A_385 : vector<16xi32>
      %add3A_387 = arith.constant 7 : i32
      %add3A_388 = vector.broadcast %add3A_387 : i32 to vector<16xi32>
      %add3A_389 = arith.addi %mul3A_386, %add3A_388 : vector<16xi32>
      %gather3A_390 = tpu.vector_load_idx %arg18[%add3A_389] : memref<256xi32, #tpu.memory_space<vmem>>[vector<16xi32>], vector<16xi32>,
      %add3A_391 = arith.addi %add3A_383, %gather3A_390 : vector<16xi32>
      %mul3A_392 = arith.constant 16 : i32
      %mul3A_393 = vector.broadcast %mul3A_392 : i32 to vector<16xi32>
      %mul3A_394 = arith.muli %iota3A, %mul3A_393 : vector<16xi32>
      %add3A_395 = arith.constant 8 : i32
      %add3A_396 = vector.broadcast %add3A_395 : i32 to vector<16xi32>
      %add3A_397 = arith.addi %mul3A_394, %add3A_396 : vector<16xi32>
      %gather3A_398 = tpu.vector_load_idx %arg18[%add3A_397] : memref<256xi32, #tpu.memory_space<vmem>>[vector<16xi32>], vector<16xi32>,
      %add3A_399 = arith.addi %add3A_391, %gather3A_398 : vector<16xi32>
      %mul3A_400 = arith.constant 16 : i32
      %mul3A_401 = vector.broadcast %mul3A_400 : i32 to vector<16xi32>
      %mul3A_402 = arith.muli %iota3A, %mul3A_401 : vector<16xi32>
      %add3A_403 = arith.constant 9 : i32
      %add3A_404 = vector.broadcast %add3A_403 : i32 to vector<16xi32>
      %add3A_405 = arith.addi %mul3A_402, %add3A_404 : vector<16xi32>
      %gather3A_406 = tpu.vector_load_idx %arg18[%add3A_405] : memref<256xi32, #tpu.memory_space<vmem>>[vector<16xi32>], vector<16xi32>,
      %add3A_407 = arith.addi %add3A_399, %gather3A_406 : vector<16xi32>
      %mul3A_408 = arith.constant 16 : i32
      %mul3A_409 = vector.broadcast %mul3A_408 : i32 to vector<16xi32>
      %mul3A_410 = arith.muli %iota3A, %mul3A_409 : vector<16xi32>
      %add3A_411 = arith.constant 10 : i32
      %add3A_412 = vector.broadcast %add3A_411 : i32 to vector<16xi32>
      %add3A_413 = arith.addi %mul3A_410, %add3A_412 : vector<16xi32>
      %gather3A_414 = tpu.vector_load_idx %arg18[%add3A_413] : memref<256xi32, #tpu.memory_space<vmem>>[vector<16xi32>], vector<16xi32>,
      %add3A_415 = arith.addi %add3A_407, %gather3A_414 : vector<16xi32>
      %mul3A_416 = arith.constant 16 : i32
      %mul3A_417 = vector.broadcast %mul3A_416 : i32 to vector<16xi32>
      %mul3A_418 = arith.muli %iota3A, %mul3A_417 : vector<16xi32>
      %add3A_419 = arith.constant 11 : i32
      %add3A_420 = vector.broadcast %add3A_419 : i32 to vector<16xi32>
      %add3A_421 = arith.addi %mul3A_418, %add3A_420 : vector<16xi32>
      %gather3A_422 = tpu.vector_load_idx %arg18[%add3A_421] : memref<256xi32, #tpu.memory_space<vmem>>[vector<16xi32>], vector<16xi32>,
      %add3A_423 = arith.addi %add3A_415, %gather3A_422 : vector<16xi32>
      %mul3A_424 = arith.constant 16 : i32
      %mul3A_425 = vector.broadcast %mul3A_424 : i32 to vector<16xi32>
      %mul3A_426 = arith.muli %iota3A, %mul3A_425 : vector<16xi32>
      %add3A_427 = arith.constant 12 : i32
      %add3A_428 = vector.broadcast %add3A_427 : i32 to vector<16xi32>
      %add3A_429 = arith.addi %mul3A_426, %add3A_428 : vector<16xi32>
      %gather3A_430 = tpu.vector_load_idx %arg18[%add3A_429] : memref<256xi32, #tpu.memory_space<vmem>>[vector<16xi32>], vector<16xi32>,
      %add3A_431 = arith.addi %add3A_423, %gather3A_430 : vector<16xi32>
      %mul3A_432 = arith.constant 16 : i32
      %mul3A_433 = vector.broadcast %mul3A_432 : i32 to vector<16xi32>
      %mul3A_434 = arith.muli %iota3A, %mul3A_433 : vector<16xi32>
      %add3A_435 = arith.constant 13 : i32
      %add3A_436 = vector.broadcast %add3A_435 : i32 to vector<16xi32>
      %add3A_437 = arith.addi %mul3A_434, %add3A_436 : vector<16xi32>
      %gather3A_438 = tpu.vector_load_idx %arg18[%add3A_437] : memref<256xi32, #tpu.memory_space<vmem>>[vector<16xi32>], vector<16xi32>,
      %add3A_439 = arith.addi %add3A_431, %gather3A_438 : vector<16xi32>
      %mul3A_440 = arith.constant 16 : i32
      %mul3A_441 = vector.broadcast %mul3A_440 : i32 to vector<16xi32>
      %mul3A_442 = arith.muli %iota3A, %mul3A_441 : vector<16xi32>
      %add3A_443 = arith.constant 14 : i32
      %add3A_444 = vector.broadcast %add3A_443 : i32 to vector<16xi32>
      %add3A_445 = arith.addi %mul3A_442, %add3A_444 : vector<16xi32>
      %gather3A_446 = tpu.vector_load_idx %arg18[%add3A_445] : memref<256xi32, #tpu.memory_space<vmem>>[vector<16xi32>], vector<16xi32>,
      %add3A_447 = arith.addi %add3A_439, %gather3A_446 : vector<16xi32>
      %mul3A_448 = arith.constant 16 : i32
      %mul3A_449 = vector.broadcast %mul3A_448 : i32 to vector<16xi32>
      %mul3A_450 = arith.muli %iota3A, %mul3A_449 : vector<16xi32>
      %add3A_451 = arith.constant 15 : i32
      %add3A_452 = vector.broadcast %add3A_451 : i32 to vector<16xi32>
      %add3A_453 = arith.addi %mul3A_450, %add3A_452 : vector<16xi32>
      %gather3A_454 = tpu.vector_load_idx %arg18[%add3A_453] : memref<256xi32, #tpu.memory_space<vmem>>[vector<16xi32>], vector<16xi32>,
      %add3A_455 = arith.addi %add3A_447, %gather3A_454 : vector<16xi32>
      %broadcast_in_dim3A_456 = arith.constant true
      %broadcast_in_dim3A_457 = vector.broadcast %broadcast_in_dim3A_456 : i1 to vector<16xi1>
      %masked_cumsum3A_458 = tpu.scan <sum>, %add3A_455 masked %broadcast_in_dim3A_457 : vector<16xi32>, vector<16xi1> -> vector<16xi32>
      %ge3A_459 = arith.cmpi sge, %masked_cumsum3A_458, %sub3A_327 : vector<16xi32>
      %all_reduce_ffs3A_460 = tpu.all_reduce %ge3A_459 {dim = 0 : i64, kind = #tpu.reduction_kind<find_first_set>} : vector<16xi1> -> vector<16xi32>
      %sub3A_461 = arith.subi %masked_cumsum3A_458, %add3A_455 : vector<16xi32>
      %swap3A_462 = arith.constant 0 : index
      %swap3A_463 = tpu.vector_load %arg19[%swap3A_462] {strides = array<i32>} : memref<16xi32, #tpu.memory_space<vmem>>, vector<16xi32>,
      tpu.vector_store %arg19[%swap3A_462], %sub3A_461 {strides = array<i32>} : memref<16xi32, #tpu.memory_space<vmem>>, vector<16xi32>,
      %gather3A_464 = tpu.vector_load_idx %arg19[%all_reduce_ffs3A_460] : memref<16xi32, #tpu.memory_space<vmem>>[vector<16xi32>], vector<16xi32>,
      %mul3A_465 = arith.constant 16 : i32
      %mul3A_466 = vector.broadcast %mul3A_465 : i32 to vector<16xi32>
      %mul3A_467 = arith.muli %all_reduce_ffs3A_460, %mul3A_466 : vector<16xi32>
      %add3A_468 = arith.addi %mul3A_467, %iota3A : vector<16xi32>
      %gather3A_469 = tpu.vector_load_idx %arg18[%add3A_468] : memref<256xi32, #tpu.memory_space<vmem>>[vector<16xi32>], vector<16xi32>,
      %broadcast_in_dim3A_470 = arith.constant true
      %broadcast_in_dim3A_471 = vector.broadcast %broadcast_in_dim3A_470 : i1 to vector<16xi1>
      %masked_cumsum3A_472 = tpu.scan <sum>, %gather3A_469 masked %broadcast_in_dim3A_471 : vector<16xi32>, vector<16xi1> -> vector<16xi32>
      %add3A_473 = arith.addi %gather3A_464, %masked_cumsum3A_472 : vector<16xi32>
      %ge3A_474 = arith.cmpi sge, %add3A_473, %sub3A_327 : vector<16xi32>
      %all_reduce_ffs3A_475 = tpu.all_reduce %ge3A_474 {dim = 0 : i64, kind = #tpu.reduction_kind<find_first_set>} : vector<16xi1> -> vector<16xi32>
      %mul3A_476 = arith.constant 16 : i32
      %mul3A_477 = vector.broadcast %mul3A_476 : i32 to vector<16xi32>
      %mul3A_478 = arith.muli %all_reduce_ffs3A_460, %mul3A_477 : vector<16xi32>
      %add3A_479 = arith.addi %mul3A_478, %all_reduce_ffs3A_475 : vector<16xi32>
      %swap3A_480 = arith.constant 0 : index
      %swap3A_481 = tpu.vector_load %arg19[%swap3A_480] {strides = array<i32>} : memref<16xi32, #tpu.memory_space<vmem>>, vector<16xi32>,
      tpu.vector_store %arg19[%swap3A_480], %masked_cumsum3A_472 {strides = array<i32>} : memref<16xi32, #tpu.memory_space<vmem>>, vector<16xi32>,
      %gather3A_482 = tpu.vector_load_idx %arg19[%all_reduce_ffs3A_475] : memref<16xi32, #tpu.memory_space<vmem>>[vector<16xi32>], vector<16xi32>,
      %add3A_483 = arith.addi %gather3A_464, %gather3A_482 : vector<16xi32>
      %swap3A_484 = arith.constant 0 : index
      %swap3A_485 = tpu.vector_load %arg19[%swap3A_484] {strides = array<i32>} : memref<16xi32, #tpu.memory_space<vmem>>, vector<16xi32>,
      tpu.vector_store %arg19[%swap3A_484], %gather3A_469 {strides = array<i32>} : memref<16xi32, #tpu.memory_space<vmem>>, vector<16xi32>,
      %gather3A_486 = tpu.vector_load_idx %arg19[%all_reduce_ffs3A_475] : memref<16xi32, #tpu.memory_space<vmem>>[vector<16xi32>], vector<16xi32>,
      %sub3A_487 = arith.subi %add3A_483, %gather3A_486 : vector<16xi32>
      %mul3A_488 = arith.constant 256 : i32
      %mul3A_489 = vector.broadcast %mul3A_488 : i32 to vector<16xi32>
      %mul3A_490 = arith.muli %add3A_273, %mul3A_489 : vector<16xi32>
      %add3A_491 = arith.addi %mul3A_490, %add3A_479 : vector<16xi32>
      %add3A_492 = arith.constant 15 : i32
      %add3A_493 = arith.addi %reduce_max3A_324, %add3A_492 : i32
      %shift_right_arithmetic3A = arith.constant 4 : i32
      %shift_right_arithmetic3A_494 = arith.shrsi %add3A_493, %shift_right_arithmetic3A : i32
      %parallel_loop3A_495 = arith.constant 0 : i32
      %parallel_loop3A_496 = arith.constant 1 : i32
      %parallel_loop3A_497 = scf.for %parallel_loop3A_541 = %parallel_loop3A_495 to %shift_right_arithmetic3A_494 step %parallel_loop3A_496 iter_args(%parallel_loop3A_542 = %broadcast_in_dim3A_21) -> (vector<16xi32>)  : i32 {
        %parallel_loop3A_543 = arith.constant 16 : i32
        %parallel_loop3A_544 = arith.muli %parallel_loop3A_541, %parallel_loop3A_543 : i32
        %parallel_loop3A_545 = vector.broadcast %parallel_loop3A_544 : i32 to vector<16xi32>
        %parallel_loop3A_546 = arith.addi %parallel_loop3A_545, %iota3A : vector<16xi32>
        %parallel_loop3A_547 = vector.broadcast %reduce_max3A_324 : i32 to vector<16xi32>
        %parallel_loop3A_548 = arith.cmpi slt, %parallel_loop3A_546, %parallel_loop3A_547 : vector<16xi32>
        %parallel_loop3A_549 = arith.index_cast %parallel_loop3A_544 : i32 to index
        %parallel_loop3A_550 = tpu.vector_load %arg22[%parallel_loop3A_549] {strides = array<i32>} : memref<4096xi32, #tpu.memory_space<vmem>>, vector<16xi32>,
        %parallel_loop3A_551 = tpu.vector_load_idx %arg17[%parallel_loop3A_550] masked %parallel_loop3A_548 : memref<4096xf32, #tpu.memory_space<vmem>>[vector<16xi32>], vector<16xf32>, vector<16xi1>
        %parallel_loop3A_552 = vector.bitcast %parallel_loop3A_551 : vector<16xf32> to vector<16xi32>
        %parallel_loop3A_553 = arith.constant 15 : i32
        %parallel_loop3A_554 = vector.broadcast %parallel_loop3A_553 : i32 to vector<16xi32>
        %parallel_loop3A_555 = arith.shrsi %parallel_loop3A_552, %parallel_loop3A_554 : vector<16xi32>
        %parallel_loop3A_556 = arith.cmpi sle, %parallel_loop3A_555, %add3A_491 : vector<16xi32>
        %parallel_loop3A_557 = arith.andi %parallel_loop3A_548, %parallel_loop3A_556 : vector<16xi1>
        %parallel_loop3A_558 = arith.extui %parallel_loop3A_557 : vector<16xi1> to vector<16xi32>
        %parallel_loop3A_559 = arith.constant true
        %parallel_loop3A_560 = vector.broadcast %parallel_loop3A_559 : i1 to vector<16xi1>
        %parallel_loop3A_561 = tpu.scan <sum>, %parallel_loop3A_558 masked %parallel_loop3A_560 : vector<16xi32>, vector<16xi1> -> vector<16xi32>
        %parallel_loop3A_562 = arith.addi %parallel_loop3A_542, %parallel_loop3A_561 : vector<16xi32>
        %parallel_loop3A_563 = arith.constant 1 : i32
        %parallel_loop3A_564 = vector.broadcast %parallel_loop3A_563 : i32 to vector<16xi32>
        %parallel_loop3A_565 = arith.subi %parallel_loop3A_562, %parallel_loop3A_564 : vector<16xi32>
        tpu.vector_store_idx %arg20[%parallel_loop3A_565], %parallel_loop3A_552 masked %parallel_loop3A_557 : memref<4096xi32, #tpu.memory_space<vmem>>[vector<16xi32>], vector<16xi32>, vector<16xi1>
        tpu.vector_store_idx %arg21[%parallel_loop3A_565], %parallel_loop3A_550 masked %parallel_loop3A_557 : memref<4096xi32, #tpu.memory_space<vmem>>[vector<16xi32>], vector<16xi32>, vector<16xi1>
        %parallel_loop3A_566 = tpu.all_reduce %parallel_loop3A_557 {dim = 0 : i64, kind = #tpu.reduction_kind<sum>} : vector<16xi1> -> vector<16xi32>
        %parallel_loop3A_567 = arith.addi %parallel_loop3A_542, %parallel_loop3A_566 : vector<16xi32>
        scf.yield %parallel_loop3A_567 : vector<16xi32>
      } {sc.loop_unroll_factor = 4 : i64, sc.parallel_access}
      %reduce_max3A_498 = arith.constant true
      %reduce_max3A_499 = vector.broadcast %reduce_max3A_498 : i1 to vector<16xi1>
      %reduce_max3A_500 = arith.constant -2147483648 : i32
      %reduce_max3A_501 = vector.broadcast %reduce_max3A_500 : i32 to vector<16xi32>
      %reduce_max3A_502 = arith.xori %parallel_loop3A_497, %reduce_max3A_501 : vector<16xi32>
      %reduce_max3A_503 = tpu.scan <max>, %reduce_max3A_502 masked %reduce_max3A_499 : vector<16xi32>, vector<16xi1> -> vector<16xi32>
      %reduce_max3A_504 = arith.xori %reduce_max3A_503, %reduce_max3A_501 : vector<16xi32>
      %reduce_max3A_505 = vector.extract %reduce_max3A_504[15] : i32 from vector<16xi32>
      %add3A_506 = arith.constant 15 : i32
      %add3A_507 = arith.addi %reduce_max3A_505, %add3A_506 : i32
      %jit3A_508 = arith.constant 16 : i32
      %div3A_509 = arith.divsi %add3A_507, %jit3A_508 : i32
      %sign3A_510 = arith.constant 0 : i32
      %sign3A_511 = arith.cmpi sgt, %add3A_507, %sign3A_510 : i32
      %sign3A_512 = arith.extui %sign3A_511 : i1 to i32
      %sign3A_513 = arith.constant 0 : i32
      %sign3A_514 = arith.cmpi slt, %add3A_507, %sign3A_513 : i32
      %sign3A_515 = arith.extui %sign3A_514 : i1 to i32
      %sign3A_516 = arith.subi %sign3A_512, %sign3A_515 : i32
      %sign3A_517 = arith.constant 0 : i32
      %sign3A_518 = arith.cmpi sgt, %jit3A_508, %sign3A_517 : i32
      %sign3A_519 = arith.extui %sign3A_518 : i1 to i32
      %sign3A_520 = arith.constant 0 : i32
      %sign3A_521 = arith.cmpi slt, %jit3A_508, %sign3A_520 : i32
      %sign3A_522 = arith.extui %sign3A_521 : i1 to i32
      %sign3A_523 = arith.subi %sign3A_519, %sign3A_522 : i32
      %ne3A_524 = arith.cmpi ne, %sign3A_516, %sign3A_523 : i32
      %rem3A_525 = arith.remsi %add3A_507, %jit3A_508 : i32
      %ne3A_526 = arith.constant 0 : i32
      %ne3A_527 = arith.cmpi ne, %rem3A_525, %ne3A_526 : i32
      %and3A_528 = arith.andi %ne3A_524, %ne3A_527 : i1
      %sub3A_529 = arith.constant 1 : i32
      %sub3A_530 = arith.subi %div3A_509, %sub3A_529 : i32
      %select_n3A_531 = arith.select %and3A_528, %sub3A_530, %div3A_509 : i32
      %while3A = arith.constant 0 : i32
      %while3A_532 = arith.constant 0 : i32
      %while3A_533 = arith.subi %select_n3A_531, %while3A_532 : i32
      %while3A_534 = arith.addi %while3A_532, %while3A_533 : i32
      %while3A_535 = arith.constant 1 : i32
      %while3A_536 = arith.divsi %while3A_533, %while3A_535 : i32
      %while3A_537 = arith.muli %while3A_536, %while3A_535 : i32
      %while3A_538 = arith.addi %while3A_532, %while3A_537 : i32
      %while3A_539 = arith.constant 1 : i32
      scf.for %while3A_541 = %while3A_532 to %while3A_538 step %while3A_539  : i32 {
        %mul3A_542 = arith.constant 16 : i32
        %mul3A_543 = arith.muli %while3A_541, %mul3A_542 : i32
        %get3A_544 = arith.index_cast %mul3A_543 : i32 to index
        %get3A_545 = tpu.vector_load %arg20[%get3A_544] {strides = array<i32>} : memref<4096xi32, #tpu.memory_space<vmem>>, vector<16xi32>,
        %get3A_546 = arith.index_cast %mul3A_543 : i32 to index
        %get3A_547 = tpu.vector_load %arg21[%get3A_546] {strides = array<i32>} : memref<4096xi32, #tpu.memory_space<vmem>>, vector<16xi32>,
        %add3A_548 = vector.broadcast %mul3A_543 : i32 to vector<16xi32>
        %add3A_549 = arith.addi %add3A_548, %iota3A : vector<16xi32>
        %lt3A = vector.broadcast %reduce_max3A_505 : i32 to vector<16xi32>
        %lt3A_550 = arith.cmpi slt, %add3A_549, %lt3A : vector<16xi32>
        %parallel_loop3A_551 = arith.constant 0 : i32
        %parallel_loop3A_552 = arith.constant 1 : i32
        %parallel_loop3A_553 = scf.for %parallel_loop3A_572 = %parallel_loop3A_551 to %reduce_max3A_505 step %parallel_loop3A_552 iter_args(%parallel_loop3A_573 = %broadcast_in_dim3A_21) -> (vector<16xi32>)  : i32 {
          %parallel_loop3A_574 = vector.broadcast %parallel_loop3A_572 : i32 to vector<16xi32>
          %parallel_loop3A_575 = tpu.vector_load_idx %arg20[%parallel_loop3A_574] : memref<4096xi32, #tpu.memory_space<vmem>>[vector<16xi32>], vector<16xi32>,
          %parallel_loop3A_576 = tpu.vector_load_idx %arg21[%parallel_loop3A_574] : memref<4096xi32, #tpu.memory_space<vmem>>[vector<16xi32>], vector<16xi32>,
          %parallel_loop3A_577 = arith.cmpi slt, %parallel_loop3A_575, %get3A_545 : vector<16xi32>
          %parallel_loop3A_578 = arith.cmpi eq, %parallel_loop3A_575, %get3A_545 : vector<16xi32>
          %parallel_loop3A_579 = arith.cmpi slt, %parallel_loop3A_576, %get3A_547 : vector<16xi32>
          %parallel_loop3A_580 = arith.andi %parallel_loop3A_578, %parallel_loop3A_579 : vector<16xi1>
          %parallel_loop3A_581 = arith.ori %parallel_loop3A_577, %parallel_loop3A_580 : vector<16xi1>
          %parallel_loop3A_582 = arith.extui %parallel_loop3A_581 : vector<16xi1> to vector<16xi32>
          %parallel_loop3A_583 = arith.addi %parallel_loop3A_573, %parallel_loop3A_582 : vector<16xi32>
          scf.yield %parallel_loop3A_583 : vector<16xi32>
        } {sc.loop_unroll_factor = 4 : i64, sc.parallel_access}
        %lt3A_554 = arith.constant 32 : i32
        %lt3A_555 = vector.broadcast %lt3A_554 : i32 to vector<16xi32>
        %lt3A_556 = arith.cmpi slt, %parallel_loop3A_553, %lt3A_555 : vector<16xi32>
        %and3A_557 = arith.andi %lt3A_550, %lt3A_556 : vector<16xi1>
        %gather3A_558 = tpu.vector_load_idx %arg10[%get3A_547] masked %and3A_557 : memref<4096xf32, #tpu.memory_space<vmem>>[vector<16xi32>], vector<16xf32>, vector<16xi1>
        %gather3A_559 = tpu.vector_load_idx %arg11[%get3A_547] masked %and3A_557 : memref<4096xf32, #tpu.memory_space<vmem>>[vector<16xi32>], vector<16xf32>, vector<16xi1>
        %gather3A_560 = tpu.vector_load_idx %arg12[%get3A_547] masked %and3A_557 : memref<4096xf32, #tpu.memory_space<vmem>>[vector<16xi32>], vector<16xf32>, vector<16xi1>
        %add3A_561 = arith.addi %parallel_loop3A_553, %parallel_loop3A_553 : vector<16xi32>
        %add3A_562 = arith.addi %add3A_561, %parallel_loop3A_553 : vector<16xi32>
        %sub3A_563 = arith.subf %gather3A_558, %gather3A_86 : vector<16xf32>
        tpu.vector_store_idx %arg23[%broadcast_in_dim3A_85, %add3A_562], %sub3A_563 masked %and3A_557 : memref<64x96xf32, #tpu.memory_space<vmem>>[vector<16xi32>, vector<16xi32>], vector<16xf32>, vector<16xi1>
        %add3A_564 = arith.constant 1 : i32
        %add3A_565 = vector.broadcast %add3A_564 : i32 to vector<16xi32>
        %add3A_566 = arith.addi %add3A_562, %add3A_565 : vector<16xi32>
        %sub3A_567 = arith.subf %gather3A_559, %gather3A_87 : vector<16xf32>
        tpu.vector_store_idx %arg23[%broadcast_in_dim3A_85, %add3A_566], %sub3A_567 masked %and3A_557 : memref<64x96xf32, #tpu.memory_space<vmem>>[vector<16xi32>, vector<16xi32>], vector<16xf32>, vector<16xi1>
        %add3A_568 = arith.constant 2 : i32
        %add3A_569 = vector.broadcast %add3A_568 : i32 to vector<16xi32>
        %add3A_570 = arith.addi %add3A_562, %add3A_569 : vector<16xi32>
        %sub3A_571 = arith.subf %gather3A_560, %gather3A_88 : vector<16xf32>
        tpu.vector_store_idx %arg23[%broadcast_in_dim3A_85, %add3A_570], %sub3A_571 masked %and3A_557 : memref<64x96xf32, #tpu.memory_space<vmem>>[vector<16xi32>, vector<16xi32>], vector<16xf32>, vector<16xi1>
      }
      %while3A_540 = arith.constant 1 : i32
      scf.for %while3A_541 = %while3A_538 to %while3A_534 step %while3A_540  : i32 {
        %mul3A_542 = arith.constant 16 : i32
        %mul3A_543 = arith.muli %while3A_541, %mul3A_542 : i32
        %get3A_544 = arith.index_cast %mul3A_543 : i32 to index
        %get3A_545 = tpu.vector_load %arg20[%get3A_544] {strides = array<i32>} : memref<4096xi32, #tpu.memory_space<vmem>>, vector<16xi32>,
        %get3A_546 = arith.index_cast %mul3A_543 : i32 to index
        %get3A_547 = tpu.vector_load %arg21[%get3A_546] {strides = array<i32>} : memref<4096xi32, #tpu.memory_space<vmem>>, vector<16xi32>,
        %add3A_548 = vector.broadcast %mul3A_543 : i32 to vector<16xi32>
        %add3A_549 = arith.addi %add3A_548, %iota3A : vector<16xi32>
        %lt3A = vector.broadcast %reduce_max3A_505 : i32 to vector<16xi32>
        %lt3A_550 = arith.cmpi slt, %add3A_549, %lt3A : vector<16xi32>
        %parallel_loop3A_551 = arith.constant 0 : i32
        %parallel_loop3A_552 = arith.constant 1 : i32
        %parallel_loop3A_553 = scf.for %parallel_loop3A_572 = %parallel_loop3A_551 to %reduce_max3A_505 step %parallel_loop3A_552 iter_args(%parallel_loop3A_573 = %broadcast_in_dim3A_21) -> (vector<16xi32>)  : i32 {
          %parallel_loop3A_574 = vector.broadcast %parallel_loop3A_572 : i32 to vector<16xi32>
          %parallel_loop3A_575 = tpu.vector_load_idx %arg20[%parallel_loop3A_574] : memref<4096xi32, #tpu.memory_space<vmem>>[vector<16xi32>], vector<16xi32>,
          %parallel_loop3A_576 = tpu.vector_load_idx %arg21[%parallel_loop3A_574] : memref<4096xi32, #tpu.memory_space<vmem>>[vector<16xi32>], vector<16xi32>,
          %parallel_loop3A_577 = arith.cmpi slt, %parallel_loop3A_575, %get3A_545 : vector<16xi32>
          %parallel_loop3A_578 = arith.cmpi eq, %parallel_loop3A_575, %get3A_545 : vector<16xi32>
          %parallel_loop3A_579 = arith.cmpi slt, %parallel_loop3A_576, %get3A_547 : vector<16xi32>
          %parallel_loop3A_580 = arith.andi %parallel_loop3A_578, %parallel_loop3A_579 : vector<16xi1>
          %parallel_loop3A_581 = arith.ori %parallel_loop3A_577, %parallel_loop3A_580 : vector<16xi1>
          %parallel_loop3A_582 = arith.extui %parallel_loop3A_581 : vector<16xi1> to vector<16xi32>
          %parallel_loop3A_583 = arith.addi %parallel_loop3A_573, %parallel_loop3A_582 : vector<16xi32>
          scf.yield %parallel_loop3A_583 : vector<16xi32>
        } {sc.loop_unroll_factor = 4 : i64, sc.parallel_access}
        %lt3A_554 = arith.constant 32 : i32
        %lt3A_555 = vector.broadcast %lt3A_554 : i32 to vector<16xi32>
        %lt3A_556 = arith.cmpi slt, %parallel_loop3A_553, %lt3A_555 : vector<16xi32>
        %and3A_557 = arith.andi %lt3A_550, %lt3A_556 : vector<16xi1>
        %gather3A_558 = tpu.vector_load_idx %arg10[%get3A_547] masked %and3A_557 : memref<4096xf32, #tpu.memory_space<vmem>>[vector<16xi32>], vector<16xf32>, vector<16xi1>
        %gather3A_559 = tpu.vector_load_idx %arg11[%get3A_547] masked %and3A_557 : memref<4096xf32, #tpu.memory_space<vmem>>[vector<16xi32>], vector<16xf32>, vector<16xi1>
        %gather3A_560 = tpu.vector_load_idx %arg12[%get3A_547] masked %and3A_557 : memref<4096xf32, #tpu.memory_space<vmem>>[vector<16xi32>], vector<16xf32>, vector<16xi1>
        %add3A_561 = arith.addi %parallel_loop3A_553, %parallel_loop3A_553 : vector<16xi32>
        %add3A_562 = arith.addi %add3A_561, %parallel_loop3A_553 : vector<16xi32>
        %sub3A_563 = arith.subf %gather3A_558, %gather3A_86 : vector<16xf32>
        tpu.vector_store_idx %arg23[%broadcast_in_dim3A_85, %add3A_562], %sub3A_563 masked %and3A_557 : memref<64x96xf32, #tpu.memory_space<vmem>>[vector<16xi32>, vector<16xi32>], vector<16xf32>, vector<16xi1>
        %add3A_564 = arith.constant 1 : i32
        %add3A_565 = vector.broadcast %add3A_564 : i32 to vector<16xi32>
        %add3A_566 = arith.addi %add3A_562, %add3A_565 : vector<16xi32>
        %sub3A_567 = arith.subf %gather3A_559, %gather3A_87 : vector<16xf32>
        tpu.vector_store_idx %arg23[%broadcast_in_dim3A_85, %add3A_566], %sub3A_567 masked %and3A_557 : memref<64x96xf32, #tpu.memory_space<vmem>>[vector<16xi32>, vector<16xi32>], vector<16xf32>, vector<16xi1>
        %add3A_568 = arith.constant 2 : i32
        %add3A_569 = vector.broadcast %add3A_568 : i32 to vector<16xi32>
        %add3A_570 = arith.addi %add3A_562, %add3A_569 : vector<16xi32>
        %sub3A_571 = arith.subf %gather3A_560, %gather3A_88 : vector<16xf32>
        tpu.vector_store_idx %arg23[%broadcast_in_dim3A_85, %add3A_570], %sub3A_571 masked %and3A_557 : memref<64x96xf32, #tpu.memory_space<vmem>>[vector<16xi32>, vector<16xi32>], vector<16xf32>, vector<16xi1>
      }
    }
    %scan3A_81 = arith.constant 64 : i32
    %mul3A_82 = arith.constant 64 : i32
    %mul3A_83 = arith.muli %add3A, %mul3A_82 : i32
    "tpu.region"() ({
      %run_scoped3A = tpu.sem_alloc : memref<!tpu.dma_semaphore, #tpu.memory_space<semaphore_mem>>
      %dma_start3A = arith.constant 0 : i32
      %dma_start3A_84 = tpu.memref_slice %arg9[%mul3A_83, %dma_start3A] : memref<2048x96xf32, #tpu.memory_space<hbm>> -> memref<64x96xf32, #tpu.memory_space<hbm>>
      %dma_start3A_85 = arith.constant 0 : i32
      %dma_start3A_86 = tpu.memref_slice %arg9[%mul3A_83, %dma_start3A_85] : memref<2048x96xf32, #tpu.memory_space<hbm>> -> memref<64x96xf32, #tpu.memory_space<hbm>>
      tpu.enqueue_dma source(%arg23 : memref<64x96xf32, #tpu.memory_space<vmem>>) target(%dma_start3A_86 : memref<64x96xf32, #tpu.memory_space<hbm>>) target_semaphore(%run_scoped3A : memref<!tpu.dma_semaphore, #tpu.memory_space<semaphore_mem>>)
      %dma_wait3A = arith.constant 0 : i32
      %dma_wait3A_87 = tpu.memref_slice %arg9[%mul3A_83, %dma_wait3A] : memref<2048x96xf32, #tpu.memory_space<hbm>> -> memref<64x96xf32, #tpu.memory_space<hbm>>
      %dma_wait3A_88 = arith.constant 0 : i32
      %dma_wait3A_89 = tpu.memref_slice %arg9[%mul3A_83, %dma_wait3A_88] : memref<2048x96xf32, #tpu.memory_space<hbm>> -> memref<64x96xf32, #tpu.memory_space<hbm>>
      tpu.wait_dma2 semaphore(%run_scoped3A : memref<!tpu.dma_semaphore, #tpu.memory_space<semaphore_mem>>) src(%arg23 : memref<64x96xf32, #tpu.memory_space<vmem>>) dst(%dma_wait3A_89 : memref<64x96xf32, #tpu.memory_space<hbm>>)
      tpu.yield
    }) : () -> ()
    return
  }
}

#map = affine_map<(d0, d1) -> (0)>
#map1 = affine_map<(d0, d1) -> (0, 0)>
module attributes {stable_mosaic.version = 14 : i64} {
  func.func @_sc_knn(%arg0: i32, %arg1: i32, %arg2: memref<32768xf32, #tpu.memory_space<hbm>>, %arg3: memref<32768xf32, #tpu.memory_space<hbm>>, %arg4: memref<32768xf32, #tpu.memory_space<hbm>>, %arg5: memref<2048xi32, #tpu.memory_space<hbm>>, %arg6: memref<2048xf32, #tpu.memory_space<hbm>>, %arg7: memref<2048xf32, #tpu.memory_space<hbm>>, %arg8: memref<2048xf32, #tpu.memory_space<hbm>>, %arg9: memref<2048x96xf32, #tpu.memory_space<hbm>>, %arg10: memref<4096xf32, #tpu.memory_space<vmem>>, %arg11: memref<4096xf32, #tpu.memory_space<vmem>>, %arg12: memref<4096xf32, #tpu.memory_space<vmem>>, %arg13: memref<64xi32, #tpu.memory_space<vmem>>, %arg14: memref<64xf32, #tpu.memory_space<vmem>>, %arg15: memref<64xf32, #tpu.memory_space<vmem>>, %arg16: memref<64xf32, #tpu.memory_space<vmem>>, %arg17: memref<4096xf32, #tpu.memory_space<vmem>>, %arg18: memref<256xi32, #tpu.memory_space<vmem>>, %arg19: memref<16xi32, #tpu.memory_space<vmem>>, %arg20: memref<4096xi32, #tpu.memory_space<vmem>>, %arg21: memref<4096xi32, #tpu.memory_space<vmem>>, %arg22: memref<4096xi32, #tpu.memory_space<vmem>>, %arg23: memref<64x96xf32, #tpu.memory_space<vmem>>) attributes {dimension_semantics = [#tpu.dimension_semantics<core_parallel>, #tpu.dimension_semantics<subcore_parallel>], iteration_bounds = array<i64: 2, 16>, scalar_prefetch = 0 : i64, scratch_operands = 14 : i64, tpu.core_type = #tpu.core_type<sc_vector_subcore>, window_params = [{transform_indices = #map}, {transform_indices = #map}, {transform_indices = #map}, {transform_indices = #map}, {transform_indices = #map}, {transform_indices = #map}, {transform_indices = #map}, {transform_indices = #map1}]} {
    %mul3A = arith.constant 2 : i32
    %mul3A_0 = arith.muli %arg1, %mul3A : i32
    %add3A = arith.addi %mul3A_0, %arg0 : i32
    %mul3A_1 = arith.constant 64 : i32
    %mul3A_2 = arith.muli %add3A, %mul3A_1 : i32
    %jit3A = arith.constant 256 : i32
    %div3A = arith.divsi %mul3A_2, %jit3A : i32
    %sign3A = arith.constant 0 : i32
    %sign3A_3 = arith.cmpi sgt, %mul3A_2, %sign3A : i32
    %sign3A_4 = arith.extui %sign3A_3 : i1 to i32
    %sign3A_5 = arith.constant 0 : i32
    %sign3A_6 = arith.cmpi slt, %mul3A_2, %sign3A_5 : i32
    %sign3A_7 = arith.extui %sign3A_6 : i1 to i32
    %sign3A_8 = arith.subi %sign3A_4, %sign3A_7 : i32
    %sign3A_9 = arith.constant 0 : i32
    %sign3A_10 = arith.cmpi sgt, %jit3A, %sign3A_9 : i32
    %sign3A_11 = arith.extui %sign3A_10 : i1 to i32
    %sign3A_12 = arith.constant 0 : i32
    %sign3A_13 = arith.cmpi slt, %jit3A, %sign3A_12 : i32
    %sign3A_14 = arith.extui %sign3A_13 : i1 to i32
    %sign3A_15 = arith.subi %sign3A_11, %sign3A_14 : i32
    %ne3A = arith.cmpi ne, %sign3A_8, %sign3A_15 : i32
    %rem3A = arith.remsi %mul3A_2, %jit3A : i32
    %ne3A_16 = arith.constant 0 : i32
    %ne3A_17 = arith.cmpi ne, %rem3A, %ne3A_16 : i32
    %and3A = arith.andi %ne3A, %ne3A_17 : i1
    %sub3A = arith.constant 1 : i32
    %sub3A_18 = arith.subi %div3A, %sub3A : i32
    %select_n3A = arith.select %and3A, %sub3A_18, %div3A : i32
    %iota3A = tpu.iota {dimensions = array<i32: 0>} : vector<16xi32>
    %broadcast_in_dim3A = arith.constant 1 : i32
    %broadcast_in_dim3A_19 = vector.broadcast %broadcast_in_dim3A : i32 to vector<16xi32>
    %broadcast_in_dim3A_20 = arith.constant 0 : i32
    %broadcast_in_dim3A_21 = vector.broadcast %broadcast_in_dim3A_20 : i32 to vector<16xi32>
    %mul3A_22 = arith.constant 4096 : i32
    %mul3A_23 = arith.muli %select_n3A, %mul3A_22 : i32
    "tpu.region"() ({
      %run_scoped3A = tpu.sem_alloc : memref<!tpu.dma_semaphore, #tpu.memory_space<semaphore_mem>>
      %dma_start3A = tpu.memref_slice %arg2[%mul3A_23] : memref<32768xf32, #tpu.memory_space<hbm>> -> memref<4096xf32, #tpu.memory_space<hbm>>
      %dma_start3A_84 = tpu.memref_slice %arg2[%mul3A_23] : memref<32768xf32, #tpu.memory_space<hbm>> -> memref<4096xf32, #tpu.memory_space<hbm>>
      tpu.enqueue_dma source(%dma_start3A_84 : memref<4096xf32, #tpu.memory_space<hbm>>) target(%arg10 : memref<4096xf32, #tpu.memory_space<vmem>>) target_semaphore(%run_scoped3A : memref<!tpu.dma_semaphore, #tpu.memory_space<semaphore_mem>>)
      %dma_wait3A = tpu.memref_slice %arg2[%mul3A_23] : memref<32768xf32, #tpu.memory_space<hbm>> -> memref<4096xf32, #tpu.memory_space<hbm>>
      %dma_wait3A_85 = tpu.memref_slice %arg2[%mul3A_23] : memref<32768xf32, #tpu.memory_space<hbm>> -> memref<4096xf32, #tpu.memory_space<hbm>>
      tpu.wait_dma2 semaphore(%run_scoped3A : memref<!tpu.dma_semaphore, #tpu.memory_space<semaphore_mem>>) src(%dma_wait3A_85 : memref<4096xf32, #tpu.memory_space<hbm>>) dst(%arg10 : memref<4096xf32, #tpu.memory_space<vmem>>)
      tpu.yield
    }) : () -> ()
    %mul3A_24 = arith.constant 4096 : i32
    %mul3A_25 = arith.muli %select_n3A, %mul3A_24 : i32
    "tpu.region"() ({
      %run_scoped3A = tpu.sem_alloc : memref<!tpu.dma_semaphore, #tpu.memory_space<semaphore_mem>>
      %dma_start3A = tpu.memref_slice %arg3[%mul3A_25] : memref<32768xf32, #tpu.memory_space<hbm>> -> memref<4096xf32, #tpu.memory_space<hbm>>
      %dma_start3A_84 = tpu.memref_slice %arg3[%mul3A_25] : memref<32768xf32, #tpu.memory_space<hbm>> -> memref<4096xf32, #tpu.memory_space<hbm>>
      tpu.enqueue_dma source(%dma_start3A_84 : memref<4096xf32, #tpu.memory_space<hbm>>) target(%arg11 : memref<4096xf32, #tpu.memory_space<vmem>>) target_semaphore(%run_scoped3A : memref<!tpu.dma_semaphore, #tpu.memory_space<semaphore_mem>>)
      %dma_wait3A = tpu.memref_slice %arg3[%mul3A_25] : memref<32768xf32, #tpu.memory_space<hbm>> -> memref<4096xf32, #tpu.memory_space<hbm>>
      %dma_wait3A_85 = tpu.memref_slice %arg3[%mul3A_25] : memref<32768xf32, #tpu.memory_space<hbm>> -> memref<4096xf32, #tpu.memory_space<hbm>>
      tpu.wait_dma2 semaphore(%run_scoped3A : memref<!tpu.dma_semaphore, #tpu.memory_space<semaphore_mem>>) src(%dma_wait3A_85 : memref<4096xf32, #tpu.memory_space<hbm>>) dst(%arg11 : memref<4096xf32, #tpu.memory_space<vmem>>)
      tpu.yield
    }) : () -> ()
    %mul3A_26 = arith.constant 4096 : i32
    %mul3A_27 = arith.muli %select_n3A, %mul3A_26 : i32
    "tpu.region"() ({
      %run_scoped3A = tpu.sem_alloc : memref<!tpu.dma_semaphore, #tpu.memory_space<semaphore_mem>>
      %dma_start3A = tpu.memref_slice %arg4[%mul3A_27] : memref<32768xf32, #tpu.memory_space<hbm>> -> memref<4096xf32, #tpu.memory_space<hbm>>
      %dma_start3A_84 = tpu.memref_slice %arg4[%mul3A_27] : memref<32768xf32, #tpu.memory_space<hbm>> -> memref<4096xf32, #tpu.memory_space<hbm>>
      tpu.enqueue_dma source(%dma_start3A_84 : memref<4096xf32, #tpu.memory_space<hbm>>) target(%arg12 : memref<4096xf32, #tpu.memory_space<vmem>>) target_semaphore(%run_scoped3A : memref<!tpu.dma_semaphore, #tpu.memory_space<semaphore_mem>>)
      %dma_wait3A = tpu.memref_slice %arg4[%mul3A_27] : memref<32768xf32, #tpu.memory_space<hbm>> -> memref<4096xf32, #tpu.memory_space<hbm>>
      %dma_wait3A_85 = tpu.memref_slice %arg4[%mul3A_27] : memref<32768xf32, #tpu.memory_space<hbm>> -> memref<4096xf32, #tpu.memory_space<hbm>>
      tpu.wait_dma2 semaphore(%run_scoped3A : memref<!tpu.dma_semaphore, #tpu.memory_space<semaphore_mem>>) src(%dma_wait3A_85 : memref<4096xf32, #tpu.memory_space<hbm>>) dst(%arg12 : memref<4096xf32, #tpu.memory_space<vmem>>)
      tpu.yield
    }) : () -> ()
    %mul3A_28 = arith.constant 64 : i32
    %mul3A_29 = arith.muli %add3A, %mul3A_28 : i32
    "tpu.region"() ({
      %run_scoped3A = tpu.sem_alloc : memref<!tpu.dma_semaphore, #tpu.memory_space<semaphore_mem>>
      %dma_start3A = tpu.memref_slice %arg5[%mul3A_29] : memref<2048xi32, #tpu.memory_space<hbm>> -> memref<64xi32, #tpu.memory_space<hbm>>
      %dma_start3A_84 = tpu.memref_slice %arg5[%mul3A_29] : memref<2048xi32, #tpu.memory_space<hbm>> -> memref<64xi32, #tpu.memory_space<hbm>>
      tpu.enqueue_dma source(%dma_start3A_84 : memref<64xi32, #tpu.memory_space<hbm>>) target(%arg13 : memref<64xi32, #tpu.memory_space<vmem>>) target_semaphore(%run_scoped3A : memref<!tpu.dma_semaphore, #tpu.memory_space<semaphore_mem>>)
      %dma_wait3A = tpu.memref_slice %arg5[%mul3A_29] : memref<2048xi32, #tpu.memory_space<hbm>> -> memref<64xi32, #tpu.memory_space<hbm>>
      %dma_wait3A_85 = tpu.memref_slice %arg5[%mul3A_29] : memref<2048xi32, #tpu.memory_space<hbm>> -> memref<64xi32, #tpu.memory_space<hbm>>
      tpu.wait_dma2 semaphore(%run_scoped3A : memref<!tpu.dma_semaphore, #tpu.memory_space<semaphore_mem>>) src(%dma_wait3A_85 : memref<64xi32, #tpu.memory_space<hbm>>) dst(%arg13 : memref<64xi32, #tpu.memory_space<vmem>>)
      tpu.yield
    }) : () -> ()
    %get3A = arith.constant 0 : index
    %get3A_30 = tpu.vector_load %arg13[%get3A] {strides = array<i32>} : memref<64xi32, #tpu.memory_space<vmem>>, vector<16xi32>,
    %gather3A = tpu.vector_load_idx %arg10[%get3A_30] : memref<4096xf32, #tpu.memory_space<vmem>>[vector<16xi32>], vector<16xf32>,
    %swap3A = arith.constant 0 : index
    %swap3A_31 = tpu.vector_load %arg14[%swap3A] {strides = array<i32>} : memref<64xf32, #tpu.memory_space<vmem>>, vector<16xf32>,
    tpu.vector_store %arg14[%swap3A], %gather3A {strides = array<i32>} : memref<64xf32, #tpu.memory_space<vmem>>, vector<16xf32>,
    %gather3A_32 = tpu.vector_load_idx %arg11[%get3A_30] : memref<4096xf32, #tpu.memory_space<vmem>>[vector<16xi32>], vector<16xf32>,
    %swap3A_33 = arith.constant 0 : index
    %swap3A_34 = tpu.vector_load %arg15[%swap3A_33] {strides = array<i32>} : memref<64xf32, #tpu.memory_space<vmem>>, vector<16xf32>,
    tpu.vector_store %arg15[%swap3A_33], %gather3A_32 {strides = array<i32>} : memref<64xf32, #tpu.memory_space<vmem>>, vector<16xf32>,
    %gather3A_35 = tpu.vector_load_idx %arg12[%get3A_30] : memref<4096xf32, #tpu.memory_space<vmem>>[vector<16xi32>], vector<16xf32>,
    %swap3A_36 = arith.constant 0 : index
    %swap3A_37 = tpu.vector_load %arg16[%swap3A_36] {strides = array<i32>} : memref<64xf32, #tpu.memory_space<vmem>>, vector<16xf32>,
    tpu.vector_store %arg16[%swap3A_36], %gather3A_35 {strides = array<i32>} : memref<64xf32, #tpu.memory_space<vmem>>, vector<16xf32>,
    %get3A_38 = arith.constant 16 : index
    %get3A_39 = tpu.vector_load %arg13[%get3A_38] {strides = array<i32>} : memref<64xi32, #tpu.memory_space<vmem>>, vector<16xi32>,
    %gather3A_40 = tpu.vector_load_idx %arg10[%get3A_39] : memref<4096xf32, #tpu.memory_space<vmem>>[vector<16xi32>], vector<16xf32>,
    %swap3A_41 = arith.constant 16 : index
    %swap3A_42 = tpu.vector_load %arg14[%swap3A_41] {strides = array<i32>} : memref<64xf32, #tpu.memory_space<vmem>>, vector<16xf32>,
    tpu.vector_store %arg14[%swap3A_41], %gather3A_40 {strides = array<i32>} : memref<64xf32, #tpu.memory_space<vmem>>, vector<16xf32>,
    %gather3A_43 = tpu.vector_load_idx %arg11[%get3A_39] : memref<4096xf32, #tpu.memory_space<vmem>>[vector<16xi32>], vector<16xf32>,
    %swap3A_44 = arith.constant 16 : index
    %swap3A_45 = tpu.vector_load %arg15[%swap3A_44] {strides = array<i32>} : memref<64xf32, #tpu.memory_space<vmem>>, vector<16xf32>,
    tpu.vector_store %arg15[%swap3A_44], %gather3A_43 {strides = array<i32>} : memref<64xf32, #tpu.memory_space<vmem>>, vector<16xf32>,
    %gather3A_46 = tpu.vector_load_idx %arg12[%get3A_39] : memref<4096xf32, #tpu.memory_space<vmem>>[vector<16xi32>], vector<16xf32>,
    %swap3A_47 = arith.constant 16 : index
    %swap3A_48 = tpu.vector_load %arg16[%swap3A_47] {strides = array<i32>} : memref<64xf32, #tpu.memory_space<vmem>>, vector<16xf32>,
    tpu.vector_store %arg16[%swap3A_47], %gather3A_46 {strides = array<i32>} : memref<64xf32, #tpu.memory_space<vmem>>, vector<16xf32>,
    %get3A_49 = arith.constant 32 : index
    %get3A_50 = tpu.vector_load %arg13[%get3A_49] {strides = array<i32>} : memref<64xi32, #tpu.memory_space<vmem>>, vector<16xi32>,
    %gather3A_51 = tpu.vector_load_idx %arg10[%get3A_50] : memref<4096xf32, #tpu.memory_space<vmem>>[vector<16xi32>], vector<16xf32>,
    %swap3A_52 = arith.constant 32 : index
    %swap3A_53 = tpu.vector_load %arg14[%swap3A_52] {strides = array<i32>} : memref<64xf32, #tpu.memory_space<vmem>>, vector<16xf32>,
    tpu.vector_store %arg14[%swap3A_52], %gather3A_51 {strides = array<i32>} : memref<64xf32, #tpu.memory_space<vmem>>, vector<16xf32>,
    %gather3A_54 = tpu.vector_load_idx %arg11[%get3A_50] : memref<4096xf32, #tpu.memory_space<vmem>>[vector<16xi32>], vector<16xf32>,
    %swap3A_55 = arith.constant 32 : index
    %swap3A_56 = tpu.vector_load %arg15[%swap3A_55] {strides = array<i32>} : memref<64xf32, #tpu.memory_space<vmem>>, vector<16xf32>,
    tpu.vector_store %arg15[%swap3A_55], %gather3A_54 {strides = array<i32>} : memref<64xf32, #tpu.memory_space<vmem>>, vector<16xf32>,
    %gather3A_57 = tpu.vector_load_idx %arg12[%get3A_50] : memref<4096xf32, #tpu.memory_space<vmem>>[vector<16xi32>], vector<16xf32>,
    %swap3A_58 = arith.constant 32 : index
    %swap3A_59 = tpu.vector_load %arg16[%swap3A_58] {strides = array<i32>} : memref<64xf32, #tpu.memory_space<vmem>>, vector<16xf32>,
    tpu.vector_store %arg16[%swap3A_58], %gather3A_57 {strides = array<i32>} : memref<64xf32, #tpu.memory_space<vmem>>, vector<16xf32>,
    %get3A_60 = arith.constant 48 : index
    %get3A_61 = tpu.vector_load %arg13[%get3A_60] {strides = array<i32>} : memref<64xi32, #tpu.memory_space<vmem>>, vector<16xi32>,
    %gather3A_62 = tpu.vector_load_idx %arg10[%get3A_61] : memref<4096xf32, #tpu.memory_space<vmem>>[vector<16xi32>], vector<16xf32>,
    %swap3A_63 = arith.constant 48 : index
    %swap3A_64 = tpu.vector_load %arg14[%swap3A_63] {strides = array<i32>} : memref<64xf32, #tpu.memory_space<vmem>>, vector<16xf32>,
    tpu.vector_store %arg14[%swap3A_63], %gather3A_62 {strides = array<i32>} : memref<64xf32, #tpu.memory_space<vmem>>, vector<16xf32>,
    %gather3A_65 = tpu.vector_load_idx %arg11[%get3A_61] : memref<4096xf32, #tpu.memory_space<vmem>>[vector<16xi32>], vector<16xf32>,
    %swap3A_66 = arith.constant 48 : index
    %swap3A_67 = tpu.vector_load %arg15[%swap3A_66] {strides = array<i32>} : memref<64xf32, #tpu.memory_space<vmem>>, vector<16xf32>,
    tpu.vector_store %arg15[%swap3A_66], %gather3A_65 {strides = array<i32>} : memref<64xf32, #tpu.memory_space<vmem>>, vector<16xf32>,
    %gather3A_68 = tpu.vector_load_idx %arg12[%get3A_61] : memref<4096xf32, #tpu.memory_space<vmem>>[vector<16xi32>], vector<16xf32>,
    %swap3A_69 = arith.constant 48 : index
    %swap3A_70 = tpu.vector_load %arg16[%swap3A_69] {strides = array<i32>} : memref<64xf32, #tpu.memory_space<vmem>>, vector<16xf32>,
    tpu.vector_store %arg16[%swap3A_69], %gather3A_68 {strides = array<i32>} : memref<64xf32, #tpu.memory_space<vmem>>, vector<16xf32>,
    %mul3A_71 = arith.constant 64 : i32
    %mul3A_72 = arith.muli %add3A, %mul3A_71 : i32
    "tpu.region"() ({
      %run_scoped3A = tpu.sem_alloc : memref<!tpu.dma_semaphore, #tpu.memory_space<semaphore_mem>>
      %dma_start3A = tpu.memref_slice %arg6[%mul3A_72] : memref<2048xf32, #tpu.memory_space<hbm>> -> memref<64xf32, #tpu.memory_space<hbm>>
      %dma_start3A_84 = tpu.memref_slice %arg6[%mul3A_72] : memref<2048xf32, #tpu.memory_space<hbm>> -> memref<64xf32, #tpu.memory_space<hbm>>
      tpu.enqueue_dma source(%arg14 : memref<64xf32, #tpu.memory_space<vmem>>) target(%dma_start3A_84 : memref<64xf32, #tpu.memory_space<hbm>>) target_semaphore(%run_scoped3A : memref<!tpu.dma_semaphore, #tpu.memory_space<semaphore_mem>>)
      %dma_wait3A = tpu.memref_slice %arg6[%mul3A_72] : memref<2048xf32, #tpu.memory_space<hbm>> -> memref<64xf32, #tpu.memory_space<hbm>>
      %dma_wait3A_85 = tpu.memref_slice %arg6[%mul3A_72] : memref<2048xf32, #tpu.memory_space<hbm>> -> memref<64xf32, #tpu.memory_space<hbm>>
      tpu.wait_dma2 semaphore(%run_scoped3A : memref<!tpu.dma_semaphore, #tpu.memory_space<semaphore_mem>>) src(%arg14 : memref<64xf32, #tpu.memory_space<vmem>>) dst(%dma_wait3A_85 : memref<64xf32, #tpu.memory_space<hbm>>)
      tpu.yield
    }) : () -> ()
    %mul3A_73 = arith.constant 64 : i32
    %mul3A_74 = arith.muli %add3A, %mul3A_73 : i32
    "tpu.region"() ({
      %run_scoped3A = tpu.sem_alloc : memref<!tpu.dma_semaphore, #tpu.memory_space<semaphore_mem>>
      %dma_start3A = tpu.memref_slice %arg7[%mul3A_74] : memref<2048xf32, #tpu.memory_space<hbm>> -> memref<64xf32, #tpu.memory_space<hbm>>
      %dma_start3A_84 = tpu.memref_slice %arg7[%mul3A_74] : memref<2048xf32, #tpu.memory_space<hbm>> -> memref<64xf32, #tpu.memory_space<hbm>>
      tpu.enqueue_dma source(%arg15 : memref<64xf32, #tpu.memory_space<vmem>>) target(%dma_start3A_84 : memref<64xf32, #tpu.memory_space<hbm>>) target_semaphore(%run_scoped3A : memref<!tpu.dma_semaphore, #tpu.memory_space<semaphore_mem>>)
      %dma_wait3A = tpu.memref_slice %arg7[%mul3A_74] : memref<2048xf32, #tpu.memory_space<hbm>> -> memref<64xf32, #tpu.memory_space<hbm>>
      %dma_wait3A_85 = tpu.memref_slice %arg7[%mul3A_74] : memref<2048xf32, #tpu.memory_space<hbm>> -> memref<64xf32, #tpu.memory_space<hbm>>
      tpu.wait_dma2 semaphore(%run_scoped3A : memref<!tpu.dma_semaphore, #tpu.memory_space<semaphore_mem>>) src(%arg15 : memref<64xf32, #tpu.memory_space<vmem>>) dst(%dma_wait3A_85 : memref<64xf32, #tpu.memory_space<hbm>>)
      tpu.yield
    }) : () -> ()
    %mul3A_75 = arith.constant 64 : i32
    %mul3A_76 = arith.muli %add3A, %mul3A_75 : i32
    "tpu.region"() ({
      %run_scoped3A = tpu.sem_alloc : memref<!tpu.dma_semaphore, #tpu.memory_space<semaphore_mem>>
      %dma_start3A = tpu.memref_slice %arg8[%mul3A_76] : memref<2048xf32, #tpu.memory_space<hbm>> -> memref<64xf32, #tpu.memory_space<hbm>>
      %dma_start3A_84 = tpu.memref_slice %arg8[%mul3A_76] : memref<2048xf32, #tpu.memory_space<hbm>> -> memref<64xf32, #tpu.memory_space<hbm>>
      tpu.enqueue_dma source(%arg16 : memref<64xf32, #tpu.memory_space<vmem>>) target(%dma_start3A_84 : memref<64xf32, #tpu.memory_space<hbm>>) target_semaphore(%run_scoped3A : memref<!tpu.dma_semaphore, #tpu.memory_space<semaphore_mem>>)
      %dma_wait3A = tpu.memref_slice %arg8[%mul3A_76] : memref<2048xf32, #tpu.memory_space<hbm>> -> memref<64xf32, #tpu.memory_space<hbm>>
      %dma_wait3A_85 = tpu.memref_slice %arg8[%mul3A_76] : memref<2048xf32, #tpu.memory_space<hbm>> -> memref<64xf32, #tpu.memory_space<hbm>>
      tpu.wait_dma2 semaphore(%run_scoped3A : memref<!tpu.dma_semaphore, #tpu.memory_space<semaphore_mem>>) src(%arg16 : memref<64xf32, #tpu.memory_space<vmem>>) dst(%dma_wait3A_85 : memref<64xf32, #tpu.memory_space<hbm>>)
      tpu.yield
    }) : () -> ()
    %scan3A = arith.constant 0 : i32
    %scan3A_77 = arith.constant 0 : i32
    %scan3A_78 = arith.constant 64 : i32
    %scan3A_79 = arith.addi %scan3A_77, %scan3A_78 : i32
    %scan3A_80 = arith.constant 1 : i32
    scf.for %scan3A_84 = %scan3A_77 to %scan3A_79 step %scan3A_80  : i32 {
      %broadcast_in_dim3A_85 = vector.broadcast %scan3A_84 : i32 to vector<16xi32>
      %gather3A_86 = tpu.vector_load_idx %arg14[%broadcast_in_dim3A_85] : memref<64xf32, #tpu.memory_space<vmem>>[vector<16xi32>], vector<16xf32>,
      %gather3A_87 = tpu.vector_load_idx %arg15[%broadcast_in_dim3A_85] : memref<64xf32, #tpu.memory_space<vmem>>[vector<16xi32>], vector<16xf32>,
      %gather3A_88 = tpu.vector_load_idx %arg16[%broadcast_in_dim3A_85] : memref<64xf32, #tpu.memory_space<vmem>>[vector<16xi32>], vector<16xf32>,
      %swap3A_89 = arith.constant 0 : index
      %swap3A_90 = tpu.vector_load %arg18[%swap3A_89] {strides = array<i32>} : memref<256xi32, #tpu.memory_space<vmem>>, vector<16xi32>,
      tpu.vector_store %arg18[%swap3A_89], %broadcast_in_dim3A_21 {strides = array<i32>} : memref<256xi32, #tpu.memory_space<vmem>>, vector<16xi32>,
      %swap3A_91 = arith.constant 16 : index
      %swap3A_92 = tpu.vector_load %arg18[%swap3A_91] {strides = array<i32>} : memref<256xi32, #tpu.memory_space<vmem>>, vector<16xi32>,
      tpu.vector_store %arg18[%swap3A_91], %broadcast_in_dim3A_21 {strides = array<i32>} : memref<256xi32, #tpu.memory_space<vmem>>, vector<16xi32>,
      %swap3A_93 = arith.constant 32 : index
      %swap3A_94 = tpu.vector_load %arg18[%swap3A_93] {strides = array<i32>} : memref<256xi32, #tpu.memory_space<vmem>>, vector<16xi32>,
      tpu.vector_store %arg18[%swap3A_93], %broadcast_in_dim3A_21 {strides = array<i32>} : memref<256xi32, #tpu.memory_space<vmem>>, vector<16xi32>,
      %swap3A_95 = arith.constant 48 : index
      %swap3A_96 = tpu.vector_load %arg18[%swap3A_95] {strides = array<i32>} : memref<256xi32, #tpu.memory_space<vmem>>, vector<16xi32>,
      tpu.vector_store %arg18[%swap3A_95], %broadcast_in_dim3A_21 {strides = array<i32>} : memref<256xi32, #tpu.memory_space<vmem>>, vector<16xi32>,
      %swap3A_97 = arith.constant 64 : index
      %swap3A_98 = tpu.vector_load %arg18[%swap3A_97] {strides = array<i32>} : memref<256xi32, #tpu.memory_space<vmem>>, vector<16xi32>,
      tpu.vector_store %arg18[%swap3A_97], %broadcast_in_dim3A_21 {strides = array<i32>} : memref<256xi32, #tpu.memory_space<vmem>>, vector<16xi32>,
      %swap3A_99 = arith.constant 80 : index
      %swap3A_100 = tpu.vector_load %arg18[%swap3A_99] {strides = array<i32>} : memref<256xi32, #tpu.memory_space<vmem>>, vector<16xi32>,
      tpu.vector_store %arg18[%swap3A_99], %broadcast_in_dim3A_21 {strides = array<i32>} : memref<256xi32, #tpu.memory_space<vmem>>, vector<16xi32>,
      %swap3A_101 = arith.constant 96 : index
      %swap3A_102 = tpu.vector_load %arg18[%swap3A_101] {strides = array<i32>} : memref<256xi32, #tpu.memory_space<vmem>>, vector<16xi32>,
      tpu.vector_store %arg18[%swap3A_101], %broadcast_in_dim3A_21 {strides = array<i32>} : memref<256xi32, #tpu.memory_space<vmem>>, vector<16xi32>,
      %swap3A_103 = arith.constant 112 : index
      %swap3A_104 = tpu.vector_load %arg18[%swap3A_103] {strides = array<i32>} : memref<256xi32, #tpu.memory_space<vmem>>, vector<16xi32>,
      tpu.vector_store %arg18[%swap3A_103], %broadcast_in_dim3A_21 {strides = array<i32>} : memref<256xi32, #tpu.memory_space<vmem>>, vector<16xi32>,
      %swap3A_105 = arith.constant 128 : index
      %swap3A_106 = tpu.vector_load %arg18[%swap3A_105] {strides = array<i32>} : memref<256xi32, #tpu.memory_space<vmem>>, vector<16xi32>,
      tpu.vector_store %arg18[%swap3A_105], %broadcast_in_dim3A_21 {strides = array<i32>} : memref<256xi32, #tpu.memory_space<vmem>>, vector<16xi32>,
      %swap3A_107 = arith.constant 144 : index
      %swap3A_108 = tpu.vector_load %arg18[%swap3A_107] {strides = array<i32>} : memref<256xi32, #tpu.memory_space<vmem>>, vector<16xi32>,
      tpu.vector_store %arg18[%swap3A_107], %broadcast_in_dim3A_21 {strides = array<i32>} : memref<256xi32, #tpu.memory_space<vmem>>, vector<16xi32>,
      %swap3A_109 = arith.constant 160 : index
      %swap3A_110 = tpu.vector_load %arg18[%swap3A_109] {strides = array<i32>} : memref<256xi32, #tpu.memory_space<vmem>>, vector<16xi32>,
      tpu.vector_store %arg18[%swap3A_109], %broadcast_in_dim3A_21 {strides = array<i32>} : memref<256xi32, #tpu.memory_space<vmem>>, vector<16xi32>,
      %swap3A_111 = arith.constant 176 : index
      %swap3A_112 = tpu.vector_load %arg18[%swap3A_111] {strides = array<i32>} : memref<256xi32, #tpu.memory_space<vmem>>, vector<16xi32>,
      tpu.vector_store %arg18[%swap3A_111], %broadcast_in_dim3A_21 {strides = array<i32>} : memref<256xi32, #tpu.memory_space<vmem>>, vector<16xi32>,
      %swap3A_113 = arith.constant 192 : index
      %swap3A_114 = tpu.vector_load %arg18[%swap3A_113] {strides = array<i32>} : memref<256xi32, #tpu.memory_space<vmem>>, vector<16xi32>,
      tpu.vector_store %arg18[%swap3A_113], %broadcast_in_dim3A_21 {strides = array<i32>} : memref<256xi32, #tpu.memory_space<vmem>>, vector<16xi32>,
      %swap3A_115 = arith.constant 208 : index
      %swap3A_116 = tpu.vector_load %arg18[%swap3A_115] {strides = array<i32>} : memref<256xi32, #tpu.memory_space<vmem>>, vector<16xi32>,
      tpu.vector_store %arg18[%swap3A_115], %broadcast_in_dim3A_21 {strides = array<i32>} : memref<256xi32, #tpu.memory_space<vmem>>, vector<16xi32>,
      %swap3A_117 = arith.constant 224 : index
      %swap3A_118 = tpu.vector_load %arg18[%swap3A_117] {strides = array<i32>} : memref<256xi32, #tpu.memory_space<vmem>>, vector<16xi32>,
      tpu.vector_store %arg18[%swap3A_117], %broadcast_in_dim3A_21 {strides = array<i32>} : memref<256xi32, #tpu.memory_space<vmem>>, vector<16xi32>,
      %swap3A_119 = arith.constant 240 : index
      %swap3A_120 = tpu.vector_load %arg18[%swap3A_119] {strides = array<i32>} : memref<256xi32, #tpu.memory_space<vmem>>, vector<16xi32>,
      tpu.vector_store %arg18[%swap3A_119], %broadcast_in_dim3A_21 {strides = array<i32>} : memref<256xi32, #tpu.memory_space<vmem>>, vector<16xi32>,
      %parallel_loop3A = arith.constant 0 : i32
      %parallel_loop3A_121 = arith.constant 256 : i32
      %parallel_loop3A_122 = arith.constant 1 : i32
      scf.for %parallel_loop3A_541 = %parallel_loop3A to %parallel_loop3A_121 step %parallel_loop3A_122  : i32 {
        %parallel_loop3A_542 = arith.constant 16 : i32
        %parallel_loop3A_543 = arith.muli %parallel_loop3A_541, %parallel_loop3A_542 : i32
        %parallel_loop3A_544 = arith.index_cast %parallel_loop3A_543 : i32 to index
        %parallel_loop3A_545 = tpu.vector_load %arg10[%parallel_loop3A_544] {strides = array<i32>} : memref<4096xf32, #tpu.memory_space<vmem>>, vector<16xf32>,
        %parallel_loop3A_546 = arith.subf %gather3A_86, %parallel_loop3A_545 : vector<16xf32>
        %parallel_loop3A_547 = arith.index_cast %parallel_loop3A_543 : i32 to index
        %parallel_loop3A_548 = tpu.vector_load %arg11[%parallel_loop3A_547] {strides = array<i32>} : memref<4096xf32, #tpu.memory_space<vmem>>, vector<16xf32>,
        %parallel_loop3A_549 = arith.subf %gather3A_87, %parallel_loop3A_548 : vector<16xf32>
        %parallel_loop3A_550 = arith.index_cast %parallel_loop3A_543 : i32 to index
        %parallel_loop3A_551 = tpu.vector_load %arg12[%parallel_loop3A_550] {strides = array<i32>} : memref<4096xf32, #tpu.memory_space<vmem>>, vector<16xf32>,
        %parallel_loop3A_552 = arith.subf %gather3A_88, %parallel_loop3A_551 : vector<16xf32>
        %parallel_loop3A_553 = arith.mulf %parallel_loop3A_546, %parallel_loop3A_546 : vector<16xf32>
        %parallel_loop3A_554 = arith.mulf %parallel_loop3A_549, %parallel_loop3A_549 : vector<16xf32>
        %parallel_loop3A_555 = arith.addf %parallel_loop3A_553, %parallel_loop3A_554 : vector<16xf32>
        %parallel_loop3A_556 = arith.mulf %parallel_loop3A_552, %parallel_loop3A_552 : vector<16xf32>
        %parallel_loop3A_557 = arith.addf %parallel_loop3A_555, %parallel_loop3A_556 : vector<16xf32>
        %parallel_loop3A_558 = arith.index_cast %parallel_loop3A_543 : i32 to index
        %parallel_loop3A_559 = tpu.vector_load %arg17[%parallel_loop3A_558] {strides = array<i32>} : memref<4096xf32, #tpu.memory_space<vmem>>, vector<16xf32>,
        tpu.vector_store %arg17[%parallel_loop3A_558], %parallel_loop3A_557 {strides = array<i32>} : memref<4096xf32, #tpu.memory_space<vmem>>, vector<16xf32>,
        %parallel_loop3A_560 = vector.bitcast %parallel_loop3A_557 : vector<16xf32> to vector<16xi32>
        %parallel_loop3A_561 = arith.constant 23 : i32
        %parallel_loop3A_562 = vector.broadcast %parallel_loop3A_561 : i32 to vector<16xi32>
        %parallel_loop3A_563 = arith.shrsi %parallel_loop3A_560, %parallel_loop3A_562 : vector<16xi32>
        tpu.vector_store_idx %arg18[%parallel_loop3A_563], %broadcast_in_dim3A_19 {add = true} : memref<256xi32, #tpu.memory_space<vmem>>[vector<16xi32>], vector<16xi32>,
      } {sc.loop_unroll_factor = 8 : i64, sc.parallel_access}
      %broadcast_in_dim3A_123 = arith.constant 32 : i32
      %broadcast_in_dim3A_124 = vector.broadcast %broadcast_in_dim3A_123 : i32 to vector<16xi32>
      %mul3A_125 = arith.constant 16 : i32
      %mul3A_126 = vector.broadcast %mul3A_125 : i32 to vector<16xi32>
      %mul3A_127 = arith.muli %iota3A, %mul3A_126 : vector<16xi32>
      %add3A_128 = arith.constant 0 : i32
      %add3A_129 = vector.broadcast %add3A_128 : i32 to vector<16xi32>
      %add3A_130 = arith.addi %mul3A_127, %add3A_129 : vector<16xi32>
      %gather3A_131 = tpu.vector_load_idx %arg18[%add3A_130] : memref<256xi32, #tpu.memory_space<vmem>>[vector<16xi32>], vector<16xi32>,
      %add3A_132 = arith.addi %broadcast_in_dim3A_21, %gather3A_131 : vector<16xi32>
      %mul3A_133 = arith.constant 16 : i32
      %mul3A_134 = vector.broadcast %mul3A_133 : i32 to vector<16xi32>
      %mul3A_135 = arith.muli %iota3A, %mul3A_134 : vector<16xi32>
      %add3A_136 = arith.constant 1 : i32
      %add3A_137 = vector.broadcast %add3A_136 : i32 to vector<16xi32>
      %add3A_138 = arith.addi %mul3A_135, %add3A_137 : vector<16xi32>
      %gather3A_139 = tpu.vector_load_idx %arg18[%add3A_138] : memref<256xi32, #tpu.memory_space<vmem>>[vector<16xi32>], vector<16xi32>,
      %add3A_140 = arith.addi %add3A_132, %gather3A_139 : vector<16xi32>
      %mul3A_141 = arith.constant 16 : i32
      %mul3A_142 = vector.broadcast %mul3A_141 : i32 to vector<16xi32>
      %mul3A_143 = arith.muli %iota3A, %mul3A_142 : vector<16xi32>
      %add3A_144 = arith.constant 2 : i32
      %add3A_145 = vector.broadcast %add3A_144 : i32 to vector<16xi32>
      %add3A_146 = arith.addi %mul3A_143, %add3A_145 : vector<16xi32>
      %gather3A_147 = tpu.vector_load_idx %arg18[%add3A_146] : memref<256xi32, #tpu.memory_space<vmem>>[vector<16xi32>], vector<16xi32>,
      %add3A_148 = arith.addi %add3A_140, %gather3A_147 : vector<16xi32>
      %mul3A_149 = arith.constant 16 : i32
      %mul3A_150 = vector.broadcast %mul3A_149 : i32 to vector<16xi32>
      %mul3A_151 = arith.muli %iota3A, %mul3A_150 : vector<16xi32>
      %add3A_152 = arith.constant 3 : i32
      %add3A_153 = vector.broadcast %add3A_152 : i32 to vector<16xi32>
      %add3A_154 = arith.addi %mul3A_151, %add3A_153 : vector<16xi32>
      %gather3A_155 = tpu.vector_load_idx %arg18[%add3A_154] : memref<256xi32, #tpu.memory_space<vmem>>[vector<16xi32>], vector<16xi32>,
      %add3A_156 = arith.addi %add3A_148, %gather3A_155 : vector<16xi32>
      %mul3A_157 = arith.constant 16 : i32
      %mul3A_158 = vector.broadcast %mul3A_157 : i32 to vector<16xi32>
      %mul3A_159 = arith.muli %iota3A, %mul3A_158 : vector<16xi32>
      %add3A_160 = arith.constant 4 : i32
      %add3A_161 = vector.broadcast %add3A_160 : i32 to vector<16xi32>
      %add3A_162 = arith.addi %mul3A_159, %add3A_161 : vector<16xi32>
      %gather3A_163 = tpu.vector_load_idx %arg18[%add3A_162] : memref<256xi32, #tpu.memory_space<vmem>>[vector<16xi32>], vector<16xi32>,
      %add3A_164 = arith.addi %add3A_156, %gather3A_163 : vector<16xi32>
      %mul3A_165 = arith.constant 16 : i32
      %mul3A_166 = vector.broadcast %mul3A_165 : i32 to vector<16xi32>
      %mul3A_167 = arith.muli %iota3A, %mul3A_166 : vector<16xi32>
      %add3A_168 = arith.constant 5 : i32
      %add3A_169 = vector.broadcast %add3A_168 : i32 to vector<16xi32>
      %add3A_170 = arith.addi %mul3A_167, %add3A_169 : vector<16xi32>
      %gather3A_171 = tpu.vector_load_idx %arg18[%add3A_170] : memref<256xi32, #tpu.memory_space<vmem>>[vector<16xi32>], vector<16xi32>,
      %add3A_172 = arith.addi %add3A_164, %gather3A_171 : vector<16xi32>
      %mul3A_173 = arith.constant 16 : i32
      %mul3A_174 = vector.broadcast %mul3A_173 : i32 to vector<16xi32>
      %mul3A_175 = arith.muli %iota3A, %mul3A_174 : vector<16xi32>
      %add3A_176 = arith.constant 6 : i32
      %add3A_177 = vector.broadcast %add3A_176 : i32 to vector<16xi32>
      %add3A_178 = arith.addi %mul3A_175, %add3A_177 : vector<16xi32>
      %gather3A_179 = tpu.vector_load_idx %arg18[%add3A_178] : memref<256xi32, #tpu.memory_space<vmem>>[vector<16xi32>], vector<16xi32>,
      %add3A_180 = arith.addi %add3A_172, %gather3A_179 : vector<16xi32>
      %mul3A_181 = arith.constant 16 : i32
      %mul3A_182 = vector.broadcast %mul3A_181 : i32 to vector<16xi32>
      %mul3A_183 = arith.muli %iota3A, %mul3A_182 : vector<16xi32>
      %add3A_184 = arith.constant 7 : i32
      %add3A_185 = vector.broadcast %add3A_184 : i32 to vector<16xi32>
      %add3A_186 = arith.addi %mul3A_183, %add3A_185 : vector<16xi32>
      %gather3A_187 = tpu.vector_load_idx %arg18[%add3A_186] : memref<256xi32, #tpu.memory_space<vmem>>[vector<16xi32>], vector<16xi32>,
      %add3A_188 = arith.addi %add3A_180, %gather3A_187 : vector<16xi32>
      %mul3A_189 = arith.constant 16 : i32
      %mul3A_190 = vector.broadcast %mul3A_189 : i32 to vector<16xi32>
      %mul3A_191 = arith.muli %iota3A, %mul3A_190 : vector<16xi32>
      %add3A_192 = arith.constant 8 : i32
      %add3A_193 = vector.broadcast %add3A_192 : i32 to vector<16xi32>
      %add3A_194 = arith.addi %mul3A_191, %add3A_193 : vector<16xi32>
      %gather3A_195 = tpu.vector_load_idx %arg18[%add3A_194] : memref<256xi32, #tpu.memory_space<vmem>>[vector<16xi32>], vector<16xi32>,
      %add3A_196 = arith.addi %add3A_188, %gather3A_195 : vector<16xi32>
      %mul3A_197 = arith.constant 16 : i32
      %mul3A_198 = vector.broadcast %mul3A_197 : i32 to vector<16xi32>
      %mul3A_199 = arith.muli %iota3A, %mul3A_198 : vector<16xi32>
      %add3A_200 = arith.constant 9 : i32
      %add3A_201 = vector.broadcast %add3A_200 : i32 to vector<16xi32>
      %add3A_202 = arith.addi %mul3A_199, %add3A_201 : vector<16xi32>
      %gather3A_203 = tpu.vector_load_idx %arg18[%add3A_202] : memref<256xi32, #tpu.memory_space<vmem>>[vector<16xi32>], vector<16xi32>,
      %add3A_204 = arith.addi %add3A_196, %gather3A_203 : vector<16xi32>
      %mul3A_205 = arith.constant 16 : i32
      %mul3A_206 = vector.broadcast %mul3A_205 : i32 to vector<16xi32>
      %mul3A_207 = arith.muli %iota3A, %mul3A_206 : vector<16xi32>
      %add3A_208 = arith.constant 10 : i32
      %add3A_209 = vector.broadcast %add3A_208 : i32 to vector<16xi32>
      %add3A_210 = arith.addi %mul3A_207, %add3A_209 : vector<16xi32>
      %gather3A_211 = tpu.vector_load_idx %arg18[%add3A_210] : memref<256xi32, #tpu.memory_space<vmem>>[vector<16xi32>], vector<16xi32>,
      %add3A_212 = arith.addi %add3A_204, %gather3A_211 : vector<16xi32>
      %mul3A_213 = arith.constant 16 : i32
      %mul3A_214 = vector.broadcast %mul3A_213 : i32 to vector<16xi32>
      %mul3A_215 = arith.muli %iota3A, %mul3A_214 : vector<16xi32>
      %add3A_216 = arith.constant 11 : i32
      %add3A_217 = vector.broadcast %add3A_216 : i32 to vector<16xi32>
      %add3A_218 = arith.addi %mul3A_215, %add3A_217 : vector<16xi32>
      %gather3A_219 = tpu.vector_load_idx %arg18[%add3A_218] : memref<256xi32, #tpu.memory_space<vmem>>[vector<16xi32>], vector<16xi32>,
      %add3A_220 = arith.addi %add3A_212, %gather3A_219 : vector<16xi32>
      %mul3A_221 = arith.constant 16 : i32
      %mul3A_222 = vector.broadcast %mul3A_221 : i32 to vector<16xi32>
      %mul3A_223 = arith.muli %iota3A, %mul3A_222 : vector<16xi32>
      %add3A_224 = arith.constant 12 : i32
      %add3A_225 = vector.broadcast %add3A_224 : i32 to vector<16xi32>
      %add3A_226 = arith.addi %mul3A_223, %add3A_225 : vector<16xi32>
      %gather3A_227 = tpu.vector_load_idx %arg18[%add3A_226] : memref<256xi32, #tpu.memory_space<vmem>>[vector<16xi32>], vector<16xi32>,
      %add3A_228 = arith.addi %add3A_220, %gather3A_227 : vector<16xi32>
      %mul3A_229 = arith.constant 16 : i32
      %mul3A_230 = vector.broadcast %mul3A_229 : i32 to vector<16xi32>
      %mul3A_231 = arith.muli %iota3A, %mul3A_230 : vector<16xi32>
      %add3A_232 = arith.constant 13 : i32
      %add3A_233 = vector.broadcast %add3A_232 : i32 to vector<16xi32>
      %add3A_234 = arith.addi %mul3A_231, %add3A_233 : vector<16xi32>
      %gather3A_235 = tpu.vector_load_idx %arg18[%add3A_234] : memref<256xi32, #tpu.memory_space<vmem>>[vector<16xi32>], vector<16xi32>,
      %add3A_236 = arith.addi %add3A_228, %gather3A_235 : vector<16xi32>
      %mul3A_237 = arith.constant 16 : i32
      %mul3A_238 = vector.broadcast %mul3A_237 : i32 to vector<16xi32>
      %mul3A_239 = arith.muli %iota3A, %mul3A_238 : vector<16xi32>
      %add3A_240 = arith.constant 14 : i32
      %add3A_241 = vector.broadcast %add3A_240 : i32 to vector<16xi32>
      %add3A_242 = arith.addi %mul3A_239, %add3A_241 : vector<16xi32>
      %gather3A_243 = tpu.vector_load_idx %arg18[%add3A_242] : memref<256xi32, #tpu.memory_space<vmem>>[vector<16xi32>], vector<16xi32>,
      %add3A_244 = arith.addi %add3A_236, %gather3A_243 : vector<16xi32>
      %mul3A_245 = arith.constant 16 : i32
      %mul3A_246 = vector.broadcast %mul3A_245 : i32 to vector<16xi32>
      %mul3A_247 = arith.muli %iota3A, %mul3A_246 : vector<16xi32>
      %add3A_248 = arith.constant 15 : i32
      %add3A_249 = vector.broadcast %add3A_248 : i32 to vector<16xi32>
      %add3A_250 = arith.addi %mul3A_247, %add3A_249 : vector<16xi32>
      %gather3A_251 = tpu.vector_load_idx %arg18[%add3A_250] : memref<256xi32, #tpu.memory_space<vmem>>[vector<16xi32>], vector<16xi32>,
      %add3A_252 = arith.addi %add3A_244, %gather3A_251 : vector<16xi32>
      %broadcast_in_dim3A_253 = arith.constant true
      %broadcast_in_dim3A_254 = vector.broadcast %broadcast_in_dim3A_253 : i1 to vector<16xi1>
      %masked_cumsum3A = tpu.scan <sum>, %add3A_252 masked %broadcast_in_dim3A_254 : vector<16xi32>, vector<16xi1> -> vector<16xi32>
      %ge3A = arith.cmpi sge, %masked_cumsum3A, %broadcast_in_dim3A_124 : vector<16xi32>
      %all_reduce_ffs3A = tpu.all_reduce %ge3A {dim = 0 : i64, kind = #tpu.reduction_kind<find_first_set>} : vector<16xi1> -> vector<16xi32>
      %sub3A_255 = arith.subi %masked_cumsum3A, %add3A_252 : vector<16xi32>
      %swap3A_256 = arith.constant 0 : index
      %swap3A_257 = tpu.vector_load %arg19[%swap3A_256] {strides = array<i32>} : memref<16xi32, #tpu.memory_space<vmem>>, vector<16xi32>,
      tpu.vector_store %arg19[%swap3A_256], %sub3A_255 {strides = array<i32>} : memref<16xi32, #tpu.memory_space<vmem>>, vector<16xi32>,
      %gather3A_258 = tpu.vector_load_idx %arg19[%all_reduce_ffs3A] : memref<16xi32, #tpu.memory_space<vmem>>[vector<16xi32>], vector<16xi32>,
      %mul3A_259 = arith.constant 16 : i32
      %mul3A_260 = vector.broadcast %mul3A_259 : i32 to vector<16xi32>
      %mul3A_261 = arith.muli %all_reduce_ffs3A, %mul3A_260 : vector<16xi32>
      %add3A_262 = arith.addi %mul3A_261, %iota3A : vector<16xi32>
      %gather3A_263 = tpu.vector_load_idx %arg18[%add3A_262] : memref<256xi32, #tpu.memory_space<vmem>>[vector<16xi32>], vector<16xi32>,
      %broadcast_in_dim3A_264 = arith.constant true
      %broadcast_in_dim3A_265 = vector.broadcast %broadcast_in_dim3A_264 : i1 to vector<16xi1>
      %masked_cumsum3A_266 = tpu.scan <sum>, %gather3A_263 masked %broadcast_in_dim3A_265 : vector<16xi32>, vector<16xi1> -> vector<16xi32>
      %add3A_267 = arith.addi %gather3A_258, %masked_cumsum3A_266 : vector<16xi32>
      %ge3A_268 = arith.cmpi sge, %add3A_267, %broadcast_in_dim3A_124 : vector<16xi32>
      %all_reduce_ffs3A_269 = tpu.all_reduce %ge3A_268 {dim = 0 : i64, kind = #tpu.reduction_kind<find_first_set>} : vector<16xi1> -> vector<16xi32>
      %mul3A_270 = arith.constant 16 : i32
      %mul3A_271 = vector.broadcast %mul3A_270 : i32 to vector<16xi32>
      %mul3A_272 = arith.muli %all_reduce_ffs3A, %mul3A_271 : vector<16xi32>
      %add3A_273 = arith.addi %mul3A_272, %all_reduce_ffs3A_269 : vector<16xi32>
      %swap3A_274 = arith.constant 0 : index
      %swap3A_275 = tpu.vector_load %arg19[%swap3A_274] {strides = array<i32>} : memref<16xi32, #tpu.memory_space<vmem>>, vector<16xi32>,
      tpu.vector_store %arg19[%swap3A_274], %masked_cumsum3A_266 {strides = array<i32>} : memref<16xi32, #tpu.memory_space<vmem>>, vector<16xi32>,
      %gather3A_276 = tpu.vector_load_idx %arg19[%all_reduce_ffs3A_269] : memref<16xi32, #tpu.memory_space<vmem>>[vector<16xi32>], vector<16xi32>,
      %add3A_277 = arith.addi %gather3A_258, %gather3A_276 : vector<16xi32>
      %swap3A_278 = arith.constant 0 : index
      %swap3A_279 = tpu.vector_load %arg19[%swap3A_278] {strides = array<i32>} : memref<16xi32, #tpu.memory_space<vmem>>, vector<16xi32>,
      tpu.vector_store %arg19[%swap3A_278], %gather3A_263 {strides = array<i32>} : memref<16xi32, #tpu.memory_space<vmem>>, vector<16xi32>,
      %gather3A_280 = tpu.vector_load_idx %arg19[%all_reduce_ffs3A_269] : memref<16xi32, #tpu.memory_space<vmem>>[vector<16xi32>], vector<16xi32>,
      %sub3A_281 = arith.subi %add3A_277, %gather3A_280 : vector<16xi32>
      %swap3A_282 = arith.constant 0 : index
      %swap3A_283 = tpu.vector_load %arg18[%swap3A_282] {strides = array<i32>} : memref<256xi32, #tpu.memory_space<vmem>>, vector<16xi32>,
      tpu.vector_store %arg18[%swap3A_282], %broadcast_in_dim3A_21 {strides = array<i32>} : memref<256xi32, #tpu.memory_space<vmem>>, vector<16xi32>,
      %swap3A_284 = arith.constant 16 : index
      %swap3A_285 = tpu.vector_load %arg18[%swap3A_284] {strides = array<i32>} : memref<256xi32, #tpu.memory_space<vmem>>, vector<16xi32>,
      tpu.vector_store %arg18[%swap3A_284], %broadcast_in_dim3A_21 {strides = array<i32>} : memref<256xi32, #tpu.memory_space<vmem>>, vector<16xi32>,
      %swap3A_286 = arith.constant 32 : index
      %swap3A_287 = tpu.vector_load %arg18[%swap3A_286] {strides = array<i32>} : memref<256xi32, #tpu.memory_space<vmem>>, vector<16xi32>,
      tpu.vector_store %arg18[%swap3A_286], %broadcast_in_dim3A_21 {strides = array<i32>} : memref<256xi32, #tpu.memory_space<vmem>>, vector<16xi32>,
      %swap3A_288 = arith.constant 48 : index
      %swap3A_289 = tpu.vector_load %arg18[%swap3A_288] {strides = array<i32>} : memref<256xi32, #tpu.memory_space<vmem>>, vector<16xi32>,
      tpu.vector_store %arg18[%swap3A_288], %broadcast_in_dim3A_21 {strides = array<i32>} : memref<256xi32, #tpu.memory_space<vmem>>, vector<16xi32>,
      %swap3A_290 = arith.constant 64 : index
      %swap3A_291 = tpu.vector_load %arg18[%swap3A_290] {strides = array<i32>} : memref<256xi32, #tpu.memory_space<vmem>>, vector<16xi32>,
      tpu.vector_store %arg18[%swap3A_290], %broadcast_in_dim3A_21 {strides = array<i32>} : memref<256xi32, #tpu.memory_space<vmem>>, vector<16xi32>,
      %swap3A_292 = arith.constant 80 : index
      %swap3A_293 = tpu.vector_load %arg18[%swap3A_292] {strides = array<i32>} : memref<256xi32, #tpu.memory_space<vmem>>, vector<16xi32>,
      tpu.vector_store %arg18[%swap3A_292], %broadcast_in_dim3A_21 {strides = array<i32>} : memref<256xi32, #tpu.memory_space<vmem>>, vector<16xi32>,
      %swap3A_294 = arith.constant 96 : index
      %swap3A_295 = tpu.vector_load %arg18[%swap3A_294] {strides = array<i32>} : memref<256xi32, #tpu.memory_space<vmem>>, vector<16xi32>,
      tpu.vector_store %arg18[%swap3A_294], %broadcast_in_dim3A_21 {strides = array<i32>} : memref<256xi32, #tpu.memory_space<vmem>>, vector<16xi32>,
      %swap3A_296 = arith.constant 112 : index
      %swap3A_297 = tpu.vector_load %arg18[%swap3A_296] {strides = array<i32>} : memref<256xi32, #tpu.memory_space<vmem>>, vector<16xi32>,
      tpu.vector_store %arg18[%swap3A_296], %broadcast_in_dim3A_21 {strides = array<i32>} : memref<256xi32, #tpu.memory_space<vmem>>, vector<16xi32>,
      %swap3A_298 = arith.constant 128 : index
      %swap3A_299 = tpu.vector_load %arg18[%swap3A_298] {strides = array<i32>} : memref<256xi32, #tpu.memory_space<vmem>>, vector<16xi32>,
      tpu.vector_store %arg18[%swap3A_298], %broadcast_in_dim3A_21 {strides = array<i32>} : memref<256xi32, #tpu.memory_space<vmem>>, vector<16xi32>,
      %swap3A_300 = arith.constant 144 : index
      %swap3A_301 = tpu.vector_load %arg18[%swap3A_300] {strides = array<i32>} : memref<256xi32, #tpu.memory_space<vmem>>, vector<16xi32>,
      tpu.vector_store %arg18[%swap3A_300], %broadcast_in_dim3A_21 {strides = array<i32>} : memref<256xi32, #tpu.memory_space<vmem>>, vector<16xi32>,
      %swap3A_302 = arith.constant 160 : index
      %swap3A_303 = tpu.vector_load %arg18[%swap3A_302] {strides = array<i32>} : memref<256xi32, #tpu.memory_space<vmem>>, vector<16xi32>,
      tpu.vector_store %arg18[%swap3A_302], %broadcast_in_dim3A_21 {strides = array<i32>} : memref<256xi32, #tpu.memory_space<vmem>>, vector<16xi32>,
      %swap3A_304 = arith.constant 176 : index
      %swap3A_305 = tpu.vector_load %arg18[%swap3A_304] {strides = array<i32>} : memref<256xi32, #tpu.memory_space<vmem>>, vector<16xi32>,
      tpu.vector_store %arg18[%swap3A_304], %broadcast_in_dim3A_21 {strides = array<i32>} : memref<256xi32, #tpu.memory_space<vmem>>, vector<16xi32>,
      %swap3A_306 = arith.constant 192 : index
      %swap3A_307 = tpu.vector_load %arg18[%swap3A_306] {strides = array<i32>} : memref<256xi32, #tpu.memory_space<vmem>>, vector<16xi32>,
      tpu.vector_store %arg18[%swap3A_306], %broadcast_in_dim3A_21 {strides = array<i32>} : memref<256xi32, #tpu.memory_space<vmem>>, vector<16xi32>,
      %swap3A_308 = arith.constant 208 : index
      %swap3A_309 = tpu.vector_load %arg18[%swap3A_308] {strides = array<i32>} : memref<256xi32, #tpu.memory_space<vmem>>, vector<16xi32>,
      tpu.vector_store %arg18[%swap3A_308], %broadcast_in_dim3A_21 {strides = array<i32>} : memref<256xi32, #tpu.memory_space<vmem>>, vector<16xi32>,
      %swap3A_310 = arith.constant 224 : index
      %swap3A_311 = tpu.vector_load %arg18[%swap3A_310] {strides = array<i32>} : memref<256xi32, #tpu.memory_space<vmem>>, vector<16xi32>,
      tpu.vector_store %arg18[%swap3A_310], %broadcast_in_dim3A_21 {strides = array<i32>} : memref<256xi32, #tpu.memory_space<vmem>>, vector<16xi32>,
      %swap3A_312 = arith.constant 240 : index
      %swap3A_313 = tpu.vector_load %arg18[%swap3A_312] {strides = array<i32>} : memref<256xi32, #tpu.memory_space<vmem>>, vector<16xi32>,
      tpu.vector_store %arg18[%swap3A_312], %broadcast_in_dim3A_21 {strides = array<i32>} : memref<256xi32, #tpu.memory_space<vmem>>, vector<16xi32>,
      %parallel_loop3A_314 = arith.constant 0 : i32
      %parallel_loop3A_315 = arith.constant 256 : i32
      %parallel_loop3A_316 = arith.constant 1 : i32
      %parallel_loop3A_317 = scf.for %parallel_loop3A_541 = %parallel_loop3A_314 to %parallel_loop3A_315 step %parallel_loop3A_316 iter_args(%parallel_loop3A_542 = %broadcast_in_dim3A_21) -> (vector<16xi32>)  : i32 {
        %parallel_loop3A_543 = arith.constant 16 : i32
        %parallel_loop3A_544 = arith.muli %parallel_loop3A_541, %parallel_loop3A_543 : i32
        %parallel_loop3A_545 = arith.index_cast %parallel_loop3A_544 : i32 to index
        %parallel_loop3A_546 = tpu.vector_load %arg17[%parallel_loop3A_545] {strides = array<i32>} : memref<4096xf32, #tpu.memory_space<vmem>>, vector<16xf32>,
        %parallel_loop3A_547 = vector.bitcast %parallel_loop3A_546 : vector<16xf32> to vector<16xi32>
        %parallel_loop3A_548 = arith.constant 23 : i32
        %parallel_loop3A_549 = vector.broadcast %parallel_loop3A_548 : i32 to vector<16xi32>
        %parallel_loop3A_550 = arith.shrsi %parallel_loop3A_547, %parallel_loop3A_549 : vector<16xi32>
        %parallel_loop3A_551 = arith.cmpi eq, %parallel_loop3A_550, %add3A_273 : vector<16xi32>
        %parallel_loop3A_552 = arith.constant 15 : i32
        %parallel_loop3A_553 = vector.broadcast %parallel_loop3A_552 : i32 to vector<16xi32>
        %parallel_loop3A_554 = arith.shrsi %parallel_loop3A_547, %parallel_loop3A_553 : vector<16xi32>
        %parallel_loop3A_555 = arith.constant 255 : i32
        %parallel_loop3A_556 = vector.broadcast %parallel_loop3A_555 : i32 to vector<16xi32>
        %parallel_loop3A_557 = arith.andi %parallel_loop3A_554, %parallel_loop3A_556 : vector<16xi32>
        tpu.vector_store_idx %arg18[%parallel_loop3A_557], %broadcast_in_dim3A_19 masked %parallel_loop3A_551 {add = true} : memref<256xi32, #tpu.memory_space<vmem>>[vector<16xi32>], vector<16xi32>, vector<16xi1>
        %parallel_loop3A_558 = arith.cmpi sle, %parallel_loop3A_550, %add3A_273 : vector<16xi32>
        %parallel_loop3A_559 = arith.extui %parallel_loop3A_558 : vector<16xi1> to vector<16xi32>
        %parallel_loop3A_560 = arith.constant true
        %parallel_loop3A_561 = vector.broadcast %parallel_loop3A_560 : i1 to vector<16xi1>
        %parallel_loop3A_562 = tpu.scan <sum>, %parallel_loop3A_559 masked %parallel_loop3A_561 : vector<16xi32>, vector<16xi1> -> vector<16xi32>
        %parallel_loop3A_563 = arith.addi %parallel_loop3A_542, %parallel_loop3A_562 : vector<16xi32>
        %parallel_loop3A_564 = arith.constant 1 : i32
        %parallel_loop3A_565 = vector.broadcast %parallel_loop3A_564 : i32 to vector<16xi32>
        %parallel_loop3A_566 = arith.subi %parallel_loop3A_563, %parallel_loop3A_565 : vector<16xi32>
        %parallel_loop3A_567 = vector.broadcast %parallel_loop3A_544 : i32 to vector<16xi32>
        %parallel_loop3A_568 = arith.addi %parallel_loop3A_567, %iota3A : vector<16xi32>
        tpu.vector_store_idx %arg22[%parallel_loop3A_566], %parallel_loop3A_568 masked %parallel_loop3A_558 : memref<4096xi32, #tpu.memory_space<vmem>>[vector<16xi32>], vector<16xi32>, vector<16xi1>
        %parallel_loop3A_569 = tpu.all_reduce %parallel_loop3A_558 {dim = 0 : i64, kind = #tpu.reduction_kind<sum>} : vector<16xi1> -> vector<16xi32>
        %parallel_loop3A_570 = arith.addi %parallel_loop3A_542, %parallel_loop3A_569 : vector<16xi32>
        scf.yield %parallel_loop3A_570 : vector<16xi32>
      } {sc.loop_unroll_factor = 4 : i64, sc.parallel_access}
      %reduce_max3A = arith.constant true
      %reduce_max3A_318 = vector.broadcast %reduce_max3A : i1 to vector<16xi1>
      %reduce_max3A_319 = arith.constant -2147483648 : i32
      %reduce_max3A_320 = vector.broadcast %reduce_max3A_319 : i32 to vector<16xi32>
      %reduce_max3A_321 = arith.xori %parallel_loop3A_317, %reduce_max3A_320 : vector<16xi32>
      %reduce_max3A_322 = tpu.scan <max>, %reduce_max3A_321 masked %reduce_max3A_318 : vector<16xi32>, vector<16xi1> -> vector<16xi32>
      %reduce_max3A_323 = arith.xori %reduce_max3A_322, %reduce_max3A_320 : vector<16xi32>
      %reduce_max3A_324 = vector.extract %reduce_max3A_323[15] : i32 from vector<16xi32>
      %broadcast_in_dim3A_325 = arith.constant 32 : i32
      %broadcast_in_dim3A_326 = vector.broadcast %broadcast_in_dim3A_325 : i32 to vector<16xi32>
      %sub3A_327 = arith.subi %broadcast_in_dim3A_326, %sub3A_281 : vector<16xi32>
      %mul3A_328 = arith.constant 16 : i32
      %mul3A_329 = vector.broadcast %mul3A_328 : i32 to vector<16xi32>
      %mul3A_330 = arith.muli %iota3A, %mul3A_329 : vector<16xi32>
      %add3A_331 = arith.constant 0 : i32
      %add3A_332 = vector.broadcast %add3A_331 : i32 to vector<16xi32>
      %add3A_333 = arith.addi %mul3A_330, %add3A_332 : vector<16xi32>
      %gather3A_334 = tpu.vector_load_idx %arg18[%add3A_333] : memref<256xi32, #tpu.memory_space<vmem>>[vector<16xi32>], vector<16xi32>,
      %add3A_335 = arith.addi %broadcast_in_dim3A_21, %gather3A_334 : vector<16xi32>
      %mul3A_336 = arith.constant 16 : i32
      %mul3A_337 = vector.broadcast %mul3A_336 : i32 to vector<16xi32>
      %mul3A_338 = arith.muli %iota3A, %mul3A_337 : vector<16xi32>
      %add3A_339 = arith.constant 1 : i32
      %add3A_340 = vector.broadcast %add3A_339 : i32 to vector<16xi32>
      %add3A_341 = arith.addi %mul3A_338, %add3A_340 : vector<16xi32>
      %gather3A_342 = tpu.vector_load_idx %arg18[%add3A_341] : memref<256xi32, #tpu.memory_space<vmem>>[vector<16xi32>], vector<16xi32>,
      %add3A_343 = arith.addi %add3A_335, %gather3A_342 : vector<16xi32>
      %mul3A_344 = arith.constant 16 : i32
      %mul3A_345 = vector.broadcast %mul3A_344 : i32 to vector<16xi32>
      %mul3A_346 = arith.muli %iota3A, %mul3A_345 : vector<16xi32>
      %add3A_347 = arith.constant 2 : i32
      %add3A_348 = vector.broadcast %add3A_347 : i32 to vector<16xi32>
      %add3A_349 = arith.addi %mul3A_346, %add3A_348 : vector<16xi32>
      %gather3A_350 = tpu.vector_load_idx %arg18[%add3A_349] : memref<256xi32, #tpu.memory_space<vmem>>[vector<16xi32>], vector<16xi32>,
      %add3A_351 = arith.addi %add3A_343, %gather3A_350 : vector<16xi32>
      %mul3A_352 = arith.constant 16 : i32
      %mul3A_353 = vector.broadcast %mul3A_352 : i32 to vector<16xi32>
      %mul3A_354 = arith.muli %iota3A, %mul3A_353 : vector<16xi32>
      %add3A_355 = arith.constant 3 : i32
      %add3A_356 = vector.broadcast %add3A_355 : i32 to vector<16xi32>
      %add3A_357 = arith.addi %mul3A_354, %add3A_356 : vector<16xi32>
      %gather3A_358 = tpu.vector_load_idx %arg18[%add3A_357] : memref<256xi32, #tpu.memory_space<vmem>>[vector<16xi32>], vector<16xi32>,
      %add3A_359 = arith.addi %add3A_351, %gather3A_358 : vector<16xi32>
      %mul3A_360 = arith.constant 16 : i32
      %mul3A_361 = vector.broadcast %mul3A_360 : i32 to vector<16xi32>
      %mul3A_362 = arith.muli %iota3A, %mul3A_361 : vector<16xi32>
      %add3A_363 = arith.constant 4 : i32
      %add3A_364 = vector.broadcast %add3A_363 : i32 to vector<16xi32>
      %add3A_365 = arith.addi %mul3A_362, %add3A_364 : vector<16xi32>
      %gather3A_366 = tpu.vector_load_idx %arg18[%add3A_365] : memref<256xi32, #tpu.memory_space<vmem>>[vector<16xi32>], vector<16xi32>,
      %add3A_367 = arith.addi %add3A_359, %gather3A_366 : vector<16xi32>
      %mul3A_368 = arith.constant 16 : i32
      %mul3A_369 = vector.broadcast %mul3A_368 : i32 to vector<16xi32>
      %mul3A_370 = arith.muli %iota3A, %mul3A_369 : vector<16xi32>
      %add3A_371 = arith.constant 5 : i32
      %add3A_372 = vector.broadcast %add3A_371 : i32 to vector<16xi32>
      %add3A_373 = arith.addi %mul3A_370, %add3A_372 : vector<16xi32>
      %gather3A_374 = tpu.vector_load_idx %arg18[%add3A_373] : memref<256xi32, #tpu.memory_space<vmem>>[vector<16xi32>], vector<16xi32>,
      %add3A_375 = arith.addi %add3A_367, %gather3A_374 : vector<16xi32>
      %mul3A_376 = arith.constant 16 : i32
      %mul3A_377 = vector.broadcast %mul3A_376 : i32 to vector<16xi32>
      %mul3A_378 = arith.muli %iota3A, %mul3A_377 : vector<16xi32>
      %add3A_379 = arith.constant 6 : i32
      %add3A_380 = vector.broadcast %add3A_379 : i32 to vector<16xi32>
      %add3A_381 = arith.addi %mul3A_378, %add3A_380 : vector<16xi32>
      %gather3A_382 = tpu.vector_load_idx %arg18[%add3A_381] : memref<256xi32, #tpu.memory_space<vmem>>[vector<16xi32>], vector<16xi32>,
      %add3A_383 = arith.addi %add3A_375, %gather3A_382 : vector<16xi32>
      %mul3A_384 = arith.constant 16 : i32
      %mul3A_385 = vector.broadcast %mul3A_384 : i32 to vector<16xi32>
      %mul3A_386 = arith.muli %iota3A, %mul3A_385 : vector<16xi32>
      %add3A_387 = arith.constant 7 : i32
      %add3A_388 = vector.broadcast %add3A_387 : i32 to vector<16xi32>
      %add3A_389 = arith.addi %mul3A_386, %add3A_388 : vector<16xi32>
      %gather3A_390 = tpu.vector_load_idx %arg18[%add3A_389] : memref<256xi32, #tpu.memory_space<vmem>>[vector<16xi32>], vector<16xi32>,
      %add3A_391 = arith.addi %add3A_383, %gather3A_390 : vector<16xi32>
      %mul3A_392 = arith.constant 16 : i32
      %mul3A_393 = vector.broadcast %mul3A_392 : i32 to vector<16xi32>
      %mul3A_394 = arith.muli %iota3A, %mul3A_393 : vector<16xi32>
      %add3A_395 = arith.constant 8 : i32
      %add3A_396 = vector.broadcast %add3A_395 : i32 to vector<16xi32>
      %add3A_397 = arith.addi %mul3A_394, %add3A_396 : vector<16xi32>
      %gather3A_398 = tpu.vector_load_idx %arg18[%add3A_397] : memref<256xi32, #tpu.memory_space<vmem>>[vector<16xi32>], vector<16xi32>,
      %add3A_399 = arith.addi %add3A_391, %gather3A_398 : vector<16xi32>
      %mul3A_400 = arith.constant 16 : i32
      %mul3A_401 = vector.broadcast %mul3A_400 : i32 to vector<16xi32>
      %mul3A_402 = arith.muli %iota3A, %mul3A_401 : vector<16xi32>
      %add3A_403 = arith.constant 9 : i32
      %add3A_404 = vector.broadcast %add3A_403 : i32 to vector<16xi32>
      %add3A_405 = arith.addi %mul3A_402, %add3A_404 : vector<16xi32>
      %gather3A_406 = tpu.vector_load_idx %arg18[%add3A_405] : memref<256xi32, #tpu.memory_space<vmem>>[vector<16xi32>], vector<16xi32>,
      %add3A_407 = arith.addi %add3A_399, %gather3A_406 : vector<16xi32>
      %mul3A_408 = arith.constant 16 : i32
      %mul3A_409 = vector.broadcast %mul3A_408 : i32 to vector<16xi32>
      %mul3A_410 = arith.muli %iota3A, %mul3A_409 : vector<16xi32>
      %add3A_411 = arith.constant 10 : i32
      %add3A_412 = vector.broadcast %add3A_411 : i32 to vector<16xi32>
      %add3A_413 = arith.addi %mul3A_410, %add3A_412 : vector<16xi32>
      %gather3A_414 = tpu.vector_load_idx %arg18[%add3A_413] : memref<256xi32, #tpu.memory_space<vmem>>[vector<16xi32>], vector<16xi32>,
      %add3A_415 = arith.addi %add3A_407, %gather3A_414 : vector<16xi32>
      %mul3A_416 = arith.constant 16 : i32
      %mul3A_417 = vector.broadcast %mul3A_416 : i32 to vector<16xi32>
      %mul3A_418 = arith.muli %iota3A, %mul3A_417 : vector<16xi32>
      %add3A_419 = arith.constant 11 : i32
      %add3A_420 = vector.broadcast %add3A_419 : i32 to vector<16xi32>
      %add3A_421 = arith.addi %mul3A_418, %add3A_420 : vector<16xi32>
      %gather3A_422 = tpu.vector_load_idx %arg18[%add3A_421] : memref<256xi32, #tpu.memory_space<vmem>>[vector<16xi32>], vector<16xi32>,
      %add3A_423 = arith.addi %add3A_415, %gather3A_422 : vector<16xi32>
      %mul3A_424 = arith.constant 16 : i32
      %mul3A_425 = vector.broadcast %mul3A_424 : i32 to vector<16xi32>
      %mul3A_426 = arith.muli %iota3A, %mul3A_425 : vector<16xi32>
      %add3A_427 = arith.constant 12 : i32
      %add3A_428 = vector.broadcast %add3A_427 : i32 to vector<16xi32>
      %add3A_429 = arith.addi %mul3A_426, %add3A_428 : vector<16xi32>
      %gather3A_430 = tpu.vector_load_idx %arg18[%add3A_429] : memref<256xi32, #tpu.memory_space<vmem>>[vector<16xi32>], vector<16xi32>,
      %add3A_431 = arith.addi %add3A_423, %gather3A_430 : vector<16xi32>
      %mul3A_432 = arith.constant 16 : i32
      %mul3A_433 = vector.broadcast %mul3A_432 : i32 to vector<16xi32>
      %mul3A_434 = arith.muli %iota3A, %mul3A_433 : vector<16xi32>
      %add3A_435 = arith.constant 13 : i32
      %add3A_436 = vector.broadcast %add3A_435 : i32 to vector<16xi32>
      %add3A_437 = arith.addi %mul3A_434, %add3A_436 : vector<16xi32>
      %gather3A_438 = tpu.vector_load_idx %arg18[%add3A_437] : memref<256xi32, #tpu.memory_space<vmem>>[vector<16xi32>], vector<16xi32>,
      %add3A_439 = arith.addi %add3A_431, %gather3A_438 : vector<16xi32>
      %mul3A_440 = arith.constant 16 : i32
      %mul3A_441 = vector.broadcast %mul3A_440 : i32 to vector<16xi32>
      %mul3A_442 = arith.muli %iota3A, %mul3A_441 : vector<16xi32>
      %add3A_443 = arith.constant 14 : i32
      %add3A_444 = vector.broadcast %add3A_443 : i32 to vector<16xi32>
      %add3A_445 = arith.addi %mul3A_442, %add3A_444 : vector<16xi32>
      %gather3A_446 = tpu.vector_load_idx %arg18[%add3A_445] : memref<256xi32, #tpu.memory_space<vmem>>[vector<16xi32>], vector<16xi32>,
      %add3A_447 = arith.addi %add3A_439, %gather3A_446 : vector<16xi32>
      %mul3A_448 = arith.constant 16 : i32
      %mul3A_449 = vector.broadcast %mul3A_448 : i32 to vector<16xi32>
      %mul3A_450 = arith.muli %iota3A, %mul3A_449 : vector<16xi32>
      %add3A_451 = arith.constant 15 : i32
      %add3A_452 = vector.broadcast %add3A_451 : i32 to vector<16xi32>
      %add3A_453 = arith.addi %mul3A_450, %add3A_452 : vector<16xi32>
      %gather3A_454 = tpu.vector_load_idx %arg18[%add3A_453] : memref<256xi32, #tpu.memory_space<vmem>>[vector<16xi32>], vector<16xi32>,
      %add3A_455 = arith.addi %add3A_447, %gather3A_454 : vector<16xi32>
      %broadcast_in_dim3A_456 = arith.constant true
      %broadcast_in_dim3A_457 = vector.broadcast %broadcast_in_dim3A_456 : i1 to vector<16xi1>
      %masked_cumsum3A_458 = tpu.scan <sum>, %add3A_455 masked %broadcast_in_dim3A_457 : vector<16xi32>, vector<16xi1> -> vector<16xi32>
      %ge3A_459 = arith.cmpi sge, %masked_cumsum3A_458, %sub3A_327 : vector<16xi32>
      %all_reduce_ffs3A_460 = tpu.all_reduce %ge3A_459 {dim = 0 : i64, kind = #tpu.reduction_kind<find_first_set>} : vector<16xi1> -> vector<16xi32>
      %sub3A_461 = arith.subi %masked_cumsum3A_458, %add3A_455 : vector<16xi32>
      %swap3A_462 = arith.constant 0 : index
      %swap3A_463 = tpu.vector_load %arg19[%swap3A_462] {strides = array<i32>} : memref<16xi32, #tpu.memory_space<vmem>>, vector<16xi32>,
      tpu.vector_store %arg19[%swap3A_462], %sub3A_461 {strides = array<i32>} : memref<16xi32, #tpu.memory_space<vmem>>, vector<16xi32>,
      %gather3A_464 = tpu.vector_load_idx %arg19[%all_reduce_ffs3A_460] : memref<16xi32, #tpu.memory_space<vmem>>[vector<16xi32>], vector<16xi32>,
      %mul3A_465 = arith.constant 16 : i32
      %mul3A_466 = vector.broadcast %mul3A_465 : i32 to vector<16xi32>
      %mul3A_467 = arith.muli %all_reduce_ffs3A_460, %mul3A_466 : vector<16xi32>
      %add3A_468 = arith.addi %mul3A_467, %iota3A : vector<16xi32>
      %gather3A_469 = tpu.vector_load_idx %arg18[%add3A_468] : memref<256xi32, #tpu.memory_space<vmem>>[vector<16xi32>], vector<16xi32>,
      %broadcast_in_dim3A_470 = arith.constant true
      %broadcast_in_dim3A_471 = vector.broadcast %broadcast_in_dim3A_470 : i1 to vector<16xi1>
      %masked_cumsum3A_472 = tpu.scan <sum>, %gather3A_469 masked %broadcast_in_dim3A_471 : vector<16xi32>, vector<16xi1> -> vector<16xi32>
      %add3A_473 = arith.addi %gather3A_464, %masked_cumsum3A_472 : vector<16xi32>
      %ge3A_474 = arith.cmpi sge, %add3A_473, %sub3A_327 : vector<16xi32>
      %all_reduce_ffs3A_475 = tpu.all_reduce %ge3A_474 {dim = 0 : i64, kind = #tpu.reduction_kind<find_first_set>} : vector<16xi1> -> vector<16xi32>
      %mul3A_476 = arith.constant 16 : i32
      %mul3A_477 = vector.broadcast %mul3A_476 : i32 to vector<16xi32>
      %mul3A_478 = arith.muli %all_reduce_ffs3A_460, %mul3A_477 : vector<16xi32>
      %add3A_479 = arith.addi %mul3A_478, %all_reduce_ffs3A_475 : vector<16xi32>
      %swap3A_480 = arith.constant 0 : index
      %swap3A_481 = tpu.vector_load %arg19[%swap3A_480] {strides = array<i32>} : memref<16xi32, #tpu.memory_space<vmem>>, vector<16xi32>,
      tpu.vector_store %arg19[%swap3A_480], %masked_cumsum3A_472 {strides = array<i32>} : memref<16xi32, #tpu.memory_space<vmem>>, vector<16xi32>,
      %gather3A_482 = tpu.vector_load_idx %arg19[%all_reduce_ffs3A_475] : memref<16xi32, #tpu.memory_space<vmem>>[vector<16xi32>], vector<16xi32>,
      %add3A_483 = arith.addi %gather3A_464, %gather3A_482 : vector<16xi32>
      %swap3A_484 = arith.constant 0 : index
      %swap3A_485 = tpu.vector_load %arg19[%swap3A_484] {strides = array<i32>} : memref<16xi32, #tpu.memory_space<vmem>>, vector<16xi32>,
      tpu.vector_store %arg19[%swap3A_484], %gather3A_469 {strides = array<i32>} : memref<16xi32, #tpu.memory_space<vmem>>, vector<16xi32>,
      %gather3A_486 = tpu.vector_load_idx %arg19[%all_reduce_ffs3A_475] : memref<16xi32, #tpu.memory_space<vmem>>[vector<16xi32>], vector<16xi32>,
      %sub3A_487 = arith.subi %add3A_483, %gather3A_486 : vector<16xi32>
      %mul3A_488 = arith.constant 256 : i32
      %mul3A_489 = vector.broadcast %mul3A_488 : i32 to vector<16xi32>
      %mul3A_490 = arith.muli %add3A_273, %mul3A_489 : vector<16xi32>
      %add3A_491 = arith.addi %mul3A_490, %add3A_479 : vector<16xi32>
      %add3A_492 = arith.constant 15 : i32
      %add3A_493 = arith.addi %reduce_max3A_324, %add3A_492 : i32
      %shift_right_arithmetic3A = arith.constant 4 : i32
      %shift_right_arithmetic3A_494 = arith.shrsi %add3A_493, %shift_right_arithmetic3A : i32
      %parallel_loop3A_495 = arith.constant 0 : i32
      %parallel_loop3A_496 = arith.constant 1 : i32
      %parallel_loop3A_497 = scf.for %parallel_loop3A_541 = %parallel_loop3A_495 to %shift_right_arithmetic3A_494 step %parallel_loop3A_496 iter_args(%parallel_loop3A_542 = %broadcast_in_dim3A_21) -> (vector<16xi32>)  : i32 {
        %parallel_loop3A_543 = arith.constant 16 : i32
        %parallel_loop3A_544 = arith.muli %parallel_loop3A_541, %parallel_loop3A_543 : i32
        %parallel_loop3A_545 = vector.broadcast %parallel_loop3A_544 : i32 to vector<16xi32>
        %parallel_loop3A_546 = arith.addi %parallel_loop3A_545, %iota3A : vector<16xi32>
        %parallel_loop3A_547 = vector.broadcast %reduce_max3A_324 : i32 to vector<16xi32>
        %parallel_loop3A_548 = arith.cmpi slt, %parallel_loop3A_546, %parallel_loop3A_547 : vector<16xi32>
        %parallel_loop3A_549 = arith.index_cast %parallel_loop3A_544 : i32 to index
        %parallel_loop3A_550 = tpu.vector_load %arg22[%parallel_loop3A_549] {strides = array<i32>} : memref<4096xi32, #tpu.memory_space<vmem>>, vector<16xi32>,
        %parallel_loop3A_551 = tpu.vector_load_idx %arg17[%parallel_loop3A_550] masked %parallel_loop3A_548 : memref<4096xf32, #tpu.memory_space<vmem>>[vector<16xi32>], vector<16xf32>, vector<16xi1>
        %parallel_loop3A_552 = vector.bitcast %parallel_loop3A_551 : vector<16xf32> to vector<16xi32>
        %parallel_loop3A_553 = arith.constant 15 : i32
        %parallel_loop3A_554 = vector.broadcast %parallel_loop3A_553 : i32 to vector<16xi32>
        %parallel_loop3A_555 = arith.shrsi %parallel_loop3A_552, %parallel_loop3A_554 : vector<16xi32>
        %parallel_loop3A_556 = arith.cmpi sle, %parallel_loop3A_555, %add3A_491 : vector<16xi32>
        %parallel_loop3A_557 = arith.andi %parallel_loop3A_548, %parallel_loop3A_556 : vector<16xi1>
        %parallel_loop3A_558 = arith.extui %parallel_loop3A_557 : vector<16xi1> to vector<16xi32>
        %parallel_loop3A_559 = arith.constant true
        %parallel_loop3A_560 = vector.broadcast %parallel_loop3A_559 : i1 to vector<16xi1>
        %parallel_loop3A_561 = tpu.scan <sum>, %parallel_loop3A_558 masked %parallel_loop3A_560 : vector<16xi32>, vector<16xi1> -> vector<16xi32>
        %parallel_loop3A_562 = arith.addi %parallel_loop3A_542, %parallel_loop3A_561 : vector<16xi32>
        %parallel_loop3A_563 = arith.constant 1 : i32
        %parallel_loop3A_564 = vector.broadcast %parallel_loop3A_563 : i32 to vector<16xi32>
        %parallel_loop3A_565 = arith.subi %parallel_loop3A_562, %parallel_loop3A_564 : vector<16xi32>
        tpu.vector_store_idx %arg20[%parallel_loop3A_565], %parallel_loop3A_552 masked %parallel_loop3A_557 : memref<4096xi32, #tpu.memory_space<vmem>>[vector<16xi32>], vector<16xi32>, vector<16xi1>
        tpu.vector_store_idx %arg21[%parallel_loop3A_565], %parallel_loop3A_550 masked %parallel_loop3A_557 : memref<4096xi32, #tpu.memory_space<vmem>>[vector<16xi32>], vector<16xi32>, vector<16xi1>
        %parallel_loop3A_566 = tpu.all_reduce %parallel_loop3A_557 {dim = 0 : i64, kind = #tpu.reduction_kind<sum>} : vector<16xi1> -> vector<16xi32>
        %parallel_loop3A_567 = arith.addi %parallel_loop3A_542, %parallel_loop3A_566 : vector<16xi32>
        scf.yield %parallel_loop3A_567 : vector<16xi32>
      } {sc.loop_unroll_factor = 4 : i64, sc.parallel_access}
      %reduce_max3A_498 = arith.constant true
      %reduce_max3A_499 = vector.broadcast %reduce_max3A_498 : i1 to vector<16xi1>
      %reduce_max3A_500 = arith.constant -2147483648 : i32
      %reduce_max3A_501 = vector.broadcast %reduce_max3A_500 : i32 to vector<16xi32>
      %reduce_max3A_502 = arith.xori %parallel_loop3A_497, %reduce_max3A_501 : vector<16xi32>
      %reduce_max3A_503 = tpu.scan <max>, %reduce_max3A_502 masked %reduce_max3A_499 : vector<16xi32>, vector<16xi1> -> vector<16xi32>
      %reduce_max3A_504 = arith.xori %reduce_max3A_503, %reduce_max3A_501 : vector<16xi32>
      %reduce_max3A_505 = vector.extract %reduce_max3A_504[15] : i32 from vector<16xi32>
      %add3A_506 = arith.constant 15 : i32
      %add3A_507 = arith.addi %reduce_max3A_505, %add3A_506 : i32
      %jit3A_508 = arith.constant 16 : i32
      %div3A_509 = arith.divsi %add3A_507, %jit3A_508 : i32
      %sign3A_510 = arith.constant 0 : i32
      %sign3A_511 = arith.cmpi sgt, %add3A_507, %sign3A_510 : i32
      %sign3A_512 = arith.extui %sign3A_511 : i1 to i32
      %sign3A_513 = arith.constant 0 : i32
      %sign3A_514 = arith.cmpi slt, %add3A_507, %sign3A_513 : i32
      %sign3A_515 = arith.extui %sign3A_514 : i1 to i32
      %sign3A_516 = arith.subi %sign3A_512, %sign3A_515 : i32
      %sign3A_517 = arith.constant 0 : i32
      %sign3A_518 = arith.cmpi sgt, %jit3A_508, %sign3A_517 : i32
      %sign3A_519 = arith.extui %sign3A_518 : i1 to i32
      %sign3A_520 = arith.constant 0 : i32
      %sign3A_521 = arith.cmpi slt, %jit3A_508, %sign3A_520 : i32
      %sign3A_522 = arith.extui %sign3A_521 : i1 to i32
      %sign3A_523 = arith.subi %sign3A_519, %sign3A_522 : i32
      %ne3A_524 = arith.cmpi ne, %sign3A_516, %sign3A_523 : i32
      %rem3A_525 = arith.remsi %add3A_507, %jit3A_508 : i32
      %ne3A_526 = arith.constant 0 : i32
      %ne3A_527 = arith.cmpi ne, %rem3A_525, %ne3A_526 : i32
      %and3A_528 = arith.andi %ne3A_524, %ne3A_527 : i1
      %sub3A_529 = arith.constant 1 : i32
      %sub3A_530 = arith.subi %div3A_509, %sub3A_529 : i32
      %select_n3A_531 = arith.select %and3A_528, %sub3A_530, %div3A_509 : i32
      %while3A = arith.constant 0 : i32
      %while3A_532 = arith.constant 0 : i32
      %while3A_533 = arith.subi %select_n3A_531, %while3A_532 : i32
      %while3A_534 = arith.addi %while3A_532, %while3A_533 : i32
      %while3A_535 = arith.constant 1 : i32
      %while3A_536 = arith.divsi %while3A_533, %while3A_535 : i32
      %while3A_537 = arith.muli %while3A_536, %while3A_535 : i32
      %while3A_538 = arith.addi %while3A_532, %while3A_537 : i32
      %while3A_539 = arith.constant 1 : i32
      scf.for %while3A_541 = %while3A_532 to %while3A_538 step %while3A_539  : i32 {
        %mul3A_542 = arith.constant 16 : i32
        %mul3A_543 = arith.muli %while3A_541, %mul3A_542 : i32
        %get3A_544 = arith.index_cast %mul3A_543 : i32 to index
        %get3A_545 = tpu.vector_load %arg20[%get3A_544] {strides = array<i32>} : memref<4096xi32, #tpu.memory_space<vmem>>, vector<16xi32>,
        %get3A_546 = arith.index_cast %mul3A_543 : i32 to index
        %get3A_547 = tpu.vector_load %arg21[%get3A_546] {strides = array<i32>} : memref<4096xi32, #tpu.memory_space<vmem>>, vector<16xi32>,
        %add3A_548 = vector.broadcast %mul3A_543 : i32 to vector<16xi32>
        %add3A_549 = arith.addi %add3A_548, %iota3A : vector<16xi32>
        %lt3A = vector.broadcast %reduce_max3A_505 : i32 to vector<16xi32>
        %lt3A_550 = arith.cmpi slt, %add3A_549, %lt3A : vector<16xi32>
        %parallel_loop3A_551 = arith.constant 0 : i32
        %parallel_loop3A_552 = arith.constant 1 : i32
        %parallel_loop3A_553 = scf.for %parallel_loop3A_572 = %parallel_loop3A_551 to %reduce_max3A_505 step %parallel_loop3A_552 iter_args(%parallel_loop3A_573 = %broadcast_in_dim3A_21) -> (vector<16xi32>)  : i32 {
          %parallel_loop3A_574 = vector.broadcast %parallel_loop3A_572 : i32 to vector<16xi32>
          %parallel_loop3A_575 = tpu.vector_load_idx %arg20[%parallel_loop3A_574] : memref<4096xi32, #tpu.memory_space<vmem>>[vector<16xi32>], vector<16xi32>,
          %parallel_loop3A_576 = tpu.vector_load_idx %arg21[%parallel_loop3A_574] : memref<4096xi32, #tpu.memory_space<vmem>>[vector<16xi32>], vector<16xi32>,
          %parallel_loop3A_577 = arith.cmpi slt, %parallel_loop3A_575, %get3A_545 : vector<16xi32>
          %parallel_loop3A_578 = arith.cmpi eq, %parallel_loop3A_575, %get3A_545 : vector<16xi32>
          %parallel_loop3A_579 = arith.cmpi slt, %parallel_loop3A_576, %get3A_547 : vector<16xi32>
          %parallel_loop3A_580 = arith.andi %parallel_loop3A_578, %parallel_loop3A_579 : vector<16xi1>
          %parallel_loop3A_581 = arith.ori %parallel_loop3A_577, %parallel_loop3A_580 : vector<16xi1>
          %parallel_loop3A_582 = arith.extui %parallel_loop3A_581 : vector<16xi1> to vector<16xi32>
          %parallel_loop3A_583 = arith.addi %parallel_loop3A_573, %parallel_loop3A_582 : vector<16xi32>
          scf.yield %parallel_loop3A_583 : vector<16xi32>
        } {sc.loop_unroll_factor = 4 : i64, sc.parallel_access}
        %lt3A_554 = arith.constant 32 : i32
        %lt3A_555 = vector.broadcast %lt3A_554 : i32 to vector<16xi32>
        %lt3A_556 = arith.cmpi slt, %parallel_loop3A_553, %lt3A_555 : vector<16xi32>
        %and3A_557 = arith.andi %lt3A_550, %lt3A_556 : vector<16xi1>
        %gather3A_558 = tpu.vector_load_idx %arg10[%get3A_547] masked %and3A_557 : memref<4096xf32, #tpu.memory_space<vmem>>[vector<16xi32>], vector<16xf32>, vector<16xi1>
        %gather3A_559 = tpu.vector_load_idx %arg11[%get3A_547] masked %and3A_557 : memref<4096xf32, #tpu.memory_space<vmem>>[vector<16xi32>], vector<16xf32>, vector<16xi1>
        %gather3A_560 = tpu.vector_load_idx %arg12[%get3A_547] masked %and3A_557 : memref<4096xf32, #tpu.memory_space<vmem>>[vector<16xi32>], vector<16xf32>, vector<16xi1>
        %add3A_561 = arith.addi %parallel_loop3A_553, %parallel_loop3A_553 : vector<16xi32>
        %add3A_562 = arith.addi %add3A_561, %parallel_loop3A_553 : vector<16xi32>
        %sub3A_563 = arith.subf %gather3A_558, %gather3A_86 : vector<16xf32>
        tpu.vector_store_idx %arg23[%broadcast_in_dim3A_85, %add3A_562], %sub3A_563 masked %and3A_557 : memref<64x96xf32, #tpu.memory_space<vmem>>[vector<16xi32>, vector<16xi32>], vector<16xf32>, vector<16xi1>
        %add3A_564 = arith.constant 1 : i32
        %add3A_565 = vector.broadcast %add3A_564 : i32 to vector<16xi32>
        %add3A_566 = arith.addi %add3A_562, %add3A_565 : vector<16xi32>
        %sub3A_567 = arith.subf %gather3A_559, %gather3A_87 : vector<16xf32>
        tpu.vector_store_idx %arg23[%broadcast_in_dim3A_85, %add3A_566], %sub3A_567 masked %and3A_557 : memref<64x96xf32, #tpu.memory_space<vmem>>[vector<16xi32>, vector<16xi32>], vector<16xf32>, vector<16xi1>
        %add3A_568 = arith.constant 2 : i32
        %add3A_569 = vector.broadcast %add3A_568 : i32 to vector<16xi32>
        %add3A_570 = arith.addi %add3A_562, %add3A_569 : vector<16xi32>
        %sub3A_571 = arith.subf %gather3A_560, %gather3A_88 : vector<16xf32>
        tpu.vector_store_idx %arg23[%broadcast_in_dim3A_85, %add3A_570], %sub3A_571 masked %and3A_557 : memref<64x96xf32, #tpu.memory_space<vmem>>[vector<16xi32>, vector<16xi32>], vector<16xf32>, vector<16xi1>
      }
      %while3A_540 = arith.constant 1 : i32
      scf.for %while3A_541 = %while3A_538 to %while3A_534 step %while3A_540  : i32 {
        %mul3A_542 = arith.constant 16 : i32
        %mul3A_543 = arith.muli %while3A_541, %mul3A_542 : i32
        %get3A_544 = arith.index_cast %mul3A_543 : i32 to index
        %get3A_545 = tpu.vector_load %arg20[%get3A_544] {strides = array<i32>} : memref<4096xi32, #tpu.memory_space<vmem>>, vector<16xi32>,
        %get3A_546 = arith.index_cast %mul3A_543 : i32 to index
        %get3A_547 = tpu.vector_load %arg21[%get3A_546] {strides = array<i32>} : memref<4096xi32, #tpu.memory_space<vmem>>, vector<16xi32>,
        %add3A_548 = vector.broadcast %mul3A_543 : i32 to vector<16xi32>
        %add3A_549 = arith.addi %add3A_548, %iota3A : vector<16xi32>
        %lt3A = vector.broadcast %reduce_max3A_505 : i32 to vector<16xi32>
        %lt3A_550 = arith.cmpi slt, %add3A_549, %lt3A : vector<16xi32>
        %parallel_loop3A_551 = arith.constant 0 : i32
        %parallel_loop3A_552 = arith.constant 1 : i32
        %parallel_loop3A_553 = scf.for %parallel_loop3A_572 = %parallel_loop3A_551 to %reduce_max3A_505 step %parallel_loop3A_552 iter_args(%parallel_loop3A_573 = %broadcast_in_dim3A_21) -> (vector<16xi32>)  : i32 {
          %parallel_loop3A_574 = vector.broadcast %parallel_loop3A_572 : i32 to vector<16xi32>
          %parallel_loop3A_575 = tpu.vector_load_idx %arg20[%parallel_loop3A_574] : memref<4096xi32, #tpu.memory_space<vmem>>[vector<16xi32>], vector<16xi32>,
          %parallel_loop3A_576 = tpu.vector_load_idx %arg21[%parallel_loop3A_574] : memref<4096xi32, #tpu.memory_space<vmem>>[vector<16xi32>], vector<16xi32>,
          %parallel_loop3A_577 = arith.cmpi slt, %parallel_loop3A_575, %get3A_545 : vector<16xi32>
          %parallel_loop3A_578 = arith.cmpi eq, %parallel_loop3A_575, %get3A_545 : vector<16xi32>
          %parallel_loop3A_579 = arith.cmpi slt, %parallel_loop3A_576, %get3A_547 : vector<16xi32>
          %parallel_loop3A_580 = arith.andi %parallel_loop3A_578, %parallel_loop3A_579 : vector<16xi1>
          %parallel_loop3A_581 = arith.ori %parallel_loop3A_577, %parallel_loop3A_580 : vector<16xi1>
          %parallel_loop3A_582 = arith.extui %parallel_loop3A_581 : vector<16xi1> to vector<16xi32>
          %parallel_loop3A_583 = arith.addi %parallel_loop3A_573, %parallel_loop3A_582 : vector<16xi32>
          scf.yield %parallel_loop3A_583 : vector<16xi32>
        } {sc.loop_unroll_factor = 4 : i64, sc.parallel_access}
        %lt3A_554 = arith.constant 32 : i32
        %lt3A_555 = vector.broadcast %lt3A_554 : i32 to vector<16xi32>
        %lt3A_556 = arith.cmpi slt, %parallel_loop3A_553, %lt3A_555 : vector<16xi32>
        %and3A_557 = arith.andi %lt3A_550, %lt3A_556 : vector<16xi1>
        %gather3A_558 = tpu.vector_load_idx %arg10[%get3A_547] masked %and3A_557 : memref<4096xf32, #tpu.memory_space<vmem>>[vector<16xi32>], vector<16xf32>, vector<16xi1>
        %gather3A_559 = tpu.vector_load_idx %arg11[%get3A_547] masked %and3A_557 : memref<4096xf32, #tpu.memory_space<vmem>>[vector<16xi32>], vector<16xf32>, vector<16xi1>
        %gather3A_560 = tpu.vector_load_idx %arg12[%get3A_547] masked %and3A_557 : memref<4096xf32, #tpu.memory_space<vmem>>[vector<16xi32>], vector<16xf32>, vector<16xi1>
        %add3A_561 = arith.addi %parallel_loop3A_553, %parallel_loop3A_553 : vector<16xi32>
        %add3A_562 = arith.addi %add3A_561, %parallel_loop3A_553 : vector<16xi32>
        %sub3A_563 = arith.subf %gather3A_558, %gather3A_86 : vector<16xf32>
        tpu.vector_store_idx %arg23[%broadcast_in_dim3A_85, %add3A_562], %sub3A_563 masked %and3A_557 : memref<64x96xf32, #tpu.memory_space<vmem>>[vector<16xi32>, vector<16xi32>], vector<16xf32>, vector<16xi1>
        %add3A_564 = arith.constant 1 : i32
        %add3A_565 = vector.broadcast %add3A_564 : i32 to vector<16xi32>
        %add3A_566 = arith.addi %add3A_562, %add3A_565 : vector<16xi32>
        %sub3A_567 = arith.subf %gather3A_559, %gather3A_87 : vector<16xf32>
        tpu.vector_store_idx %arg23[%broadcast_in_dim3A_85, %add3A_566], %sub3A_567 masked %and3A_557 : memref<64x96xf32, #tpu.memory_space<vmem>>[vector<16xi32>, vector<16xi32>], vector<16xf32>, vector<16xi1>
        %add3A_568 = arith.constant 2 : i32
        %add3A_569 = vector.broadcast %add3A_568 : i32 to vector<16xi32>
        %add3A_570 = arith.addi %add3A_562, %add3A_569 : vector<16xi32>
        %sub3A_571 = arith.subf %gather3A_560, %gather3A_88 : vector<16xf32>
        tpu.vector_store_idx %arg23[%broadcast_in_dim3A_85, %add3A_570], %sub3A_571 masked %and3A_557 : memref<64x96xf32, #tpu.memory_space<vmem>>[vector<16xi32>, vector<16xi32>], vector<16xf32>, vector<16xi1>
      }
    }
    %scan3A_81 = arith.constant 64 : i32
    %mul3A_82 = arith.constant 64 : i32
    %mul3A_83 = arith.muli %add3A, %mul3A_82 : i32
    "tpu.region"() ({
      %run_scoped3A = tpu.sem_alloc : memref<!tpu.dma_semaphore, #tpu.memory_space<semaphore_mem>>
      %dma_start3A = arith.constant 0 : i32
      %dma_start3A_84 = tpu.memref_slice %arg9[%mul3A_83, %dma_start3A] : memref<2048x96xf32, #tpu.memory_space<hbm>> -> memref<64x96xf32, #tpu.memory_space<hbm>>
      %dma_start3A_85 = arith.constant 0 : i32
      %dma_start3A_86 = tpu.memref_slice %arg9[%mul3A_83, %dma_start3A_85] : memref<2048x96xf32, #tpu.memory_space<hbm>> -> memref<64x96xf32, #tpu.memory_space<hbm>>
      tpu.enqueue_dma source(%arg23 : memref<64x96xf32, #tpu.memory_space<vmem>>) target(%dma_start3A_86 : memref<64x96xf32, #tpu.memory_space<hbm>>) target_semaphore(%run_scoped3A : memref<!tpu.dma_semaphore, #tpu.memory_space<semaphore_mem>>)
      %dma_wait3A = arith.constant 0 : i32
      %dma_wait3A_87 = tpu.memref_slice %arg9[%mul3A_83, %dma_wait3A] : memref<2048x96xf32, #tpu.memory_space<hbm>> -> memref<64x96xf32, #tpu.memory_space<hbm>>
      %dma_wait3A_88 = arith.constant 0 : i32
      %dma_wait3A_89 = tpu.memref_slice %arg9[%mul3A_83, %dma_wait3A_88] : memref<2048x96xf32, #tpu.memory_space<hbm>> -> memref<64x96xf32, #tpu.memory_space<hbm>>
      tpu.wait_dma2 semaphore(%run_scoped3A : memref<!tpu.dma_semaphore, #tpu.memory_space<semaphore_mem>>) src(%arg23 : memref<64x96xf32, #tpu.memory_space<vmem>>) dst(%dma_wait3A_89 : memref<64x96xf32, #tpu.memory_space<hbm>>)
      tpu.yield
    }) : () -> ()
    return
  }
}

module attributes {stable_mosaic.version = 14 : i64} {
  func.func @_fps_kernel(%arg0: memref<8x4096xf32, #tpu.memory_space<vmem>>, %arg1: memref<8x4096xf32, #tpu.memory_space<vmem>>, %arg2: memref<8x4096xf32, #tpu.memory_space<vmem>>, %arg3: memref<8x256xi32, #tpu.memory_space<vmem>>) attributes {dimension_semantics = [], scalar_prefetch = 0 : i64, scratch_operands = 0 : i64, tpu.core_type = #tpu.core_type<tc>} {
    %get3A = arith.constant 0 : index
    %get3A_0 = arith.constant 0 : index
    %get3A_1 = vector.load %arg0[%get3A, %get3A_0] : memref<8x4096xf32, #tpu.memory_space<vmem>>, vector<8x4096xf32>
    %get3A_2 = arith.constant 0 : index
    %get3A_3 = arith.constant 0 : index
    %get3A_4 = vector.load %arg1[%get3A_2, %get3A_3] : memref<8x4096xf32, #tpu.memory_space<vmem>>, vector<8x4096xf32>
    %get3A_5 = arith.constant 0 : index
    %get3A_6 = arith.constant 0 : index
    %get3A_7 = vector.load %arg2[%get3A_5, %get3A_6] : memref<8x4096xf32, #tpu.memory_space<vmem>>, vector<8x4096xf32>
    %iota3A = tpu.iota {dimensions = array<i32: 1>} : vector<8x4096xi32>
    %iota3A_8 = tpu.iota {dimensions = array<i32: 1>} : vector<8x256xi32>
    %broadcast_in_dim3A = arith.constant 0 : i32
    %broadcast_in_dim3A_9 = vector.broadcast %broadcast_in_dim3A : i32 to vector<8x1xi32>
    %slice3A = vector.extract_strided_slice %get3A_1 {offsets = [0, 0], sizes = [8, 1], strides = [1, 1]} : vector<8x4096xf32> to vector<8x1xf32>
    %slice3A_10 = vector.extract_strided_slice %get3A_4 {offsets = [0, 0], sizes = [8, 1], strides = [1, 1]} : vector<8x4096xf32> to vector<8x1xf32>
    %slice3A_11 = vector.extract_strided_slice %get3A_7 {offsets = [0, 0], sizes = [8, 1], strides = [1, 1]} : vector<8x4096xf32> to vector<8x1xf32>
    %broadcast_in_dim3A_12 = arith.constant 1.000000e+10 : f32
    %broadcast_in_dim3A_13 = vector.broadcast %broadcast_in_dim3A_12 : f32 to vector<8x4096xf32>
    %scan3A = arith.constant 0 : i32
    %scan3A_14 = arith.constant 256 : i32
    %scan3A_15 = arith.addi %scan3A, %scan3A_14 : i32
    %scan3A_16 = arith.constant 1 : i32
    %scan3A_17:5 = scf.for %scan3A_19 = %scan3A to %scan3A_15 step %scan3A_16 iter_args(%scan3A_20 = %broadcast_in_dim3A_9, %scan3A_21 = %slice3A, %scan3A_22 = %slice3A_10, %scan3A_23 = %slice3A_11, %scan3A_24 = %broadcast_in_dim3A_13) -> (vector<8x1xi32>, vector<8x1xf32>, vector<8x1xf32>, vector<8x1xf32>, vector<8x4096xf32>)  : i32 {
      %eq3A = vector.broadcast %scan3A_19 : i32 to vector<8x256xi32>
      %eq3A_25 = arith.cmpi eq, %iota3A_8, %eq3A : vector<8x256xi32>
      %get3A_26 = arith.constant 0 : index
      %get3A_27 = arith.constant 0 : index
      %get3A_28 = vector.load %arg3[%get3A_26, %get3A_27] : memref<8x256xi32, #tpu.memory_space<vmem>>, vector<8x256xi32>
      %broadcast_in_dim3A_29 = vector.shape_cast %scan3A_20 : vector<8x1xi32> to vector<8x1xi32>
      %broadcast_in_dim3A_30 = vector.broadcast %broadcast_in_dim3A_29 : vector<8x1xi32> to vector<8x256xi32>
      %select_n3A = arith.select %eq3A_25, %broadcast_in_dim3A_30, %get3A_28 : vector<8x256xi1>, vector<8x256xi32>
      %swap3A = arith.constant 0 : index
      %swap3A_31 = arith.constant 0 : index
      %swap3A_32 = vector.load %arg3[%swap3A, %swap3A_31] : memref<8x256xi32, #tpu.memory_space<vmem>>, vector<8x256xi32>
      tpu.vector_store %arg3[%swap3A, %swap3A_31], %select_n3A {strides = array<i32>} : memref<8x256xi32, #tpu.memory_space<vmem>>, vector<8x256xi32>,
      %sub3A = vector.broadcast %scan3A_21 : vector<8x1xf32> to vector<8x4096xf32>
      %sub3A_33 = arith.subf %get3A_1, %sub3A : vector<8x4096xf32>
      %integer_pow3A = arith.mulf %sub3A_33, %sub3A_33 : vector<8x4096xf32>
      %sub3A_34 = vector.broadcast %scan3A_22 : vector<8x1xf32> to vector<8x4096xf32>
      %sub3A_35 = arith.subf %get3A_4, %sub3A_34 : vector<8x4096xf32>
      %integer_pow3A_36 = arith.mulf %sub3A_35, %sub3A_35 : vector<8x4096xf32>
      %add3A = arith.addf %integer_pow3A, %integer_pow3A_36 : vector<8x4096xf32>
      %sub3A_37 = vector.broadcast %scan3A_23 : vector<8x1xf32> to vector<8x4096xf32>
      %sub3A_38 = arith.subf %get3A_7, %sub3A_37 : vector<8x4096xf32>
      %integer_pow3A_39 = arith.mulf %sub3A_38, %sub3A_38 : vector<8x4096xf32>
      %add3A_40 = arith.addf %add3A, %integer_pow3A_39 : vector<8x4096xf32>
      %min3A = arith.minimumf %scan3A_24, %add3A_40 : vector<8x4096xf32>
      %argmax3A = tpu.reduce_index %min3A {axis = 1 : i32, kind = #tpu.reduction_kind<arg_max>} : vector<8x4096xf32> -> vector<8xi32>
      %broadcast_in_dim3A_41 = vector.shape_cast %argmax3A : vector<8xi32> to vector<8x1xi32>
      %eq3A_42 = vector.broadcast %broadcast_in_dim3A_41 : vector<8x1xi32> to vector<8x4096xi32>
      %eq3A_43 = arith.cmpi eq, %iota3A, %eq3A_42 : vector<8x4096xi32>
      %jit3A = arith.constant 0.000000e+00 : f32
      %broadcast_in_dim3A_44 = vector.broadcast %jit3A : f32 to vector<8x4096xf32>
      %select_n3A_45 = arith.select %eq3A_43, %get3A_1, %broadcast_in_dim3A_44 : vector<8x4096xi1>, vector<8x4096xf32>
      %reduce_sum3A = arith.constant dense<0.000000e+00> : vector<8xf32>
      %reduce_sum3A_46 = vector.multi_reduction <add>, %select_n3A_45, %reduce_sum3A [1] : vector<8x4096xf32> to vector<8xf32>
      %broadcast_in_dim3A_47 = vector.shape_cast %reduce_sum3A_46 : vector<8xf32> to vector<8x1xf32>
      %jit3A_48 = arith.constant 0.000000e+00 : f32
      %broadcast_in_dim3A_49 = vector.broadcast %jit3A_48 : f32 to vector<8x4096xf32>
      %select_n3A_50 = arith.select %eq3A_43, %get3A_4, %broadcast_in_dim3A_49 : vector<8x4096xi1>, vector<8x4096xf32>
      %reduce_sum3A_51 = arith.constant dense<0.000000e+00> : vector<8xf32>
      %reduce_sum3A_52 = vector.multi_reduction <add>, %select_n3A_50, %reduce_sum3A_51 [1] : vector<8x4096xf32> to vector<8xf32>
      %broadcast_in_dim3A_53 = vector.shape_cast %reduce_sum3A_52 : vector<8xf32> to vector<8x1xf32>
      %jit3A_54 = arith.constant 0.000000e+00 : f32
      %broadcast_in_dim3A_55 = vector.broadcast %jit3A_54 : f32 to vector<8x4096xf32>
      %select_n3A_56 = arith.select %eq3A_43, %get3A_7, %broadcast_in_dim3A_55 : vector<8x4096xi1>, vector<8x4096xf32>
      %reduce_sum3A_57 = arith.constant dense<0.000000e+00> : vector<8xf32>
      %reduce_sum3A_58 = vector.multi_reduction <add>, %select_n3A_56, %reduce_sum3A_57 [1] : vector<8x4096xf32> to vector<8xf32>
      %broadcast_in_dim3A_59 = vector.shape_cast %reduce_sum3A_58 : vector<8xf32> to vector<8x1xf32>
      scf.yield %broadcast_in_dim3A_41, %broadcast_in_dim3A_47, %broadcast_in_dim3A_53, %broadcast_in_dim3A_59, %min3A : vector<8x1xi32>, vector<8x1xf32>, vector<8x1xf32>, vector<8x1xf32>, vector<8x4096xf32>
    }
    %scan3A_18 = arith.constant 256 : i32
    return
  }
}

</mosaic_0001>

<sc_bundles>
// kernel: kernel.6.cloned.1.call-start
scs
__scs_entry_jumppad:
0x0: {  	(pc) =	sbr.rel $0x88, $3  }
0x1: {  	(tag) =	ssettag $0x0;
	lr =	simm.s32 $0x1  }
0x2: {  	[smem:$0x3F9F] =	sst lr;
	_ =	strace $0xD0000000  }
0x3: {  	_ = 	snop  }
0x4: {  	_ = 	snop  }
0x5: {  	_ = 	snop  }
0x6: {  	_ = 	snop  }
0x7: {  	_ = 	snop  }
__scs_overlays_trampoline_lowered:
0x8: {  	[smem:$0x3FAE] =	sst s0  }
0x9: {  	[smem:$0x3FAF] =	sst s1  }
0xa: {  	[smem:$0x3FB0] =	sst s2  }
0xb: {  	[smem:$0x3FB1] =	sst s3  }
0xc: {  	[smem:$0x3FB2] =	sst s4  }
0xd: {  	[smem:$0x3FB3] =	sst s5  }
0xe: {  	[smem:$0x3FB4] =	sst s6  }
0xf: {  	[smem:$0x3FB5] =	sst s7  }
0x10: {  	[smem:$0x3FB6] =	sst s8  }
0x11: {  	[smem:$0x3FB7] =	sst s9;
	s0 =	simm.s32 @!p0 $0x0  }
0x12: {  	s1 =	sld [smem:$0x3F9D];
	s0 =	simm.s32 @p0 $0x1  }
0x13: {  	[smem:$0x3FB8] =	sst s0;
	s0 =	simm.s32 @!p1 $0x0  }
0x14: {  	s2 =	sld [smem:$0x3F9C];
	s0 =	simm.s32 @p1 $0x1  }
0x15: {  	[smem:$0x3FB9] =	sst s0;
	s0 =	simm.s32 @!p2 $0x0  }
0x16: {  	s3 =	sld [smem:$0x3FDB];
	s0 =	simm.s32 @p2 $0x1  }
0x17: {  	s4 =	simm.s32 $0x1BF5;
	[smem:$0x3FBB] =	sst s0  }
0x18: {  	s0 =	sld [smem:$0x3F9E];
	_ =	swait.ge [sflag:s4], $0x0  }
0x19: {  	s7 =	sld [smem:$0x3F9F]  }
0x1a: {  	s8 =	sadd.s32 $0xFFFFE003, lr  }
0x1b: {  	s9 =	sadd.s32 $0xFFFFFEF7, lr;
	s5 =	simm.s32 $0xFFFFFFFF;
	p2 =	slt.u32 s8, $0xFFFFF086  }
0x1c: {  	p1 =	slt.u32 s9, $0xF7A;
	s5 =	simm.s32 @!p2 $0x0  }
0x1d: {  	s5 =	simm.s32 @p1 $0x1;
	p0 =	seq.s32 s7, s2  }
0x1e: {  	s7 =	smul.u32 @!p0 $0xF7A, s2;
	p2 =	seq.s32 @!p0 s5, $0x0  }
0x1f: {  	s9 =	smul.u32 $0xF7A, s1;
	s8 =	simm.s32 @!p0 $0x1BF5;
	p2 =	por !p2, p0  }
0x20: {  	[sflag:s8] =	ssyncset.s32 @!p0 $0xFFFFF086;
	s6 =	sadd.s32 @!p0 s3, s7;
	s7 =	simm.s32 @!p0 $0x108  }
0x21: {  	s3 =	sadd.s32 s3, s9;
	s6 =	sadd.s32 @!p0 $0x88, s6;
	s7 =	simm.s32 @p2 $0x1082  }
0x22: {  	[simem:s7], [sflag:s8] =	dma.local @!p0 [hbm:s6], $0xF7A  }
0x23: {  	s9 =	sor.u32 $0xD0000000, s2;
	s6 =	simm.s32 $0x108;
	_ =	swait.ge @!p0 [sflag:s8], $0x0  }
0x24: {  	s3 =	sadd.s32 $0x88, s3;
	s6 =	simm.s32 @!p1 $0x1082;
	[sflag:s4] =	ssyncset.s32 $0xFFFFF086  }
0x25: {  	[simem:s6], [sflag:s4] =	dma.local [hbm:s3], $0xF7A  }
0x26: {  	[smem:$0x3F9F] =	sst s1;
	(tag) =	ssettag s2;
	_ =	strace s9  }
0x27: {  	s1 =	sld [smem:$0x3FAF]  }
0x28: {  	s2 =	sld [smem:$0x3FB0]  }
0x29: {  	s4 =	sld [smem:$0x3FB2]  }
0x2a: {  	p0 =	seq.s32 s5, $0x0;
	s5 =	sld [smem:$0x3FB3]  }
0x2b: {  	s6 =	sld [smem:$0x3FB4]  }
0x2c: {  	s7 =	sld [smem:$0x3FB5]  }
0x2d: {  	s3 =	simm.s32 $0x108;
	s8 =	sld [smem:$0x3FB6]  }
0x2e: {  	s3 =	simm.s32 @!p0 $0x1082;
	s9 =	sld [smem:$0x3FB7]  }
0x2f: {  	lr =	sadd.s32 s0, s3;
	s0 =	sld [smem:$0x3FAE]  }
0x30: {  	s3 =	sld [smem:$0x3FB1]  }
0x31: {  	[smem:$0x3FBA] =	sst s10  }
0x32: {  	s10 =	sld [smem:$0x3FB8];
	_ =	sdelay $0x3  }
0x33: {  	p0 =	seq.s32 s10, $0x1;
	s10 =	sld [smem:$0x3FBA];
	_ =	sdelay $0x3  }
0x34: {  	[smem:$0x3FBA] =	sst s10  }
0x35: {  	s10 =	sld [smem:$0x3FB9];
	_ =	sdelay $0x3  }
0x36: {  	p1 =	seq.s32 s10, $0x1;
	s10 =	sld [smem:$0x3FBA];
	_ =	sdelay $0x3  }
0x37: {  	[smem:$0x3FBA] =	sst s10  }
0x38: {  	s10 =	sld [smem:$0x3FBB]  }
0x39: {  	_ = 	snop;
	(pc) =	sbr.ind lr, $3  }
0x3a: {  	_ = 	snop  }
0x3b: {  	_ = 	snop  }
0x3c: {  	p2 =	seq.s32 s10, $0x1;
	s10 =	sld [smem:$0x3FBA]  }
0x3d: {  	_ =	shalt  }
0x3e: {  	_ =	shalt  }
0x3f: {  	_ =	shalt  }
0x40: {  	_ =	shalt  }
0x41: {  	_ =	shalt  }
0x42: {  	_ =	shalt  }
0x43: {  	_ =	shalt  }
0x44: {  	_ =	shalt  }
0x45: {  	_ =	shalt  }
0x46: {  	_ =	shalt  }
0x47: {  	_ =	shalt  }
0x48: {  	_ =	shalt  }
0x49: {  	_ =	shalt  }
0x4a: {  	_ =	shalt  }
0x4b: {  	_ =	shalt  }
0x4c: {  	_ =	shalt  }
0x4d: {  	_ =	shalt  }
0x4e: {  	_ =	shalt  }
0x4f: {  	_ =	shalt  }
0x50: {  	_ =	shalt  }
0x51: {  	_ =	shalt  }
0x52: {  	_ =	shalt  }
0x53: {  	_ =	shalt  }
0x54: {  	_ =	shalt  }
0x55: {  	_ =	shalt  }
0x56: {  	_ =	shalt  }
0x57: {  	_ =	shalt  }
0x58: {  	_ =	shalt  }
0x59: {  	_ =	shalt  }
0x5a: {  	_ =	shalt  }
0x5b: {  	_ =	shalt  }
0x5c: {  	_ =	shalt  }
0x5d: {  	_ =	shalt  }
0x5e: {  	_ =	shalt  }
0x5f: {  	_ =	shalt  }
0x60: {  	_ =	shalt  }
0x61: {  	_ =	shalt  }
0x62: {  	_ =	shalt  }
0x63: {  	_ =	shalt  }
0x64: {  	_ =	shalt  }
0x65: {  	_ =	shalt  }
0x66: {  	_ =	shalt  }
0x67: {  	_ =	shalt  }
0x68: {  	_ =	shalt  }
0x69: {  	_ =	shalt  }
0x6a: {  	_ =	shalt  }
0x6b: {  	_ =	shalt  }
0x6c: {  	_ =	shalt  }
0x6d: {  	_ =	shalt  }
0x6e: {  	_ =	shalt  }
0x6f: {  	_ =	shalt  }
0x70: {  	_ =	shalt  }
0x71: {  	_ =	shalt  }
0x72: {  	_ =	shalt  }
0x73: {  	_ =	shalt  }
0x74: {  	_ =	shalt  }
0x75: {  	_ =	shalt  }
0x76: {  	_ =	shalt  }
0x77: {  	_ =	shalt  }
0x78: {  	_ =	shalt  }
0x79: {  	_ =	shalt  }
0x7a: {  	_ =	shalt  }
0x7b: {  	_ =	shalt  }
0x7c: {  	_ =	shalt  }
0x7d: {  	_ =	shalt  }
0x7e: {  	_ =	shalt  }
0x7f: {  	_ =	shalt  }
0x80: {  	_ =	shalt  }
0x81: {  	_ =	shalt  }
0x82: {  	_ =	shalt  }
0x83: {  	_ =	shalt  }
0x84: {  	_ =	shalt  }
0x85: {  	_ =	shalt  }
0x86: {  	_ =	shalt  }
0x87: {  	_ =	shalt  }
.Lfunc_end0:
.L_simem_size_0:
called_computation_lowered:
.L_overlay_start_0:
0x88: {  	s2 =	sld [smem:$0x3FD9]  }
0x89: {  	s3 =	sld [smem:$0x3FFE];
	_ =	sdelay $0x1  }
0x8a: {  	s1 =	srdreg.scid  }
0x8b: {  	s0 =	sand.u32 $0x1, s1  }
0x8c: {  	s15 =	sshll.u32 s0, $0xA;
	s2 =	sadd.s32 s3, s2  }
0x8d: {  	s2 =	sadd.s32 s2, s15  }
0x8e: {  	[smem:$0x3FC6] =	sst s2  }
0x8f: {  	_ = 	snop  }
0x90: {  	s2 =	sld [smem:$0x3FD0];
	_ =	sdelay $0x2  }
0x91: {  	s16 =	simm.s32 $0xB;
	s4 =	simm.s32 $0x10  }
0x92: {  	[smem:s4], [sflag:s16] =	dma.local [hbm:s2], $0x1  }
0x93: {  	_ =	swait.eq [sflag:s16], $0x1  }
0x94: {  	[sflag:s16] =	ssyncset.done $0x0  }
0x95: {  	[sflag:s16] =	ssyncadd.s32 $0xFFFFFFFF  }
0x96: {  	s17 =	sld [smem:$0x10];
	(tm) =	ssettm $0x1  }
0x97: {  	s18 =	sld [smem:$0x3FFB];
	_ =	sdelay $0x3  }
0x98: {  	_ =	strace s18  }
0x99: {  	s2 =	sld [smem:$0x3FFC];
	_ =	sdelay $0x3  }
0x9a: {  	_ =	strace s2  }
0x9b: {  	s2 =	sld [smem:$0x3FFD];
	_ =	sdelay $0x3  }
0x9c: {  	_ =	strace s2  }
0x9d: {  	_ =	strace $0x8FFFFFFF  }
0x9e: {  	s19 =	sld [smem:$0x3FDB];
	_ =	sdelay $0x1  }
0x9f: {  	s20 =	simm.s32 $_scs_section_size  }
0xa0: {  	s5 =	simm.s32 $_size__tile_overlayer_lowered;
	s6 =	simm.s32 $_tile_overlayer_lowered  }
0xa1: {  	s7 =	simm.s32 $0x1BFF;
	s21 =	sshll.u32 s6, $0x1;
	s4 =	sadd.s32 s20, s19  }
0xa2: {  	s22 =	simm.s32 $0x0;
	s5 =	sshll.u32 s5, $0x1;
	s6 =	sadd.s32 s21, s4  }
0xa3: {  	[timem:s22], [sflag:s7] =	dma.local [hbm:s6], s5  }
0xa4: {  	_ =	swait.ge [sflag:s7], s5  }
0xa5: {  	s5 =	ssub.s32 $0x0, s5;
	[sflag:s7] =	ssyncset.done $0x0  }
0xa6: {  	[sflag:s7] =	ssyncadd.s32 s5;
	_ =	sdelay $0x1  }
0xa7: {  	s23 =	simm.s32 $0x1B8B  }
0xa8: {  	_ =	swait.ge [sflag:s23], $0x1  }
0xa9: {  	[sflag:s23] =	ssyncset.done $0x0  }
0xaa: {  	[sflag:s23] =	ssyncadd.s32 $0xFFFFFFFF  }
0xab: {  	s5 =	sld [smem:$0x0]  }
0xac: {  	s6 =	sand.u32 $0xFFFFFFFE, s1  }
0xad: {  	p0 =	sne.s32 s1, s6  }
0xae: {  	s6 =	sshll.u32 @p0 s6, $0xE  }
0xaf: {  	s6 =	sadd.s32 @p0 $0x11B8D, s6;
	s7 =	sshll.u32 @p0 s5, $0x11  }
0xb0: {  	s6 =	sor.u32 @p0 s7, s6  }
0xb1: {  	[sflag:s6] =	ssyncadd.remote.s32 @p0 $0x1;
	_ =	sdelay $0x1  }
0xb2: {  	s6 =	simm.s32 @p0 $0x1B8D  }
0xb3: {  	_ =	swait.eq @p0 [sflag:s6], $0x1  }
0xb4: {  	[sflag:s6] =	ssyncadd.s32 @p0 $0xFFFFFFFF  }
0xb5: {  	s7 =	sshll.u32 @!p0 s1, $0xE  }
0xb6: {  	s7 =	sor.u32 @!p0 $0x4000, s7;
	s6 =	simm.s32 @!p0 $0x1B8D  }
0xb7: {  	s5 =	sshll.u32 @!p0 s5, $0x11;
	s7 =	sadd.s32 @!p0 $0x11B8D, s7;
	_ =	swait.eq @!p0 [sflag:s6], $0x1  }
0xb8: {  	s5 =	sor.u32 @!p0 s5, s7;
	[sflag:s6] =	ssyncadd.s32 @!p0 $0xFFFFFFFF  }
0xb9: {  	s25 =	simm.s32 $0x1B8E;
	s24 =	sld [smem:$0x3FFE];
	[sflag:s5] =	ssyncadd.remote.s32 @!p0 $0x1  }
0xba: {  	s26 =	simm.s32 $execute0_lowered;
	[smem:$0x3FD2] =	sst s25  }
0xbb: {  	s6 =	sshll.u32 s26, $0x1;
	_ =	strace $0x80000049;
	[dreg:$0x1] =	wrdreg $0xFFFFFFFF  }
0xbc: {  	s28 =	simm.s32 $_size_execute0_lowered;
	s4 =	sadd.s32 s4, s6;
	[dreg:$0x0] =	wrdreg $0x0  }
0xbd: {  	s6 =	sshll.u32 s28, $0x1;
	[dreg:$0x2] =	wrdreg s4  }
0xbe: {  	[dreg:$0x3] =	wrdreg s6  }
0xbf: {  	[dreg:$0x4] =	wrdreg $0xC0  }
0xc0: {  	_ =	task [dreg:s22], $0x5FFFF  }
0xc1: {  	[dreg:$0x1] =	wrdreg $0xFFFFFFFF  }
0xc2: {  	[dreg:$0x0] =	wrdreg $0x60  }
0xc3: {  	[dreg:$0x2] =	wrdreg s24  }
0xc4: {  	[dreg:$0x3] =	wrdreg s17  }
0xc5: {  	[dreg:$0x4] =	wrdreg $0x9  }
0xc6: {  	_ =	task.clear_ibuf [dreg:s22], $0x5FFFF;
	_ =	strace $0x90000049  }
0xc7: {  	s29 =	simm.s32 $0x9;
	_ =	strace $0x8000004B  }
0xc8: {  	_ =	swait.ge [sflag:s29], $0x1  }
0xc9: {  	[sflag:s29] =	ssyncadd.s32 $0xFFFFFFFF  }
0xca: {  	_ =	strace $0x9000004B  }
0xcb: {  	_ =	sfence  }
0xcc: {  	s30 =	sld [smem:$0x0];
	_ =	sdelay $0x2  }
0xcd: {  	s31 =	sshll.u32 s1, $0xD;
	s1 =	sshrl.u32 s1, $0x2  }
0xce: {  	s4 =	sand.u32 $0x4000, s31;
	s1 =	sadd.s32 s1, s30  }
0xcf: {  	s0 =	sor.u32 s4, s0;
	s1 =	sshll.u32 s1, $0x11  }
0xd0: {  	s0 =	sor.u32 s1, s0  }
0xd1: {  	s0 =	sadd.s32 $0x8F2B, s0  }
0xd2: {  	[sflag:s0] =	ssyncadd.remote.s32 $0x1  }
0xd3: {  	_ =	sfence.sel $0xFFFF  }
0xd4: {  	[dreg:$0x0] =	wrdreg $0xFFFFFFFF;
	(pc) =	sbr.abs _section_cstart, $3  }
0xd5: {  	[dreg:$0x1] =	wrdreg $0xFFFFFFFF  }
0xd6: {  	_ =	task.clear_ibuf [dreg:s22], $0x2FFFF;
	_ =	strace $0x9FFFFFFF  }
0xd7: {  	(tm) =	ssettm $0x7FFFFFFF  }
tec
execute0_lowered:
.L_overlay_start_1:
0x0: {  	(tag) =	ssettag $0x1  }
0x1: {  	s0 =	rddreg [dreg:$0x0]  }
0x2: {  	s1 =	rddreg [dreg:$0x1];
	s2 =	simm.s32 $0x0  }
0x3: {  	s3 =	srdreg.scid;
	s5 =	stileid.u32;
	s12 =	simm.s32 $0x1  }
0x4: {  	s13 =	simm.s32 $0x1000;
	s14 =	simm.s32 $0x2000;
	s16 =	simm.s32 $0x3080  }
0x5: {  	s17 =	simm.s32 $0x3100;
	s18 =	simm.s32 $0x3180;
	s19 =	simm.s32 $0x4200  }
0x6: {  	s20 =	simm.s32 $0x4300;
	s21 =	simm.s32 $0x6380;
	s22 =	simm.s32 $0x3200  }
0x7: {  	s23 =	simm.s32 $0x4380;
	[smem:$0x7FF] =	sst s2;
	s3 =	sand.u32 $0x1, s3  }
0x8: {  	s4 =	sshll.u32 s5, $0x8;
	s5 =	sshll.u32 s5, $0x7;
	_ =	strace $0x8000004A  }
0x9: {  	s6 =	sshll.u32 s3, $0x6;
	s4 =	sand.u32 $0xE00, s4;
	s3 =	ssub.s32 $0x2, s3  }
0xa: {  	v0 =	vlaneseq.u32;
	s9 =	sor.u32 s6, s5;
	s24 =	sadd.s32 s4, s0;
	s26 =	sshrl.u32 s3, $0x1  }
0xb: {  	v1 =	vmul.u32 $0x10, v0;
	s25 =	sshrl.u32 s9, $0x3;
	s3 =	ssub.s32 s3, s26;
	s28 =	sadd.s32 $0x10200, s24  }
0xc: {  	v2 =	vimm.s32 $0x0;
	v3 =	vimm.s32 $0x1;
	s29 =	sadd.s32 $0xF200, s24;
	s30 =	sadd.s32 $0xE200, s24;
	s10 =	sshll.u32 s9, $0x4  }
.Ltmp0:
0xd: {  	v4 =	vor.u32 $0x1, v1;
	v5 =	vor.u32 $0x2, v1;
	v6 =	vor.u32 $0x3, v1;
	s24 =	simm.s32 $0x5380;
	[dreg:$0x3] =	wrdreg s28;
	(pc) =	sbr.rel .LBB2_1-.Ltmp0, $4  }
0xe: {  	v7 =	vor.u32 $0x4, v1;
	v8 =	vor.u32 $0x5, v1;
	v9 =	vor.u32 $0x6, v1;
	s26 =	simm.s32 $0x0;
	s0 =	sadd.s32 s25, s0;
	[dreg:$0x4] =	wrdreg s29  }
0xf: {  	v10 =	vor.u32 $0x7, v1;
	v11 =	vor.u32 $0x8, v1;
	v12 =	vor.u32 $0x9, v1;
	[dreg:$0x5] =	wrdreg s30;
	s10 =	sadd.s32 s1, s10;
	s11 =	smax.u32 s3, $0x1  }
0x10: {  	v13 =	vor.u32 $0xA, v1;
	v14 =	vor.u32 $0xB, v1;
	v15 =	vor.u32 $0xC, v1;
	s25 =	simm.s32 $0x7380;
	s31 =	sadd.s32 $0xE000, s0;
	s7 =	sadd.s32 $0x11200, s0  }
0x11: {  	v16 =	vor.u32 $0xD, v1;
	v17 =	vor.u32 $0xE, v1;
	v18 =	vor.u32 $0xF, v1;
	s8 =	sadd.s32 $0x11400, s0;
	s9 =	sadd.s32 $0x11600, s0;
	[dreg:$0x6] =	wrdreg s31  }
.LBB2_19:
0x12: {  	s26 =	sadd.s32 $0x1, s26  }
0x13: {  	p0 =	sne.s32 s26, s11  }
.Ltmp1:
0x14: {  	_ = 	snop;
	(pc) =	sbr.rel @!p0 .LBB2_20-.Ltmp1, $4  }
0x15: {  	[hbm4b:s10+s2] =	stream.linear.scatter [tilespmem:s25], [sflag:$0x1], $0x2000, $0x38;
	[tilespmem:$0x9380] =	vst v63  }
0x16: {  	_ =	swait.ge [sflag:s12], $0x2000  }
0x17: {  	[sflag:s12] =	ssyncset.done $0x0  }
0x18: {  	[sflag:s12] =	ssyncadd.s32 $0xFFFFE000  }
.LBB2_1:
0x19: {  	s0 =	rddreg [dreg:$0x3]  }
0x1a: {  	[tilespmem:s2], [sflag:$0x1] =	stream.linear.gather [hbm4b:s0+s2], $0x1000, $0x38;
	[tilespmem:$0x9380] =	vst v63  }
0x1b: {  	_ =	swait.ge [sflag:s12], $0x1000  }
0x1c: {  	[sflag:s12] =	ssyncset.done $0x0  }
0x1d: {  	s29 =	rddreg [dreg:$0x4];
	[sflag:s12] =	ssyncadd.s32 $0xFFFFF000  }
0x1e: {  	[tilespmem:s13], [sflag:$0x1] =	stream.linear.gather [hbm4b:s29+s2], $0x1000, $0x38;
	[tilespmem:$0x9380] =	vst v63  }
0x1f: {  	_ =	swait.ge [sflag:s12], $0x1000  }
0x20: {  	[sflag:s12] =	ssyncset.done $0x0  }
0x21: {  	s30 =	rddreg [dreg:$0x5];
	[sflag:s12] =	ssyncadd.s32 $0xFFFFF000  }
0x22: {  	[tilespmem:s14], [sflag:$0x1] =	stream.linear.gather [hbm4b:s30+s2], $0x1000, $0x38;
	[tilespmem:$0x9380] =	vst v63  }
0x23: {  	_ =	swait.ge [sflag:s12], $0x1000  }
0x24: {  	[sflag:s12] =	ssyncset.done $0x0  }
0x25: {  	s1 =	simm.s32 $0x3000;
	s31 =	rddreg [dreg:$0x6];
	[sflag:s12] =	ssyncadd.s32 $0xFFFFF000  }
0x26: {  	[tilespmem:s1], [sflag:$0x1] =	stream.linear.gather [hbm4b:s31+s2], $0x40, $0x38;
	[tilespmem:$0x9380] =	vst v63  }
0x27: {  	_ =	swait.ge [sflag:s12], $0x40  }
0x28: {  	[sflag:s12] =	ssyncset.done $0x0  }
0x29: {  	[sflag:s12] =	ssyncadd.s32 $0xFFFFFFC0  }
0x2a: {  	v19 =	vld [tilespmem:$0x3000];
	_ =	sdelay $0x7  }
0x2b: {  	v20 =	vld.idx.msk [tilespmem:v19+s2+$0x0], $0xffff;
	_ =	sdelay $0x4  }
0x2c: {  	[tilespmem:$0x3080] =	vst v20  }
0x2d: {  	v20 =	vld.idx.msk [tilespmem:v19+s13+$0x0], $0xffff;
	_ =	sdelay $0x3  }
0x2e: {  	v21 =	vld [tilespmem:$0x3010]  }
0x2f: {  	[tilespmem:$0x3100] =	vst v20  }
0x30: {  	v19 =	vld.idx.msk [tilespmem:v19+s14+$0x0], $0xffff;
	_ =	sdelay $0x4  }
0x31: {  	[tilespmem:$0x3180] =	vst v19  }
0x32: {  	v19 =	vld.idx.msk [tilespmem:v21+s2+$0x0], $0xffff;
	_ =	sdelay $0x4  }
0x33: {  	[tilespmem:$0x3090] =	vst v19  }
0x34: {  	v19 =	vld.idx.msk [tilespmem:v21+s13+$0x0], $0xffff;
	_ =	sdelay $0x3  }
0x35: {  	v20 =	vld [tilespmem:$0x3020]  }
0x36: {  	[tilespmem:$0x3110] =	vst v19  }
0x37: {  	v19 =	vld.idx.msk [tilespmem:v21+s14+$0x0], $0xffff;
	_ =	sdelay $0x4  }
0x38: {  	[tilespmem:$0x3190] =	vst v19  }
0x39: {  	v19 =	vld.idx.msk [tilespmem:v20+s2+$0x0], $0xffff;
	_ =	sdelay $0x4  }
0x3a: {  	[tilespmem:$0x30A0] =	vst v19  }
0x3b: {  	v19 =	vld.idx.msk [tilespmem:v20+s13+$0x0], $0xffff;
	_ =	sdelay $0x3  }
0x3c: {  	v63 =	vld [tilespmem:$0x3030]  }
0x3d: {  	[tilespmem:$0x3120] =	vst v19  }
0x3e: {  	v19 =	vld.idx.msk [tilespmem:v20+s14+$0x0], $0xffff;
	_ =	sdelay $0x4  }
0x3f: {  	[tilespmem:$0x31A0] =	vst v19  }
0x40: {  	v19 =	vld.idx.msk [tilespmem:v63+s2+$0x0], $0xffff;
	_ =	sdelay $0x4  }
0x41: {  	[tilespmem:$0x30B0] =	vst v19  }
0x42: {  	v19 =	vld.idx.msk [tilespmem:v63+s13+$0x0], $0xffff;
	_ =	sdelay $0x4  }
0x43: {  	[tilespmem:$0x3130] =	vst v19  }
0x44: {  	v19 =	vld.idx.msk [tilespmem:v63+s14+$0x0], $0xffff;
	_ =	sdelay $0x4  }
0x45: {  	[tilespmem:$0x31B0] =	vst v19  }
0x46: {  	[hbm4b:s7+s2] =	stream.linear.scatter [tilespmem:s16], [sflag:$0x1], $0x40, $0x38;
	[tilespmem:$0x9380] =	vst v63  }
0x47: {  	_ =	swait.ge [sflag:s12], $0x40  }
0x48: {  	[sflag:s12] =	ssyncset.done $0x0  }
0x49: {  	[sflag:s12] =	ssyncadd.s32 $0xFFFFFFC0  }
0x4a: {  	[hbm4b:s8+s2] =	stream.linear.scatter [tilespmem:s17], [sflag:$0x1], $0x40, $0x38;
	[tilespmem:$0x9380] =	vst v63  }
0x4b: {  	_ =	swait.ge [sflag:s12], $0x40  }
0x4c: {  	[sflag:s12] =	ssyncset.done $0x0  }
.Ltmp2:
0x4d: {  	[sflag:s12] =	ssyncadd.s32 $0xFFFFFFC0;
	(pc) =	sbr.rel .LBB2_2-.Ltmp2, $4  }
0x4e: {  	[hbm4b:s9+s2] =	stream.linear.scatter [tilespmem:s18], [sflag:$0x1], $0x40, $0x38;
	[tilespmem:$0x9380] =	vst v63  }
0x4f: {  	_ =	swait.ge [sflag:s12], $0x40  }
0x50: {  	[sflag:s12] =	ssyncset.done $0x0  }
0x51: {  	s28 =	simm.s32 $0x0;
	[sflag:s12] =	ssyncadd.s32 $0xFFFFFFC0  }
.LBB2_18:
0x52: {  	s28 =	sadd.s32 $0x1, s28  }
0x53: {  	p0 =	sne.s32 s28, $0x40  }
.Ltmp3:
0x54: {  	_ = 	snop;
	(pc) =	sbr.rel @!p0 .LBB2_19-.Ltmp3, $1  }
0x55: {  	_ =	sdelay $0x3  }
.LBB2_2:
0x56: {  	v22 =	vmov s28;
	_ =	sdelay $0x4  }
0x57: {  	v19 =	vld.idx.msk [tilespmem:v22+s16+$0x0], $0xffff  }
0x58: {  	v20 =	vld.idx.msk [tilespmem:v22+s17+$0x0], $0xffff  }
0x59: {  	v21 =	vld.idx.msk [tilespmem:v22+s18+$0x0], $0xffff;
	[tilespmem:$0x4200] =	vst v2  }
0x5a: {  	[tilespmem:$0x4210] =	vst v2  }
0x5b: {  	[tilespmem:$0x4220] =	vst v2  }
0x5c: {  	[tilespmem:$0x4230] =	vst v2  }
0x5d: {  	[tilespmem:$0x4240] =	vst v2  }
0x5e: {  	[tilespmem:$0x4250] =	vst v2  }
0x5f: {  	[tilespmem:$0x4260] =	vst v2  }
0x60: {  	[tilespmem:$0x4270] =	vst v2  }
0x61: {  	[tilespmem:$0x4280] =	vst v2  }
0x62: {  	[tilespmem:$0x4290] =	vst v2  }
0x63: {  	[tilespmem:$0x42A0] =	vst v2  }
0x64: {  	[tilespmem:$0x42B0] =	vst v2  }
0x65: {  	[tilespmem:$0x42C0] =	vst v2  }
0x66: {  	[tilespmem:$0x42D0] =	vst v2  }
0x67: {  	[tilespmem:$0x42E0] =	vst v2  }
0x68: {  	s0 =	simm.s32 $0x2040;
	[tilespmem:$0x42F0] =	vst v2  }
0x69: {  	v23 =	vld [tilespmem:s0+$0x20]  }
0x6a: {  	v24 =	vld [tilespmem:s0+$0xFFFFFFE0]  }
0x6b: {  	s1 =	simm.s32 $0x40;
	v25 =	vld [tilespmem:s0+$0xFFFFFFF0]  }
0x6c: {  	v26 =	vld [tilespmem:s1+$0x20]  }
0x6d: {  	s3 =	simm.s32 $0x1040;
	v27 =	vld [tilespmem:s0+$0xFFFFFFD0]  }
0x6e: {  	v28 =	vld [tilespmem:s3+$0xFFFFFFD0]  }
0x6f: {  	v29 =	vld [tilespmem:s3+$0xFFFFFFF0]  }
0x70: {  	v31 =	vld [tilespmem:s3+$0xFFFFFFE0]  }
0x71: {  	v32 =	vld [tilespmem:s0+$0xFFFFFFC0]  }
0x72: {  	v33 =	vld [tilespmem:s3+$0xFFFFFFC0]  }
0x73: {  	v34 =	vld [tilespmem:s1+$0xFFFFFFD0]  }
0x74: {  	v35 =	vld [tilespmem:s1+$0xFFFFFFE0]  }
0x75: {  	v36 =	vld [tilespmem:s1+$0xFFFFFFC0]  }
0x76: {  	v37 =	vld [tilespmem:s1+$0x0]  }
0x77: {  	v39 =	vld [tilespmem:s1+$0xFFFFFFF0];
	v24 =	vsub.f32 v21, v24;
	v25 =	vsub.f32 v21, v25  }
0x78: {  	v42 =	vld [tilespmem:s3+$0x20];
	v28 =	vsub.f32 v20, v28;
	v29 =	vsub.f32 v20, v29  }
0x79: {  	v40 =	vld [tilespmem:s3+$0x30];
	v23 =	vsub.f32 v21, v23;
	v33 =	vsub.f32 v20, v33  }
0x7a: {  	v30 =	vld [tilespmem:s3+$0x10];
	v35 =	vsub.f32 v19, v35;
	v34 =	vsub.f32 v19, v34  }
0x7b: {  	v43 =	vld [tilespmem:s3+$0x0];
	v31 =	vsub.f32 v20, v31;
	v36 =	vsub.f32 v19, v36  }
0x7c: {  	v38 =	vld [tilespmem:s0+$0x0];
	v27 =	vsub.f32 v21, v27;
	v32 =	vsub.f32 v21, v32  }
0x7d: {  	s29 =	simm.s32 $0x20C0;
	v44 =	vld [tilespmem:s0+$0x30];
	v37 =	vsub.f32 v19, v37;
	v62 =	vsub.f32 v20, v42  }
0x7e: {  	s6 =	simm.s32 $0x10C0;
	v63 =	vld [tilespmem:s29+$0xFFFFFFE0];
	v39 =	vsub.f32 v19, v39;
	v40 =	vsub.f32 v20, v40  }
0x7f: {  	v49 =	vld [tilespmem:s6+$0xFFFFFFF0];
	v26 =	vsub.f32 v19, v26;
	v30 =	vsub.f32 v20, v30;
	v28 =	vmul.f32 v28, v28  }
0x80: {  	v52 =	vld [tilespmem:s6+$0xFFFFFFE0];
	v43 =	vsub.f32 v20, v43;
	v33 =	vmul.f32 v33, v33;
	v34 =	vmul.f32 v34, v34  }
0x81: {  	v41 =	vld [tilespmem:s1+$0x30];
	v38 =	vsub.f32 v21, v38;
	v35 =	vmul.f32 v35, v35;
	v36 =	vmul.f32 v36, v36  }
0x82: {  	v60 =	vld [tilespmem:s1+$0x10];
	v53 =	vsub.f32 v21, v44;
	v27 =	vmul.f32 v27, v27;
	v31 =	vmul.f32 v31, v31  }
0x83: {  	v61 =	vld [tilespmem:s0+$0x10];
	v59 =	vsub.f32 v21, v63;
	v24 =	vmul.f32 v24, v24;
	v32 =	vmul.f32 v32, v32  }
0x84: {  	v47 =	vld [tilespmem:s29+$0xFFFFFFD0];
	v63 =	vsub.f32 v20, v49;
	v29 =	vmul.f32 v29, v29;
	v37 =	vmul.f32 v37, v37  }
0x85: {  	v48 =	vld [tilespmem:s6+$0xFFFFFFD0];
	v52 =	vsub.f32 v20, v52;
	v40 =	vmul.f32 v40, v40;
	v30 =	vmul.f32 v30, v30  }
0x86: {  	s5 =	simm.s32 $0xC0;
	v56 =	vld [tilespmem:s6+$0xFFFFFFC0];
	v26 =	vmul.f32 v26, v26;
	v23 =	vmul.f32 v23, v23;
	v28 =	vadd.f32 v28, v34  }
0x87: {  	v57 =	vld [tilespmem:s5+$0xFFFFFFD0];
	v54 =	vmul.f32 v38, v38;
	v33 =	vadd.f32 v33, v36;
	v34 =	vsub.f32 v19, v60  }
0x88: {  	v42 =	vld [tilespmem:s5+$0x20];
	v55 =	vmul.f32 v39, v39;
	v36 =	vsub.f32 v21, v61;
	v45 =	vadd.f32 v27, v28  }
0x89: {  	v25 =	vmul.f32 v25, v25;
	v60 =	vld [tilespmem:s5+$0xFFFFFFC0];
	v27 =	vadd.f32 v31, v35;
	v31 =	vsub.f32 v19, v41  }
0x8a: {  	v61 =	vsub.f32 v20, v48;
	v28 =	vld [tilespmem:s29+$0x20];
	v35 =	vmul.f32 v62, v62;
	v34 =	vmul.f32 v34, v34  }
0x8b: {  	v32 =	vadd.f32 v32, v33;
	v33 =	vld [tilespmem:s29+$0xFFFFFFC0];
	v24 =	vadd.f32 v24, v27;
	v31 =	vmul.f32 v31, v31  }
0x8c: {  	s15 =	simm.s32 $0x3240;
	v51 =	vmul.f32 v36, v36;
	v36 =	vld [tilespmem:s5+$0x10];
	v30 =	vadd.f32 v30, v34;
	v26 =	vadd.f32 v35, v26  }
0x8d: {  	v27 =	vld [tilespmem:s29+$0xFFFFFFF0];
	v46 =	vshra.s32 v24, $0x17;
	v31 =	vadd.f32 v40, v31;
	[tilespmem:s15+$0xFFFFFFE0] =	vst v24;
	v24 =	vmul.f32 v43, v43  }
0x8e: {  	v40 =	vld [tilespmem:s6+$0x10];
	v30 =	vadd.f32 v51, v30;
	v26 =	vadd.f32 v23, v26;
	v23 =	vmul.f32 v53, v53  }
0x8f: {  	v42 =	vsub.f32 v19, v42;
	[tilespmem:s15+$0xFFFFFFC0] =	vst v32;
	v43 =	vshra.s32 v32, $0x17;
	v51 =	vld [tilespmem:s5+$0xFFFFFFF0];
	v24 =	vadd.f32 v24, v37  }
0x90: {  	v50 =	vmul.f32 v61, v61;
	v35 =	vsub.f32 v19, v57;
	v53 =	vld [tilespmem:s6+$0x30];
	v31 =	vadd.f32 v23, v31;
	[tilespmem:s15+$0x10] =	vst v30  }
0x91: {  	v58 =	vshra.s32 v30, $0x17;
	[tilespmem:s15+$0x20] =	vst v26;
	v34 =	vadd.f32 v54, v24;
	v24 =	vadd.f32 v29, v55;
	v29 =	vld [tilespmem:s5+$0xFFFFFFE0]  }
0x92: {  	v35 =	vmul.f32 v35, v35;
	v49 =	vsub.f32 v21, v28;
	v62 =	vshra.s32 v26, $0x17;
	v55 =	vld [tilespmem:s5+$0x30];
	[tilespmem:s15+$0x30] =	vst v31  }
0x93: {  	v28 =	vsub.f32 v20, v56;
	v37 =	vmul.f32 v59, v59;
	[tilespmem:v46+s19+$0x0] =	vst.idx.add.s32.msk $0xffff, v3  }
0x94: {  	v26 =	vsub.f32 v21, v33;
	v23 =	vsub.f32 v21, v27;
	[tilespmem:v43+s19+$0x0] =	vst.idx.add.s32.msk $0xffff, v3;
	v30 =	vshra.s32 v34, $0x17  }
0x95: {  	v27 =	vld [tilespmem:s5+$0x0];
	v28 =	vmul.f32 v28, v28;
	v54 =	vsub.f32 v19, v60;
	v57 =	vshra.s32 v31, $0x17;
	[tilespmem:s15+$0x0] =	vst v34  }
0x96: {  	v25 =	vadd.f32 v25, v24;
	[tilespmem:v58+s19+$0x0] =	vst.idx.add.s32.msk $0xffff, v3;
	v29 =	vsub.f32 v19, v29  }
0x97: {  	v31 =	vmul.f32 v52, v52;
	v32 =	vsub.f32 v19, v51;
	[tilespmem:v62+s19+$0x0] =	vst.idx.add.s32.msk $0xffff, v3  }
0x98: {  	v59 =	vld [tilespmem:s6+$0x20];
	v44 =	vsub.f32 v20, v53;
	[tilespmem:s15+$0xFFFFFFF0] =	vst v25;
	v62 =	vsub.f32 v19, v55;
	v56 =	vmul.f32 v29, v29  }
0x99: {  	v61 =	vshra.s32 v25, $0x17;
	v29 =	vsub.f32 v21, v47;
	[tilespmem:v30+s19+$0x0] =	vst.idx.add.s32.msk $0xffff, v3;
	v30 =	vmul.f32 v54, v54  }
0x9a: {  	v58 =	vadd.f32 v50, v35;
	v60 =	vsub.f32 v19, v27;
	v25 =	vshra.s32 v45, $0x17;
	[tilespmem:v57+s19+$0x0] =	vst.idx.add.s32.msk $0xffff, v3  }
0x9b: {  	v35 =	vld [tilespmem:s6+$0x0];
	v34 =	vmul.f32 v62, v62;
	v27 =	vmul.f32 v29, v29;
	v28 =	vadd.f32 v28, v30  }
0x9c: {  	v24 =	vld [tilespmem:s29+$0x0];
	v29 =	vmul.f32 v26, v26;
	v30 =	vmul.f32 v60, v60;
	v41 =	vadd.f32 v31, v56  }
0x9d: {  	[tilespmem:s15+$0xFFFFFFD0] =	vst v45;
	v33 =	vld [tilespmem:s29+$0x30];
	v26 =	vadd.f32 v27, v58;
	v27 =	vmul.f32 v63, v63;
	v63 =	vsub.f32 v20, v59  }
0x9e: {  	s30 =	simm.s32 $0x140;
	s15 =	simm.s32 $0x32C0;
	v31 =	vmul.f32 v49, v49;
	[tilespmem:v61+s19+$0x0] =	vst.idx.add.s32.msk $0xffff, v3;
	v37 =	vadd.f32 v37, v41  }
0x9f: {  	s31 =	simm.s32 $0x1140;
	s1 =	simm.s32 $0x8;
	s0 =	simm.s32 $0x32C0;
	v39 =	vld [tilespmem:s29+$0x10];
	v41 =	vsub.f32 v20, v40;
	v40 =	vmul.f32 v44, v44;
	v38 =	vmul.f32 v63, v63;
	[tilespmem:s15+$0xFFFFFFD0] =	vst v26  }
.LBB2_3:
0xa0: {  	s1 =	sadd.s32 $0x8, s1;
	v35 =	vsub.f32 v20, v35;
	v42 =	vmul.f32 v42, v42;
	s29 =	sadd.s32 $0x80, s29;
	s15 =	sadd.s32 $0x80, s15;
	[tilespmem:v25+s19+$0x0] =	vst.idx.add.s32.msk $0xffff, v3  }
0xa1: {  	v24 =	vsub.f32 v21, v24;
	v43 =	vld [tilespmem:s29+$0x20];
	p0 =	slt.u32 s1, $0xF8;
	[tilespmem:s0+$0xFFFFFFE0] =	vst v37;
	v41 =	vmul.f32 v41, v41;
	v34 =	vadd.f32 v40, v34  }
0xa2: {  	v33 =	vsub.f32 v21, v33;
	v40 =	vld [tilespmem:s29+$0xFFFFFFE0];
	v25 =	vmul.f32 v35, v35;
	v35 =	vadd.f32 v38, v42  }
0xa3: {  	v28 =	vadd.f32 v29, v28;
	v29 =	vshra.s32 v37, $0x17;
	v36 =	vsub.f32 v19, v36;
	v38 =	vld [tilespmem:s29+$0xFFFFFFF0]  }
0xa4: {  	v24 =	vmul.f32 v24, v24;
	v37 =	vld [tilespmem:s30+$0x20];
	v30 =	vadd.f32 v25, v30;
	v39 =	vsub.f32 v21, v39  }
0xa5: {  	v32 =	vmul.f32 v32, v32;
	v36 =	vmul.f32 v36, v36;
	v31 =	vadd.f32 v31, v35;
	v42 =	vld [tilespmem:s29+$0xFFFFFFD0];
	[tilespmem:s0+$0xFFFFFFC0] =	vst v28  }
0xa6: {  	v25 =	vshra.s32 v26, $0x17;
	v26 =	vmul.f32 v33, v33;
	v35 =	vld [tilespmem:s31+$0xFFFFFFD0];
	v24 =	vadd.f32 v24, v30  }
0xa7: {  	v36 =	vadd.f32 v41, v36;
	v39 =	vmul.f32 v39, v39;
	v30 =	vsub.f32 v21, v40;
	v33 =	vld [tilespmem:s31+$0xFFFFFFF0];
	[tilespmem:s0+$0x20] =	vst v31  }
0xa8: {  	v27 =	vadd.f32 v27, v32;
	v32 =	vmul.f32 v23, v23;
	v26 =	vadd.f32 v26, v34;
	v40 =	vld [tilespmem:s31+$0x10]  }
0xa9: {  	v23 =	vsub.f32 v21, v38;
	v36 =	vadd.f32 v39, v36;
	v34 =	vld [tilespmem:s31+$0xFFFFFFE0]  }
0xaa: {  	v27 =	vadd.f32 v32, v27;
	[tilespmem:v29+s19+$0x0] =	vst.idx.add.s32.msk $0xffff, v3  }
0xab: {  	v29 =	vld [tilespmem:s29+$0xFFFFFFC0];
	[tilespmem:s0+$0x10] =	vst v36  }
0xac: {  	v32 =	vld [tilespmem:s31+$0xFFFFFFC0];
	[tilespmem:s0+$0x0] =	vst v24  }
0xad: {  	v36 =	vshra.s32 v36, $0x17;
	v38 =	vld [tilespmem:s30+$0xFFFFFFD0];
	[tilespmem:s0+$0x30] =	vst v26  }
0xae: {  	v41 =	vshra.s32 v24, $0x17;
	v39 =	vld [tilespmem:s30+$0xFFFFFFE0];
	[tilespmem:s0+$0xFFFFFFF0] =	vst v27;
	s0 =	smov.u32 s15  }
0xaf: {  	v45 =	vshra.s32 v28, $0x17;
	v28 =	vshra.s32 v31, $0x17;
	v44 =	vld [tilespmem:s30+$0xFFFFFFC0]  }
0xb0: {  	v31 =	vld [tilespmem:s30+$0x0]  }
0xb1: {  	v35 =	vsub.f32 v20, v35;
	v24 =	vld [tilespmem:s29+$0x0]  }
0xb2: {  	v43 =	vsub.f32 v21, v43;
	v33 =	vsub.f32 v20, v33;
	[tilespmem:v36+s19+$0x0] =	vst.idx.add.s32.msk $0xffff, v3  }
0xb3: {  	v35 =	vmul.f32 v35, v35;
	v32 =	vsub.f32 v20, v32;
	v36 =	vsub.f32 v19, v39;
	v39 =	vld [tilespmem:s30+$0xFFFFFFF0]  }
0xb4: {  	v46 =	vmul.f32 v30, v30;
	v34 =	vsub.f32 v20, v34;
	v38 =	vsub.f32 v19, v38;
	v47 =	vld [tilespmem:s31+$0x30]  }
0xb5: {  	v32 =	vmul.f32 v32, v32;
	v30 =	vsub.f32 v19, v44;
	v36 =	vmul.f32 v36, v36;
	v44 =	vld [tilespmem:s30+$0x30]  }
0xb6: {  	v42 =	vsub.f32 v21, v42;
	v38 =	vmul.f32 v38, v38;
	[tilespmem:v41+s19+$0x0] =	vst.idx.add.s32.msk $0xffff, v3;
	v41 =	vshra.s32 v26, $0x17  }
0xb7: {  	v26 =	vsub.f32 v21, v29;
	v29 =	vmul.f32 v30, v30;
	v30 =	vsub.f32 v19, v31;
	v31 =	vld [tilespmem:s31+$0x20]  }
0xb8: {  	v35 =	vadd.f32 v35, v38;
	v38 =	vmul.f32 v42, v42;
	[tilespmem:v28+s19+$0x0] =	vst.idx.add.s32.msk $0xffff, v3  }
0xb9: {  	v28 =	vadd.f32 v32, v29;
	v29 =	vmul.f32 v26, v26;
	[tilespmem:v45+s19+$0x0] =	vst.idx.add.s32.msk $0xffff, v3;
	v45 =	vshra.s32 v27, $0x17  }
0xba: {  	v26 =	vadd.f32 v38, v35;
	v32 =	vmul.f32 v34, v34;
	v27 =	vmul.f32 v33, v33;
	v35 =	vld [tilespmem:s31+$0x0]  }
.Ltmp4:
0xbb: {  	v30 =	vmul.f32 v30, v30;
	v34 =	vsub.f32 v19, v44;
	[tilespmem:v41+s19+$0x0] =	vst.idx.add.s32.msk $0xffff, v3;
	(pc) =	sbr.rel @p0 .LBB2_3-.Ltmp4, $4  }
0xbc: {  	v41 =	vadd.f32 v32, v36;
	[tilespmem:s15+$0xFFFFFFD0] =	vst v26;
	v38 =	vsub.f32 v20, v31;
	v31 =	vmul.f32 v43, v43;
	v33 =	vld [tilespmem:s29+$0x30]  }
0xbd: {  	v32 =	vsub.f32 v19, v39;
	v43 =	vsub.f32 v20, v47;
	v34 =	vmul.f32 v34, v34;
	v36 =	vld [tilespmem:s30+$0x10]  }
0xbe: {  	v42 =	vsub.f32 v19, v37;
	v38 =	vmul.f32 v38, v38;
	[tilespmem:v45+s19+$0x0] =	vst.idx.add.s32.msk $0xffff, v3  }
0xbf: {  	s31 =	sadd.s32 $0x80, s31;
	v37 =	vadd.f32 v46, v41;
	v41 =	vsub.f32 v20, v40;
	s30 =	sadd.s32 $0x80, s30;
	v40 =	vmul.f32 v43, v43;
	v39 =	vld [tilespmem:s29+$0x10]  }
0xc0: {  	_ =	sdelay $0x1  }
0xc1: {  	v35 =	vsub.f32 v20, v35;
	v42 =	vmul.f32 v42, v42;
	v36 =	vsub.f32 v19, v36  }
0xc2: {  	v24 =	vsub.f32 v21, v24;
	v28 =	vadd.f32 v29, v28;
	v26 =	vshra.s32 v26, $0x17  }
0xc3: {  	v41 =	vmul.f32 v41, v41;
	v39 =	vsub.f32 v21, v39;
	v36 =	vmul.f32 v36, v36  }
0xc4: {  	[tilespmem:v25+s19+$0x0] =	vst.idx.add.s32.msk $0xffff, v3;
	v49 =	vshra.s32 v37, $0x17;
	v35 =	vmul.f32 v35, v35;
	v25 =	vadd.f32 v38, v42  }
0xc5: {  	v33 =	vsub.f32 v21, v33;
	[tilespmem:s0+$0xFFFFFFE0] =	vst v37;
	v29 =	vadd.f32 v41, v36;
	v50 =	vmul.f32 v39, v39  }
0xc6: {  	v24 =	vmul.f32 v24, v24;
	[tilespmem:s0+$0xFFFFFFC0] =	vst v28;
	v30 =	vadd.f32 v35, v30;
	v25 =	vadd.f32 v31, v25  }
0xc7: {  	v31 =	vmul.f32 v32, v32;
	[tilespmem:v26+s19+$0x0] =	vst.idx.add.s32.msk $0xffff, v3;
	v29 =	vadd.f32 v50, v29  }
0xc8: {  	v51 =	vadd.f32 v40, v34;
	v24 =	vadd.f32 v24, v30;
	v30 =	vmul.f32 v33, v33;
	[tilespmem:s0+$0x20] =	vst v25  }
0xc9: {  	v23 =	vmul.f32 v23, v23;
	v27 =	vadd.f32 v27, v31;
	[tilespmem:v49+s19+$0x0] =	vst.idx.add.s32.msk $0xffff, v3;
	v31 =	vshra.s32 v29, $0x17  }
0xca: {  	v30 =	vadd.f32 v30, v51;
	[tilespmem:s0+$0x10] =	vst v29;
	v29 =	vshra.s32 v24, $0x17  }
0xcb: {  	v23 =	vadd.f32 v23, v27;
	[tilespmem:s0+$0x0] =	vst v24;
	v24 =	vshra.s32 v25, $0x17  }
0xcc: {  	[tilespmem:s0+$0x30] =	vst v30;
	v25 =	vshra.s32 v28, $0x17  }
0xcd: {  	[tilespmem:s0+$0xFFFFFFF0] =	vst v23;
	v27 =	vshra.s32 v30, $0x17  }
0xce: {  	v23 =	vshra.s32 v23, $0x17;
	[tilespmem:v31+s19+$0x0] =	vst.idx.add.s32.msk $0xffff, v3  }
0xcf: {  	[tilespmem:v29+s19+$0x0] =	vst.idx.add.s32.msk $0xffff, v3  }
0xd0: {  	[tilespmem:v24+s19+$0x0] =	vst.idx.add.s32.msk $0xffff, v3  }
0xd1: {  	[tilespmem:v25+s19+$0x0] =	vst.idx.add.s32.msk $0xffff, v3  }
0xd2: {  	[tilespmem:v27+s19+$0x0] =	vst.idx.add.s32.msk $0xffff, v3  }
0xd3: {  	[tilespmem:v23+s19+$0x0] =	vst.idx.add.s32.msk $0xffff, v3  }
0xd4: {  	v23 =	vld.idx.msk [tilespmem:v1+s19+$0x0], $0xffff  }
0xd5: {  	v24 =	vld.idx.msk [tilespmem:v4+s19+$0x0], $0xffff  }
0xd6: {  	v25 =	vld.idx.msk [tilespmem:v5+s19+$0x0], $0xffff  }
0xd7: {  	v26 =	vld.idx.msk [tilespmem:v6+s19+$0x0], $0xffff  }
0xd8: {  	v27 =	vld.idx.msk [tilespmem:v7+s19+$0x0], $0xffff  }
0xd9: {  	v28 =	vld.idx.msk [tilespmem:v8+s19+$0x0], $0xffff  }
0xda: {  	v23 =	vadd.s32 v23, v24;
	v24 =	vld.idx.msk [tilespmem:v9+s19+$0x0], $0xffff  }
0xdb: {  	v23 =	vadd.s32 v25, v23;
	v25 =	vld.idx.msk [tilespmem:v10+s19+$0x0], $0xffff  }
0xdc: {  	v23 =	vadd.s32 v26, v23;
	v26 =	vld.idx.msk [tilespmem:v11+s19+$0x0], $0xffff  }
0xdd: {  	v23 =	vadd.s32 v27, v23;
	v27 =	vld.idx.msk [tilespmem:v12+s19+$0x0], $0xffff  }
0xde: {  	v23 =	vadd.s32 v28, v23;
	v28 =	vld.idx.msk [tilespmem:v13+s19+$0x0], $0xffff  }
0xdf: {  	v23 =	vadd.s32 v24, v23;
	v24 =	vld.idx.msk [tilespmem:v14+s19+$0x0], $0xffff  }
0xe0: {  	v23 =	vadd.s32 v25, v23;
	v25 =	vld.idx.msk [tilespmem:v15+s19+$0x0], $0xffff  }
0xe1: {  	v23 =	vadd.s32 v26, v23;
	v26 =	vld.idx.msk [tilespmem:v16+s19+$0x0], $0xffff  }
0xe2: {  	v23 =	vadd.s32 v27, v23;
	v27 =	vld.idx.msk [tilespmem:v17+s19+$0x0], $0xffff  }
0xe3: {  	v23 =	vadd.s32 v28, v23;
	v28 =	vld.idx.msk [tilespmem:v18+s19+$0x0], $0xffff  }
0xe4: {  	v23 =	vadd.s32 v24, v23  }
0xe5: {  	v23 =	vadd.s32 v25, v23  }
0xe6: {  	v23 =	vadd.s32 v26, v23  }
0xe7: {  	v23 =	vadd.s32 v27, v23  }
0xe8: {  	v23 =	vadd.s32 v28, v23  }
0xe9: {  	(xrf0) =	vadd.scan.msk.s32 $0xffff, v23;
	_ =	sdelay $0x5  }
0xea: {  	v24, _, _ =	vpop (xrf0)  }
0xeb: {  	vm0 =	vgt.s32 v24, $0x1F  }
0xec: {  	v25 =	vmctz.xlane vm0;
	_ =	sdelay $0x1  }
0xed: {  	v26 =	vshll.u32 v25, $0x4  }
0xee: {  	v27 =	vor.u32 v0, v26;
	_ =	sdelay $0x2  }
0xef: {  	v23 =	vsub.s32 v24, v23  }
0xf0: {  	[tilespmem:$0x4300] =	vst v23  }
0xf1: {  	v27 =	vld.idx.msk [tilespmem:v27+s19+$0x0], $0xffff;
	_ =	sdelay $0x4  }
0xf2: {  	(xrf0) =	vadd.scan.msk.s32 $0xffff, v27;
	_ =	sdelay $0x1  }
0xf3: {  	v23 =	vld.idx.msk [tilespmem:v25+s20+$0x0], $0xffff;
	_ =	sdelay $0x3  }
0xf4: {  	v24, _, _ =	vpop (xrf0)  }
0xf5: {  	v25 =	vadd.s32 v23, v24  }
0xf6: {  	vm0 =	vgt.s32 v25, $0x1F  }
0xf7: {  	v28 =	vmctz.xlane vm0;
	_ =	sdelay $0x4  }
0xf8: {  	[tilespmem:$0x4300] =	vst v24  }
0xf9: {  	v31 =	vimm.s32 $0x0;
	v24 =	vld.idx.msk [tilespmem:v28+s20+$0x0], $0xffff;
	[tilespmem:$0x4300] =	vst v27  }
0xfa: {  	v25 =	vld.idx.msk [tilespmem:v28+s20+$0x0], $0xffff;
	[tilespmem:$0x4200] =	vst v31  }
0xfb: {  	[tilespmem:$0x4210] =	vst v31  }
0xfc: {  	[tilespmem:$0x4220] =	vst v31  }
0xfd: {  	[tilespmem:$0x4230] =	vst v31  }
0xfe: {  	[tilespmem:$0x4240] =	vst v31  }
0xff: {  	[tilespmem:$0x4250] =	vst v31  }
0x100: {  	[tilespmem:$0x4260] =	vst v31  }
0x101: {  	[tilespmem:$0x4270] =	vst v31  }
0x102: {  	[tilespmem:$0x4280] =	vst v31  }
0x103: {  	[tilespmem:$0x4290] =	vst v31  }
0x104: {  	[tilespmem:$0x42A0] =	vst v31  }
0x105: {  	[tilespmem:$0x42B0] =	vst v31  }
0x106: {  	[tilespmem:$0x42C0] =	vst v31  }
0x107: {  	[tilespmem:$0x42D0] =	vst v31  }
0x108: {  	[tilespmem:$0x42E0] =	vst v31  }
0x109: {  	s30 =	simm.s32 $0x3220;
	[tilespmem:$0x42F0] =	vst v31  }
0x10a: {  	v27 =	vld [tilespmem:s30+$0xFFFFFFE0]  }
0x10b: {  	v29 =	vld [tilespmem:s30+$0x10]  }
0x10c: {  	v30 =	vld [tilespmem:s30+$0x0]  }
0x10d: {  	v52 =	vld [tilespmem:s30+$0xFFFFFFF0];
	_ =	sdelay $0x3  }
0x10e: {  	v26 =	vadd.s32 v26, v28;
	v28 =	vshra.s32 v27, $0x17  }
0x10f: {  	v53 =	vshra.s32 v29, $0x17;
	v54 =	vshra.s32 v30, $0x17;
	v57 =	vshra.s32 v52, $0x17  }
0x110: {  	s3 =	simm.s32 $0x10;
	v32 =	vshrl.u32 v52, $0xF;
	v63 =	vshrl.u32 v30, $0xF;
	v30 =	vshrl.u32 v27, $0xF  }
0x111: {  	v47 =	vshrl.u32 v29, $0xF;
	v52 =	vor.u32 s3, v0;
	vm1 =	vle.s32 v28, v26  }
0x112: {  	vm3 =	vle.s32 v53, v26;
	vm4 =	vle.s32 v54, v26;
	vm7 =	vle.s32 v57, v26  }
0x113: {  	s1 =	simm.s32 $0x3260;
	vm0 =	veq.s32 v57, v26;
	vm2 =	veq.s32 v54, v26;
	v56 =	vsel vm3, $0x1, v2  }
0x114: {  	v51 =	vld [tilespmem:s1+$0x0];
	vm5 =	veq.s32 v28, v26;
	v32 =	vand.u32 $0xFF, v32;
	v59 =	vsel vm4, $0x1, v2;
	(xrf0) =	vadd.scan.msk.s32 $0xffff, v56  }
0x115: {  	s15 =	simm.s32 $0x20;
	s31 =	simm.s32 $0x30;
	s0 =	simm.s32 $0x0;
	v43 =	vld [tilespmem:s1+$0xFFFFFFF0];
	vm6 =	veq.s32 v53, v26;
	v49 =	vand.u32 $0xFF, v30;
	v33 =	vand.u32 $0xFF, v47;
	(xrf0) =	vadd.scan.msk.s32 $0xffff, v59  }
0x116: {  	v27 =	vld [tilespmem:s1+$0xFFFFFFE0];
	v30 =	vor.u32 s0, v0;
	v53 =	vor.u32 s15, v0;
	v54 =	vor.u32 s31, v0  }
0x117: {  	v34 =	vand.u32 $0xFF, v63;
	v55 =	vmpcnt.ones.xlane vm1;
	v58 =	vsel vm1, $0x1, v2  }
0x118: {  	v29 =	vld [tilespmem:s1+$0x10];
	v60 =	vmpcnt.ones.xlane vm7;
	v61 =	vsel vm7, $0x1, v2;
	v62 =	vmpcnt.ones.xlane vm4  }
0x119: {  	vm1 =	vmmov vm1;
	vm8 =	vmmov vm4;
	vm7 =	vmmov vm7;
	(xrf0) =	vadd.scan.msk.s32 $0xffff, v61  }
0x11a: {  	v44 =	vmpcnt.ones.xlane vm3;
	v35 =	vadd.s32 v31, v55;
	v55 =	vshra.s32 v51, $0x17;
	v48, _, _ =	vpop (xrf0)  }
0x11b: {  	v59 =	vshra.s32 v43, $0x17;
	v28 =	vadd.s32 v35, v60;
	v45 =	vshra.s32 v27, $0x17;
	v50, _, _ =	vpop (xrf0);
	(xrf0) =	vadd.scan.msk.s32 $0xffff, v58  }
0x11c: {  	vm9 =	vle.s32 v59, v26;
	v36 =	vadd.s32 v28, v62;
	v28 =	vadd.s32 v50, v28  }
0x11d: {  	v47 =	vshra.s32 v29, $0x17;
	vm4 =	vle.s32 v45, v26;
	v61 =	vmpcnt.ones.xlane vm9  }
0x11e: {  	v62 =	vshrl.u32 v43, $0xF;
	[tilespmem:v32+s19+$0x0] =	vst.idx.add.s32.msk vm0, v3;
	v32 =	vsel vm4, $0x1, v2;
	v37 =	vadd.s32 v48, v36  }
0x11f: {  	[tilespmem:v33+s19+$0x0] =	vst.idx.add.s32.msk vm6, v3;
	vm0 =	vle.s32 v47, v26;
	v37 =	vadd.s32 $0xFFFFFFFF, v37;
	v40 =	vadd.s32 $0xFFFFFFFF, v28;
	v28, _, _ =	vpop (xrf0)  }
0x120: {  	v56 =	vmpcnt.ones.xlane vm4;
	vm6 =	vle.s32 v55, v26;
	[tilespmem:v49+s19+$0x0] =	vst.idx.add.s32.msk vm5, v3;
	v28 =	vadd.s32 v28, v35  }
0x121: {  	vm5 =	veq.s32 v59, v26;
	[tilespmem:v34+s19+$0x0] =	vst.idx.add.s32.msk vm2, v3;
	v57 =	vsel vm0, $0x1, v2;
	v46 =	vadd.s32 $0xFFFFFFFF, v28;
	v58, _, _ =	vpop (xrf0)  }
0x122: {  	vm2 =	veq.s32 v55, v26;
	v60 =	vsel vm6, $0x1, v2;
	(xrf0) =	vadd.scan.msk.s32 $0xffff, v57;
	v31 =	vadd.s32 v58, v31  }
0x123: {  	v34 =	vand.u32 $0xFF, v62;
	(xrf0) =	vadd.scan.msk.s32 $0xffff, v60;
	v28 =	vadd.s32 v36, v44;
	v36 =	vadd.s32 $0xFFFFFFFF, v31  }
0x124: {  	v63 =	vmpcnt.ones.xlane vm6;
	[tilespmem:v37+s21+$0x0] =	vst.idx.msk vm3, v54;
	v33 =	vadd.s32 v28, v56;
	v31 =	vsel vm9, $0x1, v2  }
0x125: {  	vm3 =	veq.s32 v45, v26;
	[tilespmem:v40+s21+$0x0] =	vst.idx.msk vm8, v53;
	v37 =	vadd.s32 v33, v61;
	(xrf0) =	vadd.scan.msk.s32 $0xffff, v31  }
0x126: {  	s1 =	simm.s32 $0x4;
	s15 =	simm.s32 $0x32A0;
	v35 =	vshrl.u32 v51, $0xF;
	vm8 =	veq.s32 v47, v26;
	v31 =	vadd.s32 v37, v63;
	[tilespmem:v46+s21+$0x0] =	vst.idx.msk vm7, v52  }
.LBB2_5:
0x127: {  	v38 =	vshrl.u32 v27, $0xF;
	v39 =	vshrl.u32 v29, $0xF  }
0x128: {  	s1 =	sadd.s32 $0x4, s1;
	v27 =	vld [tilespmem:s15+$0xFFFFFFE0];
	v40, _, _ =	vpop (xrf0);
	[tilespmem:v36+s21+$0x0] =	vst.idx.msk vm1, v30;
	s0 =	sadd.s32 $0x40, s0;
	vm1 =	vmmov vm4;
	vm10 =	vmmov vm6;
	vm7 =	vmmov vm9  }
0x129: {  	v29 =	vld [tilespmem:s15+$0x10];
	p0 =	slt.u32 s1, $0xFC;
	v36 =	vand.u32 $0xFF, v38;
	v38 =	vand.u32 $0xFF, v39;
	v39 =	vadd.s32 v40, v31;
	v40, _, _ =	vpop (xrf0)  }
0x12a: {  	v30 =	vor.u32 s0, v0;
	s3 =	sadd.s32 $0x10, s0;
	s29 =	sadd.s32 $0x20, s0;
	v41 =	vld [tilespmem:s15+$0x0];
	v37 =	vadd.s32 v40, v37;
	v39 =	vadd.s32 $0xFFFFFFFF, v39;
	(xrf0) =	vadd.scan.msk.s32 $0xffff, v32  }
0x12b: {  	v42 =	vor.u32 s3, v0;
	v44 =	vor.u32 s29, v0;
	s3 =	sadd.s32 $0x30, s0;
	v40 =	vld [tilespmem:s15+$0xFFFFFFF0];
	v43 =	vadd.s32 $0xFFFFFFFF, v37;
	v32, _, _ =	vpop (xrf0)  }
0x12c: {  	[tilespmem:v34+s19+$0x0] =	vst.idx.add.s32.msk vm5, v3;
	v32 =	vadd.s32 v32, v33;
	v33 =	vor.u32 s3, v0;
	v34 =	vmpcnt.ones.xlane vm0  }
0x12d: {  	v35 =	vand.u32 $0xFF, v35;
	v37 =	vshra.s32 v27, $0x17;
	v45 =	vadd.s32 $0xFFFFFFFF, v32  }
0x12e: {  	vm4 =	vle.s32 v37, v26;
	v46 =	vshra.s32 v29, $0x17;
	[tilespmem:v38+s19+$0x0] =	vst.idx.add.s32.msk vm8, v3;
	v31 =	vadd.s32 v31, v34  }
0x12f: {  	v32 =	vsel vm4, $0x1, v2;
	v34 =	vshra.s32 v41, $0x17;
	[tilespmem:v39+s21+$0x0] =	vst.idx.msk vm0, v33;
	vm0 =	vle.s32 v46, v26  }
0x130: {  	v33 =	vmpcnt.ones.xlane vm4;
	vm6 =	vle.s32 v34, v26;
	v38 =	vsel vm0, $0x1, v2;
	[tilespmem:v36+s19+$0x0] =	vst.idx.add.s32.msk vm3, v3;
	v36, _, _ =	vpop (xrf0)  }
0x131: {  	v39 =	vshra.s32 v40, $0x17;
	v47 =	vsel vm6, $0x1, v2;
	(xrf0) =	vadd.scan.msk.s32 $0xffff, v38;
	v36 =	vadd.s32 v36, v28;
	v28 =	vmovc v31  }
.Ltmp5:
0x132: {  	v33 =	vadd.s32 v31, v33;
	vm9 =	vle.s32 v39, v26;
	(xrf0) =	vadd.scan.msk.s32 $0xffff, v47;
	v36 =	vadd.s32 $0xFFFFFFFF, v36;
	(pc) =	sbr.rel @p0 .LBB2_5-.Ltmp5, $4  }
0x133: {  	vm5 =	veq.s32 v39, v26;
	v31 =	vsel vm9, $0x1, v2;
	v38 =	vmpcnt.ones.xlane vm9;
	[tilespmem:v35+s19+$0x0] =	vst.idx.add.s32.msk vm2, v3  }
0x134: {  	v39 =	vmpcnt.ones.xlane vm6;
	v35 =	vshrl.u32 v40, $0xF;
	vm2 =	veq.s32 v34, v26;
	(xrf0) =	vadd.scan.msk.s32 $0xffff, v31  }
0x135: {  	vm3 =	veq.s32 v37, v26;
	v34 =	vand.u32 $0xFF, v35;
	v37 =	vadd.s32 v33, v38;
	[tilespmem:v43+s21+$0x0] =	vst.idx.msk vm10, v44  }
0x136: {  	s15 =	sadd.s32 $0x40, s15;
	vm8 =	veq.s32 v46, v26;
	v35 =	vshrl.u32 v41, $0xF;
	v31 =	vadd.s32 v37, v39;
	[tilespmem:v45+s21+$0x0] =	vst.idx.msk vm7, v42  }
0x137: {  	(xrf0) =	vadd.scan.msk.s32 $0xffff, v32;
	_ =	sdelay $0x1  }
0x138: {  	v29 =	vshrl.u32 v29, $0xF;
	v35 =	vand.u32 $0xFF, v35  }
0x139: {  	v43, _, _ =	vpop (xrf0);
	v27 =	vshrl.u32 v27, $0xF;
	v29 =	vand.u32 $0xFF, v29  }
0x13a: {  	v32 =	vadd.s32 v43, v31;
	v27 =	vand.u32 $0xFF, v27;
	v38, _, _ =	vpop (xrf0)  }
0x13b: {  	[tilespmem:v36+s21+$0x0] =	vst.idx.msk vm1, v30;
	vm12 =	vmmov vm6;
	v32 =	vadd.s32 $0xFFFFFFFF, v32;
	v44 =	vadd.s32 v38, v37;
	v45, _, _ =	vpop (xrf0)  }
0x13c: {  	[tilespmem:v34+s19+$0x0] =	vst.idx.add.s32.msk vm5, v3;
	v30 =	vadd.s32 $0xFFFFFFFF, v44;
	v33 =	vadd.s32 v45, v33;
	v46, _, _ =	vpop (xrf0)  }
0x13d: {  	vm4 =	vmmov vm4;
	s0 =	sadd.s32 $0x40, s0;
	v33 =	vadd.s32 $0xFFFFFFFF, v33;
	[tilespmem:v35+s19+$0x0] =	vst.idx.add.s32.msk vm2, v3;
	v28 =	vadd.s32 v46, v28  }
0x13e: {  	s1 =	sadd.s32 $0x30, s0;
	[tilespmem:v29+s19+$0x0] =	vst.idx.add.s32.msk vm8, v3;
	v28 =	vadd.s32 $0xFFFFFFFF, v28  }
0x13f: {  	s6 =	sadd.s32 $0x20, s0;
	v47 =	vor.u32 s1, v0;
	[tilespmem:v27+s19+$0x0] =	vst.idx.add.s32.msk vm3, v3  }
0x140: {  	s3 =	sadd.s32 $0x10, s0;
	v27 =	vor.u32 s6, v0;
	[tilespmem:v32+s21+$0x0] =	vst.idx.msk vm0, v47  }
0x141: {  	v48 =	vor.u32 s3, v0;
	[tilespmem:v30+s21+$0x0] =	vst.idx.msk vm12, v27  }
0x142: {  	v27 =	vor.u32 s0, v0;
	[tilespmem:v33+s21+$0x0] =	vst.idx.msk vm9, v48  }
0x143: {  	[tilespmem:v28+s21+$0x0] =	vst.idx.msk vm4, v27  }
0x144: {  	v27 =	vld.idx.msk [tilespmem:v1+s19+$0x0], $0xffff  }
0x145: {  	v28 =	vld.idx.msk [tilespmem:v4+s19+$0x0], $0xffff  }
0x146: {  	v29 =	vld.idx.msk [tilespmem:v5+s19+$0x0], $0xffff  }
0x147: {  	v30 =	vld.idx.msk [tilespmem:v6+s19+$0x0], $0xffff  }
0x148: {  	v32 =	vld.idx.msk [tilespmem:v7+s19+$0x0], $0xffff  }
0x149: {  	v33 =	vld.idx.msk [tilespmem:v8+s19+$0x0], $0xffff  }
0x14a: {  	v49 =	vld.idx.msk [tilespmem:v9+s19+$0x0], $0xffff;
	v27 =	vadd.s32 v27, v28  }
0x14b: {  	v50 =	vld.idx.msk [tilespmem:v10+s19+$0x0], $0xffff;
	v27 =	vadd.s32 v29, v27  }
0x14c: {  	v51 =	vld.idx.msk [tilespmem:v11+s19+$0x0], $0xffff;
	v27 =	vadd.s32 v30, v27  }
0x14d: {  	v52 =	vld.idx.msk [tilespmem:v12+s19+$0x0], $0xffff;
	v27 =	vadd.s32 v32, v27  }
0x14e: {  	v53 =	vld.idx.msk [tilespmem:v13+s19+$0x0], $0xffff;
	v27 =	vadd.s32 v33, v27  }
0x14f: {  	v54 =	vld.idx.msk [tilespmem:v14+s19+$0x0], $0xffff;
	v27 =	vadd.s32 v49, v27  }
0x150: {  	v55 =	vld.idx.msk [tilespmem:v15+s19+$0x0], $0xffff;
	v27 =	vadd.s32 v50, v27  }
0x151: {  	v56 =	vld.idx.msk [tilespmem:v16+s19+$0x0], $0xffff;
	v27 =	vadd.s32 v51, v27  }
0x152: {  	v57 =	vld.idx.msk [tilespmem:v17+s19+$0x0], $0xffff;
	v27 =	vadd.s32 v52, v27  }
0x153: {  	v58 =	vld.idx.msk [tilespmem:v18+s19+$0x0], $0xffff;
	v27 =	vadd.s32 v53, v27  }
0x154: {  	v59 =	vmpcnt.ones.xlane vm0;
	v27 =	vadd.s32 v54, v27  }
0x155: {  	v27 =	vadd.s32 v55, v27  }
0x156: {  	v60 =	vadd.s32 v31, v59;
	v27 =	vadd.s32 v56, v27  }
0x157: {  	v28 =	vxor.u32 $0x80000000, v60;
	v27 =	vadd.s32 v57, v27  }
0x158: {  	(xrf0) =	vmax.scan.msk.u32 $0xffff, v28;
	v27 =	vadd.s32 v58, v27  }
0x159: {  	(xrf0) =	vadd.scan.msk.s32 $0xffff, v27;
	_ =	sdelay $0x3  }
0x15a: {  	v23 =	vadd.s32 v24, v23  }
0x15b: {  	v23 =	vsub.s32 v25, v23;
	v24, _, _ =	vpop (xrf0)  }
0x15c: {  	v23 =	vadd.s32 $0x20, v23;
	(v2sf) =	vpush v24, $0xF;
	v25, _, _ =	vpop (xrf0)  }
0x15d: {  	vm14 =	vge.s32 v25, v23  }
0x15e: {  	v61 =	vmctz.xlane vm14;
	_ =	sdelay $0x1  }
0x15f: {  	v24 =	vshll.u32 v61, $0x4  }
0x160: {  	v62 =	vor.u32 v0, v24;
	_ =	sdelay $0x2  }
0x161: {  	v25 =	vsub.s32 v25, v27  }
0x162: {  	[tilespmem:$0x4300] =	vst v25  }
0x163: {  	v25 =	vld.idx.msk [tilespmem:v62+s19+$0x0], $0xffff;
	_ =	sdelay $0x4  }
0x164: {  	s15 =	spop (v2sf);
	(xrf0) =	vadd.scan.msk.s32 $0xffff, v25  }
0x165: {  	s31 =	sadd.s32 $0x8000000F, s15  }
0x166: {  	s29 =	sshra.s32 s31, $0x4;
	v27 =	vld.idx.msk [tilespmem:v61+s20+$0x0], $0xffff  }
0x167: {  	s1 =	sshrl.u32 s29, $0x1E  }
0x168: {  	s1 =	sadd.s32 s1, s29  }
0x169: {  	s30 =	sand.u32 $0xFFFFFFFC, s1  }
0x16a: {  	p0 =	slt.s32 s30, $0x1;
	v63, _, _ =	vpop (xrf0)  }
.Ltmp6:
0x16b: {  	v27 =	vadd.s32 v27, v63;
	(pc) =	sbr.rel @p0 .LBB2_7-.Ltmp6, $4  }
0x16c: {  	vm15 =	vge.s32 v27, v23  }
0x16d: {  	v26 =	vshll.u32 v26, $0x8;
	v23 =	vmctz.xlane vm15  }
0x16e: {  	s0 =	sxor.u32 $0x80000000, s15;
	v24 =	vadd.s32 v26, v24  }
0x16f: {  	vm13 =	vmmov vm9;
	[tilespmem:$0x4300] =	vst v25;
	v23 =	vadd.s32 v23, v24;
	v24 =	vmov s0  }
0x170: {  	p2 =	sgt.s32 s30, $0x4  }
.Ltmp7:
0x171: {  	_ = 	snop;
	(pc) =	sbr.rel @!p2 .LBB2_22-.Ltmp7, $4  }
0x172: {  	_ = 	snop  }
0x173: {  	s31 =	simm.s32 $0x63A0  }
0x174: {  	s0 =	simm.s32 $0x0;
	v25 =	vld [tilespmem:s31+$0x0]  }
0x175: {  	v27 =	vimm.s32 $0x0;
	s15 =	simm.s32 $0x20;
	p0 =	por $0x0, $0x0;
	p1 =	por $0x0, $0x0;
	v26 =	vld [tilespmem:s31+$0xFFFFFFF0]  }
0x176: {  	v28 =	vor.u32 s15, v0  }
0x177: {  	vm0 =	vlt.s32 v28, v24;
	_ =	sdelay $0x2  }
0x178: {  	s1 =	simm.s32 $0x10  }
0x179: {  	v28 =	vld [tilespmem:s31+$0xFFFFFFE0];
	v29 =	vor.u32 s1, v0  }
0x17a: {  	v30 =	vor.u32 s0, v0;
	vm1 =	vlt.s32 v29, v24  }
0x17b: {  	vm3 =	vlt.s32 v30, v24;
	v32 =	vld.idx.msk [tilespmem:v25+s22+$0x0], vm0  }
0x17c: {  	p2 =	sgt.s32 s30, $0x8  }
.Ltmp8:
0x17d: {  	v29 =	vld [tilespmem:s31+$0x10];
	s31 =	simm.s32 $0x63E0;
	(pc) =	sbr.rel @!p2 .LBB2_24-.Ltmp8, $4  }
0x17e: {  	s15 =	simm.s32 $0x30;
	v38 =	vld [tilespmem:s31+$0x0]  }
0x17f: {  	v31 =	vor.u32 s15, v0;
	v36 =	vld [tilespmem:s31+$0xFFFFFFF0]  }
0x180: {  	vm2 =	vlt.s32 v31, v24;
	vm4 =	vmmov vm0;
	v33 =	vld.idx.msk [tilespmem:v26+s22+$0x0], vm1;
	v31 =	vshra.s32 v32, $0xF  }
0x181: {  	s0 =	simm.s32 $0x40;
	p0 =	por $0x1, $0x1;
	s15 =	simm.s32 $0x60;
	vm6 =	vmmov vm1;
	v30 =	vld.idx.msk [tilespmem:v28+s22+$0x0], vm3;
	vm3 =	vmmov vm3;
	vm8 =	vle.s32 v31, v23  }
0x182: {  	_ =	sdelay $0x1  }
0x183: {  	v31 =	vor.u32 s15, v0  }
0x184: {  	vm7 =	vlt.s32 v31, v24;
	v31 =	vshra.s32 v33, $0xF  }
0x185: {  	v35 =	vor.u32 s0, v0;
	vm0 =	vle.s32 v31, v23  }
0x186: {  	s6 =	simm.s32 $0x50;
	v34 =	vld.idx.msk [tilespmem:v29+s22+$0x0], vm2;
	vm1 =	vmand vm4, vm8;
	v37 =	vshra.s32 v30, $0xF;
	vm0 =	vmand vm6, vm0  }
0x187: {  	v31 =	vor.u32 s6, v0;
	vm5 =	vle.s32 v37, v23;
	v59 =	vsel vm0, $0x1, v2  }
0x188: {  	vm8 =	vlt.s32 v31, v24;
	v31 =	vsel vm1, $0x1, v2;
	vm5 =	vmand vm3, vm5;
	(xrf0) =	vadd.scan.msk.s32 $0xffff, v59  }
0x189: {  	v42 =	vld [tilespmem:s31+$0xFFFFFFE0];
	s15 =	simm.s32 $0x70;
	vm9 =	vlt.s32 v35, v24;
	v60 =	vsel vm5, $0x1, v2;
	(xrf0) =	vadd.scan.msk.s32 $0xffff, v31  }
0x18a: {  	v41 =	vmpcnt.ones.xlane vm1;
	vm6 =	vmmov vm2;
	v44 =	vld.idx.msk [tilespmem:v38+s22+$0x0], vm7;
	v31 =	vor.u32 s15, v0;
	(xrf0) =	vadd.scan.msk.s32 $0xffff, v60  }
0x18b: {  	v61 =	vmpcnt.ones.xlane vm5;
	vm2 =	vlt.s32 v31, v24;
	v31 =	vshra.s32 v34, $0xF  }
0x18c: {  	v40 =	vld [tilespmem:s31+$0x10];
	p2 =	sgt.s32 s30, $0xC;
	vm4 =	vmmov vm7;
	v43 =	vmpcnt.ones.xlane vm0;
	vm10 =	vle.s32 v31, v23  }
.Ltmp9:
0x18d: {  	s31 =	simm.s32 $0x6420;
	vm3 =	vmmov vm9;
	v37 =	vadd.s32 v27, v61;
	vm7 =	vmand vm6, vm10;
	(pc) =	sbr.rel @!p2 .LBB2_26-.Ltmp9, $4  }
0x18e: {  	v49 =	vld [tilespmem:s31+$0x0];
	v48 =	vadd.s32 v37, v43;
	vm6 =	vmmov vm8;
	v45 =	vsel vm7, $0x1, v2;
	v46, _, _ =	vpop (xrf0)  }
0x18f: {  	v53 =	vld [tilespmem:s31+$0xFFFFFFF0];
	v41 =	vadd.s32 v48, v41;
	v39 =	vmpcnt.ones.xlane vm7;
	v47 =	vshra.s32 v44, $0xF;
	(xrf0) =	vadd.scan.msk.s32 $0xffff, v45;
	v62, _, _ =	vpop (xrf0)  }
0x190: {  	s1 =	simm.s32 $0xC;
	v35 =	vld.idx.msk [tilespmem:v36+s22+$0x0], vm8;
	vm8 =	vle.s32 v47, v23;
	v46 =	vadd.s32 v46, v37;
	v43 =	vadd.s32 v62, v48;
	v63, _, _ =	vpop (xrf0)  }
0x191: {  	s0 =	simm.s32 $0x80;
	p1 =	por $0x1, $0x1;
	s15 =	simm.s32 $0xA0;
	v31 =	vld.idx.msk [tilespmem:v42+s22+$0x0], vm9;
	v37 =	vadd.s32 $0xFFFFFFFF, v46;
	v48 =	vmovc v40;
	v45 =	vadd.s32 v63, v27;
	v43 =	vadd.s32 $0xFFFFFFFF, v43  }
.LBB2_27:
0x192: {  	v46 =	vor.u32 s0, v0;
	v50 =	vor.u32 s15, v0;
	vm14 =	vmmov vm0  }
0x193: {  	s1 =	sadd.s32 $0x4, s1;
	v47 =	vld [tilespmem:s31+$0xFFFFFFE0];
	s3 =	sadd.s32 $0x10, s0;
	s15 =	sadd.s32 $0x30, s0;
	vm10 =	vmmov vm5;
	vm11 =	vmmov vm2;
	vm9 =	vmmov vm7  }
0x194: {  	p2 =	slt.s32 s1, s30;
	vm7 =	vlt.s32 v46, v24;
	v46 =	vor.u32 s3, v0;
	vm13 =	vlt.s32 v50, v24  }
0x195: {  	v50 =	vshra.s32 v35, $0xF;
	vm12 =	vlt.s32 v46, v24;
	v46 =	vor.u32 s15, v0;
	v51 =	vld.idx.msk [tilespmem:v40+s22+$0x0], vm2;
	v40, _, _ =	vpop (xrf0)  }
0x196: {  	v45 =	vadd.s32 $0xFFFFFFFF, v45;
	vm2 =	vle.s32 v50, v23;
	[tilespmem:v37+s23+$0x0] =	vst.idx.msk vm0, v33;
	v52 =	vadd.s32 v40, v41  }
0x197: {  	v40 =	vshra.s32 v31, $0xF;
	vm0 =	vmand vm6, vm2;
	v33 =	vmovc v35;
	[tilespmem:v43+s23+$0x0] =	vst.idx.msk vm1, v32;
	v50 =	vadd.s32 $0xFFFFFFFF, v52;
	v32 =	vmovc v44  }
0x198: {  	vm2 =	vle.s32 v40, v23;
	v35 =	vsel vm0, $0x1, v2;
	[tilespmem:v43+s24+$0x0] =	vst.idx.msk vm1, v25;
	vm1 =	vmand vm4, vm8;
	v25 =	vmovc v38  }
0x199: {  	vm5 =	vmand vm3, vm2;
	v38 =	vmovc v49;
	v40 =	vsel vm1, $0x1, v2;
	v52 =	vmpcnt.ones.xlane vm1;
	(xrf0) =	vadd.scan.msk.s32 $0xffff, v35  }
0x19a: {  	v35 =	vsel vm5, $0x1, v2;
	v43 =	vmpcnt.ones.xlane vm5;
	v44 =	vld.idx.msk [tilespmem:v49+s22+$0x0], vm13;
	(xrf0) =	vadd.scan.msk.s32 $0xffff, v40;
	[tilespmem:v37+s24+$0x0] =	vst.idx.msk vm14, v26;
	v26 =	vmovc v36  }
0x19b: {  	vm2 =	vlt.s32 v46, v24;
	vm3 =	vmmov vm7;
	v37 =	vshra.s32 v51, $0xF;
	v36 =	vmovc v53;
	v40 =	vld [tilespmem:s31+$0x10];
	(xrf0) =	vadd.scan.msk.s32 $0xffff, v35  }
0x19c: {  	vm4 =	vmmov vm13;
	vm6 =	vle.s32 v37, v23;
	v35 =	vld.idx.msk [tilespmem:v53+s22+$0x0], vm12;
	[tilespmem:v45+s23+$0x0] =	vst.idx.msk vm10, v30;
	v30 =	vmov v31  }
0x19d: {  	v31 =	vld.idx.msk [tilespmem:v47+s22+$0x0], vm7;
	vm7 =	vmand vm11, vm6;
	[tilespmem:v45+s24+$0x0] =	vst.idx.msk vm10, v28;
	v28 =	vmovc v42;
	v42 =	vmov v47;
	vm6 =	vmmov vm12  }
.Ltmp10:
0x19e: {  	v41 =	vadd.s32 v41, v39;
	v37 =	vmpcnt.ones.xlane vm0;
	v45 =	vsel vm7, $0x1, v2;
	[tilespmem:v50+s23+$0x0] =	vst.idx.msk vm9, v34;
	v34 =	vmovc v51;
	(pc) =	sbr.rel @p2 .LBB2_27-.Ltmp10, $4  }
0x19f: {  	v47 =	vadd.s32 v41, v43;
	v39 =	vmpcnt.ones.xlane vm7;
	v46, _, _ =	vpop (xrf0);
	(xrf0) =	vadd.scan.msk.s32 $0xffff, v45;
	[tilespmem:v50+s24+$0x0] =	vst.idx.msk vm9, v29  }
0x1a0: {  	s31 =	sadd.s32 $0x40, s31;
	v50 =	vshra.s32 v44, $0xF;
	v45 =	vadd.s32 v46, v47;
	v46 =	vadd.s32 v47, v37;
	v43, _, _ =	vpop (xrf0)  }
0x1a1: {  	s0 =	sadd.s32 $0x40, s0;
	vm8 =	vle.s32 v50, v23;
	v49 =	vld [tilespmem:s31+$0x0];
	v37 =	vadd.s32 $0xFFFFFFFF, v45;
	v47 =	vadd.s32 v43, v46;
	v43, _, _ =	vpop (xrf0)  }
0x1a2: {  	s15 =	sadd.s32 $0x20, s0;
	v29 =	vmovc v48;
	v48 =	vmovc v40;
	v53 =	vld [tilespmem:s31+$0xFFFFFFF0];
	v45 =	vadd.s32 v43, v41;
	v43 =	vadd.s32 $0xFFFFFFFF, v47;
	v41 =	vadd.s32 v46, v52  }
0x1a3: {  	_ =	sdelay $0x1  }
0x1a4: {  	v50 =	vmov v32;
	v52 =	vmov v25  }
0x1a5: {  	v51 =	vmovc v26;
	v47 =	vmovc v28;
	v46 =	vmov v29;
	v32 =	vmov v44;
	v44 =	vmov v38  }
0x1a6: {  	v28 =	vmovc v42;
	v29 =	vmovc v48;
	v25 =	vmov v49;
	v49 =	vmov v36;
	v26 =	vmov v53  }
.LBB2_29:
0x1a7: {  	v36 =	vor.u32 s15, v0  }
0x1a8: {  	v38 =	vor.u32 s0, v0;
	vm9 =	vmmov @p1 vm0;
	vm5 =	vmmov @p1 vm5  }
0x1a9: {  	vm12 =	vmmov @p0 vm2;
	s1 =	sadd.s32 $0x10, s0;
	v45 =	vadd.s32 @p1 $0xFFFFFFFF, v45;
	v32 =	vpsel p0, v32, v0  }
0x1aa: {  	s15 =	sadd.s32 $0x30, s0;
	vm11 =	vlt.s32 v36, v24;
	v36 =	vshra.s32 @p0 v35, $0xF;
	v55 =	vor.u32 s1, v0  }
0x1ab: {  	v56 =	vor.u32 s15, v0;
	vm10 =	vle.s32 @p0 v36, v23;
	v36 =	vshra.s32 @p0 v31, $0xF  }
0x1ac: {  	v35 =	vpsel p0, v35, v0;
	vm10 =	vmand @p0 vm6, vm10;
	vm13 =	vle.s32 @p0 v36, v23  }
0x1ad: {  	v40 =	vld.idx.msk @p0 [tilespmem:v40+s22+$0x0], vm2;
	vm6 =	vmand @p0 vm4, vm8;
	vm4 =	vmmov @p1 vm7;
	vm8 =	vlt.s32 v38, v24  }
0x1ae: {  	[tilespmem:v43+s23+$0x0] =	vst.idx.msk @p1 vm1, v50;
	v38, _, _ =	vpop @p1 (xrf0);
	v36 =	vsel @p0 vm10, $0x1, v2;
	vm7 =	vmand @p0 vm3, vm13;
	v42 =	vsel @p0 vm6, $0x1, v2  }
0x1af: {  	vm13 =	vlt.s32 v55, v24;
	v38 =	vadd.s32 @p1 v38, v41;
	vm3 =	vlt.s32 v56, v24  }
0x1b0: {  	v54 =	vmpcnt.ones.xlane @p0 vm10;
	vm2 =	vmmov vm8;
	v55 =	vld [tilespmem:s31+$0x10];
	vm10 =	vmmov @p0 vm10;
	(xrf0) =	vadd.scan.msk.s32 @p0 $0xffff, v36  }
0x1b1: {  	[tilespmem:v37+s23+$0x0] =	vst.idx.msk @p1 vm0, v33;
	v48 =	vsel @p0 vm7, $0x1, v2;
	v38 =	vadd.s32 @p1 $0xFFFFFFFF, v38;
	v36 =	vadd.s32 @p1 v41, v39;
	v39 =	vld [tilespmem:s31+$0xFFFFFFE0]  }
0x1b2: {  	v53 =	vmpcnt.ones.xlane @p0 vm7;
	v41 =	vshra.s32 @p0 v40, $0xF;
	vm7 =	vmmov @p0 vm7;
	(xrf0) =	vadd.scan.msk.s32 @p0 $0xffff, v42;
	v42 =	vld.idx.msk [tilespmem:v25+s22+$0x0], vm11  }
0x1b3: {  	vm15 =	vmmov vm3;
	v36 =	vpsel p1, v36, v27;
	vm14 =	vle.s32 @p0 v41, v23;
	[tilespmem:v45+s23+$0x0] =	vst.idx.msk @p1 vm5, v30  }
0x1b4: {  	v30 =	vpsel p0, v49, v0;
	(xrf0) =	vadd.scan.msk.s32 @p0 $0xffff, v48;
	v48 =	vmpcnt.ones.xlane @p0 vm6;
	v41 =	vadd.s32 @p0 v36, v53  }
0x1b5: {  	[tilespmem:v37+s24+$0x0] =	vst.idx.msk @p1 vm9, v51;
	v37 =	vmovc @p0 v44;
	vm11 =	vmmov vm11;
	vm14 =	vmand @p0 vm12, vm14;
	vm6 =	vmmov @p0 vm6;
	v50 =	vld.idx.msk [tilespmem:v26+s22+$0x0], vm13  }
0x1b6: {  	v37 =	vpsel p0, v37, v0;
	[tilespmem:v45+s24+$0x0] =	vst.idx.msk @p1 vm5, v47;
	vm5 =	vmmov @p0 vm7;
	vm9 =	vmmov @p0 vm14;
	v53, _, _ =	vpop @p0 (xrf0)  }
0x1b7: {  	[tilespmem:v43+s24+$0x0] =	vst.idx.msk @p1 vm1, v52;
	vm13 =	vmmov vm13;
	v56 =	vshra.s32 v42, $0xF;
	v53 =	vadd.s32 @p0 v53, v41  }
0x1b8: {  	v41 =	vadd.s32 @p0 v41, v54;
	v54, _, _ =	vpop @p0 (xrf0);
	v51 =	vld.idx.msk [tilespmem:v55+s22+$0x0], vm3;
	vm3 =	vmmov @p0 vm9;
	vm12 =	vle.s32 v56, v23  }
0x1b9: {  	v43 =	vadd.s32 @p0 v54, v41;
	v41 =	vadd.s32 @p0 v41, v48;
	v48 =	vmpcnt.ones.xlane @p0 vm14;
	v44 =	vld.idx.msk [tilespmem:v39+s22+$0x0], vm8  }
0x1ba: {  	v33 =	vadd.s32 @p0 $0xFFFFFFFF, v53;
	vm8 =	vmmov @p0 vm10;
	v56, _, _ =	vpop @p0 (xrf0);
	v57 =	vshra.s32 v50, $0xF  }
0x1bb: {  	[tilespmem:v38+s23+$0x0] =	vst.idx.msk @p1 vm4, v34;
	v36 =	vadd.s32 @p0 v56, v36;
	v56 =	vsel @p0 vm14, $0x1, v2;
	vm14 =	vle.s32 v57, v23  }
0x1bc: {  	v43 =	vadd.s32 @p0 $0xFFFFFFFF, v43;
	v33 =	vpsel p0, v33, v0;
	(xrf0) =	vadd.scan.msk.s32 @p0 $0xffff, v56;
	vm0 =	vmand vm13, vm14  }
0x1bd: {  	[tilespmem:v38+s24+$0x0] =	vst.idx.msk @p1 vm4, v46;
	v41 =	vpsel p0, v41, v0;
	vm1 =	vmand vm11, vm12;
	v58 =	vsel vm0, $0x1, v2  }
0x1be: {  	v48 =	vpsel p0, v48, v0;
	v60 =	vsel vm1, $0x1, v2;
	v59 =	vshra.s32 v44, $0xF;
	(xrf0) =	vadd.scan.msk.s32 $0xffff, v58  }
0x1bf: {  	v43 =	vpsel p0, v43, v0;
	v38 =	vadd.s32 @p0 v41, v48;
	vm9 =	vle.s32 v59, v23;
	(xrf0) =	vadd.scan.msk.s32 $0xffff, v60  }
0x1c0: {  	v36 =	vpsel p0, v36, v0;
	v61 =	vshra.s32 v51, $0xF;
	vm7 =	vmand vm2, vm9  }
0x1c1: {  	v27 =	vpsel p0, v38, v27;
	vm12 =	vle.s32 v61, v23;
	v62 =	vsel vm7, $0x1, v2  }
0x1c2: {  	v36 =	vadd.s32 @p0 $0xFFFFFFFF, v36;
	vm2 =	vmand vm15, vm12;
	v63 =	vmpcnt.ones.xlane vm7;
	v34, _, _ =	vpop @p0 (xrf0);
	(xrf0) =	vadd.scan.msk.s32 $0xffff, v62  }
0x1c3: {  	v48 =	vmpcnt.ones.xlane vm0;
	[tilespmem:v33+s23+$0x0] =	vst.idx.msk @p0 vm10, v35;
	v49 =	vsel vm2, $0x1, v2;
	v34 =	vadd.s32 @p0 v34, v41  }
0x1c4: {  	[tilespmem:v43+s23+$0x0] =	vst.idx.msk @p0 vm6, v32;
	v52 =	vadd.s32 v27, v63;
	v32 =	vadd.s32 @p0 $0xFFFFFFFF, v34;
	v53, _, _ =	vpop (xrf0);
	(xrf0) =	vadd.scan.msk.s32 $0xffff, v49  }
0x1c5: {  	[tilespmem:v33+s24+$0x0] =	vst.idx.msk @p0 vm8, v30;
	v34 =	vadd.s32 v52, v48;
	v54 =	vadd.s32 v53, v52;
	v56, _, _ =	vpop (xrf0)  }
0x1c6: {  	v31 =	vpsel p0, v31, v0;
	[tilespmem:v43+s24+$0x0] =	vst.idx.msk @p0 vm6, v37;
	v57 =	vadd.s32 $0xFFFFFFFF, v54;
	v58 =	vadd.s32 v56, v34  }
0x1c7: {  	v28 =	vpsel p0, v28, v0;
	v35 =	vmov @p0 v40;
	[tilespmem:v36+s23+$0x0] =	vst.idx.msk @p0 vm5, v31;
	v59 =	vadd.s32 $0xFFFFFFFF, v58  }
0x1c8: {  	v33 =	vpsel p0, v35, v0;
	v60 =	vmpcnt.ones.xlane vm1;
	[tilespmem:v36+s24+$0x0] =	vst.idx.msk @p0 vm5, v28;
	v61, _, _ =	vpop (xrf0)  }
0x1c9: {  	v29 =	vpsel p0, v29, v0;
	[tilespmem:v32+s23+$0x0] =	vst.idx.msk @p0 vm3, v33;
	v27 =	vadd.s32 v61, v27  }
0x1ca: {  	v62 =	vadd.s32 v34, v60;
	[tilespmem:v32+s24+$0x0] =	vst.idx.msk @p0 vm3, v29;
	v63, _, _ =	vpop (xrf0);
	v27 =	vadd.s32 $0xFFFFFFFF, v27  }
0x1cb: {  	[tilespmem:v57+s23+$0x0] =	vst.idx.msk vm0, v50;
	v29 =	vadd.s32 v63, v62  }
0x1cc: {  	[tilespmem:v59+s23+$0x0] =	vst.idx.msk vm1, v42;
	v29 =	vadd.s32 $0xFFFFFFFF, v29  }
0x1cd: {  	[tilespmem:v57+s24+$0x0] =	vst.idx.msk vm0, v26  }
.Ltmp11:
0x1ce: {  	[tilespmem:v59+s24+$0x0] =	vst.idx.msk vm1, v25;
	(pc) =	sbr.rel .LBB2_8-.Ltmp11, $4  }
0x1cf: {  	[tilespmem:v27+s23+$0x0] =	vst.idx.msk vm7, v44  }
0x1d0: {  	v25 =	vmpcnt.ones.xlane vm2;
	[tilespmem:v27+s24+$0x0] =	vst.idx.msk vm7, v39  }
0x1d1: {  	vm13 =	vmmov vm0;
	[tilespmem:v29+s23+$0x0] =	vst.idx.msk vm2, v51  }
0x1d2: {  	vm14 =	vmmov vm7;
	vm15 =	vmmov vm2;
	v25 =	vadd.s32 v62, v25;
	[tilespmem:v29+s24+$0x0] =	vst.idx.msk vm2, v55  }
.LBB2_7:
0x1d3: {  	v25 =	vimm.s32 $0x0  }
.LBB2_8:
0x1d4: {  	s0 =	ssub.s32 s29, s30  }
0x1d5: {  	p0 =	slt.s32 s0, $0x1  }
.Ltmp12:
0x1d6: {  	_ = 	snop;
	(pc) =	sbr.rel @p0 .LBB2_11-.Ltmp12, $1  }
0x1d7: {  	_ =	sdelay $0x3  }
0x1d8: {  	s1 =	sshll.u32 s29, $0x6;
	s3 =	sshll.u32 s0, $0x6  }
0x1d9: {  	s1 =	ssub.s32 s1, s3  }
0x1da: {  	s31 =	sshll.u32 s29, $0x4;
	s15 =	sshll.u32 s0, $0x4;
	s1 =	sshra.s32 s1, $0x2  }
0x1db: {  	s0 =	sadd.s32 $0x6380, s1;
	s1 =	ssub.s32 s31, s15  }
.LBB2_10:
0x1dc: {  	v26 =	vld [tilespmem:s0+$0x0]  }
0x1dd: {  	v27 =	vor.u32 s1, v0  }
0x1de: {  	vm0 =	vlt.s32 v27, v24;
	_ =	sdelay $0x5  }
0x1df: {  	v27 =	vld.idx.msk [tilespmem:v26+s22+$0x0], vm0;
	_ =	sdelay $0x4  }
0x1e0: {  	v28 =	vshra.s32 v27, $0xF  }
0x1e1: {  	vm1 =	vle.s32 v28, v23  }
0x1e2: {  	vm0 =	vmand vm0, vm1  }
0x1e3: {  	v63 =	vsel vm0, $0x1, v2  }
0x1e4: {  	(xrf0) =	vadd.scan.msk.s32 $0xffff, v63;
	_ =	sdelay $0x5  }
0x1e5: {  	v28, _, _ =	vpop (xrf0)  }
0x1e6: {  	v28 =	vadd.s32 v28, v25  }
0x1e7: {  	s30 =	sadd.s32 $0x1, s30;
	v28 =	vadd.s32 $0xFFFFFFFF, v28  }
0x1e8: {  	p0 =	slt.s32 s30, s29  }
.Ltmp13:
0x1e9: {  	_ = 	snop;
	(pc) =	sbr.rel @p0 .LBB2_10-.Ltmp13, $4  }
0x1ea: {  	_ = 	snop  }
0x1eb: {  	v29 =	vmpcnt.ones.xlane vm0  }
0x1ec: {  	[tilespmem:v28+s23+$0x0] =	vst.idx.msk vm0, v27  }
0x1ed: {  	s0 =	sadd.s32 $0x10, s0;
	s1 =	sadd.s32 $0x10, s1;
	v25 =	vadd.s32 v25, v29;
	[tilespmem:v28+s24+$0x0] =	vst.idx.msk vm0, v26  }
.LBB2_11:
0x1ee: {  	v23 =	vxor.u32 $0x80000000, v25  }
0x1ef: {  	(xrf0) =	vmax.scan.msk.u32 $0xffff, v23;
	_ =	sdelay $0x5  }
0x1f0: {  	v23, _, _ =	vpop (xrf0)  }
0x1f1: {  	(v2sf) =	vpush v23, $0xF;
	_ =	sdelay $0xe  }
0x1f2: {  	s0 =	spop (v2sf)  }
0x1f3: {  	s1 =	sadd.s32 $0x8000000F, s0  }
0x1f4: {  	s3 =	sand.u32 $0xF, s1  }
0x1f5: {  	s31 =	sshra.s32 s1, $0x1F;
	p1 =	slt.s32 s1, $0x1;
	p0 =	sne.s32 s3, $0x0  }
0x1f6: {  	s3 =	sshrl.u32 s31, $0x1C;
	p0 =	por !p1, !p0  }
0x1f7: {  	s1 =	sadd.s32 s3, s1;
	s3 =	simm.s32 $0x1;
	p0 =	por !p0, !p0  }
0x1f8: {  	s1 =	sshra.s32 s1, $0x4;
	s3 =	simm.s32 @!p0 $0x0  }
0x1f9: {  	s29 =	ssub.s32 s1, s3  }
0x1fa: {  	p0 =	slt.s32 s29, $0x1  }
.Ltmp14:
0x1fb: {  	_ = 	snop;
	(pc) =	sbr.rel @p0 .LBB2_18-.Ltmp14, $1  }
0x1fc: {  	_ =	sdelay $0x3  }
0x1fd: {  	s30 =	sxor.u32 $0x80000000, s0  }
.Ltmp15:
0x1fe: {  	s0 =	sshra.s32 s30, $0x1F;
	(pc) =	sbr.rel .LBB2_13-.Ltmp15, $4  }
0x1ff: {  	s0 =	sshrl.u32 s0, $0x1E  }
0x200: {  	s0 =	sadd.s32 s0, s30  }
0x201: {  	s1 =	simm.s32 $0x0;
	s31 =	sand.u32 $0xFFFFFFFC, s0  }
0x202: {  	v22 =	vshll.u32 v22, $0x7;
	v23 =	vmov s30;
	s0 =	ssub.s32 s31, s30;
	p0 =	slt.s32 s31, $0x1;
	p1 =	sge.s32 s31, s30  }
.LBB2_17:
0x203: {  	v25 =	vor.u32 s15, v0  }
0x204: {  	vm1 =	vlt.s32 v26, $0x20;
	vm0 =	vlt.s32 v25, v23  }
0x205: {  	vm0 =	vmand vm0, vm1;
	_ =	sdelay $0x2  }
0x206: {  	v59 =	vmul.u32 $0x3, v26;
	_ =	sdelay $0x1  }
0x207: {  	v26 =	vand.u32 $0xFFFFFF80, v59  }
0x208: {  	v28 =	vand.u32 $0x7F, v59;
	v29 =	vadd.s32 $0x1, v59;
	v25 =	vadd.s32 $0x2, v59;
	v27 =	vld.idx.msk [tilespmem:v24+s2+$0x0], vm0  }
0x209: {  	v26 =	vadd.s32 v22, v26;
	v60 =	vand.u32 $0xFFFFFF80, v29;
	v29 =	vand.u32 $0x7F, v29;
	v30 =	vld.idx.msk [tilespmem:v24+s13+$0x0], vm0  }
0x20a: {  	v31 =	vand.u32 $0xFFFFFF80, v25;
	v26 =	vor.u32 v28, v26;
	v28 =	vadd.s32 v22, v60;
	v61 =	vld.idx.msk [tilespmem:v24+s14+$0x0], vm0  }
0x20b: {  	s1 =	sadd.s32 $0x1, s1;
	v25 =	vand.u32 $0x7F, v25;
	v62 =	vadd.s32 v22, v31;
	v28 =	vor.u32 v29, v28  }
0x20c: {  	p2 =	sne.s32 s1, s29;
	v25 =	vor.u32 v25, v62  }
.Ltmp16:
0x20d: {  	v27 =	vsub.f32 v27, v19;
	(pc) =	sbr.rel @!p2 .LBB2_18-.Ltmp16, $4  }
0x20e: {  	v63 =	vsub.f32 v30, v20  }
0x20f: {  	v24 =	vsub.f32 v61, v21;
	[tilespmem:v26+s25+$0x0] =	vst.idx.msk vm0, v27  }
0x210: {  	[tilespmem:v28+s25+$0x0] =	vst.idx.msk vm0, v63  }
0x211: {  	[tilespmem:v25+s25+$0x0] =	vst.idx.msk vm0, v24  }
.LBB2_13:
.Ltmp17:
0x212: {  	(pc) =	sbr.rel @p0 .LBB2_14-.Ltmp17, $4  }
0x213: {  	_ = 	snop  }
0x214: {  	s15 =	sshll.u32 s1, $0x4  }
0x215: {  	v25 =	vld [tilespmem:s15+$0x4380]  }
0x216: {  	v24 =	vld [tilespmem:s15+$0x5380]  }
0x217: {  	s3 =	simm.s32 $0x0  }
0x218: {  	s4 =	simm.s32 $0x3;
	v27 =	vmov s3  }
0x219: {  	v29 =	vmov s4;
	v27 =	vand.u32 $0xFFFFFFFC, v27  }
0x21a: {  	v32 =	vbroadcast v27, $0x0;
	_ =	sdelay $0x1  }
0x21b: {  	p3 =	sgt.s32 s31, $0x4  }
.Ltmp18:
0x21c: {  	_ = 	snop;
	(pc) =	sbr.rel @!p3 .LBB2_31-.Ltmp18, $4  }
0x21d: {  	s5 =	simm.s32 $0x1;
	s6 =	simm.s32 $0x2;
	v28 =	vld.idx.msk [tilespmem:v29+s23+$0x0], $0xffff  }
0x21e: {  	v30 =	vmov s6;
	v27 =	vmov s5;
	v31 =	vld.idx.msk [tilespmem:v29+s24+$0x0], $0xffff  }
0x21f: {  	v29 =	vand.u32 $0xFFFFFFFD, v27;
	v27 =	vand.u32 $0xFFFFFFFE, v30;
	v30 =	vld.idx.msk [tilespmem:v32+s23+$0x0], $0xffff  }
0x220: {  	v26 =	vimm.s32 $0x0;
	p2 =	por $0x0, $0x0;
	s3 =	simm.s32 $0x4;
	v27 =	vbroadcast v27, $0x0;
	v29 =	vbroadcast v29, $0x0;
	v32 =	vld.idx.msk [tilespmem:v32+s24+$0x0], $0xffff  }
0x221: {  	_ =	sdelay $0x3  }
0x222: {  	s4 =	simm.s32 $0x7  }
0x223: {  	v34 =	vmov s3;
	s6 =	simm.s32 $0x5;
	s5 =	simm.s32 $0x6;
	v33 =	vld.idx.msk [tilespmem:v27+s23+$0x0], $0xffff;
	v35 =	vmov s4  }
0x224: {  	v36 =	vld.idx.msk [tilespmem:v29+s23+$0x0], $0xffff;
	v34 =	vand.u32 $0xFFFFFFFC, v34;
	v37 =	vmov s6;
	v38 =	vmov s5  }
0x225: {  	v39 =	vld.idx.msk [tilespmem:v29+s24+$0x0], $0xffff;
	vm0 =	veq.s32 v28, v25;
	vm2 =	vlt.s32 v28, v25;
	v34 =	vbroadcast v34, $0x0  }
0x226: {  	v60 =	vld.idx.msk [tilespmem:v27+s24+$0x0], $0xffff;
	v29 =	vand.u32 $0xFFFFFFFD, v37;
	v59 =	vand.u32 $0xFFFFFFFE, v38;
	vm1 =	vlt.s32 v31, v24  }
0x227: {  	v27 =	vbroadcast v59, $0x0;
	v29 =	vbroadcast v29, $0x0;
	vm0 =	vmand vm0, vm1  }
0x228: {  	vm1 =	vlt.s32 v30, v25;
	vm3 =	veq.s32 v30, v25;
	vm4 =	vlt.s32 v32, v24  }
0x229: {  	p3 =	sgt.s32 s31, $0x8;
	vm3 =	vmand vm3, vm4;
	vm5 =	vlt.s32 v36, v25;
	vm6 =	vlt.s32 v33, v25  }
.Ltmp19:
0x22a: {  	vm7 =	veq.s32 v33, v25;
	vm14 =	veq.s32 v36, v25;
	vm8 =	vlt.s32 v39, v24;
	(pc) =	sbr.rel @!p3 .LBB2_34-.Ltmp19, $4  }
0x22b: {  	v28 =	vld.idx.msk [tilespmem:v35+s23+$0x0], $0xffff;
	vm1 =	vmor vm1, vm3;
	vm15 =	vlt.s32 v60, v24;
	vm3 =	vmand vm14, vm8  }
0x22c: {  	v31 =	vld.idx.msk [tilespmem:v35+s24+$0x0], $0xffff;
	v61 =	vsel vm1, $0x1, v2;
	vm1 =	vmor vm5, vm3;
	vm3 =	vmand vm7, vm15  }
0x22d: {  	v30 =	vld.idx.msk [tilespmem:v34+s23+$0x0], $0xffff;
	v62 =	vadd.s32 v61, v26;
	v63 =	vsel vm1, $0x1, v2;
	vm1 =	vmor vm6, vm3  }
0x22e: {  	s3 =	simm.s32 $0x8;
	p2 =	por $0x1, $0x1;
	vm0 =	vmor vm2, vm0;
	v32 =	vld.idx.msk [tilespmem:v34+s24+$0x0], $0xffff;
	v33 =	vadd.s32 v63, v62;
	v34 =	vsel vm1, $0x1, v2  }
.LBB2_33:
0x22f: {  	s4 =	sadd.s32 $0x3, s3;
	v35 =	vld.idx.msk [tilespmem:v27+s23+$0x0], $0xffff;
	v33 =	vadd.s32 v34, v33;
	v34 =	vsel vm0, $0x1, v2  }
0x230: {  	v36 =	vmov s3;
	s5 =	sadd.s32 $0x1, s3;
	s6 =	sadd.s32 $0x2, s3;
	v37 =	vmov s4;
	v38 =	vld.idx.msk [tilespmem:v29+s23+$0x0], $0xffff;
	v33 =	vadd.s32 v34, v33  }
0x231: {  	v34 =	vand.u32 $0xFFFFFFFC, v36;
	v36 =	vmov s5;
	v39 =	vmov s6;
	v40 =	vld.idx.msk [tilespmem:v29+s24+$0x0], $0xffff  }
0x232: {  	v34 =	vbroadcast v34, $0x0;
	v29 =	vand.u32 $0xFFFFFFFD, v36;
	v36 =	vand.u32 $0xFFFFFFFE, v39;
	v39 =	vld.idx.msk [tilespmem:v27+s24+$0x0], $0xffff  }
0x233: {  	vm1 =	veq.s32 v28, v25;
	vm2 =	vlt.s32 v31, v24;
	v27 =	vbroadcast v36, $0x0  }
0x234: {  	vm0 =	vlt.s32 v28, v25;
	v29 =	vbroadcast v29, $0x0;
	vm1 =	vmand vm1, vm2  }
0x235: {  	s3 =	sadd.s32 $0x4, s3;
	vm2 =	vlt.s32 v30, v25;
	vm3 =	veq.s32 v30, v25;
	vm4 =	vlt.s32 v32, v24  }
0x236: {  	p3 =	slt.s32 s3, s31;
	vm6 =	vlt.s32 v35, v25;
	vm7 =	veq.s32 v35, v25;
	vm5 =	vlt.s32 v38, v25  }
.Ltmp20:
0x237: {  	vm3 =	vmand vm3, vm4;
	vm4 =	veq.s32 v38, v25;
	vm8 =	vlt.s32 v40, v24;
	(pc) =	sbr.rel @p3 .LBB2_33-.Ltmp20, $4  }
0x238: {  	vm2 =	vmor vm2, vm3;
	vm3 =	vmand vm4, vm8;
	vm4 =	vlt.s32 v39, v24;
	v28 =	vld.idx.msk [tilespmem:v37+s23+$0x0], $0xffff  }
0x239: {  	v32 =	vsel vm2, $0x1, v2;
	vm2 =	vmor vm5, vm3;
	vm3 =	vmand vm7, vm4;
	v31 =	vld.idx.msk [tilespmem:v37+s24+$0x0], $0xffff  }
0x23a: {  	v33 =	vadd.s32 v32, v33;
	v35 =	vsel vm2, $0x1, v2;
	vm2 =	vmor vm6, vm3;
	v30 =	vld.idx.msk [tilespmem:v34+s23+$0x0], $0xffff  }
0x23b: {  	vm0 =	vmor vm0, vm1;
	v33 =	vadd.s32 v35, v33;
	v32 =	vld.idx.msk [tilespmem:v34+s24+$0x0], $0xffff;
	v34 =	vsel vm2, $0x1, v2  }
.LBB2_34:
0x23c: {  	_ =	sdelay $0x3  }
0x23d: {  	v35 =	vld.idx.msk [tilespmem:v29+s23+$0x0], $0xffff  }
0x23e: {  	v36 =	vld.idx.msk [tilespmem:v27+s23+$0x0], $0xffff  }
0x23f: {  	v33 =	vadd.s32 @p2 v34, v33;
	v34 =	vsel @p2 vm0, $0x1, v2;
	v63 =	vld.idx.msk [tilespmem:v29+s24+$0x0], $0xffff  }
0x240: {  	v27 =	vld.idx.msk [tilespmem:v27+s24+$0x0], $0xffff;
	v33 =	vadd.s32 @p2 v34, v33;
	vm13 =	veq.s32 v28, v25;
	vm1 =	vlt.s32 v31, v24  }
0x241: {  	vm2 =	vlt.s32 v28, v25;
	v26 =	vpsel p2, v33, v26;
	vm0 =	vmand vm13, vm1  }
0x242: {  	vm14 =	vlt.s32 v30, v25;
	vm3 =	veq.s32 v30, v25;
	vm4 =	vlt.s32 v32, v24  }
0x243: {  	vm5 =	vlt.s32 v35, v25;
	vm6 =	vlt.s32 v36, v25;
	vm7 =	veq.s32 v36, v25  }
0x244: {  	vm3 =	vmand vm3, vm4;
	vm15 =	veq.s32 v35, v25;
	vm8 =	vlt.s32 v63, v24  }
0x245: {  	vm12 =	vlt.s32 v27, v24;
	vm1 =	vmor vm14, vm3;
	vm11 =	vmand vm15, vm8  }
.Ltmp21:
0x246: {  	vm14 =	vmand vm7, vm12;
	v27 =	vsel vm1, $0x1, v2;
	vm13 =	vmor vm5, vm11;
	(pc) =	sbr.rel .LBB2_15-.Ltmp21, $4  }
0x247: {  	vm15 =	vmor vm6, vm14;
	v26 =	vadd.s32 v27, v26;
	v27 =	vsel vm13, $0x1, v2  }
0x248: {  	vm0 =	vmor vm2, vm0;
	v26 =	vadd.s32 v27, v26;
	v27 =	vsel vm15, $0x1, v2  }
0x249: {  	v26 =	vadd.s32 v27, v26;
	v27 =	vsel vm0, $0x1, v2  }
0x24a: {  	v26 =	vadd.s32 v27, v26  }
.LBB2_14:
0x24b: {  	v26 =	vimm.s32 $0x0  }
.LBB2_15:
.Ltmp22:
0x24c: {  	(pc) =	sbr.rel @p1 .LBB2_17-.Ltmp22, $2  }
0x24d: {  	_ =	sdelay $0x2  }
0x24e: {  	s3 =	smov.u32 s0  }
.LBB2_16:
0x24f: {  	s4 =	sadd.s32 s3, s30  }
0x250: {  	v27 =	vmov s4;
	_ =	sdelay $0x4  }
0x251: {  	v28 =	vld.idx.msk [tilespmem:v27+s23+$0x0], $0xffff  }
0x252: {  	v27 =	vld.idx.msk [tilespmem:v27+s24+$0x0], $0xffff;
	_ =	sdelay $0x2  }
0x253: {  	s3 =	sadd.s32 $0x1, s3  }
0x254: {  	p2 =	seq.s32 s3, $0x0  }
.Ltmp23:
0x255: {  	vm0 =	veq.s32 v28, v25;
	vm1 =	vlt.s32 v27, v24;
	(pc) =	sbr.rel @!p2 .LBB2_16-.Ltmp23, $4  }
0x256: {  	vm2 =	vlt.s32 v28, v25;
	vm0 =	vmand vm0, vm1  }
0x257: {  	vm0 =	vmor vm2, vm0  }
0x258: {  	v27 =	vsel vm0, $0x1, v2  }
0x259: {  	v26 =	vadd.s32 v27, v26  }
.Ltmp24:
0x25a: {  	_ = 	snop;
	(pc) =	sbr.rel .LBB2_17-.Ltmp24, $1  }
0x25b: {  	_ =	sdelay $0x3  }
.LBB2_31:
.Ltmp25:
0x25c: {  	(pc) =	sbr.rel .LBB2_34-.Ltmp25, $2  }
0x25d: {  	_ =	sdelay $0x2  }
0x25e: {  	_ = 	snop  }
.LBB2_22:
.Ltmp26:
0x25f: {  	(pc) =	sbr.rel .LBB2_29-.Ltmp26, $2  }
0x260: {  	_ =	sdelay $0x2  }
0x261: {  	_ = 	snop  }
.LBB2_24:
.Ltmp27:
0x262: {  	_ = 	snop;
	(pc) =	sbr.rel .LBB2_29-.Ltmp27, $3  }
0x263: {  	_ =	sdelay $0x1  }
0x264: {  	v44 =	vmov v25;
	v49 =	vmov v26  }
0x265: {  	v40 =	vmovc v29;
	v25 =	vmovc v38;
	v26 =	vmov v36;
	v35 =	vmov v33;
	v31 =	vmov v30  }
.LBB2_26:
.Ltmp28:
0x266: {  	(pc) =	sbr.rel .LBB2_29-.Ltmp28, $4  }
0x267: {  	_ = 	snop  }
0x268: {  	v50 =	vmov v32;
	v52 =	vmov v25  }
0x269: {  	v51 =	vmovc v26;
	v47 =	vmovc v28;
	v46 =	vmov v29;
	v32 =	vmov v44;
	v44 =	vmov v38  }
0x26a: {  	v28 =	vmovc v42;
	v29 =	vmovc v40;
	v25 =	vmov v49;
	v49 =	vmov v36;
	v26 =	vmov v53  }
.LBB2_20:
0x26b: {  	_ =	sfence.sel $0x180000  }
0x26c: {  	[bflag:$0x0] =	sbarrier.arrive $0xFFFF  }
0x26d: {  	_ =	strace $0x9000004A  }
0x26e: {  	s0 =	stileid.u32;
	[bflag:$0x2] =	sbarrier.arrive $0xFFFF  }
0x26f: {  	p0 =	sne.s32 s0, $0x0;
	s0 =	rddreg [dreg:$0x2]  }
0x270: {  	s0 =	sadd.s32 @!p0 $0x100000, s0  }
0x271: {  	[sflag:s0] =	ssyncadd.tile.s32 @!p0 $0x1;
	_ =	shalt  }
.Lfunc_end2:
_tile_overlayer_lowered:
.L_overlay_start_2:
0x272: {  	(tag) =	ssettag $0x2  }
0x273: {  	s0 =	rddreg [dreg:$0x0];
	s2 =	stileid.u32  }
0x274: {  	s1 =	rddreg [dreg:$0x1];
	p0 =	sne.s32 s2, $0x0  }
0x275: {  	s3 =	rddreg [dreg:$0x2];
	[bflag:$0x3] =	sbarrier.arrive $0xFFFF;
	s2 =	simm.s32 @!p0 $0x1C01  }
0x276: {  	[timem:s3], [sflag:s2] =	dma.local @!p0 [hbm:s0], s1  }
0x277: {  	s0 =	simm.s32 @!p0 $0x1  }
0x278: {  	_ =	swait.ge @!p0 [sflag:s0], s1  }
0x279: {  	s1 =	ssub.s32 @!p0 $0x0, s1;
	[sflag:s0] =	ssyncset.done @!p0 $0x0  }
0x27a: {  	[sflag:s0] =	ssyncadd.s32 @!p0 s1  }
0x27b: {  	[bflag:$0x3] =	sbarrier.arrive $0xFFFF  }
0x27c: {  	_ =	shalt  }

// kernel: kernel.9.cloned.1.call-start
scs
__scs_entry_jumppad:
0x0: {  	(pc) =	sbr.rel $0x88, $3  }
0x1: {  	(tag) =	ssettag $0x0;
	lr =	simm.s32 $0x1  }
0x2: {  	[smem:$0x3F9F] =	sst lr;
	_ =	strace $0xD0000000  }
0x3: {  	_ = 	snop  }
0x4: {  	_ = 	snop  }
0x5: {  	_ = 	snop  }
0x6: {  	_ = 	snop  }
0x7: {  	_ = 	snop  }
__scs_overlays_trampoline_lowered:
0x8: {  	[smem:$0x3FAE] =	sst s0  }
0x9: {  	[smem:$0x3FAF] =	sst s1  }
0xa: {  	[smem:$0x3FB0] =	sst s2  }
0xb: {  	[smem:$0x3FB1] =	sst s3  }
0xc: {  	[smem:$0x3FB2] =	sst s4  }
0xd: {  	[smem:$0x3FB3] =	sst s5  }
0xe: {  	[smem:$0x3FB4] =	sst s6  }
0xf: {  	[smem:$0x3FB5] =	sst s7  }
0x10: {  	[smem:$0x3FB6] =	sst s8  }
0x11: {  	[smem:$0x3FB7] =	sst s9;
	s0 =	simm.s32 @!p0 $0x0  }
0x12: {  	s1 =	sld [smem:$0x3F9D];
	s0 =	simm.s32 @p0 $0x1  }
0x13: {  	[smem:$0x3FB8] =	sst s0;
	s0 =	simm.s32 @!p1 $0x0  }
0x14: {  	s2 =	sld [smem:$0x3F9C];
	s0 =	simm.s32 @p1 $0x1  }
0x15: {  	[smem:$0x3FB9] =	sst s0;
	s0 =	simm.s32 @!p2 $0x0  }
0x16: {  	s3 =	sld [smem:$0x3FDB];
	s0 =	simm.s32 @p2 $0x1  }
0x17: {  	s4 =	simm.s32 $0x1BF5;
	[smem:$0x3FBB] =	sst s0  }
0x18: {  	s0 =	sld [smem:$0x3F9E];
	_ =	swait.ge [sflag:s4], $0x0  }
0x19: {  	s7 =	sld [smem:$0x3F9F]  }
0x1a: {  	s8 =	sadd.s32 $0xFFFFE003, lr  }
0x1b: {  	s9 =	sadd.s32 $0xFFFFFEF7, lr;
	s5 =	simm.s32 $0xFFFFFFFF;
	p2 =	slt.u32 s8, $0xFFFFF086  }
0x1c: {  	p1 =	slt.u32 s9, $0xF7A;
	s5 =	simm.s32 @!p2 $0x0  }
0x1d: {  	s5 =	simm.s32 @p1 $0x1;
	p0 =	seq.s32 s7, s2  }
0x1e: {  	s7 =	smul.u32 @!p0 $0xF7A, s2;
	p2 =	seq.s32 @!p0 s5, $0x0  }
0x1f: {  	s9 =	smul.u32 $0xF7A, s1;
	s8 =	simm.s32 @!p0 $0x1BF5;
	p2 =	por !p2, p0  }
0x20: {  	[sflag:s8] =	ssyncset.s32 @!p0 $0xFFFFF086;
	s6 =	sadd.s32 @!p0 s3, s7;
	s7 =	simm.s32 @!p0 $0x108  }
0x21: {  	s3 =	sadd.s32 s3, s9;
	s6 =	sadd.s32 @!p0 $0x88, s6;
	s7 =	simm.s32 @p2 $0x1082  }
0x22: {  	[simem:s7], [sflag:s8] =	dma.local @!p0 [hbm:s6], $0xF7A  }
0x23: {  	s9 =	sor.u32 $0xD0000000, s2;
	s6 =	simm.s32 $0x108;
	_ =	swait.ge @!p0 [sflag:s8], $0x0  }
0x24: {  	s3 =	sadd.s32 $0x88, s3;
	s6 =	simm.s32 @!p1 $0x1082;
	[sflag:s4] =	ssyncset.s32 $0xFFFFF086  }
0x25: {  	[simem:s6], [sflag:s4] =	dma.local [hbm:s3], $0xF7A  }
0x26: {  	[smem:$0x3F9F] =	sst s1;
	(tag) =	ssettag s2;
	_ =	strace s9  }
0x27: {  	s1 =	sld [smem:$0x3FAF]  }
0x28: {  	s2 =	sld [smem:$0x3FB0]  }
0x29: {  	s4 =	sld [smem:$0x3FB2]  }
0x2a: {  	p0 =	seq.s32 s5, $0x0;
	s5 =	sld [smem:$0x3FB3]  }
0x2b: {  	s6 =	sld [smem:$0x3FB4]  }
0x2c: {  	s7 =	sld [smem:$0x3FB5]  }
0x2d: {  	s3 =	simm.s32 $0x108;
	s8 =	sld [smem:$0x3FB6]  }
0x2e: {  	s3 =	simm.s32 @!p0 $0x1082;
	s9 =	sld [smem:$0x3FB7]  }
0x2f: {  	lr =	sadd.s32 s0, s3;
	s0 =	sld [smem:$0x3FAE]  }
0x30: {  	s3 =	sld [smem:$0x3FB1]  }
0x31: {  	[smem:$0x3FBA] =	sst s10  }
0x32: {  	s10 =	sld [smem:$0x3FB8];
	_ =	sdelay $0x3  }
0x33: {  	p0 =	seq.s32 s10, $0x1;
	s10 =	sld [smem:$0x3FBA];
	_ =	sdelay $0x3  }
0x34: {  	[smem:$0x3FBA] =	sst s10  }
0x35: {  	s10 =	sld [smem:$0x3FB9];
	_ =	sdelay $0x3  }
0x36: {  	p1 =	seq.s32 s10, $0x1;
	s10 =	sld [smem:$0x3FBA];
	_ =	sdelay $0x3  }
0x37: {  	[smem:$0x3FBA] =	sst s10  }
0x38: {  	s10 =	sld [smem:$0x3FBB]  }
0x39: {  	_ = 	snop;
	(pc) =	sbr.ind lr, $3  }
0x3a: {  	_ = 	snop  }
0x3b: {  	_ = 	snop  }
0x3c: {  	p2 =	seq.s32 s10, $0x1;
	s10 =	sld [smem:$0x3FBA]  }
0x3d: {  	_ =	shalt  }
0x3e: {  	_ =	shalt  }
0x3f: {  	_ =	shalt  }
0x40: {  	_ =	shalt  }
0x41: {  	_ =	shalt  }
0x42: {  	_ =	shalt  }
0x43: {  	_ =	shalt  }
0x44: {  	_ =	shalt  }
0x45: {  	_ =	shalt  }
0x46: {  	_ =	shalt  }
0x47: {  	_ =	shalt  }
0x48: {  	_ =	shalt  }
0x49: {  	_ =	shalt  }
0x4a: {  	_ =	shalt  }
0x4b: {  	_ =	shalt  }
0x4c: {  	_ =	shalt  }
0x4d: {  	_ =	shalt  }
0x4e: {  	_ =	shalt  }
0x4f: {  	_ =	shalt  }
0x50: {  	_ =	shalt  }
0x51: {  	_ =	shalt  }
0x52: {  	_ =	shalt  }
0x53: {  	_ =	shalt  }
0x54: {  	_ =	shalt  }
0x55: {  	_ =	shalt  }
0x56: {  	_ =	shalt  }
0x57: {  	_ =	shalt  }
0x58: {  	_ =	shalt  }
0x59: {  	_ =	shalt  }
0x5a: {  	_ =	shalt  }
0x5b: {  	_ =	shalt  }
0x5c: {  	_ =	shalt  }
0x5d: {  	_ =	shalt  }
0x5e: {  	_ =	shalt  }
0x5f: {  	_ =	shalt  }
0x60: {  	_ =	shalt  }
0x61: {  	_ =	shalt  }
0x62: {  	_ =	shalt  }
0x63: {  	_ =	shalt  }
0x64: {  	_ =	shalt  }
0x65: {  	_ =	shalt  }
0x66: {  	_ =	shalt  }
0x67: {  	_ =	shalt  }
0x68: {  	_ =	shalt  }
0x69: {  	_ =	shalt  }
0x6a: {  	_ =	shalt  }
0x6b: {  	_ =	shalt  }
0x6c: {  	_ =	shalt  }
0x6d: {  	_ =	shalt  }
0x6e: {  	_ =	shalt  }
0x6f: {  	_ =	shalt  }
0x70: {  	_ =	shalt  }
0x71: {  	_ =	shalt  }
0x72: {  	_ =	shalt  }
0x73: {  	_ =	shalt  }
0x74: {  	_ =	shalt  }
0x75: {  	_ =	shalt  }
0x76: {  	_ =	shalt  }
0x77: {  	_ =	shalt  }
0x78: {  	_ =	shalt  }
0x79: {  	_ =	shalt  }
0x7a: {  	_ =	shalt  }
0x7b: {  	_ =	shalt  }
0x7c: {  	_ =	shalt  }
0x7d: {  	_ =	shalt  }
0x7e: {  	_ =	shalt  }
0x7f: {  	_ =	shalt  }
0x80: {  	_ =	shalt  }
0x81: {  	_ =	shalt  }
0x82: {  	_ =	shalt  }
0x83: {  	_ =	shalt  }
0x84: {  	_ =	shalt  }
0x85: {  	_ =	shalt  }
0x86: {  	_ =	shalt  }
0x87: {  	_ =	shalt  }
.Lfunc_end0:
.L_simem_size_0:
called_computation.1_lowered:
.L_overlay_start_0:
0x88: {  	s2 =	sld [smem:$0x3FD9]  }
0x89: {  	s3 =	sld [smem:$0x3FFE];
	_ =	sdelay $0x1  }
0x8a: {  	s1 =	srdreg.scid  }
0x8b: {  	s0 =	sand.u32 $0x1, s1  }
0x8c: {  	s14 =	sshll.u32 s0, $0xA;
	s2 =	sadd.s32 s3, s2  }
0x8d: {  	s2 =	sadd.s32 s2, s14  }
0x8e: {  	[smem:$0x3FC6] =	sst s2  }
0x8f: {  	_ = 	snop  }
0x90: {  	s2 =	sld [smem:$0x3FD0];
	_ =	sdelay $0x2  }
0x91: {  	s15 =	simm.s32 $0xB;
	s4 =	simm.s32 $0x10  }
0x92: {  	[smem:s4], [sflag:s15] =	dma.local [hbm:s2], $0x1  }
0x93: {  	_ =	swait.eq [sflag:s15], $0x1  }
0x94: {  	[sflag:s15] =	ssyncset.done $0x0  }
0x95: {  	[sflag:s15] =	ssyncadd.s32 $0xFFFFFFFF  }
0x96: {  	s16 =	sld [smem:$0x11];
	(tm) =	ssettm $0x1  }
0x97: {  	s17 =	sld [smem:$0x3FFB];
	_ =	sdelay $0x3  }
0x98: {  	_ =	strace s17  }
0x99: {  	s3 =	sld [smem:$0x3FFC];
	_ =	sdelay $0x3  }
0x9a: {  	_ =	strace s3  }
0x9b: {  	s3 =	sld [smem:$0x3FFD];
	_ =	sdelay $0x3  }
0x9c: {  	_ =	strace s3  }
0x9d: {  	_ =	strace $0x8FFFFFFF  }
0x9e: {  	s18 =	sld [smem:$0x3FDB];
	_ =	sdelay $0x1  }
0x9f: {  	s19 =	simm.s32 $_scs_section_size  }
0xa0: {  	s5 =	simm.s32 $_size__tile_overlayer_lowered;
	s6 =	simm.s32 $_tile_overlayer_lowered  }
0xa1: {  	s22 =	simm.s32 $0x1BFF;
	s21 =	sshll.u32 s6, $0x1;
	s3 =	sadd.s32 s19, s18  }
0xa2: {  	s7 =	simm.s32 $0x0;
	s20 =	sshll.u32 s5, $0x1;
	s5 =	sadd.s32 s21, s3  }
0xa3: {  	[timem:s7], [sflag:s22] =	dma.local [hbm:s5], s20  }
0xa4: {  	_ =	swait.ge [sflag:s22], s20  }
0xa5: {  	s4 =	ssub.s32 $0x0, s20;
	[sflag:s22] =	ssyncset.done $0x0  }
0xa6: {  	[sflag:s22] =	ssyncadd.s32 s4;
	_ =	sdelay $0x1  }
0xa7: {  	s23 =	simm.s32 $0x1B8B  }
0xa8: {  	_ =	swait.ge [sflag:s23], $0x1  }
0xa9: {  	[sflag:s23] =	ssyncset.done $0x0  }
0xaa: {  	s25 =	simm.s32 $0x1B8E;
	s24 =	sld [smem:$0x3FFE];
	[sflag:s23] =	ssyncadd.s32 $0xFFFFFFFF  }
0xab: {  	s26 =	simm.s32 $execute0_lowered;
	[smem:$0x3FD2] =	sst s25  }
0xac: {  	s5 =	sshll.u32 s26, $0x1;
	_ =	strace $0x80000046;
	[dreg:$0x1] =	wrdreg $0xFFFFFFFF  }
0xad: {  	s28 =	simm.s32 $_size_execute0_lowered;
	s3 =	sadd.s32 s3, s5;
	[dreg:$0x0] =	wrdreg $0x0  }
0xae: {  	s5 =	sshll.u32 s28, $0x1;
	[dreg:$0x2] =	wrdreg s3  }
0xaf: {  	[dreg:$0x3] =	wrdreg s5  }
0xb0: {  	[dreg:$0x4] =	wrdreg $0xC0  }
0xb1: {  	_ =	task [dreg:s7], $0x5FFFF  }
0xb2: {  	[dreg:$0x1] =	wrdreg $0xFFFFFFFF  }
0xb3: {  	[dreg:$0x0] =	wrdreg $0x60  }
0xb4: {  	[dreg:$0x2] =	wrdreg s24  }
0xb5: {  	[dreg:$0x3] =	wrdreg s16  }
0xb6: {  	[dreg:$0x4] =	wrdreg $0xA  }
0xb7: {  	_ =	task.clear_ibuf [dreg:s7], $0x5FFFF;
	_ =	strace $0x90000046  }
0xb8: {  	s29 =	simm.s32 $0xA;
	_ =	strace $0x80000048  }
0xb9: {  	_ =	swait.ge [sflag:s29], $0x1  }
0xba: {  	[sflag:s29] =	ssyncadd.s32 $0xFFFFFFFF  }
0xbb: {  	_ =	strace $0x90000048  }
0xbc: {  	_ =	sfence  }
0xbd: {  	s30 =	sld [smem:$0x0];
	_ =	sdelay $0x2  }
0xbe: {  	s31 =	sshll.u32 s1, $0xD;
	s1 =	sshrl.u32 s1, $0x2  }
0xbf: {  	s3 =	sand.u32 $0x4000, s31;
	s1 =	sadd.s32 s1, s30  }
0xc0: {  	s0 =	sor.u32 s3, s0;
	s1 =	sshll.u32 s1, $0x11  }
0xc1: {  	s0 =	sor.u32 s1, s0  }
0xc2: {  	s0 =	sadd.s32 $0x8F2B, s0  }
0xc3: {  	[sflag:s0] =	ssyncadd.remote.s32 $0x1  }
0xc4: {  	_ =	sfence.sel $0xFFFF  }
0xc5: {  	[dreg:$0x0] =	wrdreg $0xFFFFFFFF;
	(pc) =	sbr.abs _section_cstart, $3  }
0xc6: {  	[dreg:$0x1] =	wrdreg $0xFFFFFFFF  }
0xc7: {  	_ =	task.clear_ibuf [dreg:s7], $0x2FFFF;
	_ =	strace $0x9FFFFFFF  }
0xc8: {  	(tm) =	ssettm $0x7FFFFFFF  }
0xc9: {  	_ =	shalt  }
tec
execute0_lowered:
.L_overlay_start_1:
0x0: {  	(tag) =	ssettag $0x1  }
0x1: {  	s0 =	rddreg [dreg:$0x0]  }
0x2: {  	s1 =	rddreg [dreg:$0x1];
	s2 =	simm.s32 $0x0;
	s5 =	stileid.u32  }
0x3: {  	s3 =	srdreg.scid;
	s12 =	simm.s32 $0x1;
	s13 =	simm.s32 $0x1000  }
0x4: {  	s14 =	simm.s32 $0x2000;
	s16 =	simm.s32 $0x3080;
	s17 =	simm.s32 $0x3100  }
0x5: {  	s18 =	simm.s32 $0x3180;
	s19 =	simm.s32 $0x4200;
	s20 =	simm.s32 $0x4300  }
0x6: {  	s21 =	simm.s32 $0x6380;
	s22 =	simm.s32 $0x3200;
	s23 =	simm.s32 $0x4380  }
0x7: {  	s24 =	simm.s32 $0x5380;
	s25 =	simm.s32 $0x7380;
	[smem:$0x7FF] =	sst s2  }
0x8: {  	s4 =	sshll.u32 s5, $0x8;
	s3 =	sand.u32 $0x1, s3;
	s5 =	sshll.u32 s5, $0x7  }
0x9: {  	_ =	strace $0x80000047;
	s4 =	sand.u32 $0xE00, s4;
	s6 =	sshll.u32 s3, $0x6  }
0xa: {  	v0 =	vlaneseq.u32;
	s3 =	ssub.s32 $0x2, s3;
	s7 =	sadd.s32 s4, s0;
	s26 =	sor.u32 s6, s5  }
0xb: {  	v1 =	vmul.u32 $0x10, v0;
	s28 =	sshrl.u32 s3, $0x1;
	s6 =	sshrl.u32 s26, $0x3;
	s4 =	sshll.u32 s26, $0x4  }
0xc: {  	v2 =	vimm.s32 $0x0;
	v3 =	vimm.s32 $0x1;
	s3 =	ssub.s32 s3, s28;
	s29 =	sadd.s32 $0x4A00, s7;
	s30 =	sadd.s32 $0x3A00, s7  }
.Ltmp0:
0xd: {  	v4 =	vor.u32 $0x1, v1;
	v5 =	vor.u32 $0x2, v1;
	v6 =	vor.u32 $0x3, v1;
	s31 =	sadd.s32 $0x2A00, s7;
	[dreg:$0x3] =	wrdreg s29;
	(pc) =	sbr.rel .LBB2_1-.Ltmp0, $4  }
0xe: {  	v7 =	vor.u32 $0x4, v1;
	v8 =	vor.u32 $0x5, v1;
	v9 =	vor.u32 $0x6, v1;
	s26 =	simm.s32 $0x0;
	s9 =	sadd.s32 s6, s0;
	[dreg:$0x4] =	wrdreg s30  }
0xf: {  	v10 =	vor.u32 $0x7, v1;
	v11 =	vor.u32 $0x8, v1;
	v12 =	vor.u32 $0x9, v1;
	s0 =	sadd.s32 s4, s0;
	[dreg:$0x5] =	wrdreg s31;
	s1 =	sadd.s32 s1, s6  }
0x10: {  	v13 =	vor.u32 $0xA, v1;
	v14 =	vor.u32 $0xB, v1;
	v15 =	vor.u32 $0xC, v1;
	s11 =	smax.u32 s3, $0x1;
	[dreg:$0x6] =	wrdreg s1;
	s7 =	sadd.s32 $0xDA00, s9  }
0x11: {  	v16 =	vor.u32 $0xD, v1;
	v17 =	vor.u32 $0xE, v1;
	v18 =	vor.u32 $0xF, v1;
	s8 =	sadd.s32 $0xDC00, s9;
	s9 =	sadd.s32 $0xDE00, s9;
	s10 =	sadd.s32 $0x5A00, s0  }
.LBB2_19:
0x12: {  	s26 =	sadd.s32 $0x1, s26  }
0x13: {  	p0 =	sne.s32 s26, s11  }
.Ltmp1:
0x14: {  	_ = 	snop;
	(pc) =	sbr.rel @!p0 .LBB2_20-.Ltmp1, $4  }
0x15: {  	[hbm4b:s10+s2] =	stream.linear.scatter [tilespmem:s25], [sflag:$0x1], $0x2000, $0x38;
	[tilespmem:$0x9380] =	vst v63  }
0x16: {  	_ =	swait.ge [sflag:s12], $0x2000  }
0x17: {  	[sflag:s12] =	ssyncset.done $0x0  }
0x18: {  	[sflag:s12] =	ssyncadd.s32 $0xFFFFE000  }
.LBB2_1:
0x19: {  	s0 =	rddreg [dreg:$0x3]  }
0x1a: {  	[tilespmem:s2], [sflag:$0x1] =	stream.linear.gather [hbm4b:s0+s2], $0x1000, $0x38;
	[tilespmem:$0x9380] =	vst v63  }
0x1b: {  	_ =	swait.ge [sflag:s12], $0x1000  }
0x1c: {  	[sflag:s12] =	ssyncset.done $0x0  }
0x1d: {  	s29 =	rddreg [dreg:$0x4];
	[sflag:s12] =	ssyncadd.s32 $0xFFFFF000  }
0x1e: {  	[tilespmem:s13], [sflag:$0x1] =	stream.linear.gather [hbm4b:s29+s2], $0x1000, $0x38;
	[tilespmem:$0x9380] =	vst v63  }
0x1f: {  	_ =	swait.ge [sflag:s12], $0x1000  }
0x20: {  	[sflag:s12] =	ssyncset.done $0x0  }
0x21: {  	s30 =	rddreg [dreg:$0x5];
	[sflag:s12] =	ssyncadd.s32 $0xFFFFF000  }
0x22: {  	[tilespmem:s14], [sflag:$0x1] =	stream.linear.gather [hbm4b:s30+s2], $0x1000, $0x38;
	[tilespmem:$0x9380] =	vst v63  }
0x23: {  	_ =	swait.ge [sflag:s12], $0x1000  }
0x24: {  	[sflag:s12] =	ssyncset.done $0x0  }
0x25: {  	s1 =	simm.s32 $0x3000;
	s31 =	rddreg [dreg:$0x6];
	[sflag:s12] =	ssyncadd.s32 $0xFFFFF000  }
0x26: {  	[tilespmem:s1], [sflag:$0x1] =	stream.linear.gather [hbm4b:s31+s2], $0x40, $0x38;
	[tilespmem:$0x9380] =	vst v63  }
0x27: {  	_ =	swait.ge [sflag:s12], $0x40  }
0x28: {  	[sflag:s12] =	ssyncset.done $0x0  }
0x29: {  	[sflag:s12] =	ssyncadd.s32 $0xFFFFFFC0  }
0x2a: {  	v19 =	vld [tilespmem:$0x3000];
	_ =	sdelay $0x7  }
0x2b: {  	v20 =	vld.idx.msk [tilespmem:v19+s2+$0x0], $0xffff;
	_ =	sdelay $0x4  }
0x2c: {  	[tilespmem:$0x3080] =	vst v20  }
0x2d: {  	v20 =	vld.idx.msk [tilespmem:v19+s13+$0x0], $0xffff;
	_ =	sdelay $0x3  }
0x2e: {  	v21 =	vld [tilespmem:$0x3010]  }
0x2f: {  	[tilespmem:$0x3100] =	vst v20  }
0x30: {  	v19 =	vld.idx.msk [tilespmem:v19+s14+$0x0], $0xffff;
	_ =	sdelay $0x4  }
0x31: {  	[tilespmem:$0x3180] =	vst v19  }
0x32: {  	v19 =	vld.idx.msk [tilespmem:v21+s2+$0x0], $0xffff;
	_ =	sdelay $0x4  }
0x33: {  	[tilespmem:$0x3090] =	vst v19  }
0x34: {  	v19 =	vld.idx.msk [tilespmem:v21+s13+$0x0], $0xffff;
	_ =	sdelay $0x3  }
0x35: {  	v20 =	vld [tilespmem:$0x3020]  }
0x36: {  	[tilespmem:$0x3110] =	vst v19  }
0x37: {  	v19 =	vld.idx.msk [tilespmem:v21+s14+$0x0], $0xffff;
	_ =	sdelay $0x4  }
0x38: {  	[tilespmem:$0x3190] =	vst v19  }
0x39: {  	v19 =	vld.idx.msk [tilespmem:v20+s2+$0x0], $0xffff;
	_ =	sdelay $0x4  }
0x3a: {  	[tilespmem:$0x30A0] =	vst v19  }
0x3b: {  	v19 =	vld.idx.msk [tilespmem:v20+s13+$0x0], $0xffff;
	_ =	sdelay $0x3  }
0x3c: {  	v63 =	vld [tilespmem:$0x3030]  }
0x3d: {  	[tilespmem:$0x3120] =	vst v19  }
0x3e: {  	v19 =	vld.idx.msk [tilespmem:v20+s14+$0x0], $0xffff;
	_ =	sdelay $0x4  }
0x3f: {  	[tilespmem:$0x31A0] =	vst v19  }
0x40: {  	v19 =	vld.idx.msk [tilespmem:v63+s2+$0x0], $0xffff;
	_ =	sdelay $0x4  }
0x41: {  	[tilespmem:$0x30B0] =	vst v19  }
0x42: {  	v19 =	vld.idx.msk [tilespmem:v63+s13+$0x0], $0xffff;
	_ =	sdelay $0x4  }
0x43: {  	[tilespmem:$0x3130] =	vst v19  }
0x44: {  	v19 =	vld.idx.msk [tilespmem:v63+s14+$0x0], $0xffff;
	_ =	sdelay $0x4  }
0x45: {  	[tilespmem:$0x31B0] =	vst v19  }
0x46: {  	[hbm4b:s7+s2] =	stream.linear.scatter [tilespmem:s16], [sflag:$0x1], $0x40, $0x38;
	[tilespmem:$0x9380] =	vst v63  }
0x47: {  	_ =	swait.ge [sflag:s12], $0x40  }
0x48: {  	[sflag:s12] =	ssyncset.done $0x0  }
0x49: {  	[sflag:s12] =	ssyncadd.s32 $0xFFFFFFC0  }
0x4a: {  	[hbm4b:s8+s2] =	stream.linear.scatter [tilespmem:s17], [sflag:$0x1], $0x40, $0x38;
	[tilespmem:$0x9380] =	vst v63  }
0x4b: {  	_ =	swait.ge [sflag:s12], $0x40  }
0x4c: {  	[sflag:s12] =	ssyncset.done $0x0  }
.Ltmp2:
0x4d: {  	[sflag:s12] =	ssyncadd.s32 $0xFFFFFFC0;
	(pc) =	sbr.rel .LBB2_2-.Ltmp2, $4  }
0x4e: {  	[hbm4b:s9+s2] =	stream.linear.scatter [tilespmem:s18], [sflag:$0x1], $0x40, $0x38;
	[tilespmem:$0x9380] =	vst v63  }
0x4f: {  	_ =	swait.ge [sflag:s12], $0x40  }
0x50: {  	[sflag:s12] =	ssyncset.done $0x0  }
0x51: {  	s28 =	simm.s32 $0x0;
	[sflag:s12] =	ssyncadd.s32 $0xFFFFFFC0  }
.LBB2_18:
0x52: {  	s28 =	sadd.s32 $0x1, s28  }
0x53: {  	p0 =	sne.s32 s28, $0x40  }
.Ltmp3:
0x54: {  	_ = 	snop;
	(pc) =	sbr.rel @!p0 .LBB2_19-.Ltmp3, $1  }
0x55: {  	_ =	sdelay $0x3  }
.LBB2_2:
0x56: {  	v22 =	vmov s28;
	_ =	sdelay $0x4  }
0x57: {  	v19 =	vld.idx.msk [tilespmem:v22+s16+$0x0], $0xffff  }
0x58: {  	v20 =	vld.idx.msk [tilespmem:v22+s17+$0x0], $0xffff  }
0x59: {  	v21 =	vld.idx.msk [tilespmem:v22+s18+$0x0], $0xffff;
	[tilespmem:$0x4200] =	vst v2  }
0x5a: {  	[tilespmem:$0x4210] =	vst v2  }
0x5b: {  	[tilespmem:$0x4220] =	vst v2  }
0x5c: {  	[tilespmem:$0x4230] =	vst v2  }
0x5d: {  	[tilespmem:$0x4240] =	vst v2  }
0x5e: {  	[tilespmem:$0x4250] =	vst v2  }
0x5f: {  	[tilespmem:$0x4260] =	vst v2  }
0x60: {  	[tilespmem:$0x4270] =	vst v2  }
0x61: {  	[tilespmem:$0x4280] =	vst v2  }
0x62: {  	[tilespmem:$0x4290] =	vst v2  }
0x63: {  	[tilespmem:$0x42A0] =	vst v2  }
0x64: {  	[tilespmem:$0x42B0] =	vst v2  }
0x65: {  	[tilespmem:$0x42C0] =	vst v2  }
0x66: {  	[tilespmem:$0x42D0] =	vst v2  }
0x67: {  	[tilespmem:$0x42E0] =	vst v2  }
0x68: {  	s0 =	simm.s32 $0x2040;
	[tilespmem:$0x42F0] =	vst v2  }
0x69: {  	v23 =	vld [tilespmem:s0+$0x20]  }
0x6a: {  	v24 =	vld [tilespmem:s0+$0xFFFFFFE0]  }
0x6b: {  	s1 =	simm.s32 $0x40;
	v25 =	vld [tilespmem:s0+$0xFFFFFFF0]  }
0x6c: {  	v26 =	vld [tilespmem:s1+$0x20]  }
0x6d: {  	s3 =	simm.s32 $0x1040;
	v27 =	vld [tilespmem:s0+$0xFFFFFFD0]  }
0x6e: {  	v28 =	vld [tilespmem:s3+$0xFFFFFFD0]  }
0x6f: {  	v29 =	vld [tilespmem:s3+$0xFFFFFFF0]  }
0x70: {  	v31 =	vld [tilespmem:s3+$0xFFFFFFE0]  }
0x71: {  	v32 =	vld [tilespmem:s0+$0xFFFFFFC0]  }
0x72: {  	v33 =	vld [tilespmem:s3+$0xFFFFFFC0]  }
0x73: {  	v34 =	vld [tilespmem:s1+$0xFFFFFFD0]  }
0x74: {  	v35 =	vld [tilespmem:s1+$0xFFFFFFE0]  }
0x75: {  	v36 =	vld [tilespmem:s1+$0xFFFFFFC0]  }
0x76: {  	v37 =	vld [tilespmem:s1+$0x0]  }
0x77: {  	v39 =	vld [tilespmem:s1+$0xFFFFFFF0];
	v24 =	vsub.f32 v21, v24;
	v25 =	vsub.f32 v21, v25  }
0x78: {  	v42 =	vld [tilespmem:s3+$0x20];
	v28 =	vsub.f32 v20, v28;
	v29 =	vsub.f32 v20, v29  }
0x79: {  	v40 =	vld [tilespmem:s3+$0x30];
	v23 =	vsub.f32 v21, v23;
	v33 =	vsub.f32 v20, v33  }
0x7a: {  	v30 =	vld [tilespmem:s3+$0x10];
	v35 =	vsub.f32 v19, v35;
	v34 =	vsub.f32 v19, v34  }
0x7b: {  	v43 =	vld [tilespmem:s3+$0x0];
	v31 =	vsub.f32 v20, v31;
	v36 =	vsub.f32 v19, v36  }
0x7c: {  	v38 =	vld [tilespmem:s0+$0x0];
	v27 =	vsub.f32 v21, v27;
	v32 =	vsub.f32 v21, v32  }
0x7d: {  	s29 =	simm.s32 $0x20C0;
	v44 =	vld [tilespmem:s0+$0x30];
	v37 =	vsub.f32 v19, v37;
	v62 =	vsub.f32 v20, v42  }
0x7e: {  	s6 =	simm.s32 $0x10C0;
	v63 =	vld [tilespmem:s29+$0xFFFFFFE0];
	v39 =	vsub.f32 v19, v39;
	v40 =	vsub.f32 v20, v40  }
0x7f: {  	v49 =	vld [tilespmem:s6+$0xFFFFFFF0];
	v26 =	vsub.f32 v19, v26;
	v30 =	vsub.f32 v20, v30;
	v28 =	vmul.f32 v28, v28  }
0x80: {  	v52 =	vld [tilespmem:s6+$0xFFFFFFE0];
	v43 =	vsub.f32 v20, v43;
	v33 =	vmul.f32 v33, v33;
	v34 =	vmul.f32 v34, v34  }
0x81: {  	v41 =	vld [tilespmem:s1+$0x30];
	v38 =	vsub.f32 v21, v38;
	v35 =	vmul.f32 v35, v35;
	v36 =	vmul.f32 v36, v36  }
0x82: {  	v60 =	vld [tilespmem:s1+$0x10];
	v53 =	vsub.f32 v21, v44;
	v27 =	vmul.f32 v27, v27;
	v31 =	vmul.f32 v31, v31  }
0x83: {  	v61 =	vld [tilespmem:s0+$0x10];
	v59 =	vsub.f32 v21, v63;
	v24 =	vmul.f32 v24, v24;
	v32 =	vmul.f32 v32, v32  }
0x84: {  	v47 =	vld [tilespmem:s29+$0xFFFFFFD0];
	v63 =	vsub.f32 v20, v49;
	v29 =	vmul.f32 v29, v29;
	v37 =	vmul.f32 v37, v37  }
0x85: {  	v48 =	vld [tilespmem:s6+$0xFFFFFFD0];
	v52 =	vsub.f32 v20, v52;
	v40 =	vmul.f32 v40, v40;
	v30 =	vmul.f32 v30, v30  }
0x86: {  	s5 =	simm.s32 $0xC0;
	v56 =	vld [tilespmem:s6+$0xFFFFFFC0];
	v26 =	vmul.f32 v26, v26;
	v23 =	vmul.f32 v23, v23;
	v28 =	vadd.f32 v28, v34  }
0x87: {  	v57 =	vld [tilespmem:s5+$0xFFFFFFD0];
	v54 =	vmul.f32 v38, v38;
	v33 =	vadd.f32 v33, v36;
	v34 =	vsub.f32 v19, v60  }
0x88: {  	v42 =	vld [tilespmem:s5+$0x20];
	v55 =	vmul.f32 v39, v39;
	v36 =	vsub.f32 v21, v61;
	v45 =	vadd.f32 v27, v28  }
0x89: {  	v25 =	vmul.f32 v25, v25;
	v60 =	vld [tilespmem:s5+$0xFFFFFFC0];
	v27 =	vadd.f32 v31, v35;
	v31 =	vsub.f32 v19, v41  }
0x8a: {  	v61 =	vsub.f32 v20, v48;
	v28 =	vld [tilespmem:s29+$0x20];
	v35 =	vmul.f32 v62, v62;
	v34 =	vmul.f32 v34, v34  }
0x8b: {  	v32 =	vadd.f32 v32, v33;
	v33 =	vld [tilespmem:s29+$0xFFFFFFC0];
	v24 =	vadd.f32 v24, v27;
	v31 =	vmul.f32 v31, v31  }
0x8c: {  	s15 =	simm.s32 $0x3240;
	v51 =	vmul.f32 v36, v36;
	v36 =	vld [tilespmem:s5+$0x10];
	v30 =	vadd.f32 v30, v34;
	v26 =	vadd.f32 v35, v26  }
0x8d: {  	v27 =	vld [tilespmem:s29+$0xFFFFFFF0];
	v46 =	vshra.s32 v24, $0x17;
	v31 =	vadd.f32 v40, v31;
	[tilespmem:s15+$0xFFFFFFE0] =	vst v24;
	v24 =	vmul.f32 v43, v43  }
0x8e: {  	v40 =	vld [tilespmem:s6+$0x10];
	v30 =	vadd.f32 v51, v30;
	v26 =	vadd.f32 v23, v26;
	v23 =	vmul.f32 v53, v53  }
0x8f: {  	v42 =	vsub.f32 v19, v42;
	[tilespmem:s15+$0xFFFFFFC0] =	vst v32;
	v43 =	vshra.s32 v32, $0x17;
	v51 =	vld [tilespmem:s5+$0xFFFFFFF0];
	v24 =	vadd.f32 v24, v37  }
0x90: {  	v50 =	vmul.f32 v61, v61;
	v35 =	vsub.f32 v19, v57;
	v53 =	vld [tilespmem:s6+$0x30];
	v31 =	vadd.f32 v23, v31;
	[tilespmem:s15+$0x10] =	vst v30  }
0x91: {  	v58 =	vshra.s32 v30, $0x17;
	[tilespmem:s15+$0x20] =	vst v26;
	v34 =	vadd.f32 v54, v24;
	v24 =	vadd.f32 v29, v55;
	v29 =	vld [tilespmem:s5+$0xFFFFFFE0]  }
0x92: {  	v35 =	vmul.f32 v35, v35;
	v49 =	vsub.f32 v21, v28;
	v62 =	vshra.s32 v26, $0x17;
	v55 =	vld [tilespmem:s5+$0x30];
	[tilespmem:s15+$0x30] =	vst v31  }
0x93: {  	v28 =	vsub.f32 v20, v56;
	v37 =	vmul.f32 v59, v59;
	[tilespmem:v46+s19+$0x0] =	vst.idx.add.s32.msk $0xffff, v3  }
0x94: {  	v26 =	vsub.f32 v21, v33;
	v23 =	vsub.f32 v21, v27;
	[tilespmem:v43+s19+$0x0] =	vst.idx.add.s32.msk $0xffff, v3;
	v30 =	vshra.s32 v34, $0x17  }
0x95: {  	v27 =	vld [tilespmem:s5+$0x0];
	v28 =	vmul.f32 v28, v28;
	v54 =	vsub.f32 v19, v60;
	v57 =	vshra.s32 v31, $0x17;
	[tilespmem:s15+$0x0] =	vst v34  }
0x96: {  	v25 =	vadd.f32 v25, v24;
	[tilespmem:v58+s19+$0x0] =	vst.idx.add.s32.msk $0xffff, v3;
	v29 =	vsub.f32 v19, v29  }
0x97: {  	v31 =	vmul.f32 v52, v52;
	v32 =	vsub.f32 v19, v51;
	[tilespmem:v62+s19+$0x0] =	vst.idx.add.s32.msk $0xffff, v3  }
0x98: {  	v59 =	vld [tilespmem:s6+$0x20];
	v44 =	vsub.f32 v20, v53;
	[tilespmem:s15+$0xFFFFFFF0] =	vst v25;
	v62 =	vsub.f32 v19, v55;
	v56 =	vmul.f32 v29, v29  }
0x99: {  	v61 =	vshra.s32 v25, $0x17;
	v29 =	vsub.f32 v21, v47;
	[tilespmem:v30+s19+$0x0] =	vst.idx.add.s32.msk $0xffff, v3;
	v30 =	vmul.f32 v54, v54  }
0x9a: {  	v58 =	vadd.f32 v50, v35;
	v60 =	vsub.f32 v19, v27;
	v25 =	vshra.s32 v45, $0x17;
	[tilespmem:v57+s19+$0x0] =	vst.idx.add.s32.msk $0xffff, v3  }
0x9b: {  	v35 =	vld [tilespmem:s6+$0x0];
	v34 =	vmul.f32 v62, v62;
	v27 =	vmul.f32 v29, v29;
	v28 =	vadd.f32 v28, v30  }
0x9c: {  	v24 =	vld [tilespmem:s29+$0x0];
	v29 =	vmul.f32 v26, v26;
	v30 =	vmul.f32 v60, v60;
	v41 =	vadd.f32 v31, v56  }
0x9d: {  	[tilespmem:s15+$0xFFFFFFD0] =	vst v45;
	v33 =	vld [tilespmem:s29+$0x30];
	v26 =	vadd.f32 v27, v58;
	v27 =	vmul.f32 v63, v63;
	v63 =	vsub.f32 v20, v59  }
0x9e: {  	s30 =	simm.s32 $0x140;
	s15 =	simm.s32 $0x32C0;
	v31 =	vmul.f32 v49, v49;
	[tilespmem:v61+s19+$0x0] =	vst.idx.add.s32.msk $0xffff, v3;
	v37 =	vadd.f32 v37, v41  }
0x9f: {  	s31 =	simm.s32 $0x1140;
	s1 =	simm.s32 $0x8;
	s0 =	simm.s32 $0x32C0;
	v39 =	vld [tilespmem:s29+$0x10];
	v41 =	vsub.f32 v20, v40;
	v40 =	vmul.f32 v44, v44;
	v38 =	vmul.f32 v63, v63;
	[tilespmem:s15+$0xFFFFFFD0] =	vst v26  }
.LBB2_3:
0xa0: {  	s1 =	sadd.s32 $0x8, s1;
	v35 =	vsub.f32 v20, v35;
	v42 =	vmul.f32 v42, v42;
	s29 =	sadd.s32 $0x80, s29;
	s15 =	sadd.s32 $0x80, s15;
	[tilespmem:v25+s19+$0x0] =	vst.idx.add.s32.msk $0xffff, v3  }
0xa1: {  	v24 =	vsub.f32 v21, v24;
	v43 =	vld [tilespmem:s29+$0x20];
	p0 =	slt.u32 s1, $0xF8;
	[tilespmem:s0+$0xFFFFFFE0] =	vst v37;
	v41 =	vmul.f32 v41, v41;
	v34 =	vadd.f32 v40, v34  }
0xa2: {  	v33 =	vsub.f32 v21, v33;
	v40 =	vld [tilespmem:s29+$0xFFFFFFE0];
	v25 =	vmul.f32 v35, v35;
	v35 =	vadd.f32 v38, v42  }
0xa3: {  	v28 =	vadd.f32 v29, v28;
	v29 =	vshra.s32 v37, $0x17;
	v36 =	vsub.f32 v19, v36;
	v38 =	vld [tilespmem:s29+$0xFFFFFFF0]  }
0xa4: {  	v24 =	vmul.f32 v24, v24;
	v37 =	vld [tilespmem:s30+$0x20];
	v30 =	vadd.f32 v25, v30;
	v39 =	vsub.f32 v21, v39  }
0xa5: {  	v32 =	vmul.f32 v32, v32;
	v36 =	vmul.f32 v36, v36;
	v31 =	vadd.f32 v31, v35;
	v42 =	vld [tilespmem:s29+$0xFFFFFFD0];
	[tilespmem:s0+$0xFFFFFFC0] =	vst v28  }
0xa6: {  	v25 =	vshra.s32 v26, $0x17;
	v26 =	vmul.f32 v33, v33;
	v35 =	vld [tilespmem:s31+$0xFFFFFFD0];
	v24 =	vadd.f32 v24, v30  }
0xa7: {  	v36 =	vadd.f32 v41, v36;
	v39 =	vmul.f32 v39, v39;
	v30 =	vsub.f32 v21, v40;
	v33 =	vld [tilespmem:s31+$0xFFFFFFF0];
	[tilespmem:s0+$0x20] =	vst v31  }
0xa8: {  	v27 =	vadd.f32 v27, v32;
	v32 =	vmul.f32 v23, v23;
	v26 =	vadd.f32 v26, v34;
	v40 =	vld [tilespmem:s31+$0x10]  }
0xa9: {  	v23 =	vsub.f32 v21, v38;
	v36 =	vadd.f32 v39, v36;
	v34 =	vld [tilespmem:s31+$0xFFFFFFE0]  }
0xaa: {  	v27 =	vadd.f32 v32, v27;
	[tilespmem:v29+s19+$0x0] =	vst.idx.add.s32.msk $0xffff, v3  }
0xab: {  	v29 =	vld [tilespmem:s29+$0xFFFFFFC0];
	[tilespmem:s0+$0x10] =	vst v36  }
0xac: {  	v32 =	vld [tilespmem:s31+$0xFFFFFFC0];
	[tilespmem:s0+$0x0] =	vst v24  }
0xad: {  	v36 =	vshra.s32 v36, $0x17;
	v38 =	vld [tilespmem:s30+$0xFFFFFFD0];
	[tilespmem:s0+$0x30] =	vst v26  }
0xae: {  	v41 =	vshra.s32 v24, $0x17;
	v39 =	vld [tilespmem:s30+$0xFFFFFFE0];
	[tilespmem:s0+$0xFFFFFFF0] =	vst v27;
	s0 =	smov.u32 s15  }
0xaf: {  	v45 =	vshra.s32 v28, $0x17;
	v28 =	vshra.s32 v31, $0x17;
	v44 =	vld [tilespmem:s30+$0xFFFFFFC0]  }
0xb0: {  	v31 =	vld [tilespmem:s30+$0x0]  }
0xb1: {  	v35 =	vsub.f32 v20, v35;
	v24 =	vld [tilespmem:s29+$0x0]  }
0xb2: {  	v43 =	vsub.f32 v21, v43;
	v33 =	vsub.f32 v20, v33;
	[tilespmem:v36+s19+$0x0] =	vst.idx.add.s32.msk $0xffff, v3  }
0xb3: {  	v35 =	vmul.f32 v35, v35;
	v32 =	vsub.f32 v20, v32;
	v36 =	vsub.f32 v19, v39;
	v39 =	vld [tilespmem:s30+$0xFFFFFFF0]  }
0xb4: {  	v46 =	vmul.f32 v30, v30;
	v34 =	vsub.f32 v20, v34;
	v38 =	vsub.f32 v19, v38;
	v47 =	vld [tilespmem:s31+$0x30]  }
0xb5: {  	v32 =	vmul.f32 v32, v32;
	v30 =	vsub.f32 v19, v44;
	v36 =	vmul.f32 v36, v36;
	v44 =	vld [tilespmem:s30+$0x30]  }
0xb6: {  	v42 =	vsub.f32 v21, v42;
	v38 =	vmul.f32 v38, v38;
	[tilespmem:v41+s19+$0x0] =	vst.idx.add.s32.msk $0xffff, v3;
	v41 =	vshra.s32 v26, $0x17  }
0xb7: {  	v26 =	vsub.f32 v21, v29;
	v29 =	vmul.f32 v30, v30;
	v30 =	vsub.f32 v19, v31;
	v31 =	vld [tilespmem:s31+$0x20]  }
0xb8: {  	v35 =	vadd.f32 v35, v38;
	v38 =	vmul.f32 v42, v42;
	[tilespmem:v28+s19+$0x0] =	vst.idx.add.s32.msk $0xffff, v3  }
0xb9: {  	v28 =	vadd.f32 v32, v29;
	v29 =	vmul.f32 v26, v26;
	[tilespmem:v45+s19+$0x0] =	vst.idx.add.s32.msk $0xffff, v3;
	v45 =	vshra.s32 v27, $0x17  }
0xba: {  	v26 =	vadd.f32 v38, v35;
	v32 =	vmul.f32 v34, v34;
	v27 =	vmul.f32 v33, v33;
	v35 =	vld [tilespmem:s31+$0x0]  }
.Ltmp4:
0xbb: {  	v30 =	vmul.f32 v30, v30;
	v34 =	vsub.f32 v19, v44;
	[tilespmem:v41+s19+$0x0] =	vst.idx.add.s32.msk $0xffff, v3;
	(pc) =	sbr.rel @p0 .LBB2_3-.Ltmp4, $4  }
0xbc: {  	v41 =	vadd.f32 v32, v36;
	[tilespmem:s15+$0xFFFFFFD0] =	vst v26;
	v38 =	vsub.f32 v20, v31;
	v31 =	vmul.f32 v43, v43;
	v33 =	vld [tilespmem:s29+$0x30]  }
0xbd: {  	v32 =	vsub.f32 v19, v39;
	v43 =	vsub.f32 v20, v47;
	v34 =	vmul.f32 v34, v34;
	v36 =	vld [tilespmem:s30+$0x10]  }
0xbe: {  	v42 =	vsub.f32 v19, v37;
	v38 =	vmul.f32 v38, v38;
	[tilespmem:v45+s19+$0x0] =	vst.idx.add.s32.msk $0xffff, v3  }
0xbf: {  	s31 =	sadd.s32 $0x80, s31;
	v37 =	vadd.f32 v46, v41;
	v41 =	vsub.f32 v20, v40;
	s30 =	sadd.s32 $0x80, s30;
	v40 =	vmul.f32 v43, v43;
	v39 =	vld [tilespmem:s29+$0x10]  }
0xc0: {  	_ =	sdelay $0x1  }
0xc1: {  	v35 =	vsub.f32 v20, v35;
	v42 =	vmul.f32 v42, v42;
	v36 =	vsub.f32 v19, v36  }
0xc2: {  	v24 =	vsub.f32 v21, v24;
	v28 =	vadd.f32 v29, v28;
	v26 =	vshra.s32 v26, $0x17  }
0xc3: {  	v41 =	vmul.f32 v41, v41;
	v39 =	vsub.f32 v21, v39;
	v36 =	vmul.f32 v36, v36  }
0xc4: {  	[tilespmem:v25+s19+$0x0] =	vst.idx.add.s32.msk $0xffff, v3;
	v49 =	vshra.s32 v37, $0x17;
	v35 =	vmul.f32 v35, v35;
	v25 =	vadd.f32 v38, v42  }
0xc5: {  	v33 =	vsub.f32 v21, v33;
	[tilespmem:s0+$0xFFFFFFE0] =	vst v37;
	v29 =	vadd.f32 v41, v36;
	v50 =	vmul.f32 v39, v39  }
0xc6: {  	v24 =	vmul.f32 v24, v24;
	[tilespmem:s0+$0xFFFFFFC0] =	vst v28;
	v30 =	vadd.f32 v35, v30;
	v25 =	vadd.f32 v31, v25  }
0xc7: {  	v31 =	vmul.f32 v32, v32;
	[tilespmem:v26+s19+$0x0] =	vst.idx.add.s32.msk $0xffff, v3;
	v29 =	vadd.f32 v50, v29  }
0xc8: {  	v51 =	vadd.f32 v40, v34;
	v24 =	vadd.f32 v24, v30;
	v30 =	vmul.f32 v33, v33;
	[tilespmem:s0+$0x20] =	vst v25  }
0xc9: {  	v23 =	vmul.f32 v23, v23;
	v27 =	vadd.f32 v27, v31;
	[tilespmem:v49+s19+$0x0] =	vst.idx.add.s32.msk $0xffff, v3;
	v31 =	vshra.s32 v29, $0x17  }
0xca: {  	v30 =	vadd.f32 v30, v51;
	[tilespmem:s0+$0x10] =	vst v29;
	v29 =	vshra.s32 v24, $0x17  }
0xcb: {  	v23 =	vadd.f32 v23, v27;
	[tilespmem:s0+$0x0] =	vst v24;
	v24 =	vshra.s32 v25, $0x17  }
0xcc: {  	[tilespmem:s0+$0x30] =	vst v30;
	v25 =	vshra.s32 v28, $0x17  }
0xcd: {  	[tilespmem:s0+$0xFFFFFFF0] =	vst v23;
	v27 =	vshra.s32 v30, $0x17  }
0xce: {  	v23 =	vshra.s32 v23, $0x17;
	[tilespmem:v31+s19+$0x0] =	vst.idx.add.s32.msk $0xffff, v3  }
0xcf: {  	[tilespmem:v29+s19+$0x0] =	vst.idx.add.s32.msk $0xffff, v3  }
0xd0: {  	[tilespmem:v24+s19+$0x0] =	vst.idx.add.s32.msk $0xffff, v3  }
0xd1: {  	[tilespmem:v25+s19+$0x0] =	vst.idx.add.s32.msk $0xffff, v3  }
0xd2: {  	[tilespmem:v27+s19+$0x0] =	vst.idx.add.s32.msk $0xffff, v3  }
0xd3: {  	[tilespmem:v23+s19+$0x0] =	vst.idx.add.s32.msk $0xffff, v3  }
0xd4: {  	v23 =	vld.idx.msk [tilespmem:v1+s19+$0x0], $0xffff  }
0xd5: {  	v24 =	vld.idx.msk [tilespmem:v4+s19+$0x0], $0xffff  }
0xd6: {  	v25 =	vld.idx.msk [tilespmem:v5+s19+$0x0], $0xffff  }
0xd7: {  	v26 =	vld.idx.msk [tilespmem:v6+s19+$0x0], $0xffff  }
0xd8: {  	v27 =	vld.idx.msk [tilespmem:v7+s19+$0x0], $0xffff  }
0xd9: {  	v28 =	vld.idx.msk [tilespmem:v8+s19+$0x0], $0xffff  }
0xda: {  	v23 =	vadd.s32 v23, v24;
	v24 =	vld.idx.msk [tilespmem:v9+s19+$0x0], $0xffff  }
0xdb: {  	v23 =	vadd.s32 v25, v23;
	v25 =	vld.idx.msk [tilespmem:v10+s19+$0x0], $0xffff  }
0xdc: {  	v23 =	vadd.s32 v26, v23;
	v26 =	vld.idx.msk [tilespmem:v11+s19+$0x0], $0xffff  }
0xdd: {  	v23 =	vadd.s32 v27, v23;
	v27 =	vld.idx.msk [tilespmem:v12+s19+$0x0], $0xffff  }
0xde: {  	v23 =	vadd.s32 v28, v23;
	v28 =	vld.idx.msk [tilespmem:v13+s19+$0x0], $0xffff  }
0xdf: {  	v23 =	vadd.s32 v24, v23;
	v24 =	vld.idx.msk [tilespmem:v14+s19+$0x0], $0xffff  }
0xe0: {  	v23 =	vadd.s32 v25, v23;
	v25 =	vld.idx.msk [tilespmem:v15+s19+$0x0], $0xffff  }
0xe1: {  	v23 =	vadd.s32 v26, v23;
	v26 =	vld.idx.msk [tilespmem:v16+s19+$0x0], $0xffff  }
0xe2: {  	v23 =	vadd.s32 v27, v23;
	v27 =	vld.idx.msk [tilespmem:v17+s19+$0x0], $0xffff  }
0xe3: {  	v23 =	vadd.s32 v28, v23;
	v28 =	vld.idx.msk [tilespmem:v18+s19+$0x0], $0xffff  }
0xe4: {  	v23 =	vadd.s32 v24, v23  }
0xe5: {  	v23 =	vadd.s32 v25, v23  }
0xe6: {  	v23 =	vadd.s32 v26, v23  }
0xe7: {  	v23 =	vadd.s32 v27, v23  }
0xe8: {  	v23 =	vadd.s32 v28, v23  }
0xe9: {  	(xrf0) =	vadd.scan.msk.s32 $0xffff, v23;
	_ =	sdelay $0x5  }
0xea: {  	v24, _, _ =	vpop (xrf0)  }
0xeb: {  	vm0 =	vgt.s32 v24, $0x1F  }
0xec: {  	v25 =	vmctz.xlane vm0;
	_ =	sdelay $0x1  }
0xed: {  	v26 =	vshll.u32 v25, $0x4  }
0xee: {  	v27 =	vor.u32 v0, v26;
	_ =	sdelay $0x2  }
0xef: {  	v23 =	vsub.s32 v24, v23  }
0xf0: {  	[tilespmem:$0x4300] =	vst v23  }
0xf1: {  	v27 =	vld.idx.msk [tilespmem:v27+s19+$0x0], $0xffff;
	_ =	sdelay $0x4  }
0xf2: {  	(xrf0) =	vadd.scan.msk.s32 $0xffff, v27;
	_ =	sdelay $0x1  }
0xf3: {  	v23 =	vld.idx.msk [tilespmem:v25+s20+$0x0], $0xffff;
	_ =	sdelay $0x3  }
0xf4: {  	v24, _, _ =	vpop (xrf0)  }
0xf5: {  	v25 =	vadd.s32 v23, v24  }
0xf6: {  	vm0 =	vgt.s32 v25, $0x1F  }
0xf7: {  	v28 =	vmctz.xlane vm0;
	_ =	sdelay $0x4  }
0xf8: {  	[tilespmem:$0x4300] =	vst v24  }
0xf9: {  	v31 =	vimm.s32 $0x0;
	v24 =	vld.idx.msk [tilespmem:v28+s20+$0x0], $0xffff;
	[tilespmem:$0x4300] =	vst v27  }
0xfa: {  	v25 =	vld.idx.msk [tilespmem:v28+s20+$0x0], $0xffff;
	[tilespmem:$0x4200] =	vst v31  }
0xfb: {  	[tilespmem:$0x4210] =	vst v31  }
0xfc: {  	[tilespmem:$0x4220] =	vst v31  }
0xfd: {  	[tilespmem:$0x4230] =	vst v31  }
0xfe: {  	[tilespmem:$0x4240] =	vst v31  }
0xff: {  	[tilespmem:$0x4250] =	vst v31  }
0x100: {  	[tilespmem:$0x4260] =	vst v31  }
0x101: {  	[tilespmem:$0x4270] =	vst v31  }
0x102: {  	[tilespmem:$0x4280] =	vst v31  }
0x103: {  	[tilespmem:$0x4290] =	vst v31  }
0x104: {  	[tilespmem:$0x42A0] =	vst v31  }
0x105: {  	[tilespmem:$0x42B0] =	vst v31  }
0x106: {  	[tilespmem:$0x42C0] =	vst v31  }
0x107: {  	[tilespmem:$0x42D0] =	vst v31  }
0x108: {  	[tilespmem:$0x42E0] =	vst v31  }
0x109: {  	s30 =	simm.s32 $0x3220;
	[tilespmem:$0x42F0] =	vst v31  }
0x10a: {  	v27 =	vld [tilespmem:s30+$0xFFFFFFE0]  }
0x10b: {  	v29 =	vld [tilespmem:s30+$0x10]  }
0x10c: {  	v30 =	vld [tilespmem:s30+$0x0]  }
0x10d: {  	v52 =	vld [tilespmem:s30+$0xFFFFFFF0];
	_ =	sdelay $0x3  }
0x10e: {  	v26 =	vadd.s32 v26, v28;
	v28 =	vshra.s32 v27, $0x17  }
0x10f: {  	v53 =	vshra.s32 v29, $0x17;
	v54 =	vshra.s32 v30, $0x17;
	v57 =	vshra.s32 v52, $0x17  }
0x110: {  	s3 =	simm.s32 $0x10;
	v32 =	vshrl.u32 v52, $0xF;
	v63 =	vshrl.u32 v30, $0xF;
	v30 =	vshrl.u32 v27, $0xF  }
0x111: {  	v47 =	vshrl.u32 v29, $0xF;
	v52 =	vor.u32 s3, v0;
	vm1 =	vle.s32 v28, v26  }
0x112: {  	vm3 =	vle.s32 v53, v26;
	vm4 =	vle.s32 v54, v26;
	vm7 =	vle.s32 v57, v26  }
0x113: {  	s1 =	simm.s32 $0x3260;
	vm0 =	veq.s32 v57, v26;
	vm2 =	veq.s32 v54, v26;
	v56 =	vsel vm3, $0x1, v2  }
0x114: {  	v51 =	vld [tilespmem:s1+$0x0];
	vm5 =	veq.s32 v28, v26;
	v32 =	vand.u32 $0xFF, v32;
	v59 =	vsel vm4, $0x1, v2;
	(xrf0) =	vadd.scan.msk.s32 $0xffff, v56  }
0x115: {  	s15 =	simm.s32 $0x20;
	s31 =	simm.s32 $0x30;
	s0 =	simm.s32 $0x0;
	v43 =	vld [tilespmem:s1+$0xFFFFFFF0];
	vm6 =	veq.s32 v53, v26;
	v49 =	vand.u32 $0xFF, v30;
	v33 =	vand.u32 $0xFF, v47;
	(xrf0) =	vadd.scan.msk.s32 $0xffff, v59  }
0x116: {  	v27 =	vld [tilespmem:s1+$0xFFFFFFE0];
	v30 =	vor.u32 s0, v0;
	v53 =	vor.u32 s15, v0;
	v54 =	vor.u32 s31, v0  }
0x117: {  	v34 =	vand.u32 $0xFF, v63;
	v55 =	vmpcnt.ones.xlane vm1;
	v58 =	vsel vm1, $0x1, v2  }
0x118: {  	v29 =	vld [tilespmem:s1+$0x10];
	v60 =	vmpcnt.ones.xlane vm7;
	v61 =	vsel vm7, $0x1, v2;
	v62 =	vmpcnt.ones.xlane vm4  }
0x119: {  	vm1 =	vmmov vm1;
	vm8 =	vmmov vm4;
	vm7 =	vmmov vm7;
	(xrf0) =	vadd.scan.msk.s32 $0xffff, v61  }
0x11a: {  	v44 =	vmpcnt.ones.xlane vm3;
	v35 =	vadd.s32 v31, v55;
	v55 =	vshra.s32 v51, $0x17;
	v48, _, _ =	vpop (xrf0)  }
0x11b: {  	v59 =	vshra.s32 v43, $0x17;
	v28 =	vadd.s32 v35, v60;
	v45 =	vshra.s32 v27, $0x17;
	v50, _, _ =	vpop (xrf0);
	(xrf0) =	vadd.scan.msk.s32 $0xffff, v58  }
0x11c: {  	vm9 =	vle.s32 v59, v26;
	v36 =	vadd.s32 v28, v62;
	v28 =	vadd.s32 v50, v28  }
0x11d: {  	v47 =	vshra.s32 v29, $0x17;
	vm4 =	vle.s32 v45, v26;
	v61 =	vmpcnt.ones.xlane vm9  }
0x11e: {  	v62 =	vshrl.u32 v43, $0xF;
	[tilespmem:v32+s19+$0x0] =	vst.idx.add.s32.msk vm0, v3;
	v32 =	vsel vm4, $0x1, v2;
	v37 =	vadd.s32 v48, v36  }
0x11f: {  	[tilespmem:v33+s19+$0x0] =	vst.idx.add.s32.msk vm6, v3;
	vm0 =	vle.s32 v47, v26;
	v37 =	vadd.s32 $0xFFFFFFFF, v37;
	v40 =	vadd.s32 $0xFFFFFFFF, v28;
	v28, _, _ =	vpop (xrf0)  }
0x120: {  	v56 =	vmpcnt.ones.xlane vm4;
	vm6 =	vle.s32 v55, v26;
	[tilespmem:v49+s19+$0x0] =	vst.idx.add.s32.msk vm5, v3;
	v28 =	vadd.s32 v28, v35  }
0x121: {  	vm5 =	veq.s32 v59, v26;
	[tilespmem:v34+s19+$0x0] =	vst.idx.add.s32.msk vm2, v3;
	v57 =	vsel vm0, $0x1, v2;
	v46 =	vadd.s32 $0xFFFFFFFF, v28;
	v58, _, _ =	vpop (xrf0)  }
0x122: {  	vm2 =	veq.s32 v55, v26;
	v60 =	vsel vm6, $0x1, v2;
	(xrf0) =	vadd.scan.msk.s32 $0xffff, v57;
	v31 =	vadd.s32 v58, v31  }
0x123: {  	v34 =	vand.u32 $0xFF, v62;
	(xrf0) =	vadd.scan.msk.s32 $0xffff, v60;
	v28 =	vadd.s32 v36, v44;
	v36 =	vadd.s32 $0xFFFFFFFF, v31  }
0x124: {  	v63 =	vmpcnt.ones.xlane vm6;
	[tilespmem:v37+s21+$0x0] =	vst.idx.msk vm3, v54;
	v33 =	vadd.s32 v28, v56;
	v31 =	vsel vm9, $0x1, v2  }
0x125: {  	vm3 =	veq.s32 v45, v26;
	[tilespmem:v40+s21+$0x0] =	vst.idx.msk vm8, v53;
	v37 =	vadd.s32 v33, v61;
	(xrf0) =	vadd.scan.msk.s32 $0xffff, v31  }
0x126: {  	s1 =	simm.s32 $0x4;
	s15 =	simm.s32 $0x32A0;
	v35 =	vshrl.u32 v51, $0xF;
	vm8 =	veq.s32 v47, v26;
	v31 =	vadd.s32 v37, v63;
	[tilespmem:v46+s21+$0x0] =	vst.idx.msk vm7, v52  }
.LBB2_5:
0x127: {  	v38 =	vshrl.u32 v27, $0xF;
	v39 =	vshrl.u32 v29, $0xF  }
0x128: {  	s1 =	sadd.s32 $0x4, s1;
	v27 =	vld [tilespmem:s15+$0xFFFFFFE0];
	v40, _, _ =	vpop (xrf0);
	[tilespmem:v36+s21+$0x0] =	vst.idx.msk vm1, v30;
	s0 =	sadd.s32 $0x40, s0;
	vm1 =	vmmov vm4;
	vm10 =	vmmov vm6;
	vm7 =	vmmov vm9  }
0x129: {  	v29 =	vld [tilespmem:s15+$0x10];
	p0 =	slt.u32 s1, $0xFC;
	v36 =	vand.u32 $0xFF, v38;
	v38 =	vand.u32 $0xFF, v39;
	v39 =	vadd.s32 v40, v31;
	v40, _, _ =	vpop (xrf0)  }
0x12a: {  	v30 =	vor.u32 s0, v0;
	s3 =	sadd.s32 $0x10, s0;
	s29 =	sadd.s32 $0x20, s0;
	v41 =	vld [tilespmem:s15+$0x0];
	v37 =	vadd.s32 v40, v37;
	v39 =	vadd.s32 $0xFFFFFFFF, v39;
	(xrf0) =	vadd.scan.msk.s32 $0xffff, v32  }
0x12b: {  	v42 =	vor.u32 s3, v0;
	v44 =	vor.u32 s29, v0;
	s3 =	sadd.s32 $0x30, s0;
	v40 =	vld [tilespmem:s15+$0xFFFFFFF0];
	v43 =	vadd.s32 $0xFFFFFFFF, v37;
	v32, _, _ =	vpop (xrf0)  }
0x12c: {  	[tilespmem:v34+s19+$0x0] =	vst.idx.add.s32.msk vm5, v3;
	v32 =	vadd.s32 v32, v33;
	v33 =	vor.u32 s3, v0;
	v34 =	vmpcnt.ones.xlane vm0  }
0x12d: {  	v35 =	vand.u32 $0xFF, v35;
	v37 =	vshra.s32 v27, $0x17;
	v45 =	vadd.s32 $0xFFFFFFFF, v32  }
0x12e: {  	vm4 =	vle.s32 v37, v26;
	v46 =	vshra.s32 v29, $0x17;
	[tilespmem:v38+s19+$0x0] =	vst.idx.add.s32.msk vm8, v3;
	v31 =	vadd.s32 v31, v34  }
0x12f: {  	v32 =	vsel vm4, $0x1, v2;
	v34 =	vshra.s32 v41, $0x17;
	[tilespmem:v39+s21+$0x0] =	vst.idx.msk vm0, v33;
	vm0 =	vle.s32 v46, v26  }
0x130: {  	v33 =	vmpcnt.ones.xlane vm4;
	vm6 =	vle.s32 v34, v26;
	v38 =	vsel vm0, $0x1, v2;
	[tilespmem:v36+s19+$0x0] =	vst.idx.add.s32.msk vm3, v3;
	v36, _, _ =	vpop (xrf0)  }
0x131: {  	v39 =	vshra.s32 v40, $0x17;
	v47 =	vsel vm6, $0x1, v2;
	(xrf0) =	vadd.scan.msk.s32 $0xffff, v38;
	v36 =	vadd.s32 v36, v28;
	v28 =	vmovc v31  }
.Ltmp5:
0x132: {  	v33 =	vadd.s32 v31, v33;
	vm9 =	vle.s32 v39, v26;
	(xrf0) =	vadd.scan.msk.s32 $0xffff, v47;
	v36 =	vadd.s32 $0xFFFFFFFF, v36;
	(pc) =	sbr.rel @p0 .LBB2_5-.Ltmp5, $4  }
0x133: {  	vm5 =	veq.s32 v39, v26;
	v31 =	vsel vm9, $0x1, v2;
	v38 =	vmpcnt.ones.xlane vm9;
	[tilespmem:v35+s19+$0x0] =	vst.idx.add.s32.msk vm2, v3  }
0x134: {  	v39 =	vmpcnt.ones.xlane vm6;
	v35 =	vshrl.u32 v40, $0xF;
	vm2 =	veq.s32 v34, v26;
	(xrf0) =	vadd.scan.msk.s32 $0xffff, v31  }
0x135: {  	vm3 =	veq.s32 v37, v26;
	v34 =	vand.u32 $0xFF, v35;
	v37 =	vadd.s32 v33, v38;
	[tilespmem:v43+s21+$0x0] =	vst.idx.msk vm10, v44  }
0x136: {  	s15 =	sadd.s32 $0x40, s15;
	vm8 =	veq.s32 v46, v26;
	v35 =	vshrl.u32 v41, $0xF;
	v31 =	vadd.s32 v37, v39;
	[tilespmem:v45+s21+$0x0] =	vst.idx.msk vm7, v42  }
0x137: {  	(xrf0) =	vadd.scan.msk.s32 $0xffff, v32;
	_ =	sdelay $0x1  }
0x138: {  	v29 =	vshrl.u32 v29, $0xF;
	v35 =	vand.u32 $0xFF, v35  }
0x139: {  	v43, _, _ =	vpop (xrf0);
	v27 =	vshrl.u32 v27, $0xF;
	v29 =	vand.u32 $0xFF, v29  }
0x13a: {  	v32 =	vadd.s32 v43, v31;
	v27 =	vand.u32 $0xFF, v27;
	v38, _, _ =	vpop (xrf0)  }
0x13b: {  	[tilespmem:v36+s21+$0x0] =	vst.idx.msk vm1, v30;
	vm12 =	vmmov vm6;
	v32 =	vadd.s32 $0xFFFFFFFF, v32;
	v44 =	vadd.s32 v38, v37;
	v45, _, _ =	vpop (xrf0)  }
0x13c: {  	[tilespmem:v34+s19+$0x0] =	vst.idx.add.s32.msk vm5, v3;
	v30 =	vadd.s32 $0xFFFFFFFF, v44;
	v33 =	vadd.s32 v45, v33;
	v46, _, _ =	vpop (xrf0)  }
0x13d: {  	vm4 =	vmmov vm4;
	s0 =	sadd.s32 $0x40, s0;
	v33 =	vadd.s32 $0xFFFFFFFF, v33;
	[tilespmem:v35+s19+$0x0] =	vst.idx.add.s32.msk vm2, v3;
	v28 =	vadd.s32 v46, v28  }
0x13e: {  	s1 =	sadd.s32 $0x30, s0;
	[tilespmem:v29+s19+$0x0] =	vst.idx.add.s32.msk vm8, v3;
	v28 =	vadd.s32 $0xFFFFFFFF, v28  }
0x13f: {  	s6 =	sadd.s32 $0x20, s0;
	v47 =	vor.u32 s1, v0;
	[tilespmem:v27+s19+$0x0] =	vst.idx.add.s32.msk vm3, v3  }
0x140: {  	s3 =	sadd.s32 $0x10, s0;
	v27 =	vor.u32 s6, v0;
	[tilespmem:v32+s21+$0x0] =	vst.idx.msk vm0, v47  }
0x141: {  	v48 =	vor.u32 s3, v0;
	[tilespmem:v30+s21+$0x0] =	vst.idx.msk vm12, v27  }
0x142: {  	v27 =	vor.u32 s0, v0;
	[tilespmem:v33+s21+$0x0] =	vst.idx.msk vm9, v48  }
0x143: {  	[tilespmem:v28+s21+$0x0] =	vst.idx.msk vm4, v27  }
0x144: {  	v27 =	vld.idx.msk [tilespmem:v1+s19+$0x0], $0xffff  }
0x145: {  	v28 =	vld.idx.msk [tilespmem:v4+s19+$0x0], $0xffff  }
0x146: {  	v29 =	vld.idx.msk [tilespmem:v5+s19+$0x0], $0xffff  }
0x147: {  	v30 =	vld.idx.msk [tilespmem:v6+s19+$0x0], $0xffff  }
0x148: {  	v32 =	vld.idx.msk [tilespmem:v7+s19+$0x0], $0xffff  }
0x149: {  	v33 =	vld.idx.msk [tilespmem:v8+s19+$0x0], $0xffff  }
0x14a: {  	v49 =	vld.idx.msk [tilespmem:v9+s19+$0x0], $0xffff;
	v27 =	vadd.s32 v27, v28  }
0x14b: {  	v50 =	vld.idx.msk [tilespmem:v10+s19+$0x0], $0xffff;
	v27 =	vadd.s32 v29, v27  }
0x14c: {  	v51 =	vld.idx.msk [tilespmem:v11+s19+$0x0], $0xffff;
	v27 =	vadd.s32 v30, v27  }
0x14d: {  	v52 =	vld.idx.msk [tilespmem:v12+s19+$0x0], $0xffff;
	v27 =	vadd.s32 v32, v27  }
0x14e: {  	v53 =	vld.idx.msk [tilespmem:v13+s19+$0x0], $0xffff;
	v27 =	vadd.s32 v33, v27  }
0x14f: {  	v54 =	vld.idx.msk [tilespmem:v14+s19+$0x0], $0xffff;
	v27 =	vadd.s32 v49, v27  }
0x150: {  	v55 =	vld.idx.msk [tilespmem:v15+s19+$0x0], $0xffff;
	v27 =	vadd.s32 v50, v27  }
0x151: {  	v56 =	vld.idx.msk [tilespmem:v16+s19+$0x0], $0xffff;
	v27 =	vadd.s32 v51, v27  }
0x152: {  	v57 =	vld.idx.msk [tilespmem:v17+s19+$0x0], $0xffff;
	v27 =	vadd.s32 v52, v27  }
0x153: {  	v58 =	vld.idx.msk [tilespmem:v18+s19+$0x0], $0xffff;
	v27 =	vadd.s32 v53, v27  }
0x154: {  	v59 =	vmpcnt.ones.xlane vm0;
	v27 =	vadd.s32 v54, v27  }
0x155: {  	v27 =	vadd.s32 v55, v27  }
0x156: {  	v60 =	vadd.s32 v31, v59;
	v27 =	vadd.s32 v56, v27  }
0x157: {  	v28 =	vxor.u32 $0x80000000, v60;
	v27 =	vadd.s32 v57, v27  }
0x158: {  	(xrf0) =	vmax.scan.msk.u32 $0xffff, v28;
	v27 =	vadd.s32 v58, v27  }
0x159: {  	(xrf0) =	vadd.scan.msk.s32 $0xffff, v27;
	_ =	sdelay $0x3  }
0x15a: {  	v23 =	vadd.s32 v24, v23  }
0x15b: {  	v23 =	vsub.s32 v25, v23;
	v24, _, _ =	vpop (xrf0)  }
0x15c: {  	v23 =	vadd.s32 $0x20, v23;
	(v2sf) =	vpush v24, $0xF;
	v25, _, _ =	vpop (xrf0)  }
0x15d: {  	vm14 =	vge.s32 v25, v23  }
0x15e: {  	v61 =	vmctz.xlane vm14;
	_ =	sdelay $0x1  }
0x15f: {  	v24 =	vshll.u32 v61, $0x4  }
0x160: {  	v62 =	vor.u32 v0, v24;
	_ =	sdelay $0x2  }
0x161: {  	v25 =	vsub.s32 v25, v27  }
0x162: {  	[tilespmem:$0x4300] =	vst v25  }
0x163: {  	v25 =	vld.idx.msk [tilespmem:v62+s19+$0x0], $0xffff;
	_ =	sdelay $0x4  }
0x164: {  	s15 =	spop (v2sf);
	(xrf0) =	vadd.scan.msk.s32 $0xffff, v25  }
0x165: {  	s31 =	sadd.s32 $0x8000000F, s15  }
0x166: {  	s29 =	sshra.s32 s31, $0x4;
	v27 =	vld.idx.msk [tilespmem:v61+s20+$0x0], $0xffff  }
0x167: {  	s1 =	sshrl.u32 s29, $0x1E  }
0x168: {  	s1 =	sadd.s32 s1, s29  }
0x169: {  	s30 =	sand.u32 $0xFFFFFFFC, s1  }
0x16a: {  	p0 =	slt.s32 s30, $0x1;
	v63, _, _ =	vpop (xrf0)  }
.Ltmp6:
0x16b: {  	v27 =	vadd.s32 v27, v63;
	(pc) =	sbr.rel @p0 .LBB2_7-.Ltmp6, $4  }
0x16c: {  	vm15 =	vge.s32 v27, v23  }
0x16d: {  	v26 =	vshll.u32 v26, $0x8;
	v23 =	vmctz.xlane vm15  }
0x16e: {  	s0 =	sxor.u32 $0x80000000, s15;
	v24 =	vadd.s32 v26, v24  }
0x16f: {  	vm13 =	vmmov vm9;
	[tilespmem:$0x4300] =	vst v25;
	v23 =	vadd.s32 v23, v24;
	v24 =	vmov s0  }
0x170: {  	p2 =	sgt.s32 s30, $0x4  }
.Ltmp7:
0x171: {  	_ = 	snop;
	(pc) =	sbr.rel @!p2 .LBB2_22-.Ltmp7, $4  }
0x172: {  	_ = 	snop  }
0x173: {  	s31 =	simm.s32 $0x63A0  }
0x174: {  	s0 =	simm.s32 $0x0;
	v25 =	vld [tilespmem:s31+$0x0]  }
0x175: {  	v27 =	vimm.s32 $0x0;
	s15 =	simm.s32 $0x20;
	p0 =	por $0x0, $0x0;
	p1 =	por $0x0, $0x0;
	v26 =	vld [tilespmem:s31+$0xFFFFFFF0]  }
0x176: {  	v28 =	vor.u32 s15, v0  }
0x177: {  	vm0 =	vlt.s32 v28, v24;
	_ =	sdelay $0x2  }
0x178: {  	s1 =	simm.s32 $0x10  }
0x179: {  	v28 =	vld [tilespmem:s31+$0xFFFFFFE0];
	v29 =	vor.u32 s1, v0  }
0x17a: {  	v30 =	vor.u32 s0, v0;
	vm1 =	vlt.s32 v29, v24  }
0x17b: {  	vm3 =	vlt.s32 v30, v24;
	v32 =	vld.idx.msk [tilespmem:v25+s22+$0x0], vm0  }
0x17c: {  	p2 =	sgt.s32 s30, $0x8  }
.Ltmp8:
0x17d: {  	v29 =	vld [tilespmem:s31+$0x10];
	s31 =	simm.s32 $0x63E0;
	(pc) =	sbr.rel @!p2 .LBB2_24-.Ltmp8, $4  }
0x17e: {  	s15 =	simm.s32 $0x30;
	v38 =	vld [tilespmem:s31+$0x0]  }
0x17f: {  	v31 =	vor.u32 s15, v0;
	v36 =	vld [tilespmem:s31+$0xFFFFFFF0]  }
0x180: {  	vm2 =	vlt.s32 v31, v24;
	vm4 =	vmmov vm0;
	v33 =	vld.idx.msk [tilespmem:v26+s22+$0x0], vm1;
	v31 =	vshra.s32 v32, $0xF  }
0x181: {  	s0 =	simm.s32 $0x40;
	p0 =	por $0x1, $0x1;
	s15 =	simm.s32 $0x60;
	vm6 =	vmmov vm1;
	v30 =	vld.idx.msk [tilespmem:v28+s22+$0x0], vm3;
	vm3 =	vmmov vm3;
	vm8 =	vle.s32 v31, v23  }
0x182: {  	_ =	sdelay $0x1  }
0x183: {  	v31 =	vor.u32 s15, v0  }
0x184: {  	vm7 =	vlt.s32 v31, v24;
	v31 =	vshra.s32 v33, $0xF  }
0x185: {  	v35 =	vor.u32 s0, v0;
	vm0 =	vle.s32 v31, v23  }
0x186: {  	s6 =	simm.s32 $0x50;
	v34 =	vld.idx.msk [tilespmem:v29+s22+$0x0], vm2;
	vm1 =	vmand vm4, vm8;
	v37 =	vshra.s32 v30, $0xF;
	vm0 =	vmand vm6, vm0  }
0x187: {  	v31 =	vor.u32 s6, v0;
	vm5 =	vle.s32 v37, v23;
	v59 =	vsel vm0, $0x1, v2  }
0x188: {  	vm8 =	vlt.s32 v31, v24;
	v31 =	vsel vm1, $0x1, v2;
	vm5 =	vmand vm3, vm5;
	(xrf0) =	vadd.scan.msk.s32 $0xffff, v59  }
0x189: {  	v42 =	vld [tilespmem:s31+$0xFFFFFFE0];
	s15 =	simm.s32 $0x70;
	vm9 =	vlt.s32 v35, v24;
	v60 =	vsel vm5, $0x1, v2;
	(xrf0) =	vadd.scan.msk.s32 $0xffff, v31  }
0x18a: {  	v41 =	vmpcnt.ones.xlane vm1;
	vm6 =	vmmov vm2;
	v44 =	vld.idx.msk [tilespmem:v38+s22+$0x0], vm7;
	v31 =	vor.u32 s15, v0;
	(xrf0) =	vadd.scan.msk.s32 $0xffff, v60  }
0x18b: {  	v61 =	vmpcnt.ones.xlane vm5;
	vm2 =	vlt.s32 v31, v24;
	v31 =	vshra.s32 v34, $0xF  }
0x18c: {  	v40 =	vld [tilespmem:s31+$0x10];
	p2 =	sgt.s32 s30, $0xC;
	vm4 =	vmmov vm7;
	v43 =	vmpcnt.ones.xlane vm0;
	vm10 =	vle.s32 v31, v23  }
.Ltmp9:
0x18d: {  	s31 =	simm.s32 $0x6420;
	vm3 =	vmmov vm9;
	v37 =	vadd.s32 v27, v61;
	vm7 =	vmand vm6, vm10;
	(pc) =	sbr.rel @!p2 .LBB2_26-.Ltmp9, $4  }
0x18e: {  	v49 =	vld [tilespmem:s31+$0x0];
	v48 =	vadd.s32 v37, v43;
	vm6 =	vmmov vm8;
	v45 =	vsel vm7, $0x1, v2;
	v46, _, _ =	vpop (xrf0)  }
0x18f: {  	v53 =	vld [tilespmem:s31+$0xFFFFFFF0];
	v41 =	vadd.s32 v48, v41;
	v39 =	vmpcnt.ones.xlane vm7;
	v47 =	vshra.s32 v44, $0xF;
	(xrf0) =	vadd.scan.msk.s32 $0xffff, v45;
	v62, _, _ =	vpop (xrf0)  }
0x190: {  	s1 =	simm.s32 $0xC;
	v35 =	vld.idx.msk [tilespmem:v36+s22+$0x0], vm8;
	vm8 =	vle.s32 v47, v23;
	v46 =	vadd.s32 v46, v37;
	v43 =	vadd.s32 v62, v48;
	v63, _, _ =	vpop (xrf0)  }
0x191: {  	s0 =	simm.s32 $0x80;
	p1 =	por $0x1, $0x1;
	s15 =	simm.s32 $0xA0;
	v31 =	vld.idx.msk [tilespmem:v42+s22+$0x0], vm9;
	v37 =	vadd.s32 $0xFFFFFFFF, v46;
	v48 =	vmovc v40;
	v45 =	vadd.s32 v63, v27;
	v43 =	vadd.s32 $0xFFFFFFFF, v43  }
.LBB2_27:
0x192: {  	v46 =	vor.u32 s0, v0;
	v50 =	vor.u32 s15, v0;
	vm14 =	vmmov vm0  }
0x193: {  	s1 =	sadd.s32 $0x4, s1;
	v47 =	vld [tilespmem:s31+$0xFFFFFFE0];
	s3 =	sadd.s32 $0x10, s0;
	s15 =	sadd.s32 $0x30, s0;
	vm10 =	vmmov vm5;
	vm11 =	vmmov vm2;
	vm9 =	vmmov vm7  }
0x194: {  	p2 =	slt.s32 s1, s30;
	vm7 =	vlt.s32 v46, v24;
	v46 =	vor.u32 s3, v0;
	vm13 =	vlt.s32 v50, v24  }
0x195: {  	v50 =	vshra.s32 v35, $0xF;
	vm12 =	vlt.s32 v46, v24;
	v46 =	vor.u32 s15, v0;
	v51 =	vld.idx.msk [tilespmem:v40+s22+$0x0], vm2;
	v40, _, _ =	vpop (xrf0)  }
0x196: {  	v45 =	vadd.s32 $0xFFFFFFFF, v45;
	vm2 =	vle.s32 v50, v23;
	[tilespmem:v37+s23+$0x0] =	vst.idx.msk vm0, v33;
	v52 =	vadd.s32 v40, v41  }
0x197: {  	v40 =	vshra.s32 v31, $0xF;
	vm0 =	vmand vm6, vm2;
	v33 =	vmovc v35;
	[tilespmem:v43+s23+$0x0] =	vst.idx.msk vm1, v32;
	v50 =	vadd.s32 $0xFFFFFFFF, v52;
	v32 =	vmovc v44  }
0x198: {  	vm2 =	vle.s32 v40, v23;
	v35 =	vsel vm0, $0x1, v2;
	[tilespmem:v43+s24+$0x0] =	vst.idx.msk vm1, v25;
	vm1 =	vmand vm4, vm8;
	v25 =	vmovc v38  }
0x199: {  	vm5 =	vmand vm3, vm2;
	v38 =	vmovc v49;
	v40 =	vsel vm1, $0x1, v2;
	v52 =	vmpcnt.ones.xlane vm1;
	(xrf0) =	vadd.scan.msk.s32 $0xffff, v35  }
0x19a: {  	v35 =	vsel vm5, $0x1, v2;
	v43 =	vmpcnt.ones.xlane vm5;
	v44 =	vld.idx.msk [tilespmem:v49+s22+$0x0], vm13;
	(xrf0) =	vadd.scan.msk.s32 $0xffff, v40;
	[tilespmem:v37+s24+$0x0] =	vst.idx.msk vm14, v26;
	v26 =	vmovc v36  }
0x19b: {  	vm2 =	vlt.s32 v46, v24;
	vm3 =	vmmov vm7;
	v37 =	vshra.s32 v51, $0xF;
	v36 =	vmovc v53;
	v40 =	vld [tilespmem:s31+$0x10];
	(xrf0) =	vadd.scan.msk.s32 $0xffff, v35  }
0x19c: {  	vm4 =	vmmov vm13;
	vm6 =	vle.s32 v37, v23;
	v35 =	vld.idx.msk [tilespmem:v53+s22+$0x0], vm12;
	[tilespmem:v45+s23+$0x0] =	vst.idx.msk vm10, v30;
	v30 =	vmov v31  }
0x19d: {  	v31 =	vld.idx.msk [tilespmem:v47+s22+$0x0], vm7;
	vm7 =	vmand vm11, vm6;
	[tilespmem:v45+s24+$0x0] =	vst.idx.msk vm10, v28;
	v28 =	vmovc v42;
	v42 =	vmov v47;
	vm6 =	vmmov vm12  }
.Ltmp10:
0x19e: {  	v41 =	vadd.s32 v41, v39;
	v37 =	vmpcnt.ones.xlane vm0;
	v45 =	vsel vm7, $0x1, v2;
	[tilespmem:v50+s23+$0x0] =	vst.idx.msk vm9, v34;
	v34 =	vmovc v51;
	(pc) =	sbr.rel @p2 .LBB2_27-.Ltmp10, $4  }
0x19f: {  	v47 =	vadd.s32 v41, v43;
	v39 =	vmpcnt.ones.xlane vm7;
	v46, _, _ =	vpop (xrf0);
	(xrf0) =	vadd.scan.msk.s32 $0xffff, v45;
	[tilespmem:v50+s24+$0x0] =	vst.idx.msk vm9, v29  }
0x1a0: {  	s31 =	sadd.s32 $0x40, s31;
	v50 =	vshra.s32 v44, $0xF;
	v45 =	vadd.s32 v46, v47;
	v46 =	vadd.s32 v47, v37;
	v43, _, _ =	vpop (xrf0)  }
0x1a1: {  	s0 =	sadd.s32 $0x40, s0;
	vm8 =	vle.s32 v50, v23;
	v49 =	vld [tilespmem:s31+$0x0];
	v37 =	vadd.s32 $0xFFFFFFFF, v45;
	v47 =	vadd.s32 v43, v46;
	v43, _, _ =	vpop (xrf0)  }
0x1a2: {  	s15 =	sadd.s32 $0x20, s0;
	v29 =	vmovc v48;
	v48 =	vmovc v40;
	v53 =	vld [tilespmem:s31+$0xFFFFFFF0];
	v45 =	vadd.s32 v43, v41;
	v43 =	vadd.s32 $0xFFFFFFFF, v47;
	v41 =	vadd.s32 v46, v52  }
0x1a3: {  	_ =	sdelay $0x1  }
0x1a4: {  	v50 =	vmov v32;
	v52 =	vmov v25  }
0x1a5: {  	v51 =	vmovc v26;
	v47 =	vmovc v28;
	v46 =	vmov v29;
	v32 =	vmov v44;
	v44 =	vmov v38  }
0x1a6: {  	v28 =	vmovc v42;
	v29 =	vmovc v48;
	v25 =	vmov v49;
	v49 =	vmov v36;
	v26 =	vmov v53  }
.LBB2_29:
0x1a7: {  	v36 =	vor.u32 s15, v0  }
0x1a8: {  	v38 =	vor.u32 s0, v0;
	vm9 =	vmmov @p1 vm0;
	vm5 =	vmmov @p1 vm5  }
0x1a9: {  	vm12 =	vmmov @p0 vm2;
	s1 =	sadd.s32 $0x10, s0;
	v45 =	vadd.s32 @p1 $0xFFFFFFFF, v45;
	v32 =	vpsel p0, v32, v0  }
0x1aa: {  	s15 =	sadd.s32 $0x30, s0;
	vm11 =	vlt.s32 v36, v24;
	v36 =	vshra.s32 @p0 v35, $0xF;
	v55 =	vor.u32 s1, v0  }
0x1ab: {  	v56 =	vor.u32 s15, v0;
	vm10 =	vle.s32 @p0 v36, v23;
	v36 =	vshra.s32 @p0 v31, $0xF  }
0x1ac: {  	v35 =	vpsel p0, v35, v0;
	vm10 =	vmand @p0 vm6, vm10;
	vm13 =	vle.s32 @p0 v36, v23  }
0x1ad: {  	v40 =	vld.idx.msk @p0 [tilespmem:v40+s22+$0x0], vm2;
	vm6 =	vmand @p0 vm4, vm8;
	vm4 =	vmmov @p1 vm7;
	vm8 =	vlt.s32 v38, v24  }
0x1ae: {  	[tilespmem:v43+s23+$0x0] =	vst.idx.msk @p1 vm1, v50;
	v38, _, _ =	vpop @p1 (xrf0);
	v36 =	vsel @p0 vm10, $0x1, v2;
	vm7 =	vmand @p0 vm3, vm13;
	v42 =	vsel @p0 vm6, $0x1, v2  }
0x1af: {  	vm13 =	vlt.s32 v55, v24;
	v38 =	vadd.s32 @p1 v38, v41;
	vm3 =	vlt.s32 v56, v24  }
0x1b0: {  	v54 =	vmpcnt.ones.xlane @p0 vm10;
	vm2 =	vmmov vm8;
	v55 =	vld [tilespmem:s31+$0x10];
	vm10 =	vmmov @p0 vm10;
	(xrf0) =	vadd.scan.msk.s32 @p0 $0xffff, v36  }
0x1b1: {  	[tilespmem:v37+s23+$0x0] =	vst.idx.msk @p1 vm0, v33;
	v48 =	vsel @p0 vm7, $0x1, v2;
	v38 =	vadd.s32 @p1 $0xFFFFFFFF, v38;
	v36 =	vadd.s32 @p1 v41, v39;
	v39 =	vld [tilespmem:s31+$0xFFFFFFE0]  }
0x1b2: {  	v53 =	vmpcnt.ones.xlane @p0 vm7;
	v41 =	vshra.s32 @p0 v40, $0xF;
	vm7 =	vmmov @p0 vm7;
	(xrf0) =	vadd.scan.msk.s32 @p0 $0xffff, v42;
	v42 =	vld.idx.msk [tilespmem:v25+s22+$0x0], vm11  }
0x1b3: {  	vm15 =	vmmov vm3;
	v36 =	vpsel p1, v36, v27;
	vm14 =	vle.s32 @p0 v41, v23;
	[tilespmem:v45+s23+$0x0] =	vst.idx.msk @p1 vm5, v30  }
0x1b4: {  	v30 =	vpsel p0, v49, v0;
	(xrf0) =	vadd.scan.msk.s32 @p0 $0xffff, v48;
	v48 =	vmpcnt.ones.xlane @p0 vm6;
	v41 =	vadd.s32 @p0 v36, v53  }
0x1b5: {  	[tilespmem:v37+s24+$0x0] =	vst.idx.msk @p1 vm9, v51;
	v37 =	vmovc @p0 v44;
	vm11 =	vmmov vm11;
	vm14 =	vmand @p0 vm12, vm14;
	vm6 =	vmmov @p0 vm6;
	v50 =	vld.idx.msk [tilespmem:v26+s22+$0x0], vm13  }
0x1b6: {  	v37 =	vpsel p0, v37, v0;
	[tilespmem:v45+s24+$0x0] =	vst.idx.msk @p1 vm5, v47;
	vm5 =	vmmov @p0 vm7;
	vm9 =	vmmov @p0 vm14;
	v53, _, _ =	vpop @p0 (xrf0)  }
0x1b7: {  	[tilespmem:v43+s24+$0x0] =	vst.idx.msk @p1 vm1, v52;
	vm13 =	vmmov vm13;
	v56 =	vshra.s32 v42, $0xF;
	v53 =	vadd.s32 @p0 v53, v41  }
0x1b8: {  	v41 =	vadd.s32 @p0 v41, v54;
	v54, _, _ =	vpop @p0 (xrf0);
	v51 =	vld.idx.msk [tilespmem:v55+s22+$0x0], vm3;
	vm3 =	vmmov @p0 vm9;
	vm12 =	vle.s32 v56, v23  }
0x1b9: {  	v43 =	vadd.s32 @p0 v54, v41;
	v41 =	vadd.s32 @p0 v41, v48;
	v48 =	vmpcnt.ones.xlane @p0 vm14;
	v44 =	vld.idx.msk [tilespmem:v39+s22+$0x0], vm8  }
0x1ba: {  	v33 =	vadd.s32 @p0 $0xFFFFFFFF, v53;
	vm8 =	vmmov @p0 vm10;
	v56, _, _ =	vpop @p0 (xrf0);
	v57 =	vshra.s32 v50, $0xF  }
0x1bb: {  	[tilespmem:v38+s23+$0x0] =	vst.idx.msk @p1 vm4, v34;
	v36 =	vadd.s32 @p0 v56, v36;
	v56 =	vsel @p0 vm14, $0x1, v2;
	vm14 =	vle.s32 v57, v23  }
0x1bc: {  	v43 =	vadd.s32 @p0 $0xFFFFFFFF, v43;
	v33 =	vpsel p0, v33, v0;
	(xrf0) =	vadd.scan.msk.s32 @p0 $0xffff, v56;
	vm0 =	vmand vm13, vm14  }
0x1bd: {  	[tilespmem:v38+s24+$0x0] =	vst.idx.msk @p1 vm4, v46;
	v41 =	vpsel p0, v41, v0;
	vm1 =	vmand vm11, vm12;
	v58 =	vsel vm0, $0x1, v2  }
0x1be: {  	v48 =	vpsel p0, v48, v0;
	v60 =	vsel vm1, $0x1, v2;
	v59 =	vshra.s32 v44, $0xF;
	(xrf0) =	vadd.scan.msk.s32 $0xffff, v58  }
0x1bf: {  	v43 =	vpsel p0, v43, v0;
	v38 =	vadd.s32 @p0 v41, v48;
	vm9 =	vle.s32 v59, v23;
	(xrf0) =	vadd.scan.msk.s32 $0xffff, v60  }
0x1c0: {  	v36 =	vpsel p0, v36, v0;
	v61 =	vshra.s32 v51, $0xF;
	vm7 =	vmand vm2, vm9  }
0x1c1: {  	v27 =	vpsel p0, v38, v27;
	vm12 =	vle.s32 v61, v23;
	v62 =	vsel vm7, $0x1, v2  }
0x1c2: {  	v36 =	vadd.s32 @p0 $0xFFFFFFFF, v36;
	vm2 =	vmand vm15, vm12;
	v63 =	vmpcnt.ones.xlane vm7;
	v34, _, _ =	vpop @p0 (xrf0);
	(xrf0) =	vadd.scan.msk.s32 $0xffff, v62  }
0x1c3: {  	v48 =	vmpcnt.ones.xlane vm0;
	[tilespmem:v33+s23+$0x0] =	vst.idx.msk @p0 vm10, v35;
	v49 =	vsel vm2, $0x1, v2;
	v34 =	vadd.s32 @p0 v34, v41  }
0x1c4: {  	[tilespmem:v43+s23+$0x0] =	vst.idx.msk @p0 vm6, v32;
	v52 =	vadd.s32 v27, v63;
	v32 =	vadd.s32 @p0 $0xFFFFFFFF, v34;
	v53, _, _ =	vpop (xrf0);
	(xrf0) =	vadd.scan.msk.s32 $0xffff, v49  }
0x1c5: {  	[tilespmem:v33+s24+$0x0] =	vst.idx.msk @p0 vm8, v30;
	v34 =	vadd.s32 v52, v48;
	v54 =	vadd.s32 v53, v52;
	v56, _, _ =	vpop (xrf0)  }
0x1c6: {  	v31 =	vpsel p0, v31, v0;
	[tilespmem:v43+s24+$0x0] =	vst.idx.msk @p0 vm6, v37;
	v57 =	vadd.s32 $0xFFFFFFFF, v54;
	v58 =	vadd.s32 v56, v34  }
0x1c7: {  	v28 =	vpsel p0, v28, v0;
	v35 =	vmov @p0 v40;
	[tilespmem:v36+s23+$0x0] =	vst.idx.msk @p0 vm5, v31;
	v59 =	vadd.s32 $0xFFFFFFFF, v58  }
0x1c8: {  	v33 =	vpsel p0, v35, v0;
	v60 =	vmpcnt.ones.xlane vm1;
	[tilespmem:v36+s24+$0x0] =	vst.idx.msk @p0 vm5, v28;
	v61, _, _ =	vpop (xrf0)  }
0x1c9: {  	v29 =	vpsel p0, v29, v0;
	[tilespmem:v32+s23+$0x0] =	vst.idx.msk @p0 vm3, v33;
	v27 =	vadd.s32 v61, v27  }
0x1ca: {  	v62 =	vadd.s32 v34, v60;
	[tilespmem:v32+s24+$0x0] =	vst.idx.msk @p0 vm3, v29;
	v63, _, _ =	vpop (xrf0);
	v27 =	vadd.s32 $0xFFFFFFFF, v27  }
0x1cb: {  	[tilespmem:v57+s23+$0x0] =	vst.idx.msk vm0, v50;
	v29 =	vadd.s32 v63, v62  }
0x1cc: {  	[tilespmem:v59+s23+$0x0] =	vst.idx.msk vm1, v42;
	v29 =	vadd.s32 $0xFFFFFFFF, v29  }
0x1cd: {  	[tilespmem:v57+s24+$0x0] =	vst.idx.msk vm0, v26  }
.Ltmp11:
0x1ce: {  	[tilespmem:v59+s24+$0x0] =	vst.idx.msk vm1, v25;
	(pc) =	sbr.rel .LBB2_8-.Ltmp11, $4  }
0x1cf: {  	[tilespmem:v27+s23+$0x0] =	vst.idx.msk vm7, v44  }
0x1d0: {  	v25 =	vmpcnt.ones.xlane vm2;
	[tilespmem:v27+s24+$0x0] =	vst.idx.msk vm7, v39  }
0x1d1: {  	vm13 =	vmmov vm0;
	[tilespmem:v29+s23+$0x0] =	vst.idx.msk vm2, v51  }
0x1d2: {  	vm14 =	vmmov vm7;
	vm15 =	vmmov vm2;
	v25 =	vadd.s32 v62, v25;
	[tilespmem:v29+s24+$0x0] =	vst.idx.msk vm2, v55  }
.LBB2_7:
0x1d3: {  	v25 =	vimm.s32 $0x0  }
.LBB2_8:
0x1d4: {  	s0 =	ssub.s32 s29, s30  }
0x1d5: {  	p0 =	slt.s32 s0, $0x1  }
.Ltmp12:
0x1d6: {  	_ = 	snop;
	(pc) =	sbr.rel @p0 .LBB2_11-.Ltmp12, $1  }
0x1d7: {  	_ =	sdelay $0x3  }
0x1d8: {  	s1 =	sshll.u32 s29, $0x6;
	s3 =	sshll.u32 s0, $0x6  }
0x1d9: {  	s1 =	ssub.s32 s1, s3  }
0x1da: {  	s31 =	sshll.u32 s29, $0x4;
	s15 =	sshll.u32 s0, $0x4;
	s1 =	sshra.s32 s1, $0x2  }
0x1db: {  	s0 =	sadd.s32 $0x6380, s1;
	s1 =	ssub.s32 s31, s15  }
.LBB2_10:
0x1dc: {  	v26 =	vld [tilespmem:s0+$0x0]  }
0x1dd: {  	v27 =	vor.u32 s1, v0  }
0x1de: {  	vm0 =	vlt.s32 v27, v24;
	_ =	sdelay $0x5  }
0x1df: {  	v27 =	vld.idx.msk [tilespmem:v26+s22+$0x0], vm0;
	_ =	sdelay $0x4  }
0x1e0: {  	v28 =	vshra.s32 v27, $0xF  }
0x1e1: {  	vm1 =	vle.s32 v28, v23  }
0x1e2: {  	vm0 =	vmand vm0, vm1  }
0x1e3: {  	v63 =	vsel vm0, $0x1, v2  }
0x1e4: {  	(xrf0) =	vadd.scan.msk.s32 $0xffff, v63;
	_ =	sdelay $0x5  }
0x1e5: {  	v28, _, _ =	vpop (xrf0)  }
0x1e6: {  	v28 =	vadd.s32 v28, v25  }
0x1e7: {  	s30 =	sadd.s32 $0x1, s30;
	v28 =	vadd.s32 $0xFFFFFFFF, v28  }
0x1e8: {  	p0 =	slt.s32 s30, s29  }
.Ltmp13:
0x1e9: {  	_ = 	snop;
	(pc) =	sbr.rel @p0 .LBB2_10-.Ltmp13, $4  }
0x1ea: {  	_ = 	snop  }
0x1eb: {  	v29 =	vmpcnt.ones.xlane vm0  }
0x1ec: {  	[tilespmem:v28+s23+$0x0] =	vst.idx.msk vm0, v27  }
0x1ed: {  	s0 =	sadd.s32 $0x10, s0;
	s1 =	sadd.s32 $0x10, s1;
	v25 =	vadd.s32 v25, v29;
	[tilespmem:v28+s24+$0x0] =	vst.idx.msk vm0, v26  }
.LBB2_11:
0x1ee: {  	v23 =	vxor.u32 $0x80000000, v25  }
0x1ef: {  	(xrf0) =	vmax.scan.msk.u32 $0xffff, v23;
	_ =	sdelay $0x5  }
0x1f0: {  	v23, _, _ =	vpop (xrf0)  }
0x1f1: {  	(v2sf) =	vpush v23, $0xF;
	_ =	sdelay $0xe  }
0x1f2: {  	s0 =	spop (v2sf)  }
0x1f3: {  	s1 =	sadd.s32 $0x8000000F, s0  }
0x1f4: {  	s3 =	sand.u32 $0xF, s1  }
0x1f5: {  	s31 =	sshra.s32 s1, $0x1F;
	p1 =	slt.s32 s1, $0x1;
	p0 =	sne.s32 s3, $0x0  }
0x1f6: {  	s3 =	sshrl.u32 s31, $0x1C;
	p0 =	por !p1, !p0  }
0x1f7: {  	s1 =	sadd.s32 s3, s1;
	s3 =	simm.s32 $0x1;
	p0 =	por !p0, !p0  }
0x1f8: {  	s1 =	sshra.s32 s1, $0x4;
	s3 =	simm.s32 @!p0 $0x0  }
0x1f9: {  	s29 =	ssub.s32 s1, s3  }
0x1fa: {  	p0 =	slt.s32 s29, $0x1  }
.Ltmp14:
0x1fb: {  	_ = 	snop;
	(pc) =	sbr.rel @p0 .LBB2_18-.Ltmp14, $1  }
0x1fc: {  	_ =	sdelay $0x3  }
0x1fd: {  	s30 =	sxor.u32 $0x80000000, s0  }
.Ltmp15:
0x1fe: {  	s0 =	sshra.s32 s30, $0x1F;
	(pc) =	sbr.rel .LBB2_13-.Ltmp15, $4  }
0x1ff: {  	s0 =	sshrl.u32 s0, $0x1E  }
0x200: {  	s0 =	sadd.s32 s0, s30  }
0x201: {  	s1 =	simm.s32 $0x0;
	s31 =	sand.u32 $0xFFFFFFFC, s0  }
0x202: {  	v22 =	vshll.u32 v22, $0x7;
	v23 =	vmov s30;
	s0 =	ssub.s32 s31, s30;
	p0 =	slt.s32 s31, $0x1;
	p1 =	sge.s32 s31, s30  }
.LBB2_17:
0x203: {  	v25 =	vor.u32 s15, v0  }
0x204: {  	vm1 =	vlt.s32 v26, $0x20;
	vm0 =	vlt.s32 v25, v23  }
0x205: {  	vm0 =	vmand vm0, vm1;
	_ =	sdelay $0x2  }
0x206: {  	v59 =	vmul.u32 $0x3, v26;
	_ =	sdelay $0x1  }
0x207: {  	v26 =	vand.u32 $0xFFFFFF80, v59  }
0x208: {  	v28 =	vand.u32 $0x7F, v59;
	v29 =	vadd.s32 $0x1, v59;
	v25 =	vadd.s32 $0x2, v59;
	v27 =	vld.idx.msk [tilespmem:v24+s2+$0x0], vm0  }
0x209: {  	v26 =	vadd.s32 v22, v26;
	v60 =	vand.u32 $0xFFFFFF80, v29;
	v29 =	vand.u32 $0x7F, v29;
	v30 =	vld.idx.msk [tilespmem:v24+s13+$0x0], vm0  }
0x20a: {  	v31 =	vand.u32 $0xFFFFFF80, v25;
	v26 =	vor.u32 v28, v26;
	v28 =	vadd.s32 v22, v60;
	v61 =	vld.idx.msk [tilespmem:v24+s14+$0x0], vm0  }
0x20b: {  	s1 =	sadd.s32 $0x1, s1;
	v25 =	vand.u32 $0x7F, v25;
	v62 =	vadd.s32 v22, v31;
	v28 =	vor.u32 v29, v28  }
0x20c: {  	p2 =	sne.s32 s1, s29;
	v25 =	vor.u32 v25, v62  }
.Ltmp16:
0x20d: {  	v27 =	vsub.f32 v27, v19;
	(pc) =	sbr.rel @!p2 .LBB2_18-.Ltmp16, $4  }
0x20e: {  	v63 =	vsub.f32 v30, v20  }
0x20f: {  	v24 =	vsub.f32 v61, v21;
	[tilespmem:v26+s25+$0x0] =	vst.idx.msk vm0, v27  }
0x210: {  	[tilespmem:v28+s25+$0x0] =	vst.idx.msk vm0, v63  }
0x211: {  	[tilespmem:v25+s25+$0x0] =	vst.idx.msk vm0, v24  }
.LBB2_13:
.Ltmp17:
0x212: {  	(pc) =	sbr.rel @p0 .LBB2_14-.Ltmp17, $4  }
0x213: {  	_ = 	snop  }
0x214: {  	s15 =	sshll.u32 s1, $0x4  }
0x215: {  	v25 =	vld [tilespmem:s15+$0x4380]  }
0x216: {  	v24 =	vld [tilespmem:s15+$0x5380]  }
0x217: {  	s3 =	simm.s32 $0x0  }
0x218: {  	s4 =	simm.s32 $0x3;
	v27 =	vmov s3  }
0x219: {  	v29 =	vmov s4;
	v27 =	vand.u32 $0xFFFFFFFC, v27  }
0x21a: {  	v32 =	vbroadcast v27, $0x0;
	_ =	sdelay $0x1  }
0x21b: {  	p3 =	sgt.s32 s31, $0x4  }
.Ltmp18:
0x21c: {  	_ = 	snop;
	(pc) =	sbr.rel @!p3 .LBB2_31-.Ltmp18, $4  }
0x21d: {  	s5 =	simm.s32 $0x1;
	s6 =	simm.s32 $0x2;
	v28 =	vld.idx.msk [tilespmem:v29+s23+$0x0], $0xffff  }
0x21e: {  	v30 =	vmov s6;
	v27 =	vmov s5;
	v31 =	vld.idx.msk [tilespmem:v29+s24+$0x0], $0xffff  }
0x21f: {  	v29 =	vand.u32 $0xFFFFFFFD, v27;
	v27 =	vand.u32 $0xFFFFFFFE, v30;
	v30 =	vld.idx.msk [tilespmem:v32+s23+$0x0], $0xffff  }
0x220: {  	v26 =	vimm.s32 $0x0;
	p2 =	por $0x0, $0x0;
	s3 =	simm.s32 $0x4;
	v27 =	vbroadcast v27, $0x0;
	v29 =	vbroadcast v29, $0x0;
	v32 =	vld.idx.msk [tilespmem:v32+s24+$0x0], $0xffff  }
0x221: {  	_ =	sdelay $0x3  }
0x222: {  	s4 =	simm.s32 $0x7  }
0x223: {  	v34 =	vmov s3;
	s6 =	simm.s32 $0x5;
	s5 =	simm.s32 $0x6;
	v33 =	vld.idx.msk [tilespmem:v27+s23+$0x0], $0xffff;
	v35 =	vmov s4  }
0x224: {  	v36 =	vld.idx.msk [tilespmem:v29+s23+$0x0], $0xffff;
	v34 =	vand.u32 $0xFFFFFFFC, v34;
	v37 =	vmov s6;
	v38 =	vmov s5  }
0x225: {  	v39 =	vld.idx.msk [tilespmem:v29+s24+$0x0], $0xffff;
	vm0 =	veq.s32 v28, v25;
	vm2 =	vlt.s32 v28, v25;
	v34 =	vbroadcast v34, $0x0  }
0x226: {  	v60 =	vld.idx.msk [tilespmem:v27+s24+$0x0], $0xffff;
	v29 =	vand.u32 $0xFFFFFFFD, v37;
	v59 =	vand.u32 $0xFFFFFFFE, v38;
	vm1 =	vlt.s32 v31, v24  }
0x227: {  	v27 =	vbroadcast v59, $0x0;
	v29 =	vbroadcast v29, $0x0;
	vm0 =	vmand vm0, vm1  }
0x228: {  	vm1 =	vlt.s32 v30, v25;
	vm3 =	veq.s32 v30, v25;
	vm4 =	vlt.s32 v32, v24  }
0x229: {  	p3 =	sgt.s32 s31, $0x8;
	vm3 =	vmand vm3, vm4;
	vm5 =	vlt.s32 v36, v25;
	vm6 =	vlt.s32 v33, v25  }
.Ltmp19:
0x22a: {  	vm7 =	veq.s32 v33, v25;
	vm14 =	veq.s32 v36, v25;
	vm8 =	vlt.s32 v39, v24;
	(pc) =	sbr.rel @!p3 .LBB2_34-.Ltmp19, $4  }
0x22b: {  	v28 =	vld.idx.msk [tilespmem:v35+s23+$0x0], $0xffff;
	vm1 =	vmor vm1, vm3;
	vm15 =	vlt.s32 v60, v24;
	vm3 =	vmand vm14, vm8  }
0x22c: {  	v31 =	vld.idx.msk [tilespmem:v35+s24+$0x0], $0xffff;
	v61 =	vsel vm1, $0x1, v2;
	vm1 =	vmor vm5, vm3;
	vm3 =	vmand vm7, vm15  }
0x22d: {  	v30 =	vld.idx.msk [tilespmem:v34+s23+$0x0], $0xffff;
	v62 =	vadd.s32 v61, v26;
	v63 =	vsel vm1, $0x1, v2;
	vm1 =	vmor vm6, vm3  }
0x22e: {  	s3 =	simm.s32 $0x8;
	p2 =	por $0x1, $0x1;
	vm0 =	vmor vm2, vm0;
	v32 =	vld.idx.msk [tilespmem:v34+s24+$0x0], $0xffff;
	v33 =	vadd.s32 v63, v62;
	v34 =	vsel vm1, $0x1, v2  }
.LBB2_33:
0x22f: {  	s4 =	sadd.s32 $0x3, s3;
	v35 =	vld.idx.msk [tilespmem:v27+s23+$0x0], $0xffff;
	v33 =	vadd.s32 v34, v33;
	v34 =	vsel vm0, $0x1, v2  }
0x230: {  	v36 =	vmov s3;
	s5 =	sadd.s32 $0x1, s3;
	s6 =	sadd.s32 $0x2, s3;
	v37 =	vmov s4;
	v38 =	vld.idx.msk [tilespmem:v29+s23+$0x0], $0xffff;
	v33 =	vadd.s32 v34, v33  }
0x231: {  	v34 =	vand.u32 $0xFFFFFFFC, v36;
	v36 =	vmov s5;
	v39 =	vmov s6;
	v40 =	vld.idx.msk [tilespmem:v29+s24+$0x0], $0xffff  }
0x232: {  	v34 =	vbroadcast v34, $0x0;
	v29 =	vand.u32 $0xFFFFFFFD, v36;
	v36 =	vand.u32 $0xFFFFFFFE, v39;
	v39 =	vld.idx.msk [tilespmem:v27+s24+$0x0], $0xffff  }
0x233: {  	vm1 =	veq.s32 v28, v25;
	vm2 =	vlt.s32 v31, v24;
	v27 =	vbroadcast v36, $0x0  }
0x234: {  	vm0 =	vlt.s32 v28, v25;
	v29 =	vbroadcast v29, $0x0;
	vm1 =	vmand vm1, vm2  }
0x235: {  	s3 =	sadd.s32 $0x4, s3;
	vm2 =	vlt.s32 v30, v25;
	vm3 =	veq.s32 v30, v25;
	vm4 =	vlt.s32 v32, v24  }
0x236: {  	p3 =	slt.s32 s3, s31;
	vm6 =	vlt.s32 v35, v25;
	vm7 =	veq.s32 v35, v25;
	vm5 =	vlt.s32 v38, v25  }
.Ltmp20:
0x237: {  	vm3 =	vmand vm3, vm4;
	vm4 =	veq.s32 v38, v25;
	vm8 =	vlt.s32 v40, v24;
	(pc) =	sbr.rel @p3 .LBB2_33-.Ltmp20, $4  }
0x238: {  	vm2 =	vmor vm2, vm3;
	vm3 =	vmand vm4, vm8;
	vm4 =	vlt.s32 v39, v24;
	v28 =	vld.idx.msk [tilespmem:v37+s23+$0x0], $0xffff  }
0x239: {  	v32 =	vsel vm2, $0x1, v2;
	vm2 =	vmor vm5, vm3;
	vm3 =	vmand vm7, vm4;
	v31 =	vld.idx.msk [tilespmem:v37+s24+$0x0], $0xffff  }
0x23a: {  	v33 =	vadd.s32 v32, v33;
	v35 =	vsel vm2, $0x1, v2;
	vm2 =	vmor vm6, vm3;
	v30 =	vld.idx.msk [tilespmem:v34+s23+$0x0], $0xffff  }
0x23b: {  	vm0 =	vmor vm0, vm1;
	v33 =	vadd.s32 v35, v33;
	v32 =	vld.idx.msk [tilespmem:v34+s24+$0x0], $0xffff;
	v34 =	vsel vm2, $0x1, v2  }
.LBB2_34:
0x23c: {  	_ =	sdelay $0x3  }
0x23d: {  	v35 =	vld.idx.msk [tilespmem:v29+s23+$0x0], $0xffff  }
0x23e: {  	v36 =	vld.idx.msk [tilespmem:v27+s23+$0x0], $0xffff  }
0x23f: {  	v33 =	vadd.s32 @p2 v34, v33;
	v34 =	vsel @p2 vm0, $0x1, v2;
	v63 =	vld.idx.msk [tilespmem:v29+s24+$0x0], $0xffff  }
0x240: {  	v27 =	vld.idx.msk [tilespmem:v27+s24+$0x0], $0xffff;
	v33 =	vadd.s32 @p2 v34, v33;
	vm13 =	veq.s32 v28, v25;
	vm1 =	vlt.s32 v31, v24  }
0x241: {  	vm2 =	vlt.s32 v28, v25;
	v26 =	vpsel p2, v33, v26;
	vm0 =	vmand vm13, vm1  }
0x242: {  	vm14 =	vlt.s32 v30, v25;
	vm3 =	veq.s32 v30, v25;
	vm4 =	vlt.s32 v32, v24  }
0x243: {  	vm5 =	vlt.s32 v35, v25;
	vm6 =	vlt.s32 v36, v25;
	vm7 =	veq.s32 v36, v25  }
0x244: {  	vm3 =	vmand vm3, vm4;
	vm15 =	veq.s32 v35, v25;
	vm8 =	vlt.s32 v63, v24  }
0x245: {  	vm12 =	vlt.s32 v27, v24;
	vm1 =	vmor vm14, vm3;
	vm11 =	vmand vm15, vm8  }
.Ltmp21:
0x246: {  	vm14 =	vmand vm7, vm12;
	v27 =	vsel vm1, $0x1, v2;
	vm13 =	vmor vm5, vm11;
	(pc) =	sbr.rel .LBB2_15-.Ltmp21, $4  }
0x247: {  	vm15 =	vmor vm6, vm14;
	v26 =	vadd.s32 v27, v26;
	v27 =	vsel vm13, $0x1, v2  }
0x248: {  	vm0 =	vmor vm2, vm0;
	v26 =	vadd.s32 v27, v26;
	v27 =	vsel vm15, $0x1, v2  }
0x249: {  	v26 =	vadd.s32 v27, v26;
	v27 =	vsel vm0, $0x1, v2  }
0x24a: {  	v26 =	vadd.s32 v27, v26  }
.LBB2_14:
0x24b: {  	v26 =	vimm.s32 $0x0  }
.LBB2_15:
.Ltmp22:
0x24c: {  	(pc) =	sbr.rel @p1 .LBB2_17-.Ltmp22, $2  }
0x24d: {  	_ =	sdelay $0x2  }
0x24e: {  	s3 =	smov.u32 s0  }
.LBB2_16:
0x24f: {  	s4 =	sadd.s32 s3, s30  }
0x250: {  	v27 =	vmov s4;
	_ =	sdelay $0x4  }
0x251: {  	v28 =	vld.idx.msk [tilespmem:v27+s23+$0x0], $0xffff  }
0x252: {  	v27 =	vld.idx.msk [tilespmem:v27+s24+$0x0], $0xffff;
	_ =	sdelay $0x2  }
0x253: {  	s3 =	sadd.s32 $0x1, s3  }
0x254: {  	p2 =	seq.s32 s3, $0x0  }
.Ltmp23:
0x255: {  	vm0 =	veq.s32 v28, v25;
	vm1 =	vlt.s32 v27, v24;
	(pc) =	sbr.rel @!p2 .LBB2_16-.Ltmp23, $4  }
0x256: {  	vm2 =	vlt.s32 v28, v25;
	vm0 =	vmand vm0, vm1  }
0x257: {  	vm0 =	vmor vm2, vm0  }
0x258: {  	v27 =	vsel vm0, $0x1, v2  }
0x259: {  	v26 =	vadd.s32 v27, v26  }
.Ltmp24:
0x25a: {  	_ = 	snop;
	(pc) =	sbr.rel .LBB2_17-.Ltmp24, $1  }
0x25b: {  	_ =	sdelay $0x3  }
.LBB2_31:
.Ltmp25:
0x25c: {  	(pc) =	sbr.rel .LBB2_34-.Ltmp25, $2  }
0x25d: {  	_ =	sdelay $0x2  }
0x25e: {  	_ = 	snop  }
.LBB2_22:
.Ltmp26:
0x25f: {  	(pc) =	sbr.rel .LBB2_29-.Ltmp26, $2  }
0x260: {  	_ =	sdelay $0x2  }
0x261: {  	_ = 	snop  }
.LBB2_24:
.Ltmp27:
0x262: {  	_ = 	snop;
	(pc) =	sbr.rel .LBB2_29-.Ltmp27, $3  }
0x263: {  	_ =	sdelay $0x1  }
0x264: {  	v44 =	vmov v25;
	v49 =	vmov v26  }
0x265: {  	v40 =	vmovc v29;
	v25 =	vmovc v38;
	v26 =	vmov v36;
	v35 =	vmov v33;
	v31 =	vmov v30  }
.LBB2_26:
.Ltmp28:
0x266: {  	(pc) =	sbr.rel .LBB2_29-.Ltmp28, $4  }
0x267: {  	_ = 	snop  }
0x268: {  	v50 =	vmov v32;
	v52 =	vmov v25  }
0x269: {  	v51 =	vmovc v26;
	v47 =	vmovc v28;
	v46 =	vmov v29;
	v32 =	vmov v44;
	v44 =	vmov v38  }
0x26a: {  	v28 =	vmovc v42;
	v29 =	vmovc v40;
	v25 =	vmov v49;
	v49 =	vmov v36;
	v26 =	vmov v53  }
.LBB2_20:
0x26b: {  	_ =	sfence.sel $0x180000  }
0x26c: {  	[bflag:$0x0] =	sbarrier.arrive $0xFFFF  }
0x26d: {  	_ =	strace $0x90000047  }
0x26e: {  	s0 =	stileid.u32;
	[bflag:$0x2] =	sbarrier.arrive $0xFFFF  }
0x26f: {  	p0 =	sne.s32 s0, $0x0;
	s0 =	rddreg [dreg:$0x2]  }
0x270: {  	s0 =	sadd.s32 @!p0 $0x100000, s0  }
0x271: {  	[sflag:s0] =	ssyncadd.tile.s32 @!p0 $0x1;
	_ =	shalt  }
.Lfunc_end2:
_tile_overlayer_lowered:
.L_overlay_start_2:
0x272: {  	(tag) =	ssettag $0x2  }
0x273: {  	s0 =	rddreg [dreg:$0x0];
	s2 =	stileid.u32  }
0x274: {  	s1 =	rddreg [dreg:$0x1];
	p0 =	sne.s32 s2, $0x0  }
0x275: {  	s3 =	rddreg [dreg:$0x2];
	[bflag:$0x3] =	sbarrier.arrive $0xFFFF;
	s2 =	simm.s32 @!p0 $0x1C01  }
0x276: {  	[timem:s3], [sflag:s2] =	dma.local @!p0 [hbm:s0], s1  }
0x277: {  	s0 =	simm.s32 @!p0 $0x1  }
0x278: {  	_ =	swait.ge @!p0 [sflag:s0], s1  }
0x279: {  	s1 =	ssub.s32 @!p0 $0x0, s1;
	[sflag:s0] =	ssyncset.done @!p0 $0x0  }
0x27a: {  	[sflag:s0] =	ssyncadd.s32 @!p0 s1  }
0x27b: {  	[bflag:$0x3] =	sbarrier.arrive $0xFFFF  }
0x27c: {  	_ =	shalt  }

</sc_bundles>
